<compile_context>
chip_gen: v7x
topology: tpu7x:2x2x1
jax: 0.10.2.dev20260603
libtpu: 0.0.44.dev20260713+nightly
codegen_flags: <defaults>
</compile_context>

<pallas_src>
import jax
import jax.numpy as jnp
from jax import lax
from jax.experimental import pallas as pl
from jax.experimental.pallas import tpu as pltpu
from jax.experimental.pallas import tpu_sc as plsc

NC = 2
NS = 16
L = 16
NW = NC * NS

N = 32768
ROWS = 1024
RPW = ROWS // NW
NV = N // L

G = 16
NGRP = NV // G
GE = G * L

C = 4096

BISECT = 14
REFINE = 3

_NEG = -3.0e38


def _tau_from(buf, nv, rowmax):
    def relu_sum(t):
        def body(j, acc):
            v = buf[pl.ds(j * L, L)]
            return acc + jnp.maximum(v - t, 0.0)
        acc = lax.fori_loop(0, nv, body, jnp.zeros((L,), jnp.float32))
        return jnp.sum(acc)

    lo = rowmax - 1.0
    hi = rowmax

    def bis(_, lohi):
        lo, hi = lohi
        mid = 0.5 * (lo + hi)
        big = relu_sum(mid) >= 1.0
        return (jnp.where(big, mid, lo), jnp.where(big, hi, mid))

    lo, hi = lax.fori_loop(0, BISECT, bis, (lo, hi))

    def refine(_, t16):
        def body(j, carry):
            s16, k16 = carry
            v = buf[pl.ds(j * L, L)]
            m = v > t16
            return (s16 + jnp.where(m, v, 0.0),
                    k16 + jnp.where(m, 1.0, 0.0))
        s16, k16 = lax.fori_loop(
            0, nv, body,
            (jnp.zeros((L,), jnp.float32), jnp.zeros((L,), jnp.float32)))
        num = jnp.broadcast_to(jnp.sum(s16) - 1.0, (L,))
        den = jnp.broadcast_to(jnp.sum(k16), (L,))
        return jnp.maximum(t16, num / den)

    return lax.fori_loop(0, REFINE, refine, jnp.broadcast_to(lo, (L,)))


def _phase1(xb, gmax, lcid):
    neg = jnp.full((L,), _NEG, jnp.float32)

    @plsc.parallel_loop(0, NGRP, unroll=2, carry=neg)
    def grp_max(g, acc):
        b = g * GE
        v = [xb[pl.ds(b + k * L, L)] for k in range(G)]
        m = [jnp.maximum(v[2 * i], v[2 * i + 1]) for i in range(8)]
        m = [jnp.maximum(m[2 * i], m[2 * i + 1]) for i in range(4)]
        m = [jnp.maximum(m[2 * i], m[2 * i + 1]) for i in range(2)]
        cm = jnp.maximum(m[0], m[1])
        gmax[pl.ds(g * L, L)] = cm
        return jnp.maximum(acc, cm)

    rowmax = jnp.max(grp_max)
    thr16 = jnp.broadcast_to(rowmax - 1.0, (L,))

    def live_cols(gg, off):
        for k4 in range(4):
            g = gg * 4 + k4
            m = gmax[pl.ds(g * L, L)] > thr16
            ids = lax.iota(jnp.int32, L) + g * L
            plsc.store_compressed(lcid.at[pl.ds(off, L)], ids, mask=m)
            off = off + plsc.all_reduce_population_count(m)[0]
        return off

    nlive = lax.fori_loop(0, NGRP // 4, live_cols, 0)
    lcid[pl.ds(nlive, L)] = jnp.zeros((L,), jnp.int32)
    return rowmax, nlive


def _phase2(xb, cbuf, lcid, nlive, rowmax):
    thr16 = jnp.broadcast_to(rowmax - 1.0, (L,))
    nl16 = (nlive + (L - 1)) // L

    def gather_cols(i, carry):
        off, true_cnt = carry
        w = lcid[pl.ds(i * L, L)]
        lane_ok = (lax.iota(jnp.int32, L) + i * L) < nlive
        base = jnp.right_shift(w, 4) * GE + jnp.bitwise_and(w, 15)
        for k in range(G):
            val = plsc.load_gather(xb, [base + k * L])
            mk = jnp.logical_and(val > thr16, lane_ok)
            fits = jnp.broadcast_to(off <= C - L, (L,))
            ms = jnp.logical_and(mk, fits)
            plsc.store_compressed(cbuf.at[pl.ds(off, L)], val, mask=ms)
            off = off + plsc.all_reduce_population_count(ms)[0]
            true_cnt = true_cnt + plsc.all_reduce_population_count(mk)[0]
        return off, true_cnt

    cnt, true_cnt = lax.fori_loop(0, nl16, gather_cols, (0, 0))
    cbuf[pl.ds(cnt, L)] = jnp.full((L,), _NEG, jnp.float32)

    nvc = (cnt + (L - 1)) // L
    return lax.cond(
        true_cnt == cnt,
        lambda: _tau_from(cbuf, nvc, rowmax),
        lambda: _tau_from(xb, NV, rowmax))


def _emit_patches(xb, lcid, nlive, tau16, out_row, psem):
    def patch(i, carry):
        prevg, npat = carry
        g = jnp.right_shift(lcid[pl.ds(i, L)][0], 4)

        def emit(npat):
            b = g * GE
            for k in range(G):
                v = xb[pl.ds(b + k * L, L)]
                xb[pl.ds(b + k * L, L)] = jnp.maximum(v - tau16, 0.0)
            pltpu.async_copy(xb.at[pl.ds(b, GE)],
                             out_row.at[pl.ds(b, GE)], psem)
            return npat + 1

        npat = lax.cond(g != prevg, emit, lambda n: n, npat)
        return g, npat

    _, npat = lax.fori_loop(0, nlive, patch, (-1, 0))
    return npat


def _sc_body(x_hbm, out_hbm, xbuf0, xbuf1, cbuf, gmax, lcid, zrow,
             lsem0, lsem1, zsem, psem0, psem1):
    wid = lax.axis_index("s") * NC + lax.axis_index("c")
    base = wid * RPW
    xbuf = (xbuf0, xbuf1)
    lsem = (lsem0, lsem1)
    psem = (psem0, psem1)

    def z_init(g, _):
        b = g * GE
        for k in range(G):
            zrow[pl.ds(b + k * L, L)] = jnp.zeros((L,), jnp.float32)
        return 0
    lax.fori_loop(0, NGRP, z_init, 0)

    pltpu.async_copy(x_hbm.at[base], xbuf[0], lsem[0])

    def drain_patches(xb_other, out_row_other, sem, npat):
        def one(_, carry):
            pltpu.make_async_copy(xb_other.at[pl.ds(0, GE)],
                                  out_row_other.at[pl.ds(0, GE)],
                                  sem).wait()
            return carry
        lax.fori_loop(0, npat, one, 0)

    def outer(g, npats):
        npat0, npat1 = npats
        for b in (0, 1):
            r = g * 2 + b
            row = base + r
            xb = xbuf[b]
            nb = 1 - b
            npat_other = npat1 if b == 0 else npat0

            pltpu.async_copy(zrow, out_hbm.at[row], zsem)

            pltpu.make_async_copy(x_hbm.at[row], xb, lsem[b]).wait()

            rowmax, nlive = _phase1(xb, gmax, lcid)

            drain_patches(xbuf[nb], out_hbm.at[row - 1], psem[nb],
                          npat_other)
            if b == 0:
                pltpu.async_copy(x_hbm.at[row + 1], xbuf[nb], lsem[nb])
            else:
                def _prefetch():
                    pltpu.async_copy(x_hbm.at[row + 1], xbuf[nb], lsem[nb])
                    return None
                pl.when(g < (RPW // 2) - 1)(_prefetch)

            tau16 = _phase2(xb, cbuf, lcid, nlive, rowmax)

            pltpu.make_async_copy(zrow, out_hbm.at[row], zsem).wait()
            npat_new = _emit_patches(xb, lcid, nlive, tau16,
                                     out_hbm.at[row], psem[b])
            if b == 0:
                npat0 = npat_new
            else:
                npat1 = npat_new
        return npat0, npat1

    _, npat1 = lax.fori_loop(0, RPW // 2, outer, (0, 0))
    drain_patches(xbuf[1], out_hbm.at[base + RPW - 1], psem[1], npat1)


@jax.jit
def kernel(x):
    x2 = x.reshape(ROWS, N)
    mesh = plsc.VectorSubcoreMesh(
        core_axis_name="c", subcore_axis_name="s",
        num_cores=NC, num_subcores=NS)
    out = pl.kernel(
        _sc_body,
        out_type=jax.ShapeDtypeStruct((ROWS, N), jnp.float32),
        mesh=mesh,
        scratch_types=[
            pltpu.VMEM((N,), jnp.float32),
            pltpu.VMEM((N,), jnp.float32),
            pltpu.VMEM((C + L,), jnp.float32),
            pltpu.VMEM((NV,), jnp.float32),
            pltpu.VMEM((NV + L,), jnp.int32),
            pltpu.VMEM((N,), jnp.float32),
            pltpu.SemaphoreType.DMA,
            pltpu.SemaphoreType.DMA,
            pltpu.SemaphoreType.DMA,
            pltpu.SemaphoreType.DMA,
            pltpu.SemaphoreType.DMA,
        ],
        compiler_params=pltpu.CompilerParams(needs_layout_passes=False),
    )(x2)
    return out.reshape(x.shape)

# --- scband reference (transcript-rebuilt; emitter-appended) ---
"""Pipeline reference for scband-project-simplex-module-33011118637759 (READ-ONLY COPY).

The authoritative reference and input builder live on the scoring server;
editing this copy changes nothing except your own understanding.
"""

import jax, jax.numpy as jnp
import numpy as np

VALUE = 1.0
DIM = 2


def projection_unit_simplex(x, dim):
    n_features = x.shape[dim]
    u = jnp.flip(jnp.sort(x, axis=dim), axis=dim)
    cssv = jnp.cumsum(u, axis=dim) - 1.0
    shape = [1] * x.ndim
    shape[dim] = -1
    ind = jnp.arange(1, n_features + 1, dtype=x.dtype).reshape(shape)
    cond = (u - cssv / ind) > 0
    idx = jnp.sum(cond, axis=dim)
    thr = jnp.take_along_axis(cssv, jnp.expand_dims(idx - 1, dim), axis=dim)
    thr = thr / jnp.expand_dims(idx.astype(x.dtype), dim)
    return jax.nn.relu(x - thr)


def setup_inputs(seed: int = 0) -> dict:
    key = jax.random.key(seed)
    x = jax.random.normal(key, (128, 8, 32768), dtype=jnp.float32)
    return {"x": x}


def reference(x):
    return VALUE * projection_unit_simplex(x / VALUE, DIM)

if __name__ == "__main__":
    import jax
    _d = setup_inputs()
    print(jax.jit(kernel)(*tuple(_d.values())))

</pallas_src>

<mosaic_0001>
#map = affine_map<(d0, d1) -> (0, 0)>
module attributes {stable_mosaic.version = 14 : i64} {
  func.func @_sc_body(%arg0: i32, %arg1: i32, %arg2: memref<1024x32768xf32, #tpu.memory_space<hbm>>, %arg3: memref<1024x32768xf32, #tpu.memory_space<hbm>>, %arg4: memref<32768xf32, #tpu.memory_space<vmem>>, %arg5: memref<32768xf32, #tpu.memory_space<vmem>>, %arg6: memref<4112xf32, #tpu.memory_space<vmem>>, %arg7: memref<2048xf32, #tpu.memory_space<vmem>>, %arg8: memref<2064xi32, #tpu.memory_space<vmem>>, %arg9: memref<32768xf32, #tpu.memory_space<vmem>>, %arg10: memref<!tpu.dma_semaphore, #tpu.memory_space<semaphore_mem>>, %arg11: memref<!tpu.dma_semaphore, #tpu.memory_space<semaphore_mem>>, %arg12: memref<!tpu.dma_semaphore, #tpu.memory_space<semaphore_mem>>, %arg13: memref<!tpu.dma_semaphore, #tpu.memory_space<semaphore_mem>>, %arg14: memref<!tpu.dma_semaphore, #tpu.memory_space<semaphore_mem>>) attributes {dimension_semantics = [#tpu.dimension_semantics<core_parallel>, #tpu.dimension_semantics<subcore_parallel>], iteration_bounds = array<i64: 2, 16>, scalar_prefetch = 0 : i64, scratch_operands = 11 : i64, tpu.core_type = #tpu.core_type<sc_vector_subcore>, window_params = [{transform_indices = #map}, {transform_indices = #map}]} {
    %mul3A = arith.constant 2 : i32
    %mul3A_0 = arith.muli %arg1, %mul3A : i32
    %add3A = arith.addi %mul3A_0, %arg0 : i32
    %mul3A_1 = arith.constant 32 : i32
    %mul3A_2 = arith.muli %add3A, %mul3A_1 : i32
    %scan3A = arith.constant 0 : i32
    %scan3A_3 = arith.constant 0 : i32
    %scan3A_4 = arith.constant 128 : i32
    %scan3A_5 = arith.addi %scan3A_3, %scan3A_4 : i32
    %scan3A_6 = arith.constant 1 : i32
    %scan3A_7 = scf.for %scan3A_34 = %scan3A_3 to %scan3A_5 step %scan3A_6 iter_args(%scan3A_35 = %scan3A) -> (i32)  : i32 {
      %mul3A_36 = arith.constant 256 : i32
      %mul3A_37 = arith.muli %scan3A_34, %mul3A_36 : i32
      %broadcast_in_dim3A = arith.constant 0.000000e+00 : f32
      %broadcast_in_dim3A_38 = vector.broadcast %broadcast_in_dim3A : f32 to vector<16xf32>
      %add3A_39 = arith.constant 0 : i32
      %add3A_40 = arith.addi %mul3A_37, %add3A_39 : i32
      %swap3A = arith.index_cast %add3A_40 : i32 to index
      %swap3A_41 = tpu.vector_load %arg9[%swap3A] {strides = array<i32>} : memref<32768xf32, #tpu.memory_space<vmem>>, vector<16xf32>,
      tpu.vector_store %arg9[%swap3A], %broadcast_in_dim3A_38 {strides = array<i32>} : memref<32768xf32, #tpu.memory_space<vmem>>, vector<16xf32>,
      %broadcast_in_dim3A_42 = arith.constant 0.000000e+00 : f32
      %broadcast_in_dim3A_43 = vector.broadcast %broadcast_in_dim3A_42 : f32 to vector<16xf32>
      %add3A_44 = arith.constant 16 : i32
      %add3A_45 = arith.addi %mul3A_37, %add3A_44 : i32
      %swap3A_46 = arith.index_cast %add3A_45 : i32 to index
      %swap3A_47 = tpu.vector_load %arg9[%swap3A_46] {strides = array<i32>} : memref<32768xf32, #tpu.memory_space<vmem>>, vector<16xf32>,
      tpu.vector_store %arg9[%swap3A_46], %broadcast_in_dim3A_43 {strides = array<i32>} : memref<32768xf32, #tpu.memory_space<vmem>>, vector<16xf32>,
      %broadcast_in_dim3A_48 = arith.constant 0.000000e+00 : f32
      %broadcast_in_dim3A_49 = vector.broadcast %broadcast_in_dim3A_48 : f32 to vector<16xf32>
      %add3A_50 = arith.constant 32 : i32
      %add3A_51 = arith.addi %mul3A_37, %add3A_50 : i32
      %swap3A_52 = arith.index_cast %add3A_51 : i32 to index
      %swap3A_53 = tpu.vector_load %arg9[%swap3A_52] {strides = array<i32>} : memref<32768xf32, #tpu.memory_space<vmem>>, vector<16xf32>,
      tpu.vector_store %arg9[%swap3A_52], %broadcast_in_dim3A_49 {strides = array<i32>} : memref<32768xf32, #tpu.memory_space<vmem>>, vector<16xf32>,
      %broadcast_in_dim3A_54 = arith.constant 0.000000e+00 : f32
      %broadcast_in_dim3A_55 = vector.broadcast %broadcast_in_dim3A_54 : f32 to vector<16xf32>
      %add3A_56 = arith.constant 48 : i32
      %add3A_57 = arith.addi %mul3A_37, %add3A_56 : i32
      %swap3A_58 = arith.index_cast %add3A_57 : i32 to index
      %swap3A_59 = tpu.vector_load %arg9[%swap3A_58] {strides = array<i32>} : memref<32768xf32, #tpu.memory_space<vmem>>, vector<16xf32>,
      tpu.vector_store %arg9[%swap3A_58], %broadcast_in_dim3A_55 {strides = array<i32>} : memref<32768xf32, #tpu.memory_space<vmem>>, vector<16xf32>,
      %broadcast_in_dim3A_60 = arith.constant 0.000000e+00 : f32
      %broadcast_in_dim3A_61 = vector.broadcast %broadcast_in_dim3A_60 : f32 to vector<16xf32>
      %add3A_62 = arith.constant 64 : i32
      %add3A_63 = arith.addi %mul3A_37, %add3A_62 : i32
      %swap3A_64 = arith.index_cast %add3A_63 : i32 to index
      %swap3A_65 = tpu.vector_load %arg9[%swap3A_64] {strides = array<i32>} : memref<32768xf32, #tpu.memory_space<vmem>>, vector<16xf32>,
      tpu.vector_store %arg9[%swap3A_64], %broadcast_in_dim3A_61 {strides = array<i32>} : memref<32768xf32, #tpu.memory_space<vmem>>, vector<16xf32>,
      %broadcast_in_dim3A_66 = arith.constant 0.000000e+00 : f32
      %broadcast_in_dim3A_67 = vector.broadcast %broadcast_in_dim3A_66 : f32 to vector<16xf32>
      %add3A_68 = arith.constant 80 : i32
      %add3A_69 = arith.addi %mul3A_37, %add3A_68 : i32
      %swap3A_70 = arith.index_cast %add3A_69 : i32 to index
      %swap3A_71 = tpu.vector_load %arg9[%swap3A_70] {strides = array<i32>} : memref<32768xf32, #tpu.memory_space<vmem>>, vector<16xf32>,
      tpu.vector_store %arg9[%swap3A_70], %broadcast_in_dim3A_67 {strides = array<i32>} : memref<32768xf32, #tpu.memory_space<vmem>>, vector<16xf32>,
      %broadcast_in_dim3A_72 = arith.constant 0.000000e+00 : f32
      %broadcast_in_dim3A_73 = vector.broadcast %broadcast_in_dim3A_72 : f32 to vector<16xf32>
      %add3A_74 = arith.constant 96 : i32
      %add3A_75 = arith.addi %mul3A_37, %add3A_74 : i32
      %swap3A_76 = arith.index_cast %add3A_75 : i32 to index
      %swap3A_77 = tpu.vector_load %arg9[%swap3A_76] {strides = array<i32>} : memref<32768xf32, #tpu.memory_space<vmem>>, vector<16xf32>,
      tpu.vector_store %arg9[%swap3A_76], %broadcast_in_dim3A_73 {strides = array<i32>} : memref<32768xf32, #tpu.memory_space<vmem>>, vector<16xf32>,
      %broadcast_in_dim3A_78 = arith.constant 0.000000e+00 : f32
      %broadcast_in_dim3A_79 = vector.broadcast %broadcast_in_dim3A_78 : f32 to vector<16xf32>
      %add3A_80 = arith.constant 112 : i32
      %add3A_81 = arith.addi %mul3A_37, %add3A_80 : i32
      %swap3A_82 = arith.index_cast %add3A_81 : i32 to index
      %swap3A_83 = tpu.vector_load %arg9[%swap3A_82] {strides = array<i32>} : memref<32768xf32, #tpu.memory_space<vmem>>, vector<16xf32>,
      tpu.vector_store %arg9[%swap3A_82], %broadcast_in_dim3A_79 {strides = array<i32>} : memref<32768xf32, #tpu.memory_space<vmem>>, vector<16xf32>,
      %broadcast_in_dim3A_84 = arith.constant 0.000000e+00 : f32
      %broadcast_in_dim3A_85 = vector.broadcast %broadcast_in_dim3A_84 : f32 to vector<16xf32>
      %add3A_86 = arith.constant 128 : i32
      %add3A_87 = arith.addi %mul3A_37, %add3A_86 : i32
      %swap3A_88 = arith.index_cast %add3A_87 : i32 to index
      %swap3A_89 = tpu.vector_load %arg9[%swap3A_88] {strides = array<i32>} : memref<32768xf32, #tpu.memory_space<vmem>>, vector<16xf32>,
      tpu.vector_store %arg9[%swap3A_88], %broadcast_in_dim3A_85 {strides = array<i32>} : memref<32768xf32, #tpu.memory_space<vmem>>, vector<16xf32>,
      %broadcast_in_dim3A_90 = arith.constant 0.000000e+00 : f32
      %broadcast_in_dim3A_91 = vector.broadcast %broadcast_in_dim3A_90 : f32 to vector<16xf32>
      %add3A_92 = arith.constant 144 : i32
      %add3A_93 = arith.addi %mul3A_37, %add3A_92 : i32
      %swap3A_94 = arith.index_cast %add3A_93 : i32 to index
      %swap3A_95 = tpu.vector_load %arg9[%swap3A_94] {strides = array<i32>} : memref<32768xf32, #tpu.memory_space<vmem>>, vector<16xf32>,
      tpu.vector_store %arg9[%swap3A_94], %broadcast_in_dim3A_91 {strides = array<i32>} : memref<32768xf32, #tpu.memory_space<vmem>>, vector<16xf32>,
      %broadcast_in_dim3A_96 = arith.constant 0.000000e+00 : f32
      %broadcast_in_dim3A_97 = vector.broadcast %broadcast_in_dim3A_96 : f32 to vector<16xf32>
      %add3A_98 = arith.constant 160 : i32
      %add3A_99 = arith.addi %mul3A_37, %add3A_98 : i32
      %swap3A_100 = arith.index_cast %add3A_99 : i32 to index
      %swap3A_101 = tpu.vector_load %arg9[%swap3A_100] {strides = array<i32>} : memref<32768xf32, #tpu.memory_space<vmem>>, vector<16xf32>,
      tpu.vector_store %arg9[%swap3A_100], %broadcast_in_dim3A_97 {strides = array<i32>} : memref<32768xf32, #tpu.memory_space<vmem>>, vector<16xf32>,
      %broadcast_in_dim3A_102 = arith.constant 0.000000e+00 : f32
      %broadcast_in_dim3A_103 = vector.broadcast %broadcast_in_dim3A_102 : f32 to vector<16xf32>
      %add3A_104 = arith.constant 176 : i32
      %add3A_105 = arith.addi %mul3A_37, %add3A_104 : i32
      %swap3A_106 = arith.index_cast %add3A_105 : i32 to index
      %swap3A_107 = tpu.vector_load %arg9[%swap3A_106] {strides = array<i32>} : memref<32768xf32, #tpu.memory_space<vmem>>, vector<16xf32>,
      tpu.vector_store %arg9[%swap3A_106], %broadcast_in_dim3A_103 {strides = array<i32>} : memref<32768xf32, #tpu.memory_space<vmem>>, vector<16xf32>,
      %broadcast_in_dim3A_108 = arith.constant 0.000000e+00 : f32
      %broadcast_in_dim3A_109 = vector.broadcast %broadcast_in_dim3A_108 : f32 to vector<16xf32>
      %add3A_110 = arith.constant 192 : i32
      %add3A_111 = arith.addi %mul3A_37, %add3A_110 : i32
      %swap3A_112 = arith.index_cast %add3A_111 : i32 to index
      %swap3A_113 = tpu.vector_load %arg9[%swap3A_112] {strides = array<i32>} : memref<32768xf32, #tpu.memory_space<vmem>>, vector<16xf32>,
      tpu.vector_store %arg9[%swap3A_112], %broadcast_in_dim3A_109 {strides = array<i32>} : memref<32768xf32, #tpu.memory_space<vmem>>, vector<16xf32>,
      %broadcast_in_dim3A_114 = arith.constant 0.000000e+00 : f32
      %broadcast_in_dim3A_115 = vector.broadcast %broadcast_in_dim3A_114 : f32 to vector<16xf32>
      %add3A_116 = arith.constant 208 : i32
      %add3A_117 = arith.addi %mul3A_37, %add3A_116 : i32
      %swap3A_118 = arith.index_cast %add3A_117 : i32 to index
      %swap3A_119 = tpu.vector_load %arg9[%swap3A_118] {strides = array<i32>} : memref<32768xf32, #tpu.memory_space<vmem>>, vector<16xf32>,
      tpu.vector_store %arg9[%swap3A_118], %broadcast_in_dim3A_115 {strides = array<i32>} : memref<32768xf32, #tpu.memory_space<vmem>>, vector<16xf32>,
      %broadcast_in_dim3A_120 = arith.constant 0.000000e+00 : f32
      %broadcast_in_dim3A_121 = vector.broadcast %broadcast_in_dim3A_120 : f32 to vector<16xf32>
      %add3A_122 = arith.constant 224 : i32
      %add3A_123 = arith.addi %mul3A_37, %add3A_122 : i32
      %swap3A_124 = arith.index_cast %add3A_123 : i32 to index
      %swap3A_125 = tpu.vector_load %arg9[%swap3A_124] {strides = array<i32>} : memref<32768xf32, #tpu.memory_space<vmem>>, vector<16xf32>,
      tpu.vector_store %arg9[%swap3A_124], %broadcast_in_dim3A_121 {strides = array<i32>} : memref<32768xf32, #tpu.memory_space<vmem>>, vector<16xf32>,
      %broadcast_in_dim3A_126 = arith.constant 0.000000e+00 : f32
      %broadcast_in_dim3A_127 = vector.broadcast %broadcast_in_dim3A_126 : f32 to vector<16xf32>
      %add3A_128 = arith.constant 240 : i32
      %add3A_129 = arith.addi %mul3A_37, %add3A_128 : i32
      %swap3A_130 = arith.index_cast %add3A_129 : i32 to index
      %swap3A_131 = tpu.vector_load %arg9[%swap3A_130] {strides = array<i32>} : memref<32768xf32, #tpu.memory_space<vmem>>, vector<16xf32>,
      tpu.vector_store %arg9[%swap3A_130], %broadcast_in_dim3A_127 {strides = array<i32>} : memref<32768xf32, #tpu.memory_space<vmem>>, vector<16xf32>,
      %scan3A_132 = arith.constant 0 : i32
      scf.yield %scan3A_132 : i32
    }
    %scan3A_8 = arith.constant 128 : i32
    %dma_start3A = arith.constant 0 : i32
    %dma_start3A_9 = tpu.memref_slice %arg2[%mul3A_2, %dma_start3A] : memref<1024x32768xf32, #tpu.memory_space<hbm>> -> memref<1x32768xf32, #tpu.memory_space<hbm>>
    %dma_start3A_10 = tpu.memref_squeeze %dma_start3A_9 : memref<1x32768xf32, #tpu.memory_space<hbm>> -> memref<32768xf32, #tpu.memory_space<hbm>>
    %dma_start3A_11 = arith.constant 0 : i32
    %dma_start3A_12 = tpu.memref_slice %arg2[%mul3A_2, %dma_start3A_11] : memref<1024x32768xf32, #tpu.memory_space<hbm>> -> memref<1x32768xf32, #tpu.memory_space<hbm>>
    %dma_start3A_13 = tpu.memref_squeeze %dma_start3A_12 : memref<1x32768xf32, #tpu.memory_space<hbm>> -> memref<32768xf32, #tpu.memory_space<hbm>>
    tpu.enqueue_dma source(%dma_start3A_13 : memref<32768xf32, #tpu.memory_space<hbm>>) target(%arg4 : memref<32768xf32, #tpu.memory_space<vmem>>) target_semaphore(%arg10 : memref<!tpu.dma_semaphore, #tpu.memory_space<semaphore_mem>>)
    %scan3A_14 = arith.constant 0 : i32
    %scan3A_15 = arith.constant 0 : i32
    %scan3A_16 = arith.constant 0 : i32
    %scan3A_17 = arith.constant 16 : i32
    %scan3A_18 = arith.addi %scan3A_16, %scan3A_17 : i32
    %scan3A_19 = arith.constant 1 : i32
    %scan3A_20:2 = scf.for %scan3A_34 = %scan3A_16 to %scan3A_18 step %scan3A_19 iter_args(%scan3A_35 = %scan3A_14, %scan3A_36 = %scan3A_15) -> (i32, i32)  : i32 {
      %mul3A_37 = arith.constant 2 : i32
      %mul3A_38 = arith.muli %scan3A_34, %mul3A_37 : i32
      %add3A_39 = arith.constant 0 : i32
      %add3A_40 = arith.addi %mul3A_38, %add3A_39 : i32
      %add3A_41 = arith.addi %mul3A_2, %add3A_40 : i32
      %dma_start3A_42 = arith.constant 0 : i32
      %dma_start3A_43 = tpu.memref_slice %arg3[%add3A_41, %dma_start3A_42] : memref<1024x32768xf32, #tpu.memory_space<hbm>> -> memref<1x32768xf32, #tpu.memory_space<hbm>>
      %dma_start3A_44 = tpu.memref_squeeze %dma_start3A_43 : memref<1x32768xf32, #tpu.memory_space<hbm>> -> memref<32768xf32, #tpu.memory_space<hbm>>
      %dma_start3A_45 = arith.constant 0 : i32
      %dma_start3A_46 = tpu.memref_slice %arg3[%add3A_41, %dma_start3A_45] : memref<1024x32768xf32, #tpu.memory_space<hbm>> -> memref<1x32768xf32, #tpu.memory_space<hbm>>
      %dma_start3A_47 = tpu.memref_squeeze %dma_start3A_46 : memref<1x32768xf32, #tpu.memory_space<hbm>> -> memref<32768xf32, #tpu.memory_space<hbm>>
      tpu.enqueue_dma source(%arg9 : memref<32768xf32, #tpu.memory_space<vmem>>) target(%dma_start3A_47 : memref<32768xf32, #tpu.memory_space<hbm>>) target_semaphore(%arg12 : memref<!tpu.dma_semaphore, #tpu.memory_space<semaphore_mem>>)
      %dma_wait3A = arith.constant 0 : i32
      %dma_wait3A_48 = tpu.memref_slice %arg2[%add3A_41, %dma_wait3A] : memref<1024x32768xf32, #tpu.memory_space<hbm>> -> memref<1x32768xf32, #tpu.memory_space<hbm>>
      %dma_wait3A_49 = tpu.memref_squeeze %dma_wait3A_48 : memref<1x32768xf32, #tpu.memory_space<hbm>> -> memref<32768xf32, #tpu.memory_space<hbm>>
      %dma_wait3A_50 = arith.constant 0 : i32
      %dma_wait3A_51 = tpu.memref_slice %arg2[%add3A_41, %dma_wait3A_50] : memref<1024x32768xf32, #tpu.memory_space<hbm>> -> memref<1x32768xf32, #tpu.memory_space<hbm>>
      %dma_wait3A_52 = tpu.memref_squeeze %dma_wait3A_51 : memref<1x32768xf32, #tpu.memory_space<hbm>> -> memref<32768xf32, #tpu.memory_space<hbm>>
      tpu.wait_dma2 semaphore(%arg10 : memref<!tpu.dma_semaphore, #tpu.memory_space<semaphore_mem>>) src(%dma_wait3A_52 : memref<32768xf32, #tpu.memory_space<hbm>>) dst(%arg4 : memref<32768xf32, #tpu.memory_space<vmem>>)
      %broadcast_in_dim3A = arith.constant -3.000000e+38 : f32
      %broadcast_in_dim3A_53 = vector.broadcast %broadcast_in_dim3A : f32 to vector<16xf32>
      %parallel_loop3A = arith.constant 0 : i32
      %parallel_loop3A_54 = arith.constant 128 : i32
      %parallel_loop3A_55 = arith.constant 1 : i32
      %parallel_loop3A_56 = scf.for %parallel_loop3A_332 = %parallel_loop3A to %parallel_loop3A_54 step %parallel_loop3A_55 iter_args(%parallel_loop3A_333 = %broadcast_in_dim3A_53) -> (vector<16xf32>)  : i32 {
        %parallel_loop3A_334 = arith.constant 256 : i32
        %parallel_loop3A_335 = arith.muli %parallel_loop3A_332, %parallel_loop3A_334 : i32
        %parallel_loop3A_336 = arith.constant 0 : i32
        %parallel_loop3A_337 = arith.addi %parallel_loop3A_335, %parallel_loop3A_336 : i32
        %parallel_loop3A_338 = arith.index_cast %parallel_loop3A_337 : i32 to index
        %parallel_loop3A_339 = tpu.vector_load %arg4[%parallel_loop3A_338] {strides = array<i32>} : memref<32768xf32, #tpu.memory_space<vmem>>, vector<16xf32>,
        %parallel_loop3A_340 = arith.constant 16 : i32
        %parallel_loop3A_341 = arith.addi %parallel_loop3A_335, %parallel_loop3A_340 : i32
        %parallel_loop3A_342 = arith.index_cast %parallel_loop3A_341 : i32 to index
        %parallel_loop3A_343 = tpu.vector_load %arg4[%parallel_loop3A_342] {strides = array<i32>} : memref<32768xf32, #tpu.memory_space<vmem>>, vector<16xf32>,
        %parallel_loop3A_344 = arith.constant 32 : i32
        %parallel_loop3A_345 = arith.addi %parallel_loop3A_335, %parallel_loop3A_344 : i32
        %parallel_loop3A_346 = arith.index_cast %parallel_loop3A_345 : i32 to index
        %parallel_loop3A_347 = tpu.vector_load %arg4[%parallel_loop3A_346] {strides = array<i32>} : memref<32768xf32, #tpu.memory_space<vmem>>, vector<16xf32>,
        %parallel_loop3A_348 = arith.constant 48 : i32
        %parallel_loop3A_349 = arith.addi %parallel_loop3A_335, %parallel_loop3A_348 : i32
        %parallel_loop3A_350 = arith.index_cast %parallel_loop3A_349 : i32 to index
        %parallel_loop3A_351 = tpu.vector_load %arg4[%parallel_loop3A_350] {strides = array<i32>} : memref<32768xf32, #tpu.memory_space<vmem>>, vector<16xf32>,
        %parallel_loop3A_352 = arith.constant 64 : i32
        %parallel_loop3A_353 = arith.addi %parallel_loop3A_335, %parallel_loop3A_352 : i32
        %parallel_loop3A_354 = arith.index_cast %parallel_loop3A_353 : i32 to index
        %parallel_loop3A_355 = tpu.vector_load %arg4[%parallel_loop3A_354] {strides = array<i32>} : memref<32768xf32, #tpu.memory_space<vmem>>, vector<16xf32>,
        %parallel_loop3A_356 = arith.constant 80 : i32
        %parallel_loop3A_357 = arith.addi %parallel_loop3A_335, %parallel_loop3A_356 : i32
        %parallel_loop3A_358 = arith.index_cast %parallel_loop3A_357 : i32 to index
        %parallel_loop3A_359 = tpu.vector_load %arg4[%parallel_loop3A_358] {strides = array<i32>} : memref<32768xf32, #tpu.memory_space<vmem>>, vector<16xf32>,
        %parallel_loop3A_360 = arith.constant 96 : i32
        %parallel_loop3A_361 = arith.addi %parallel_loop3A_335, %parallel_loop3A_360 : i32
        %parallel_loop3A_362 = arith.index_cast %parallel_loop3A_361 : i32 to index
        %parallel_loop3A_363 = tpu.vector_load %arg4[%parallel_loop3A_362] {strides = array<i32>} : memref<32768xf32, #tpu.memory_space<vmem>>, vector<16xf32>,
        %parallel_loop3A_364 = arith.constant 112 : i32
        %parallel_loop3A_365 = arith.addi %parallel_loop3A_335, %parallel_loop3A_364 : i32
        %parallel_loop3A_366 = arith.index_cast %parallel_loop3A_365 : i32 to index
        %parallel_loop3A_367 = tpu.vector_load %arg4[%parallel_loop3A_366] {strides = array<i32>} : memref<32768xf32, #tpu.memory_space<vmem>>, vector<16xf32>,
        %parallel_loop3A_368 = arith.constant 128 : i32
        %parallel_loop3A_369 = arith.addi %parallel_loop3A_335, %parallel_loop3A_368 : i32
        %parallel_loop3A_370 = arith.index_cast %parallel_loop3A_369 : i32 to index
        %parallel_loop3A_371 = tpu.vector_load %arg4[%parallel_loop3A_370] {strides = array<i32>} : memref<32768xf32, #tpu.memory_space<vmem>>, vector<16xf32>,
        %parallel_loop3A_372 = arith.constant 144 : i32
        %parallel_loop3A_373 = arith.addi %parallel_loop3A_335, %parallel_loop3A_372 : i32
        %parallel_loop3A_374 = arith.index_cast %parallel_loop3A_373 : i32 to index
        %parallel_loop3A_375 = tpu.vector_load %arg4[%parallel_loop3A_374] {strides = array<i32>} : memref<32768xf32, #tpu.memory_space<vmem>>, vector<16xf32>,
        %parallel_loop3A_376 = arith.constant 160 : i32
        %parallel_loop3A_377 = arith.addi %parallel_loop3A_335, %parallel_loop3A_376 : i32
        %parallel_loop3A_378 = arith.index_cast %parallel_loop3A_377 : i32 to index
        %parallel_loop3A_379 = tpu.vector_load %arg4[%parallel_loop3A_378] {strides = array<i32>} : memref<32768xf32, #tpu.memory_space<vmem>>, vector<16xf32>,
        %parallel_loop3A_380 = arith.constant 176 : i32
        %parallel_loop3A_381 = arith.addi %parallel_loop3A_335, %parallel_loop3A_380 : i32
        %parallel_loop3A_382 = arith.index_cast %parallel_loop3A_381 : i32 to index
        %parallel_loop3A_383 = tpu.vector_load %arg4[%parallel_loop3A_382] {strides = array<i32>} : memref<32768xf32, #tpu.memory_space<vmem>>, vector<16xf32>,
        %parallel_loop3A_384 = arith.constant 192 : i32
        %parallel_loop3A_385 = arith.addi %parallel_loop3A_335, %parallel_loop3A_384 : i32
        %parallel_loop3A_386 = arith.index_cast %parallel_loop3A_385 : i32 to index
        %parallel_loop3A_387 = tpu.vector_load %arg4[%parallel_loop3A_386] {strides = array<i32>} : memref<32768xf32, #tpu.memory_space<vmem>>, vector<16xf32>,
        %parallel_loop3A_388 = arith.constant 208 : i32
        %parallel_loop3A_389 = arith.addi %parallel_loop3A_335, %parallel_loop3A_388 : i32
        %parallel_loop3A_390 = arith.index_cast %parallel_loop3A_389 : i32 to index
        %parallel_loop3A_391 = tpu.vector_load %arg4[%parallel_loop3A_390] {strides = array<i32>} : memref<32768xf32, #tpu.memory_space<vmem>>, vector<16xf32>,
        %parallel_loop3A_392 = arith.constant 224 : i32
        %parallel_loop3A_393 = arith.addi %parallel_loop3A_335, %parallel_loop3A_392 : i32
        %parallel_loop3A_394 = arith.index_cast %parallel_loop3A_393 : i32 to index
        %parallel_loop3A_395 = tpu.vector_load %arg4[%parallel_loop3A_394] {strides = array<i32>} : memref<32768xf32, #tpu.memory_space<vmem>>, vector<16xf32>,
        %parallel_loop3A_396 = arith.constant 240 : i32
        %parallel_loop3A_397 = arith.addi %parallel_loop3A_335, %parallel_loop3A_396 : i32
        %parallel_loop3A_398 = arith.index_cast %parallel_loop3A_397 : i32 to index
        %parallel_loop3A_399 = tpu.vector_load %arg4[%parallel_loop3A_398] {strides = array<i32>} : memref<32768xf32, #tpu.memory_space<vmem>>, vector<16xf32>,
        %parallel_loop3A_400 = arith.maximumf %parallel_loop3A_339, %parallel_loop3A_343 : vector<16xf32>
        %parallel_loop3A_401 = arith.maximumf %parallel_loop3A_347, %parallel_loop3A_351 : vector<16xf32>
        %parallel_loop3A_402 = arith.maximumf %parallel_loop3A_355, %parallel_loop3A_359 : vector<16xf32>
        %parallel_loop3A_403 = arith.maximumf %parallel_loop3A_363, %parallel_loop3A_367 : vector<16xf32>
        %parallel_loop3A_404 = arith.maximumf %parallel_loop3A_371, %parallel_loop3A_375 : vector<16xf32>
        %parallel_loop3A_405 = arith.maximumf %parallel_loop3A_379, %parallel_loop3A_383 : vector<16xf32>
        %parallel_loop3A_406 = arith.maximumf %parallel_loop3A_387, %parallel_loop3A_391 : vector<16xf32>
        %parallel_loop3A_407 = arith.maximumf %parallel_loop3A_395, %parallel_loop3A_399 : vector<16xf32>
        %parallel_loop3A_408 = arith.maximumf %parallel_loop3A_400, %parallel_loop3A_401 : vector<16xf32>
        %parallel_loop3A_409 = arith.maximumf %parallel_loop3A_402, %parallel_loop3A_403 : vector<16xf32>
        %parallel_loop3A_410 = arith.maximumf %parallel_loop3A_404, %parallel_loop3A_405 : vector<16xf32>
        %parallel_loop3A_411 = arith.maximumf %parallel_loop3A_406, %parallel_loop3A_407 : vector<16xf32>
        %parallel_loop3A_412 = arith.maximumf %parallel_loop3A_408, %parallel_loop3A_409 : vector<16xf32>
        %parallel_loop3A_413 = arith.maximumf %parallel_loop3A_410, %parallel_loop3A_411 : vector<16xf32>
        %parallel_loop3A_414 = arith.maximumf %parallel_loop3A_412, %parallel_loop3A_413 : vector<16xf32>
        %parallel_loop3A_415 = arith.constant 16 : i32
        %parallel_loop3A_416 = arith.muli %parallel_loop3A_332, %parallel_loop3A_415 : i32
        %parallel_loop3A_417 = arith.index_cast %parallel_loop3A_416 : i32 to index
        %parallel_loop3A_418 = tpu.vector_load %arg7[%parallel_loop3A_417] {strides = array<i32>} : memref<2048xf32, #tpu.memory_space<vmem>>, vector<16xf32>,
        tpu.vector_store %arg7[%parallel_loop3A_417], %parallel_loop3A_414 {strides = array<i32>} : memref<2048xf32, #tpu.memory_space<vmem>>, vector<16xf32>,
        %parallel_loop3A_419 = arith.maximumf %parallel_loop3A_333, %parallel_loop3A_414 : vector<16xf32>
        scf.yield %parallel_loop3A_419 : vector<16xf32>
      } {sc.loop_unroll_factor = 2 : i64, sc.parallel_access}
      %reduce_max3A = arith.constant true
      %reduce_max3A_57 = vector.broadcast %reduce_max3A : i1 to vector<16xi1>
      %reduce_max3A_58 = tpu.scan <max>, %parallel_loop3A_56 masked %reduce_max3A_57 : vector<16xf32>, vector<16xi1> -> vector<16xf32>
      %reduce_max3A_59 = vector.extract %reduce_max3A_58[15] : f32 from vector<16xf32>
      %sub3A_60 = arith.constant 1.000000e+00 : f32
      %sub3A_61 = arith.subf %reduce_max3A_59, %sub3A_60 : f32
      %broadcast_in_dim3A_62 = vector.broadcast %sub3A_61 : f32 to vector<16xf32>
      %scan3A_63 = arith.constant 0 : i32
      %scan3A_64 = arith.constant 0 : i32
      %scan3A_65 = arith.constant 32 : i32
      %scan3A_66 = arith.addi %scan3A_64, %scan3A_65 : i32
      %scan3A_67 = arith.constant 1 : i32
      %scan3A_68 = scf.for %scan3A_332 = %scan3A_64 to %scan3A_66 step %scan3A_67 iter_args(%scan3A_333 = %scan3A_63) -> (i32)  : i32 {
        %mul3A_334 = arith.constant 4 : i32
        %mul3A_335 = arith.muli %scan3A_332, %mul3A_334 : i32
        %add3A_336 = arith.constant 0 : i32
        %add3A_337 = arith.addi %mul3A_335, %add3A_336 : i32
        %mul3A_338 = arith.constant 16 : i32
        %mul3A_339 = arith.muli %add3A_337, %mul3A_338 : i32
        %get3A = arith.index_cast %mul3A_339 : i32 to index
        %get3A_340 = tpu.vector_load %arg7[%get3A] {strides = array<i32>} : memref<2048xf32, #tpu.memory_space<vmem>>, vector<16xf32>,
        %gt3A = arith.cmpf ogt, %get3A_340, %broadcast_in_dim3A_62 : vector<16xf32>
        %iota3A = tpu.iota {dimensions = array<i32: 0>} : vector<16xi32>
        %mul3A_341 = arith.constant 16 : i32
        %mul3A_342 = arith.muli %add3A_337, %mul3A_341 : i32
        %add3A_343 = vector.broadcast %mul3A_342 : i32 to vector<16xi32>
        %add3A_344 = arith.addi %iota3A, %add3A_343 : vector<16xi32>
        %swap3A_345 = arith.index_cast %scan3A_333 : i32 to index
        %swap3A_346 = tpu.vector_load %arg8[%swap3A_345] masked %gt3A {strides = array<i32>} : memref<2064xi32, #tpu.memory_space<vmem>>, vector<16xi32>, vector<16xi1>
        tpu.vector_store %arg8[%swap3A_345], %add3A_344 masked %gt3A {strides = array<i32>} : memref<2064xi32, #tpu.memory_space<vmem>>, vector<16xi32>, vector<16xi1>
        %all_reduce_population_count3A = tpu.all_reduce %gt3A {dim = 0 : i64, kind = #tpu.reduction_kind<sum>} : vector<16xi1> -> vector<16xi32>
        %slice3A = vector.extract_strided_slice %all_reduce_population_count3A {offsets = [0], sizes = [1], strides = [1]} : vector<16xi32> to vector<1xi32>
        %squeeze3A = vector.extract %slice3A[0] : i32 from vector<1xi32>
        %add3A_347 = arith.addi %scan3A_333, %squeeze3A : i32
        %mul3A_348 = arith.constant 4 : i32
        %mul3A_349 = arith.muli %scan3A_332, %mul3A_348 : i32
        %add3A_350 = arith.constant 1 : i32
        %add3A_351 = arith.addi %mul3A_349, %add3A_350 : i32
        %mul3A_352 = arith.constant 16 : i32
        %mul3A_353 = arith.muli %add3A_351, %mul3A_352 : i32
        %get3A_354 = arith.index_cast %mul3A_353 : i32 to index
        %get3A_355 = tpu.vector_load %arg7[%get3A_354] {strides = array<i32>} : memref<2048xf32, #tpu.memory_space<vmem>>, vector<16xf32>,
        %gt3A_356 = arith.cmpf ogt, %get3A_355, %broadcast_in_dim3A_62 : vector<16xf32>
        %iota3A_357 = tpu.iota {dimensions = array<i32: 0>} : vector<16xi32>
        %mul3A_358 = arith.constant 16 : i32
        %mul3A_359 = arith.muli %add3A_351, %mul3A_358 : i32
        %add3A_360 = vector.broadcast %mul3A_359 : i32 to vector<16xi32>
        %add3A_361 = arith.addi %iota3A_357, %add3A_360 : vector<16xi32>
        %swap3A_362 = arith.index_cast %add3A_347 : i32 to index
        %swap3A_363 = tpu.vector_load %arg8[%swap3A_362] masked %gt3A_356 {strides = array<i32>} : memref<2064xi32, #tpu.memory_space<vmem>>, vector<16xi32>, vector<16xi1>
        tpu.vector_store %arg8[%swap3A_362], %add3A_361 masked %gt3A_356 {strides = array<i32>} : memref<2064xi32, #tpu.memory_space<vmem>>, vector<16xi32>, vector<16xi1>
        %all_reduce_population_count3A_364 = tpu.all_reduce %gt3A_356 {dim = 0 : i64, kind = #tpu.reduction_kind<sum>} : vector<16xi1> -> vector<16xi32>
        %slice3A_365 = vector.extract_strided_slice %all_reduce_population_count3A_364 {offsets = [0], sizes = [1], strides = [1]} : vector<16xi32> to vector<1xi32>
        %squeeze3A_366 = vector.extract %slice3A_365[0] : i32 from vector<1xi32>
        %add3A_367 = arith.addi %add3A_347, %squeeze3A_366 : i32
        %mul3A_368 = arith.constant 4 : i32
        %mul3A_369 = arith.muli %scan3A_332, %mul3A_368 : i32
        %add3A_370 = arith.constant 2 : i32
        %add3A_371 = arith.addi %mul3A_369, %add3A_370 : i32
        %mul3A_372 = arith.constant 16 : i32
        %mul3A_373 = arith.muli %add3A_371, %mul3A_372 : i32
        %get3A_374 = arith.index_cast %mul3A_373 : i32 to index
        %get3A_375 = tpu.vector_load %arg7[%get3A_374] {strides = array<i32>} : memref<2048xf32, #tpu.memory_space<vmem>>, vector<16xf32>,
        %gt3A_376 = arith.cmpf ogt, %get3A_375, %broadcast_in_dim3A_62 : vector<16xf32>
        %iota3A_377 = tpu.iota {dimensions = array<i32: 0>} : vector<16xi32>
        %mul3A_378 = arith.constant 16 : i32
        %mul3A_379 = arith.muli %add3A_371, %mul3A_378 : i32
        %add3A_380 = vector.broadcast %mul3A_379 : i32 to vector<16xi32>
        %add3A_381 = arith.addi %iota3A_377, %add3A_380 : vector<16xi32>
        %swap3A_382 = arith.index_cast %add3A_367 : i32 to index
        %swap3A_383 = tpu.vector_load %arg8[%swap3A_382] masked %gt3A_376 {strides = array<i32>} : memref<2064xi32, #tpu.memory_space<vmem>>, vector<16xi32>, vector<16xi1>
        tpu.vector_store %arg8[%swap3A_382], %add3A_381 masked %gt3A_376 {strides = array<i32>} : memref<2064xi32, #tpu.memory_space<vmem>>, vector<16xi32>, vector<16xi1>
        %all_reduce_population_count3A_384 = tpu.all_reduce %gt3A_376 {dim = 0 : i64, kind = #tpu.reduction_kind<sum>} : vector<16xi1> -> vector<16xi32>
        %slice3A_385 = vector.extract_strided_slice %all_reduce_population_count3A_384 {offsets = [0], sizes = [1], strides = [1]} : vector<16xi32> to vector<1xi32>
        %squeeze3A_386 = vector.extract %slice3A_385[0] : i32 from vector<1xi32>
        %add3A_387 = arith.addi %add3A_367, %squeeze3A_386 : i32
        %mul3A_388 = arith.constant 4 : i32
        %mul3A_389 = arith.muli %scan3A_332, %mul3A_388 : i32
        %add3A_390 = arith.constant 3 : i32
        %add3A_391 = arith.addi %mul3A_389, %add3A_390 : i32
        %mul3A_392 = arith.constant 16 : i32
        %mul3A_393 = arith.muli %add3A_391, %mul3A_392 : i32
        %get3A_394 = arith.index_cast %mul3A_393 : i32 to index
        %get3A_395 = tpu.vector_load %arg7[%get3A_394] {strides = array<i32>} : memref<2048xf32, #tpu.memory_space<vmem>>, vector<16xf32>,
        %gt3A_396 = arith.cmpf ogt, %get3A_395, %broadcast_in_dim3A_62 : vector<16xf32>
        %iota3A_397 = tpu.iota {dimensions = array<i32: 0>} : vector<16xi32>
        %mul3A_398 = arith.constant 16 : i32
        %mul3A_399 = arith.muli %add3A_391, %mul3A_398 : i32
        %add3A_400 = vector.broadcast %mul3A_399 : i32 to vector<16xi32>
        %add3A_401 = arith.addi %iota3A_397, %add3A_400 : vector<16xi32>
        %swap3A_402 = arith.index_cast %add3A_387 : i32 to index
        %swap3A_403 = tpu.vector_load %arg8[%swap3A_402] masked %gt3A_396 {strides = array<i32>} : memref<2064xi32, #tpu.memory_space<vmem>>, vector<16xi32>, vector<16xi1>
        tpu.vector_store %arg8[%swap3A_402], %add3A_401 masked %gt3A_396 {strides = array<i32>} : memref<2064xi32, #tpu.memory_space<vmem>>, vector<16xi32>, vector<16xi1>
        %all_reduce_population_count3A_404 = tpu.all_reduce %gt3A_396 {dim = 0 : i64, kind = #tpu.reduction_kind<sum>} : vector<16xi1> -> vector<16xi32>
        %slice3A_405 = vector.extract_strided_slice %all_reduce_population_count3A_404 {offsets = [0], sizes = [1], strides = [1]} : vector<16xi32> to vector<1xi32>
        %squeeze3A_406 = vector.extract %slice3A_405[0] : i32 from vector<1xi32>
        %add3A_407 = arith.addi %add3A_387, %squeeze3A_406 : i32
        scf.yield %add3A_407 : i32
      }
      %scan3A_69 = arith.constant 32 : i32
      %broadcast_in_dim3A_70 = arith.constant 0 : i32
      %broadcast_in_dim3A_71 = vector.broadcast %broadcast_in_dim3A_70 : i32 to vector<16xi32>
      %swap3A = arith.index_cast %scan3A_68 : i32 to index
      %swap3A_72 = tpu.vector_load %arg8[%swap3A] {strides = array<i32>} : memref<2064xi32, #tpu.memory_space<vmem>>, vector<16xi32>,
      tpu.vector_store %arg8[%swap3A], %broadcast_in_dim3A_71 {strides = array<i32>} : memref<2064xi32, #tpu.memory_space<vmem>>, vector<16xi32>,
      %sub3A_73 = arith.constant 1 : i32
      %sub3A_74 = arith.subi %add3A_41, %sub3A_73 : i32
      %while3A_75 = arith.constant 0 : i32
      %while3A_76 = arith.constant 0 : i32
      %while3A_77 = arith.subi %scan3A_36, %while3A_76 : i32
      %while3A_78 = arith.addi %while3A_76, %while3A_77 : i32
      %while3A_79 = arith.constant 1 : i32
      %while3A_80 = arith.divsi %while3A_77, %while3A_79 : i32
      %while3A_81 = arith.muli %while3A_80, %while3A_79 : i32
      %while3A_82 = arith.addi %while3A_76, %while3A_81 : i32
      %while3A_83 = arith.constant 1 : i32
      scf.for %while3A_332 = %while3A_76 to %while3A_82 step %while3A_83  : i32 {
        %dma_wait3A_333 = arith.constant 0 : i32
        %dma_wait3A_334 = tpu.memref_slice %arg5[%dma_wait3A_333] : memref<32768xf32, #tpu.memory_space<vmem>> -> memref<256xf32, #tpu.memory_space<vmem>>
        %dma_wait3A_335 = arith.constant 0 : i32
        %dma_wait3A_336 = tpu.memref_slice %arg3[%sub3A_74, %dma_wait3A_335] : memref<1024x32768xf32, #tpu.memory_space<hbm>> -> memref<1x32768xf32, #tpu.memory_space<hbm>>
        %dma_wait3A_337 = tpu.memref_squeeze %dma_wait3A_336 : memref<1x32768xf32, #tpu.memory_space<hbm>> -> memref<32768xf32, #tpu.memory_space<hbm>>
        %dma_wait3A_338 = arith.constant 0 : i32
        %dma_wait3A_339 = tpu.memref_slice %dma_wait3A_337[%dma_wait3A_338] : memref<32768xf32, #tpu.memory_space<hbm>> -> memref<256xf32, #tpu.memory_space<hbm>>
        %dma_wait3A_340 = arith.constant 0 : i32
        %dma_wait3A_341 = tpu.memref_slice %arg3[%sub3A_74, %dma_wait3A_340] : memref<1024x32768xf32, #tpu.memory_space<hbm>> -> memref<1x32768xf32, #tpu.memory_space<hbm>>
        %dma_wait3A_342 = tpu.memref_squeeze %dma_wait3A_341 : memref<1x32768xf32, #tpu.memory_space<hbm>> -> memref<32768xf32, #tpu.memory_space<hbm>>
        %dma_wait3A_343 = arith.constant 0 : i32
        %dma_wait3A_344 = tpu.memref_slice %dma_wait3A_342[%dma_wait3A_343] : memref<32768xf32, #tpu.memory_space<hbm>> -> memref<256xf32, #tpu.memory_space<hbm>>
        %dma_wait3A_345 = arith.constant 0 : i32
        %dma_wait3A_346 = tpu.memref_slice %arg5[%dma_wait3A_345] : memref<32768xf32, #tpu.memory_space<vmem>> -> memref<256xf32, #tpu.memory_space<vmem>>
        tpu.wait_dma2 semaphore(%arg14 : memref<!tpu.dma_semaphore, #tpu.memory_space<semaphore_mem>>) src(%dma_wait3A_346 : memref<256xf32, #tpu.memory_space<vmem>>) dst(%dma_wait3A_344 : memref<256xf32, #tpu.memory_space<hbm>>)
      }
      %while3A_84 = arith.constant 1 : i32
      scf.for %while3A_332 = %while3A_82 to %while3A_78 step %while3A_84  : i32 {
        %dma_wait3A_333 = arith.constant 0 : i32
        %dma_wait3A_334 = tpu.memref_slice %arg5[%dma_wait3A_333] : memref<32768xf32, #tpu.memory_space<vmem>> -> memref<256xf32, #tpu.memory_space<vmem>>
        %dma_wait3A_335 = arith.constant 0 : i32
        %dma_wait3A_336 = tpu.memref_slice %arg3[%sub3A_74, %dma_wait3A_335] : memref<1024x32768xf32, #tpu.memory_space<hbm>> -> memref<1x32768xf32, #tpu.memory_space<hbm>>
        %dma_wait3A_337 = tpu.memref_squeeze %dma_wait3A_336 : memref<1x32768xf32, #tpu.memory_space<hbm>> -> memref<32768xf32, #tpu.memory_space<hbm>>
        %dma_wait3A_338 = arith.constant 0 : i32
        %dma_wait3A_339 = tpu.memref_slice %dma_wait3A_337[%dma_wait3A_338] : memref<32768xf32, #tpu.memory_space<hbm>> -> memref<256xf32, #tpu.memory_space<hbm>>
        %dma_wait3A_340 = arith.constant 0 : i32
        %dma_wait3A_341 = tpu.memref_slice %arg3[%sub3A_74, %dma_wait3A_340] : memref<1024x32768xf32, #tpu.memory_space<hbm>> -> memref<1x32768xf32, #tpu.memory_space<hbm>>
        %dma_wait3A_342 = tpu.memref_squeeze %dma_wait3A_341 : memref<1x32768xf32, #tpu.memory_space<hbm>> -> memref<32768xf32, #tpu.memory_space<hbm>>
        %dma_wait3A_343 = arith.constant 0 : i32
        %dma_wait3A_344 = tpu.memref_slice %dma_wait3A_342[%dma_wait3A_343] : memref<32768xf32, #tpu.memory_space<hbm>> -> memref<256xf32, #tpu.memory_space<hbm>>
        %dma_wait3A_345 = arith.constant 0 : i32
        %dma_wait3A_346 = tpu.memref_slice %arg5[%dma_wait3A_345] : memref<32768xf32, #tpu.memory_space<vmem>> -> memref<256xf32, #tpu.memory_space<vmem>>
        tpu.wait_dma2 semaphore(%arg14 : memref<!tpu.dma_semaphore, #tpu.memory_space<semaphore_mem>>) src(%dma_wait3A_346 : memref<256xf32, #tpu.memory_space<vmem>>) dst(%dma_wait3A_344 : memref<256xf32, #tpu.memory_space<hbm>>)
      }
      %add3A_85 = arith.constant 1 : i32
      %add3A_86 = arith.addi %add3A_41, %add3A_85 : i32
      %dma_start3A_87 = arith.constant 0 : i32
      %dma_start3A_88 = tpu.memref_slice %arg2[%add3A_86, %dma_start3A_87] : memref<1024x32768xf32, #tpu.memory_space<hbm>> -> memref<1x32768xf32, #tpu.memory_space<hbm>>
      %dma_start3A_89 = tpu.memref_squeeze %dma_start3A_88 : memref<1x32768xf32, #tpu.memory_space<hbm>> -> memref<32768xf32, #tpu.memory_space<hbm>>
      %dma_start3A_90 = arith.constant 0 : i32
      %dma_start3A_91 = tpu.memref_slice %arg2[%add3A_86, %dma_start3A_90] : memref<1024x32768xf32, #tpu.memory_space<hbm>> -> memref<1x32768xf32, #tpu.memory_space<hbm>>
      %dma_start3A_92 = tpu.memref_squeeze %dma_start3A_91 : memref<1x32768xf32, #tpu.memory_space<hbm>> -> memref<32768xf32, #tpu.memory_space<hbm>>
      tpu.enqueue_dma source(%dma_start3A_92 : memref<32768xf32, #tpu.memory_space<hbm>>) target(%arg5 : memref<32768xf32, #tpu.memory_space<vmem>>) target_semaphore(%arg11 : memref<!tpu.dma_semaphore, #tpu.memory_space<semaphore_mem>>)
      %sub3A_93 = arith.constant 1.000000e+00 : f32
      %sub3A_94 = arith.subf %reduce_max3A_59, %sub3A_93 : f32
      %broadcast_in_dim3A_95 = vector.broadcast %sub3A_94 : f32 to vector<16xf32>
      %add3A_96 = arith.constant 15 : i32
      %add3A_97 = arith.addi %scan3A_68, %add3A_96 : i32
      %jit3A = arith.constant 16 : i32
      %div3A = arith.divsi %add3A_97, %jit3A : i32
      %sign3A = arith.constant 0 : i32
      %sign3A_98 = arith.cmpi sgt, %add3A_97, %sign3A : i32
      %sign3A_99 = arith.extui %sign3A_98 : i1 to i32
      %sign3A_100 = arith.constant 0 : i32
      %sign3A_101 = arith.cmpi slt, %add3A_97, %sign3A_100 : i32
      %sign3A_102 = arith.extui %sign3A_101 : i1 to i32
      %sign3A_103 = arith.subi %sign3A_99, %sign3A_102 : i32
      %sign3A_104 = arith.constant 0 : i32
      %sign3A_105 = arith.cmpi sgt, %jit3A, %sign3A_104 : i32
      %sign3A_106 = arith.extui %sign3A_105 : i1 to i32
      %sign3A_107 = arith.constant 0 : i32
      %sign3A_108 = arith.cmpi slt, %jit3A, %sign3A_107 : i32
      %sign3A_109 = arith.extui %sign3A_108 : i1 to i32
      %sign3A_110 = arith.subi %sign3A_106, %sign3A_109 : i32
      %ne3A = arith.cmpi ne, %sign3A_103, %sign3A_110 : i32
      %rem3A = arith.remsi %add3A_97, %jit3A : i32
      %ne3A_111 = arith.constant 0 : i32
      %ne3A_112 = arith.cmpi ne, %rem3A, %ne3A_111 : i32
      %and3A = arith.andi %ne3A, %ne3A_112 : i1
      %sub3A_113 = arith.constant 1 : i32
      %sub3A_114 = arith.subi %div3A, %sub3A_113 : i32
      %select_n3A = arith.select %and3A, %sub3A_114, %div3A : i32
      %while3A_115 = arith.constant 0 : i32
      %while3A_116 = arith.constant 0 : i32
      %while3A_117 = arith.constant 0 : i32
      %while3A_118 = arith.subi %select_n3A, %while3A_115 : i32
      %while3A_119 = arith.addi %while3A_115, %while3A_118 : i32
      %while3A_120 = arith.constant 1 : i32
      %while3A_121 = arith.divsi %while3A_118, %while3A_120 : i32
      %while3A_122 = arith.muli %while3A_121, %while3A_120 : i32
      %while3A_123 = arith.addi %while3A_115, %while3A_122 : i32
      %while3A_124 = arith.constant 1 : i32
      %while3A_125:2 = scf.for %while3A_332 = %while3A_115 to %while3A_123 step %while3A_124 iter_args(%while3A_333 = %while3A_116, %while3A_334 = %while3A_117) -> (i32, i32)  : i32 {
        %mul3A_335 = arith.constant 16 : i32
        %mul3A_336 = arith.muli %while3A_332, %mul3A_335 : i32
        %get3A = arith.index_cast %mul3A_336 : i32 to index
        %get3A_337 = tpu.vector_load %arg8[%get3A] {strides = array<i32>} : memref<2064xi32, #tpu.memory_space<vmem>>, vector<16xi32>,
        %iota3A = tpu.iota {dimensions = array<i32: 0>} : vector<16xi32>
        %mul3A_338 = arith.constant 16 : i32
        %mul3A_339 = arith.muli %while3A_332, %mul3A_338 : i32
        %add3A_340 = vector.broadcast %mul3A_339 : i32 to vector<16xi32>
        %add3A_341 = arith.addi %iota3A, %add3A_340 : vector<16xi32>
        %lt3A_342 = vector.broadcast %scan3A_68 : i32 to vector<16xi32>
        %lt3A_343 = arith.cmpi slt, %add3A_341, %lt3A_342 : vector<16xi32>
        %shift_right_arithmetic3A = arith.constant 4 : i32
        %shift_right_arithmetic3A_344 = vector.broadcast %shift_right_arithmetic3A : i32 to vector<16xi32>
        %shift_right_arithmetic3A_345 = arith.shrsi %get3A_337, %shift_right_arithmetic3A_344 : vector<16xi32>
        %mul3A_346 = arith.constant 256 : i32
        %mul3A_347 = vector.broadcast %mul3A_346 : i32 to vector<16xi32>
        %mul3A_348 = arith.muli %shift_right_arithmetic3A_345, %mul3A_347 : vector<16xi32>
        %and3A_349 = arith.constant 15 : i32
        %and3A_350 = vector.broadcast %and3A_349 : i32 to vector<16xi32>
        %and3A_351 = arith.andi %get3A_337, %and3A_350 : vector<16xi32>
        %add3A_352 = arith.addi %mul3A_348, %and3A_351 : vector<16xi32>
        %add3A_353 = arith.constant 0 : i32
        %add3A_354 = vector.broadcast %add3A_353 : i32 to vector<16xi32>
        %add3A_355 = arith.addi %add3A_352, %add3A_354 : vector<16xi32>
        %gather3A = tpu.vector_load_idx %arg4[%add3A_355] : memref<32768xf32, #tpu.memory_space<vmem>>[vector<16xi32>], vector<16xf32>,
        %gt3A = arith.cmpf ogt, %gather3A, %broadcast_in_dim3A_95 : vector<16xf32>
        %and3A_356 = arith.andi %gt3A, %lt3A_343 : vector<16xi1>
        %le3A = arith.constant 4080 : i32
        %le3A_357 = arith.cmpi sle, %while3A_333, %le3A : i32
        %broadcast_in_dim3A_358 = vector.broadcast %le3A_357 : i1 to vector<16xi1>
        %and3A_359 = arith.andi %and3A_356, %broadcast_in_dim3A_358 : vector<16xi1>
        %swap3A_360 = arith.index_cast %while3A_333 : i32 to index
        %swap3A_361 = tpu.vector_load %arg6[%swap3A_360] masked %and3A_359 {strides = array<i32>} : memref<4112xf32, #tpu.memory_space<vmem>>, vector<16xf32>, vector<16xi1>
        tpu.vector_store %arg6[%swap3A_360], %gather3A masked %and3A_359 {strides = array<i32>} : memref<4112xf32, #tpu.memory_space<vmem>>, vector<16xf32>, vector<16xi1>
        %all_reduce_population_count3A = tpu.all_reduce %and3A_359 {dim = 0 : i64, kind = #tpu.reduction_kind<sum>} : vector<16xi1> -> vector<16xi32>
        %slice3A = vector.extract_strided_slice %all_reduce_population_count3A {offsets = [0], sizes = [1], strides = [1]} : vector<16xi32> to vector<1xi32>
        %squeeze3A = vector.extract %slice3A[0] : i32 from vector<1xi32>
        %add3A_362 = arith.addi %while3A_333, %squeeze3A : i32
        %all_reduce_population_count3A_363 = tpu.all_reduce %and3A_356 {dim = 0 : i64, kind = #tpu.reduction_kind<sum>} : vector<16xi1> -> vector<16xi32>
        %slice3A_364 = vector.extract_strided_slice %all_reduce_population_count3A_363 {offsets = [0], sizes = [1], strides = [1]} : vector<16xi32> to vector<1xi32>
        %squeeze3A_365 = vector.extract %slice3A_364[0] : i32 from vector<1xi32>
        %add3A_366 = arith.addi %while3A_334, %squeeze3A_365 : i32
        %add3A_367 = arith.constant 16 : i32
        %add3A_368 = vector.broadcast %add3A_367 : i32 to vector<16xi32>
        %add3A_369 = arith.addi %add3A_352, %add3A_368 : vector<16xi32>
        %gather3A_370 = tpu.vector_load_idx %arg4[%add3A_369] : memref<32768xf32, #tpu.memory_space<vmem>>[vector<16xi32>], vector<16xf32>,
        %gt3A_371 = arith.cmpf ogt, %gather3A_370, %broadcast_in_dim3A_95 : vector<16xf32>
        %and3A_372 = arith.andi %gt3A_371, %lt3A_343 : vector<16xi1>
        %le3A_373 = arith.constant 4080 : i32
        %le3A_374 = arith.cmpi sle, %add3A_362, %le3A_373 : i32
        %broadcast_in_dim3A_375 = vector.broadcast %le3A_374 : i1 to vector<16xi1>
        %and3A_376 = arith.andi %and3A_372, %broadcast_in_dim3A_375 : vector<16xi1>
        %swap3A_377 = arith.index_cast %add3A_362 : i32 to index
        %swap3A_378 = tpu.vector_load %arg6[%swap3A_377] masked %and3A_376 {strides = array<i32>} : memref<4112xf32, #tpu.memory_space<vmem>>, vector<16xf32>, vector<16xi1>
        tpu.vector_store %arg6[%swap3A_377], %gather3A_370 masked %and3A_376 {strides = array<i32>} : memref<4112xf32, #tpu.memory_space<vmem>>, vector<16xf32>, vector<16xi1>
        %all_reduce_population_count3A_379 = tpu.all_reduce %and3A_376 {dim = 0 : i64, kind = #tpu.reduction_kind<sum>} : vector<16xi1> -> vector<16xi32>
        %slice3A_380 = vector.extract_strided_slice %all_reduce_population_count3A_379 {offsets = [0], sizes = [1], strides = [1]} : vector<16xi32> to vector<1xi32>
        %squeeze3A_381 = vector.extract %slice3A_380[0] : i32 from vector<1xi32>
        %add3A_382 = arith.addi %add3A_362, %squeeze3A_381 : i32
        %all_reduce_population_count3A_383 = tpu.all_reduce %and3A_372 {dim = 0 : i64, kind = #tpu.reduction_kind<sum>} : vector<16xi1> -> vector<16xi32>
        %slice3A_384 = vector.extract_strided_slice %all_reduce_population_count3A_383 {offsets = [0], sizes = [1], strides = [1]} : vector<16xi32> to vector<1xi32>
        %squeeze3A_385 = vector.extract %slice3A_384[0] : i32 from vector<1xi32>
        %add3A_386 = arith.addi %add3A_366, %squeeze3A_385 : i32
        %add3A_387 = arith.constant 32 : i32
        %add3A_388 = vector.broadcast %add3A_387 : i32 to vector<16xi32>
        %add3A_389 = arith.addi %add3A_352, %add3A_388 : vector<16xi32>
        %gather3A_390 = tpu.vector_load_idx %arg4[%add3A_389] : memref<32768xf32, #tpu.memory_space<vmem>>[vector<16xi32>], vector<16xf32>,
        %gt3A_391 = arith.cmpf ogt, %gather3A_390, %broadcast_in_dim3A_95 : vector<16xf32>
        %and3A_392 = arith.andi %gt3A_391, %lt3A_343 : vector<16xi1>
        %le3A_393 = arith.constant 4080 : i32
        %le3A_394 = arith.cmpi sle, %add3A_382, %le3A_393 : i32
        %broadcast_in_dim3A_395 = vector.broadcast %le3A_394 : i1 to vector<16xi1>
        %and3A_396 = arith.andi %and3A_392, %broadcast_in_dim3A_395 : vector<16xi1>
        %swap3A_397 = arith.index_cast %add3A_382 : i32 to index
        %swap3A_398 = tpu.vector_load %arg6[%swap3A_397] masked %and3A_396 {strides = array<i32>} : memref<4112xf32, #tpu.memory_space<vmem>>, vector<16xf32>, vector<16xi1>
        tpu.vector_store %arg6[%swap3A_397], %gather3A_390 masked %and3A_396 {strides = array<i32>} : memref<4112xf32, #tpu.memory_space<vmem>>, vector<16xf32>, vector<16xi1>
        %all_reduce_population_count3A_399 = tpu.all_reduce %and3A_396 {dim = 0 : i64, kind = #tpu.reduction_kind<sum>} : vector<16xi1> -> vector<16xi32>
        %slice3A_400 = vector.extract_strided_slice %all_reduce_population_count3A_399 {offsets = [0], sizes = [1], strides = [1]} : vector<16xi32> to vector<1xi32>
        %squeeze3A_401 = vector.extract %slice3A_400[0] : i32 from vector<1xi32>
        %add3A_402 = arith.addi %add3A_382, %squeeze3A_401 : i32
        %all_reduce_population_count3A_403 = tpu.all_reduce %and3A_392 {dim = 0 : i64, kind = #tpu.reduction_kind<sum>} : vector<16xi1> -> vector<16xi32>
        %slice3A_404 = vector.extract_strided_slice %all_reduce_population_count3A_403 {offsets = [0], sizes = [1], strides = [1]} : vector<16xi32> to vector<1xi32>
        %squeeze3A_405 = vector.extract %slice3A_404[0] : i32 from vector<1xi32>
        %add3A_406 = arith.addi %add3A_386, %squeeze3A_405 : i32
        %add3A_407 = arith.constant 48 : i32
        %add3A_408 = vector.broadcast %add3A_407 : i32 to vector<16xi32>
        %add3A_409 = arith.addi %add3A_352, %add3A_408 : vector<16xi32>
        %gather3A_410 = tpu.vector_load_idx %arg4[%add3A_409] : memref<32768xf32, #tpu.memory_space<vmem>>[vector<16xi32>], vector<16xf32>,
        %gt3A_411 = arith.cmpf ogt, %gather3A_410, %broadcast_in_dim3A_95 : vector<16xf32>
        %and3A_412 = arith.andi %gt3A_411, %lt3A_343 : vector<16xi1>
        %le3A_413 = arith.constant 4080 : i32
        %le3A_414 = arith.cmpi sle, %add3A_402, %le3A_413 : i32
        %broadcast_in_dim3A_415 = vector.broadcast %le3A_414 : i1 to vector<16xi1>
        %and3A_416 = arith.andi %and3A_412, %broadcast_in_dim3A_415 : vector<16xi1>
        %swap3A_417 = arith.index_cast %add3A_402 : i32 to index
        %swap3A_418 = tpu.vector_load %arg6[%swap3A_417] masked %and3A_416 {strides = array<i32>} : memref<4112xf32, #tpu.memory_space<vmem>>, vector<16xf32>, vector<16xi1>
        tpu.vector_store %arg6[%swap3A_417], %gather3A_410 masked %and3A_416 {strides = array<i32>} : memref<4112xf32, #tpu.memory_space<vmem>>, vector<16xf32>, vector<16xi1>
        %all_reduce_population_count3A_419 = tpu.all_reduce %and3A_416 {dim = 0 : i64, kind = #tpu.reduction_kind<sum>} : vector<16xi1> -> vector<16xi32>
        %slice3A_420 = vector.extract_strided_slice %all_reduce_population_count3A_419 {offsets = [0], sizes = [1], strides = [1]} : vector<16xi32> to vector<1xi32>
        %squeeze3A_421 = vector.extract %slice3A_420[0] : i32 from vector<1xi32>
        %add3A_422 = arith.addi %add3A_402, %squeeze3A_421 : i32
        %all_reduce_population_count3A_423 = tpu.all_reduce %and3A_412 {dim = 0 : i64, kind = #tpu.reduction_kind<sum>} : vector<16xi1> -> vector<16xi32>
        %slice3A_424 = vector.extract_strided_slice %all_reduce_population_count3A_423 {offsets = [0], sizes = [1], strides = [1]} : vector<16xi32> to vector<1xi32>
        %squeeze3A_425 = vector.extract %slice3A_424[0] : i32 from vector<1xi32>
        %add3A_426 = arith.addi %add3A_406, %squeeze3A_425 : i32
        %add3A_427 = arith.constant 64 : i32
        %add3A_428 = vector.broadcast %add3A_427 : i32 to vector<16xi32>
        %add3A_429 = arith.addi %add3A_352, %add3A_428 : vector<16xi32>
        %gather3A_430 = tpu.vector_load_idx %arg4[%add3A_429] : memref<32768xf32, #tpu.memory_space<vmem>>[vector<16xi32>], vector<16xf32>,
        %gt3A_431 = arith.cmpf ogt, %gather3A_430, %broadcast_in_dim3A_95 : vector<16xf32>
        %and3A_432 = arith.andi %gt3A_431, %lt3A_343 : vector<16xi1>
        %le3A_433 = arith.constant 4080 : i32
        %le3A_434 = arith.cmpi sle, %add3A_422, %le3A_433 : i32
        %broadcast_in_dim3A_435 = vector.broadcast %le3A_434 : i1 to vector<16xi1>
        %and3A_436 = arith.andi %and3A_432, %broadcast_in_dim3A_435 : vector<16xi1>
        %swap3A_437 = arith.index_cast %add3A_422 : i32 to index
        %swap3A_438 = tpu.vector_load %arg6[%swap3A_437] masked %and3A_436 {strides = array<i32>} : memref<4112xf32, #tpu.memory_space<vmem>>, vector<16xf32>, vector<16xi1>
        tpu.vector_store %arg6[%swap3A_437], %gather3A_430 masked %and3A_436 {strides = array<i32>} : memref<4112xf32, #tpu.memory_space<vmem>>, vector<16xf32>, vector<16xi1>
        %all_reduce_population_count3A_439 = tpu.all_reduce %and3A_436 {dim = 0 : i64, kind = #tpu.reduction_kind<sum>} : vector<16xi1> -> vector<16xi32>
        %slice3A_440 = vector.extract_strided_slice %all_reduce_population_count3A_439 {offsets = [0], sizes = [1], strides = [1]} : vector<16xi32> to vector<1xi32>
        %squeeze3A_441 = vector.extract %slice3A_440[0] : i32 from vector<1xi32>
        %add3A_442 = arith.addi %add3A_422, %squeeze3A_441 : i32
        %all_reduce_population_count3A_443 = tpu.all_reduce %and3A_432 {dim = 0 : i64, kind = #tpu.reduction_kind<sum>} : vector<16xi1> -> vector<16xi32>
        %slice3A_444 = vector.extract_strided_slice %all_reduce_population_count3A_443 {offsets = [0], sizes = [1], strides = [1]} : vector<16xi32> to vector<1xi32>
        %squeeze3A_445 = vector.extract %slice3A_444[0] : i32 from vector<1xi32>
        %add3A_446 = arith.addi %add3A_426, %squeeze3A_445 : i32
        %add3A_447 = arith.constant 80 : i32
        %add3A_448 = vector.broadcast %add3A_447 : i32 to vector<16xi32>
        %add3A_449 = arith.addi %add3A_352, %add3A_448 : vector<16xi32>
        %gather3A_450 = tpu.vector_load_idx %arg4[%add3A_449] : memref<32768xf32, #tpu.memory_space<vmem>>[vector<16xi32>], vector<16xf32>,
        %gt3A_451 = arith.cmpf ogt, %gather3A_450, %broadcast_in_dim3A_95 : vector<16xf32>
        %and3A_452 = arith.andi %gt3A_451, %lt3A_343 : vector<16xi1>
        %le3A_453 = arith.constant 4080 : i32
        %le3A_454 = arith.cmpi sle, %add3A_442, %le3A_453 : i32
        %broadcast_in_dim3A_455 = vector.broadcast %le3A_454 : i1 to vector<16xi1>
        %and3A_456 = arith.andi %and3A_452, %broadcast_in_dim3A_455 : vector<16xi1>
        %swap3A_457 = arith.index_cast %add3A_442 : i32 to index
        %swap3A_458 = tpu.vector_load %arg6[%swap3A_457] masked %and3A_456 {strides = array<i32>} : memref<4112xf32, #tpu.memory_space<vmem>>, vector<16xf32>, vector<16xi1>
        tpu.vector_store %arg6[%swap3A_457], %gather3A_450 masked %and3A_456 {strides = array<i32>} : memref<4112xf32, #tpu.memory_space<vmem>>, vector<16xf32>, vector<16xi1>
        %all_reduce_population_count3A_459 = tpu.all_reduce %and3A_456 {dim = 0 : i64, kind = #tpu.reduction_kind<sum>} : vector<16xi1> -> vector<16xi32>
        %slice3A_460 = vector.extract_strided_slice %all_reduce_population_count3A_459 {offsets = [0], sizes = [1], strides = [1]} : vector<16xi32> to vector<1xi32>
        %squeeze3A_461 = vector.extract %slice3A_460[0] : i32 from vector<1xi32>
        %add3A_462 = arith.addi %add3A_442, %squeeze3A_461 : i32
        %all_reduce_population_count3A_463 = tpu.all_reduce %and3A_452 {dim = 0 : i64, kind = #tpu.reduction_kind<sum>} : vector<16xi1> -> vector<16xi32>
        %slice3A_464 = vector.extract_strided_slice %all_reduce_population_count3A_463 {offsets = [0], sizes = [1], strides = [1]} : vector<16xi32> to vector<1xi32>
        %squeeze3A_465 = vector.extract %slice3A_464[0] : i32 from vector<1xi32>
        %add3A_466 = arith.addi %add3A_446, %squeeze3A_465 : i32
        %add3A_467 = arith.constant 96 : i32
        %add3A_468 = vector.broadcast %add3A_467 : i32 to vector<16xi32>
        %add3A_469 = arith.addi %add3A_352, %add3A_468 : vector<16xi32>
        %gather3A_470 = tpu.vector_load_idx %arg4[%add3A_469] : memref<32768xf32, #tpu.memory_space<vmem>>[vector<16xi32>], vector<16xf32>,
        %gt3A_471 = arith.cmpf ogt, %gather3A_470, %broadcast_in_dim3A_95 : vector<16xf32>
        %and3A_472 = arith.andi %gt3A_471, %lt3A_343 : vector<16xi1>
        %le3A_473 = arith.constant 4080 : i32
        %le3A_474 = arith.cmpi sle, %add3A_462, %le3A_473 : i32
        %broadcast_in_dim3A_475 = vector.broadcast %le3A_474 : i1 to vector<16xi1>
        %and3A_476 = arith.andi %and3A_472, %broadcast_in_dim3A_475 : vector<16xi1>
        %swap3A_477 = arith.index_cast %add3A_462 : i32 to index
        %swap3A_478 = tpu.vector_load %arg6[%swap3A_477] masked %and3A_476 {strides = array<i32>} : memref<4112xf32, #tpu.memory_space<vmem>>, vector<16xf32>, vector<16xi1>
        tpu.vector_store %arg6[%swap3A_477], %gather3A_470 masked %and3A_476 {strides = array<i32>} : memref<4112xf32, #tpu.memory_space<vmem>>, vector<16xf32>, vector<16xi1>
        %all_reduce_population_count3A_479 = tpu.all_reduce %and3A_476 {dim = 0 : i64, kind = #tpu.reduction_kind<sum>} : vector<16xi1> -> vector<16xi32>
        %slice3A_480 = vector.extract_strided_slice %all_reduce_population_count3A_479 {offsets = [0], sizes = [1], strides = [1]} : vector<16xi32> to vector<1xi32>
        %squeeze3A_481 = vector.extract %slice3A_480[0] : i32 from vector<1xi32>
        %add3A_482 = arith.addi %add3A_462, %squeeze3A_481 : i32
        %all_reduce_population_count3A_483 = tpu.all_reduce %and3A_472 {dim = 0 : i64, kind = #tpu.reduction_kind<sum>} : vector<16xi1> -> vector<16xi32>
        %slice3A_484 = vector.extract_strided_slice %all_reduce_population_count3A_483 {offsets = [0], sizes = [1], strides = [1]} : vector<16xi32> to vector<1xi32>
        %squeeze3A_485 = vector.extract %slice3A_484[0] : i32 from vector<1xi32>
        %add3A_486 = arith.addi %add3A_466, %squeeze3A_485 : i32
        %add3A_487 = arith.constant 112 : i32
        %add3A_488 = vector.broadcast %add3A_487 : i32 to vector<16xi32>
        %add3A_489 = arith.addi %add3A_352, %add3A_488 : vector<16xi32>
        %gather3A_490 = tpu.vector_load_idx %arg4[%add3A_489] : memref<32768xf32, #tpu.memory_space<vmem>>[vector<16xi32>], vector<16xf32>,
        %gt3A_491 = arith.cmpf ogt, %gather3A_490, %broadcast_in_dim3A_95 : vector<16xf32>
        %and3A_492 = arith.andi %gt3A_491, %lt3A_343 : vector<16xi1>
        %le3A_493 = arith.constant 4080 : i32
        %le3A_494 = arith.cmpi sle, %add3A_482, %le3A_493 : i32
        %broadcast_in_dim3A_495 = vector.broadcast %le3A_494 : i1 to vector<16xi1>
        %and3A_496 = arith.andi %and3A_492, %broadcast_in_dim3A_495 : vector<16xi1>
        %swap3A_497 = arith.index_cast %add3A_482 : i32 to index
        %swap3A_498 = tpu.vector_load %arg6[%swap3A_497] masked %and3A_496 {strides = array<i32>} : memref<4112xf32, #tpu.memory_space<vmem>>, vector<16xf32>, vector<16xi1>
        tpu.vector_store %arg6[%swap3A_497], %gather3A_490 masked %and3A_496 {strides = array<i32>} : memref<4112xf32, #tpu.memory_space<vmem>>, vector<16xf32>, vector<16xi1>
        %all_reduce_population_count3A_499 = tpu.all_reduce %and3A_496 {dim = 0 : i64, kind = #tpu.reduction_kind<sum>} : vector<16xi1> -> vector<16xi32>
        %slice3A_500 = vector.extract_strided_slice %all_reduce_population_count3A_499 {offsets = [0], sizes = [1], strides = [1]} : vector<16xi32> to vector<1xi32>
        %squeeze3A_501 = vector.extract %slice3A_500[0] : i32 from vector<1xi32>
        %add3A_502 = arith.addi %add3A_482, %squeeze3A_501 : i32
        %all_reduce_population_count3A_503 = tpu.all_reduce %and3A_492 {dim = 0 : i64, kind = #tpu.reduction_kind<sum>} : vector<16xi1> -> vector<16xi32>
        %slice3A_504 = vector.extract_strided_slice %all_reduce_population_count3A_503 {offsets = [0], sizes = [1], strides = [1]} : vector<16xi32> to vector<1xi32>
        %squeeze3A_505 = vector.extract %slice3A_504[0] : i32 from vector<1xi32>
        %add3A_506 = arith.addi %add3A_486, %squeeze3A_505 : i32
        %add3A_507 = arith.constant 128 : i32
        %add3A_508 = vector.broadcast %add3A_507 : i32 to vector<16xi32>
        %add3A_509 = arith.addi %add3A_352, %add3A_508 : vector<16xi32>
        %gather3A_510 = tpu.vector_load_idx %arg4[%add3A_509] : memref<32768xf32, #tpu.memory_space<vmem>>[vector<16xi32>], vector<16xf32>,
        %gt3A_511 = arith.cmpf ogt, %gather3A_510, %broadcast_in_dim3A_95 : vector<16xf32>
        %and3A_512 = arith.andi %gt3A_511, %lt3A_343 : vector<16xi1>
        %le3A_513 = arith.constant 4080 : i32
        %le3A_514 = arith.cmpi sle, %add3A_502, %le3A_513 : i32
        %broadcast_in_dim3A_515 = vector.broadcast %le3A_514 : i1 to vector<16xi1>
        %and3A_516 = arith.andi %and3A_512, %broadcast_in_dim3A_515 : vector<16xi1>
        %swap3A_517 = arith.index_cast %add3A_502 : i32 to index
        %swap3A_518 = tpu.vector_load %arg6[%swap3A_517] masked %and3A_516 {strides = array<i32>} : memref<4112xf32, #tpu.memory_space<vmem>>, vector<16xf32>, vector<16xi1>
        tpu.vector_store %arg6[%swap3A_517], %gather3A_510 masked %and3A_516 {strides = array<i32>} : memref<4112xf32, #tpu.memory_space<vmem>>, vector<16xf32>, vector<16xi1>
        %all_reduce_population_count3A_519 = tpu.all_reduce %and3A_516 {dim = 0 : i64, kind = #tpu.reduction_kind<sum>} : vector<16xi1> -> vector<16xi32>
        %slice3A_520 = vector.extract_strided_slice %all_reduce_population_count3A_519 {offsets = [0], sizes = [1], strides = [1]} : vector<16xi32> to vector<1xi32>
        %squeeze3A_521 = vector.extract %slice3A_520[0] : i32 from vector<1xi32>
        %add3A_522 = arith.addi %add3A_502, %squeeze3A_521 : i32
        %all_reduce_population_count3A_523 = tpu.all_reduce %and3A_512 {dim = 0 : i64, kind = #tpu.reduction_kind<sum>} : vector<16xi1> -> vector<16xi32>
        %slice3A_524 = vector.extract_strided_slice %all_reduce_population_count3A_523 {offsets = [0], sizes = [1], strides = [1]} : vector<16xi32> to vector<1xi32>
        %squeeze3A_525 = vector.extract %slice3A_524[0] : i32 from vector<1xi32>
        %add3A_526 = arith.addi %add3A_506, %squeeze3A_525 : i32
        %add3A_527 = arith.constant 144 : i32
        %add3A_528 = vector.broadcast %add3A_527 : i32 to vector<16xi32>
        %add3A_529 = arith.addi %add3A_352, %add3A_528 : vector<16xi32>
        %gather3A_530 = tpu.vector_load_idx %arg4[%add3A_529] : memref<32768xf32, #tpu.memory_space<vmem>>[vector<16xi32>], vector<16xf32>,
        %gt3A_531 = arith.cmpf ogt, %gather3A_530, %broadcast_in_dim3A_95 : vector<16xf32>
        %and3A_532 = arith.andi %gt3A_531, %lt3A_343 : vector<16xi1>
        %le3A_533 = arith.constant 4080 : i32
        %le3A_534 = arith.cmpi sle, %add3A_522, %le3A_533 : i32
        %broadcast_in_dim3A_535 = vector.broadcast %le3A_534 : i1 to vector<16xi1>
        %and3A_536 = arith.andi %and3A_532, %broadcast_in_dim3A_535 : vector<16xi1>
        %swap3A_537 = arith.index_cast %add3A_522 : i32 to index
        %swap3A_538 = tpu.vector_load %arg6[%swap3A_537] masked %and3A_536 {strides = array<i32>} : memref<4112xf32, #tpu.memory_space<vmem>>, vector<16xf32>, vector<16xi1>
        tpu.vector_store %arg6[%swap3A_537], %gather3A_530 masked %and3A_536 {strides = array<i32>} : memref<4112xf32, #tpu.memory_space<vmem>>, vector<16xf32>, vector<16xi1>
        %all_reduce_population_count3A_539 = tpu.all_reduce %and3A_536 {dim = 0 : i64, kind = #tpu.reduction_kind<sum>} : vector<16xi1> -> vector<16xi32>
        %slice3A_540 = vector.extract_strided_slice %all_reduce_population_count3A_539 {offsets = [0], sizes = [1], strides = [1]} : vector<16xi32> to vector<1xi32>
        %squeeze3A_541 = vector.extract %slice3A_540[0] : i32 from vector<1xi32>
        %add3A_542 = arith.addi %add3A_522, %squeeze3A_541 : i32
        %all_reduce_population_count3A_543 = tpu.all_reduce %and3A_532 {dim = 0 : i64, kind = #tpu.reduction_kind<sum>} : vector<16xi1> -> vector<16xi32>
        %slice3A_544 = vector.extract_strided_slice %all_reduce_population_count3A_543 {offsets = [0], sizes = [1], strides = [1]} : vector<16xi32> to vector<1xi32>
        %squeeze3A_545 = vector.extract %slice3A_544[0] : i32 from vector<1xi32>
        %add3A_546 = arith.addi %add3A_526, %squeeze3A_545 : i32
        %add3A_547 = arith.constant 160 : i32
        %add3A_548 = vector.broadcast %add3A_547 : i32 to vector<16xi32>
        %add3A_549 = arith.addi %add3A_352, %add3A_548 : vector<16xi32>
        %gather3A_550 = tpu.vector_load_idx %arg4[%add3A_549] : memref<32768xf32, #tpu.memory_space<vmem>>[vector<16xi32>], vector<16xf32>,
        %gt3A_551 = arith.cmpf ogt, %gather3A_550, %broadcast_in_dim3A_95 : vector<16xf32>
        %and3A_552 = arith.andi %gt3A_551, %lt3A_343 : vector<16xi1>
        %le3A_553 = arith.constant 4080 : i32
        %le3A_554 = arith.cmpi sle, %add3A_542, %le3A_553 : i32
        %broadcast_in_dim3A_555 = vector.broadcast %le3A_554 : i1 to vector<16xi1>
        %and3A_556 = arith.andi %and3A_552, %broadcast_in_dim3A_555 : vector<16xi1>
        %swap3A_557 = arith.index_cast %add3A_542 : i32 to index
        %swap3A_558 = tpu.vector_load %arg6[%swap3A_557] masked %and3A_556 {strides = array<i32>} : memref<4112xf32, #tpu.memory_space<vmem>>, vector<16xf32>, vector<16xi1>
        tpu.vector_store %arg6[%swap3A_557], %gather3A_550 masked %and3A_556 {strides = array<i32>} : memref<4112xf32, #tpu.memory_space<vmem>>, vector<16xf32>, vector<16xi1>
        %all_reduce_population_count3A_559 = tpu.all_reduce %and3A_556 {dim = 0 : i64, kind = #tpu.reduction_kind<sum>} : vector<16xi1> -> vector<16xi32>
        %slice3A_560 = vector.extract_strided_slice %all_reduce_population_count3A_559 {offsets = [0], sizes = [1], strides = [1]} : vector<16xi32> to vector<1xi32>
        %squeeze3A_561 = vector.extract %slice3A_560[0] : i32 from vector<1xi32>
        %add3A_562 = arith.addi %add3A_542, %squeeze3A_561 : i32
        %all_reduce_population_count3A_563 = tpu.all_reduce %and3A_552 {dim = 0 : i64, kind = #tpu.reduction_kind<sum>} : vector<16xi1> -> vector<16xi32>
        %slice3A_564 = vector.extract_strided_slice %all_reduce_population_count3A_563 {offsets = [0], sizes = [1], strides = [1]} : vector<16xi32> to vector<1xi32>
        %squeeze3A_565 = vector.extract %slice3A_564[0] : i32 from vector<1xi32>
        %add3A_566 = arith.addi %add3A_546, %squeeze3A_565 : i32
        %add3A_567 = arith.constant 176 : i32
        %add3A_568 = vector.broadcast %add3A_567 : i32 to vector<16xi32>
        %add3A_569 = arith.addi %add3A_352, %add3A_568 : vector<16xi32>
        %gather3A_570 = tpu.vector_load_idx %arg4[%add3A_569] : memref<32768xf32, #tpu.memory_space<vmem>>[vector<16xi32>], vector<16xf32>,
        %gt3A_571 = arith.cmpf ogt, %gather3A_570, %broadcast_in_dim3A_95 : vector<16xf32>
        %and3A_572 = arith.andi %gt3A_571, %lt3A_343 : vector<16xi1>
        %le3A_573 = arith.constant 4080 : i32
        %le3A_574 = arith.cmpi sle, %add3A_562, %le3A_573 : i32
        %broadcast_in_dim3A_575 = vector.broadcast %le3A_574 : i1 to vector<16xi1>
        %and3A_576 = arith.andi %and3A_572, %broadcast_in_dim3A_575 : vector<16xi1>
        %swap3A_577 = arith.index_cast %add3A_562 : i32 to index
        %swap3A_578 = tpu.vector_load %arg6[%swap3A_577] masked %and3A_576 {strides = array<i32>} : memref<4112xf32, #tpu.memory_space<vmem>>, vector<16xf32>, vector<16xi1>
        tpu.vector_store %arg6[%swap3A_577], %gather3A_570 masked %and3A_576 {strides = array<i32>} : memref<4112xf32, #tpu.memory_space<vmem>>, vector<16xf32>, vector<16xi1>
        %all_reduce_population_count3A_579 = tpu.all_reduce %and3A_576 {dim = 0 : i64, kind = #tpu.reduction_kind<sum>} : vector<16xi1> -> vector<16xi32>
        %slice3A_580 = vector.extract_strided_slice %all_reduce_population_count3A_579 {offsets = [0], sizes = [1], strides = [1]} : vector<16xi32> to vector<1xi32>
        %squeeze3A_581 = vector.extract %slice3A_580[0] : i32 from vector<1xi32>
        %add3A_582 = arith.addi %add3A_562, %squeeze3A_581 : i32
        %all_reduce_population_count3A_583 = tpu.all_reduce %and3A_572 {dim = 0 : i64, kind = #tpu.reduction_kind<sum>} : vector<16xi1> -> vector<16xi32>
        %slice3A_584 = vector.extract_strided_slice %all_reduce_population_count3A_583 {offsets = [0], sizes = [1], strides = [1]} : vector<16xi32> to vector<1xi32>
        %squeeze3A_585 = vector.extract %slice3A_584[0] : i32 from vector<1xi32>
        %add3A_586 = arith.addi %add3A_566, %squeeze3A_585 : i32
        %add3A_587 = arith.constant 192 : i32
        %add3A_588 = vector.broadcast %add3A_587 : i32 to vector<16xi32>
        %add3A_589 = arith.addi %add3A_352, %add3A_588 : vector<16xi32>
        %gather3A_590 = tpu.vector_load_idx %arg4[%add3A_589] : memref<32768xf32, #tpu.memory_space<vmem>>[vector<16xi32>], vector<16xf32>,
        %gt3A_591 = arith.cmpf ogt, %gather3A_590, %broadcast_in_dim3A_95 : vector<16xf32>
        %and3A_592 = arith.andi %gt3A_591, %lt3A_343 : vector<16xi1>
        %le3A_593 = arith.constant 4080 : i32
        %le3A_594 = arith.cmpi sle, %add3A_582, %le3A_593 : i32
        %broadcast_in_dim3A_595 = vector.broadcast %le3A_594 : i1 to vector<16xi1>
        %and3A_596 = arith.andi %and3A_592, %broadcast_in_dim3A_595 : vector<16xi1>
        %swap3A_597 = arith.index_cast %add3A_582 : i32 to index
        %swap3A_598 = tpu.vector_load %arg6[%swap3A_597] masked %and3A_596 {strides = array<i32>} : memref<4112xf32, #tpu.memory_space<vmem>>, vector<16xf32>, vector<16xi1>
        tpu.vector_store %arg6[%swap3A_597], %gather3A_590 masked %and3A_596 {strides = array<i32>} : memref<4112xf32, #tpu.memory_space<vmem>>, vector<16xf32>, vector<16xi1>
        %all_reduce_population_count3A_599 = tpu.all_reduce %and3A_596 {dim = 0 : i64, kind = #tpu.reduction_kind<sum>} : vector<16xi1> -> vector<16xi32>
        %slice3A_600 = vector.extract_strided_slice %all_reduce_population_count3A_599 {offsets = [0], sizes = [1], strides = [1]} : vector<16xi32> to vector<1xi32>
        %squeeze3A_601 = vector.extract %slice3A_600[0] : i32 from vector<1xi32>
        %add3A_602 = arith.addi %add3A_582, %squeeze3A_601 : i32
        %all_reduce_population_count3A_603 = tpu.all_reduce %and3A_592 {dim = 0 : i64, kind = #tpu.reduction_kind<sum>} : vector<16xi1> -> vector<16xi32>
        %slice3A_604 = vector.extract_strided_slice %all_reduce_population_count3A_603 {offsets = [0], sizes = [1], strides = [1]} : vector<16xi32> to vector<1xi32>
        %squeeze3A_605 = vector.extract %slice3A_604[0] : i32 from vector<1xi32>
        %add3A_606 = arith.addi %add3A_586, %squeeze3A_605 : i32
        %add3A_607 = arith.constant 208 : i32
        %add3A_608 = vector.broadcast %add3A_607 : i32 to vector<16xi32>
        %add3A_609 = arith.addi %add3A_352, %add3A_608 : vector<16xi32>
        %gather3A_610 = tpu.vector_load_idx %arg4[%add3A_609] : memref<32768xf32, #tpu.memory_space<vmem>>[vector<16xi32>], vector<16xf32>,
        %gt3A_611 = arith.cmpf ogt, %gather3A_610, %broadcast_in_dim3A_95 : vector<16xf32>
        %and3A_612 = arith.andi %gt3A_611, %lt3A_343 : vector<16xi1>
        %le3A_613 = arith.constant 4080 : i32
        %le3A_614 = arith.cmpi sle, %add3A_602, %le3A_613 : i32
        %broadcast_in_dim3A_615 = vector.broadcast %le3A_614 : i1 to vector<16xi1>
        %and3A_616 = arith.andi %and3A_612, %broadcast_in_dim3A_615 : vector<16xi1>
        %swap3A_617 = arith.index_cast %add3A_602 : i32 to index
        %swap3A_618 = tpu.vector_load %arg6[%swap3A_617] masked %and3A_616 {strides = array<i32>} : memref<4112xf32, #tpu.memory_space<vmem>>, vector<16xf32>, vector<16xi1>
        tpu.vector_store %arg6[%swap3A_617], %gather3A_610 masked %and3A_616 {strides = array<i32>} : memref<4112xf32, #tpu.memory_space<vmem>>, vector<16xf32>, vector<16xi1>
        %all_reduce_population_count3A_619 = tpu.all_reduce %and3A_616 {dim = 0 : i64, kind = #tpu.reduction_kind<sum>} : vector<16xi1> -> vector<16xi32>
        %slice3A_620 = vector.extract_strided_slice %all_reduce_population_count3A_619 {offsets = [0], sizes = [1], strides = [1]} : vector<16xi32> to vector<1xi32>
        %squeeze3A_621 = vector.extract %slice3A_620[0] : i32 from vector<1xi32>
        %add3A_622 = arith.addi %add3A_602, %squeeze3A_621 : i32
        %all_reduce_population_count3A_623 = tpu.all_reduce %and3A_612 {dim = 0 : i64, kind = #tpu.reduction_kind<sum>} : vector<16xi1> -> vector<16xi32>
        %slice3A_624 = vector.extract_strided_slice %all_reduce_population_count3A_623 {offsets = [0], sizes = [1], strides = [1]} : vector<16xi32> to vector<1xi32>
        %squeeze3A_625 = vector.extract %slice3A_624[0] : i32 from vector<1xi32>
        %add3A_626 = arith.addi %add3A_606, %squeeze3A_625 : i32
        %add3A_627 = arith.constant 224 : i32
        %add3A_628 = vector.broadcast %add3A_627 : i32 to vector<16xi32>
        %add3A_629 = arith.addi %add3A_352, %add3A_628 : vector<16xi32>
        %gather3A_630 = tpu.vector_load_idx %arg4[%add3A_629] : memref<32768xf32, #tpu.memory_space<vmem>>[vector<16xi32>], vector<16xf32>,
        %gt3A_631 = arith.cmpf ogt, %gather3A_630, %broadcast_in_dim3A_95 : vector<16xf32>
        %and3A_632 = arith.andi %gt3A_631, %lt3A_343 : vector<16xi1>
        %le3A_633 = arith.constant 4080 : i32
        %le3A_634 = arith.cmpi sle, %add3A_622, %le3A_633 : i32
        %broadcast_in_dim3A_635 = vector.broadcast %le3A_634 : i1 to vector<16xi1>
        %and3A_636 = arith.andi %and3A_632, %broadcast_in_dim3A_635 : vector<16xi1>
        %swap3A_637 = arith.index_cast %add3A_622 : i32 to index
        %swap3A_638 = tpu.vector_load %arg6[%swap3A_637] masked %and3A_636 {strides = array<i32>} : memref<4112xf32, #tpu.memory_space<vmem>>, vector<16xf32>, vector<16xi1>
        tpu.vector_store %arg6[%swap3A_637], %gather3A_630 masked %and3A_636 {strides = array<i32>} : memref<4112xf32, #tpu.memory_space<vmem>>, vector<16xf32>, vector<16xi1>
        %all_reduce_population_count3A_639 = tpu.all_reduce %and3A_636 {dim = 0 : i64, kind = #tpu.reduction_kind<sum>} : vector<16xi1> -> vector<16xi32>
        %slice3A_640 = vector.extract_strided_slice %all_reduce_population_count3A_639 {offsets = [0], sizes = [1], strides = [1]} : vector<16xi32> to vector<1xi32>
        %squeeze3A_641 = vector.extract %slice3A_640[0] : i32 from vector<1xi32>
        %add3A_642 = arith.addi %add3A_622, %squeeze3A_641 : i32
        %all_reduce_population_count3A_643 = tpu.all_reduce %and3A_632 {dim = 0 : i64, kind = #tpu.reduction_kind<sum>} : vector<16xi1> -> vector<16xi32>
        %slice3A_644 = vector.extract_strided_slice %all_reduce_population_count3A_643 {offsets = [0], sizes = [1], strides = [1]} : vector<16xi32> to vector<1xi32>
        %squeeze3A_645 = vector.extract %slice3A_644[0] : i32 from vector<1xi32>
        %add3A_646 = arith.addi %add3A_626, %squeeze3A_645 : i32
        %add3A_647 = arith.constant 240 : i32
        %add3A_648 = vector.broadcast %add3A_647 : i32 to vector<16xi32>
        %add3A_649 = arith.addi %add3A_352, %add3A_648 : vector<16xi32>
        %gather3A_650 = tpu.vector_load_idx %arg4[%add3A_649] : memref<32768xf32, #tpu.memory_space<vmem>>[vector<16xi32>], vector<16xf32>,
        %gt3A_651 = arith.cmpf ogt, %gather3A_650, %broadcast_in_dim3A_95 : vector<16xf32>
        %and3A_652 = arith.andi %gt3A_651, %lt3A_343 : vector<16xi1>
        %le3A_653 = arith.constant 4080 : i32
        %le3A_654 = arith.cmpi sle, %add3A_642, %le3A_653 : i32
        %broadcast_in_dim3A_655 = vector.broadcast %le3A_654 : i1 to vector<16xi1>
        %and3A_656 = arith.andi %and3A_652, %broadcast_in_dim3A_655 : vector<16xi1>
        %swap3A_657 = arith.index_cast %add3A_642 : i32 to index
        %swap3A_658 = tpu.vector_load %arg6[%swap3A_657] masked %and3A_656 {strides = array<i32>} : memref<4112xf32, #tpu.memory_space<vmem>>, vector<16xf32>, vector<16xi1>
        tpu.vector_store %arg6[%swap3A_657], %gather3A_650 masked %and3A_656 {strides = array<i32>} : memref<4112xf32, #tpu.memory_space<vmem>>, vector<16xf32>, vector<16xi1>
        %all_reduce_population_count3A_659 = tpu.all_reduce %and3A_656 {dim = 0 : i64, kind = #tpu.reduction_kind<sum>} : vector<16xi1> -> vector<16xi32>
        %slice3A_660 = vector.extract_strided_slice %all_reduce_population_count3A_659 {offsets = [0], sizes = [1], strides = [1]} : vector<16xi32> to vector<1xi32>
        %squeeze3A_661 = vector.extract %slice3A_660[0] : i32 from vector<1xi32>
        %add3A_662 = arith.addi %add3A_642, %squeeze3A_661 : i32
        %all_reduce_population_count3A_663 = tpu.all_reduce %and3A_652 {dim = 0 : i64, kind = #tpu.reduction_kind<sum>} : vector<16xi1> -> vector<16xi32>
        %slice3A_664 = vector.extract_strided_slice %all_reduce_population_count3A_663 {offsets = [0], sizes = [1], strides = [1]} : vector<16xi32> to vector<1xi32>
        %squeeze3A_665 = vector.extract %slice3A_664[0] : i32 from vector<1xi32>
        %add3A_666 = arith.addi %add3A_646, %squeeze3A_665 : i32
        scf.yield %add3A_662, %add3A_666 : i32, i32
      }
      %while3A_126 = arith.constant 1 : i32
      %while3A_127:2 = scf.for %while3A_332 = %while3A_123 to %while3A_119 step %while3A_126 iter_args(%while3A_333 = %while3A_125#0, %while3A_334 = %while3A_125#1) -> (i32, i32)  : i32 {
        %mul3A_335 = arith.constant 16 : i32
        %mul3A_336 = arith.muli %while3A_332, %mul3A_335 : i32
        %get3A = arith.index_cast %mul3A_336 : i32 to index
        %get3A_337 = tpu.vector_load %arg8[%get3A] {strides = array<i32>} : memref<2064xi32, #tpu.memory_space<vmem>>, vector<16xi32>,
        %iota3A = tpu.iota {dimensions = array<i32: 0>} : vector<16xi32>
        %mul3A_338 = arith.constant 16 : i32
        %mul3A_339 = arith.muli %while3A_332, %mul3A_338 : i32
        %add3A_340 = vector.broadcast %mul3A_339 : i32 to vector<16xi32>
        %add3A_341 = arith.addi %iota3A, %add3A_340 : vector<16xi32>
        %lt3A_342 = vector.broadcast %scan3A_68 : i32 to vector<16xi32>
        %lt3A_343 = arith.cmpi slt, %add3A_341, %lt3A_342 : vector<16xi32>
        %shift_right_arithmetic3A = arith.constant 4 : i32
        %shift_right_arithmetic3A_344 = vector.broadcast %shift_right_arithmetic3A : i32 to vector<16xi32>
        %shift_right_arithmetic3A_345 = arith.shrsi %get3A_337, %shift_right_arithmetic3A_344 : vector<16xi32>
        %mul3A_346 = arith.constant 256 : i32
        %mul3A_347 = vector.broadcast %mul3A_346 : i32 to vector<16xi32>
        %mul3A_348 = arith.muli %shift_right_arithmetic3A_345, %mul3A_347 : vector<16xi32>
        %and3A_349 = arith.constant 15 : i32
        %and3A_350 = vector.broadcast %and3A_349 : i32 to vector<16xi32>
        %and3A_351 = arith.andi %get3A_337, %and3A_350 : vector<16xi32>
        %add3A_352 = arith.addi %mul3A_348, %and3A_351 : vector<16xi32>
        %add3A_353 = arith.constant 0 : i32
        %add3A_354 = vector.broadcast %add3A_353 : i32 to vector<16xi32>
        %add3A_355 = arith.addi %add3A_352, %add3A_354 : vector<16xi32>
        %gather3A = tpu.vector_load_idx %arg4[%add3A_355] : memref<32768xf32, #tpu.memory_space<vmem>>[vector<16xi32>], vector<16xf32>,
        %gt3A = arith.cmpf ogt, %gather3A, %broadcast_in_dim3A_95 : vector<16xf32>
        %and3A_356 = arith.andi %gt3A, %lt3A_343 : vector<16xi1>
        %le3A = arith.constant 4080 : i32
        %le3A_357 = arith.cmpi sle, %while3A_333, %le3A : i32
        %broadcast_in_dim3A_358 = vector.broadcast %le3A_357 : i1 to vector<16xi1>
        %and3A_359 = arith.andi %and3A_356, %broadcast_in_dim3A_358 : vector<16xi1>
        %swap3A_360 = arith.index_cast %while3A_333 : i32 to index
        %swap3A_361 = tpu.vector_load %arg6[%swap3A_360] masked %and3A_359 {strides = array<i32>} : memref<4112xf32, #tpu.memory_space<vmem>>, vector<16xf32>, vector<16xi1>
        tpu.vector_store %arg6[%swap3A_360], %gather3A masked %and3A_359 {strides = array<i32>} : memref<4112xf32, #tpu.memory_space<vmem>>, vector<16xf32>, vector<16xi1>
        %all_reduce_population_count3A = tpu.all_reduce %and3A_359 {dim = 0 : i64, kind = #tpu.reduction_kind<sum>} : vector<16xi1> -> vector<16xi32>
        %slice3A = vector.extract_strided_slice %all_reduce_population_count3A {offsets = [0], sizes = [1], strides = [1]} : vector<16xi32> to vector<1xi32>
        %squeeze3A = vector.extract %slice3A[0] : i32 from vector<1xi32>
        %add3A_362 = arith.addi %while3A_333, %squeeze3A : i32
        %all_reduce_population_count3A_363 = tpu.all_reduce %and3A_356 {dim = 0 : i64, kind = #tpu.reduction_kind<sum>} : vector<16xi1> -> vector<16xi32>
        %slice3A_364 = vector.extract_strided_slice %all_reduce_population_count3A_363 {offsets = [0], sizes = [1], strides = [1]} : vector<16xi32> to vector<1xi32>
        %squeeze3A_365 = vector.extract %slice3A_364[0] : i32 from vector<1xi32>
        %add3A_366 = arith.addi %while3A_334, %squeeze3A_365 : i32
        %add3A_367 = arith.constant 16 : i32
        %add3A_368 = vector.broadcast %add3A_367 : i32 to vector<16xi32>
        %add3A_369 = arith.addi %add3A_352, %add3A_368 : vector<16xi32>
        %gather3A_370 = tpu.vector_load_idx %arg4[%add3A_369] : memref<32768xf32, #tpu.memory_space<vmem>>[vector<16xi32>], vector<16xf32>,
        %gt3A_371 = arith.cmpf ogt, %gather3A_370, %broadcast_in_dim3A_95 : vector<16xf32>
        %and3A_372 = arith.andi %gt3A_371, %lt3A_343 : vector<16xi1>
        %le3A_373 = arith.constant 4080 : i32
        %le3A_374 = arith.cmpi sle, %add3A_362, %le3A_373 : i32
        %broadcast_in_dim3A_375 = vector.broadcast %le3A_374 : i1 to vector<16xi1>
        %and3A_376 = arith.andi %and3A_372, %broadcast_in_dim3A_375 : vector<16xi1>
        %swap3A_377 = arith.index_cast %add3A_362 : i32 to index
        %swap3A_378 = tpu.vector_load %arg6[%swap3A_377] masked %and3A_376 {strides = array<i32>} : memref<4112xf32, #tpu.memory_space<vmem>>, vector<16xf32>, vector<16xi1>
        tpu.vector_store %arg6[%swap3A_377], %gather3A_370 masked %and3A_376 {strides = array<i32>} : memref<4112xf32, #tpu.memory_space<vmem>>, vector<16xf32>, vector<16xi1>
        %all_reduce_population_count3A_379 = tpu.all_reduce %and3A_376 {dim = 0 : i64, kind = #tpu.reduction_kind<sum>} : vector<16xi1> -> vector<16xi32>
        %slice3A_380 = vector.extract_strided_slice %all_reduce_population_count3A_379 {offsets = [0], sizes = [1], strides = [1]} : vector<16xi32> to vector<1xi32>
        %squeeze3A_381 = vector.extract %slice3A_380[0] : i32 from vector<1xi32>
        %add3A_382 = arith.addi %add3A_362, %squeeze3A_381 : i32
        %all_reduce_population_count3A_383 = tpu.all_reduce %and3A_372 {dim = 0 : i64, kind = #tpu.reduction_kind<sum>} : vector<16xi1> -> vector<16xi32>
        %slice3A_384 = vector.extract_strided_slice %all_reduce_population_count3A_383 {offsets = [0], sizes = [1], strides = [1]} : vector<16xi32> to vector<1xi32>
        %squeeze3A_385 = vector.extract %slice3A_384[0] : i32 from vector<1xi32>
        %add3A_386 = arith.addi %add3A_366, %squeeze3A_385 : i32
        %add3A_387 = arith.constant 32 : i32
        %add3A_388 = vector.broadcast %add3A_387 : i32 to vector<16xi32>
        %add3A_389 = arith.addi %add3A_352, %add3A_388 : vector<16xi32>
        %gather3A_390 = tpu.vector_load_idx %arg4[%add3A_389] : memref<32768xf32, #tpu.memory_space<vmem>>[vector<16xi32>], vector<16xf32>,
        %gt3A_391 = arith.cmpf ogt, %gather3A_390, %broadcast_in_dim3A_95 : vector<16xf32>
        %and3A_392 = arith.andi %gt3A_391, %lt3A_343 : vector<16xi1>
        %le3A_393 = arith.constant 4080 : i32
        %le3A_394 = arith.cmpi sle, %add3A_382, %le3A_393 : i32
        %broadcast_in_dim3A_395 = vector.broadcast %le3A_394 : i1 to vector<16xi1>
        %and3A_396 = arith.andi %and3A_392, %broadcast_in_dim3A_395 : vector<16xi1>
        %swap3A_397 = arith.index_cast %add3A_382 : i32 to index
        %swap3A_398 = tpu.vector_load %arg6[%swap3A_397] masked %and3A_396 {strides = array<i32>} : memref<4112xf32, #tpu.memory_space<vmem>>, vector<16xf32>, vector<16xi1>
        tpu.vector_store %arg6[%swap3A_397], %gather3A_390 masked %and3A_396 {strides = array<i32>} : memref<4112xf32, #tpu.memory_space<vmem>>, vector<16xf32>, vector<16xi1>
        %all_reduce_population_count3A_399 = tpu.all_reduce %and3A_396 {dim = 0 : i64, kind = #tpu.reduction_kind<sum>} : vector<16xi1> -> vector<16xi32>
        %slice3A_400 = vector.extract_strided_slice %all_reduce_population_count3A_399 {offsets = [0], sizes = [1], strides = [1]} : vector<16xi32> to vector<1xi32>
        %squeeze3A_401 = vector.extract %slice3A_400[0] : i32 from vector<1xi32>
        %add3A_402 = arith.addi %add3A_382, %squeeze3A_401 : i32
        %all_reduce_population_count3A_403 = tpu.all_reduce %and3A_392 {dim = 0 : i64, kind = #tpu.reduction_kind<sum>} : vector<16xi1> -> vector<16xi32>
        %slice3A_404 = vector.extract_strided_slice %all_reduce_population_count3A_403 {offsets = [0], sizes = [1], strides = [1]} : vector<16xi32> to vector<1xi32>
        %squeeze3A_405 = vector.extract %slice3A_404[0] : i32 from vector<1xi32>
        %add3A_406 = arith.addi %add3A_386, %squeeze3A_405 : i32
        %add3A_407 = arith.constant 48 : i32
        %add3A_408 = vector.broadcast %add3A_407 : i32 to vector<16xi32>
        %add3A_409 = arith.addi %add3A_352, %add3A_408 : vector<16xi32>
        %gather3A_410 = tpu.vector_load_idx %arg4[%add3A_409] : memref<32768xf32, #tpu.memory_space<vmem>>[vector<16xi32>], vector<16xf32>,
        %gt3A_411 = arith.cmpf ogt, %gather3A_410, %broadcast_in_dim3A_95 : vector<16xf32>
        %and3A_412 = arith.andi %gt3A_411, %lt3A_343 : vector<16xi1>
        %le3A_413 = arith.constant 4080 : i32
        %le3A_414 = arith.cmpi sle, %add3A_402, %le3A_413 : i32
        %broadcast_in_dim3A_415 = vector.broadcast %le3A_414 : i1 to vector<16xi1>
        %and3A_416 = arith.andi %and3A_412, %broadcast_in_dim3A_415 : vector<16xi1>
        %swap3A_417 = arith.index_cast %add3A_402 : i32 to index
        %swap3A_418 = tpu.vector_load %arg6[%swap3A_417] masked %and3A_416 {strides = array<i32>} : memref<4112xf32, #tpu.memory_space<vmem>>, vector<16xf32>, vector<16xi1>
        tpu.vector_store %arg6[%swap3A_417], %gather3A_410 masked %and3A_416 {strides = array<i32>} : memref<4112xf32, #tpu.memory_space<vmem>>, vector<16xf32>, vector<16xi1>
        %all_reduce_population_count3A_419 = tpu.all_reduce %and3A_416 {dim = 0 : i64, kind = #tpu.reduction_kind<sum>} : vector<16xi1> -> vector<16xi32>
        %slice3A_420 = vector.extract_strided_slice %all_reduce_population_count3A_419 {offsets = [0], sizes = [1], strides = [1]} : vector<16xi32> to vector<1xi32>
        %squeeze3A_421 = vector.extract %slice3A_420[0] : i32 from vector<1xi32>
        %add3A_422 = arith.addi %add3A_402, %squeeze3A_421 : i32
        %all_reduce_population_count3A_423 = tpu.all_reduce %and3A_412 {dim = 0 : i64, kind = #tpu.reduction_kind<sum>} : vector<16xi1> -> vector<16xi32>
        %slice3A_424 = vector.extract_strided_slice %all_reduce_population_count3A_423 {offsets = [0], sizes = [1], strides = [1]} : vector<16xi32> to vector<1xi32>
        %squeeze3A_425 = vector.extract %slice3A_424[0] : i32 from vector<1xi32>
        %add3A_426 = arith.addi %add3A_406, %squeeze3A_425 : i32
        %add3A_427 = arith.constant 64 : i32
        %add3A_428 = vector.broadcast %add3A_427 : i32 to vector<16xi32>
        %add3A_429 = arith.addi %add3A_352, %add3A_428 : vector<16xi32>
        %gather3A_430 = tpu.vector_load_idx %arg4[%add3A_429] : memref<32768xf32, #tpu.memory_space<vmem>>[vector<16xi32>], vector<16xf32>,
        %gt3A_431 = arith.cmpf ogt, %gather3A_430, %broadcast_in_dim3A_95 : vector<16xf32>
        %and3A_432 = arith.andi %gt3A_431, %lt3A_343 : vector<16xi1>
        %le3A_433 = arith.constant 4080 : i32
        %le3A_434 = arith.cmpi sle, %add3A_422, %le3A_433 : i32
        %broadcast_in_dim3A_435 = vector.broadcast %le3A_434 : i1 to vector<16xi1>
        %and3A_436 = arith.andi %and3A_432, %broadcast_in_dim3A_435 : vector<16xi1>
        %swap3A_437 = arith.index_cast %add3A_422 : i32 to index
        %swap3A_438 = tpu.vector_load %arg6[%swap3A_437] masked %and3A_436 {strides = array<i32>} : memref<4112xf32, #tpu.memory_space<vmem>>, vector<16xf32>, vector<16xi1>
        tpu.vector_store %arg6[%swap3A_437], %gather3A_430 masked %and3A_436 {strides = array<i32>} : memref<4112xf32, #tpu.memory_space<vmem>>, vector<16xf32>, vector<16xi1>
        %all_reduce_population_count3A_439 = tpu.all_reduce %and3A_436 {dim = 0 : i64, kind = #tpu.reduction_kind<sum>} : vector<16xi1> -> vector<16xi32>
        %slice3A_440 = vector.extract_strided_slice %all_reduce_population_count3A_439 {offsets = [0], sizes = [1], strides = [1]} : vector<16xi32> to vector<1xi32>
        %squeeze3A_441 = vector.extract %slice3A_440[0] : i32 from vector<1xi32>
        %add3A_442 = arith.addi %add3A_422, %squeeze3A_441 : i32
        %all_reduce_population_count3A_443 = tpu.all_reduce %and3A_432 {dim = 0 : i64, kind = #tpu.reduction_kind<sum>} : vector<16xi1> -> vector<16xi32>
        %slice3A_444 = vector.extract_strided_slice %all_reduce_population_count3A_443 {offsets = [0], sizes = [1], strides = [1]} : vector<16xi32> to vector<1xi32>
        %squeeze3A_445 = vector.extract %slice3A_444[0] : i32 from vector<1xi32>
        %add3A_446 = arith.addi %add3A_426, %squeeze3A_445 : i32
        %add3A_447 = arith.constant 80 : i32
        %add3A_448 = vector.broadcast %add3A_447 : i32 to vector<16xi32>
        %add3A_449 = arith.addi %add3A_352, %add3A_448 : vector<16xi32>
        %gather3A_450 = tpu.vector_load_idx %arg4[%add3A_449] : memref<32768xf32, #tpu.memory_space<vmem>>[vector<16xi32>], vector<16xf32>,
        %gt3A_451 = arith.cmpf ogt, %gather3A_450, %broadcast_in_dim3A_95 : vector<16xf32>
        %and3A_452 = arith.andi %gt3A_451, %lt3A_343 : vector<16xi1>
        %le3A_453 = arith.constant 4080 : i32
        %le3A_454 = arith.cmpi sle, %add3A_442, %le3A_453 : i32
        %broadcast_in_dim3A_455 = vector.broadcast %le3A_454 : i1 to vector<16xi1>
        %and3A_456 = arith.andi %and3A_452, %broadcast_in_dim3A_455 : vector<16xi1>
        %swap3A_457 = arith.index_cast %add3A_442 : i32 to index
        %swap3A_458 = tpu.vector_load %arg6[%swap3A_457] masked %and3A_456 {strides = array<i32>} : memref<4112xf32, #tpu.memory_space<vmem>>, vector<16xf32>, vector<16xi1>
        tpu.vector_store %arg6[%swap3A_457], %gather3A_450 masked %and3A_456 {strides = array<i32>} : memref<4112xf32, #tpu.memory_space<vmem>>, vector<16xf32>, vector<16xi1>
        %all_reduce_population_count3A_459 = tpu.all_reduce %and3A_456 {dim = 0 : i64, kind = #tpu.reduction_kind<sum>} : vector<16xi1> -> vector<16xi32>
        %slice3A_460 = vector.extract_strided_slice %all_reduce_population_count3A_459 {offsets = [0], sizes = [1], strides = [1]} : vector<16xi32> to vector<1xi32>
        %squeeze3A_461 = vector.extract %slice3A_460[0] : i32 from vector<1xi32>
        %add3A_462 = arith.addi %add3A_442, %squeeze3A_461 : i32
        %all_reduce_population_count3A_463 = tpu.all_reduce %and3A_452 {dim = 0 : i64, kind = #tpu.reduction_kind<sum>} : vector<16xi1> -> vector<16xi32>
        %slice3A_464 = vector.extract_strided_slice %all_reduce_population_count3A_463 {offsets = [0], sizes = [1], strides = [1]} : vector<16xi32> to vector<1xi32>
        %squeeze3A_465 = vector.extract %slice3A_464[0] : i32 from vector<1xi32>
        %add3A_466 = arith.addi %add3A_446, %squeeze3A_465 : i32
        %add3A_467 = arith.constant 96 : i32
        %add3A_468 = vector.broadcast %add3A_467 : i32 to vector<16xi32>
        %add3A_469 = arith.addi %add3A_352, %add3A_468 : vector<16xi32>
        %gather3A_470 = tpu.vector_load_idx %arg4[%add3A_469] : memref<32768xf32, #tpu.memory_space<vmem>>[vector<16xi32>], vector<16xf32>,
        %gt3A_471 = arith.cmpf ogt, %gather3A_470, %broadcast_in_dim3A_95 : vector<16xf32>
        %and3A_472 = arith.andi %gt3A_471, %lt3A_343 : vector<16xi1>
        %le3A_473 = arith.constant 4080 : i32
        %le3A_474 = arith.cmpi sle, %add3A_462, %le3A_473 : i32
        %broadcast_in_dim3A_475 = vector.broadcast %le3A_474 : i1 to vector<16xi1>
        %and3A_476 = arith.andi %and3A_472, %broadcast_in_dim3A_475 : vector<16xi1>
        %swap3A_477 = arith.index_cast %add3A_462 : i32 to index
        %swap3A_478 = tpu.vector_load %arg6[%swap3A_477] masked %and3A_476 {strides = array<i32>} : memref<4112xf32, #tpu.memory_space<vmem>>, vector<16xf32>, vector<16xi1>
        tpu.vector_store %arg6[%swap3A_477], %gather3A_470 masked %and3A_476 {strides = array<i32>} : memref<4112xf32, #tpu.memory_space<vmem>>, vector<16xf32>, vector<16xi1>
        %all_reduce_population_count3A_479 = tpu.all_reduce %and3A_476 {dim = 0 : i64, kind = #tpu.reduction_kind<sum>} : vector<16xi1> -> vector<16xi32>
        %slice3A_480 = vector.extract_strided_slice %all_reduce_population_count3A_479 {offsets = [0], sizes = [1], strides = [1]} : vector<16xi32> to vector<1xi32>
        %squeeze3A_481 = vector.extract %slice3A_480[0] : i32 from vector<1xi32>
        %add3A_482 = arith.addi %add3A_462, %squeeze3A_481 : i32
        %all_reduce_population_count3A_483 = tpu.all_reduce %and3A_472 {dim = 0 : i64, kind = #tpu.reduction_kind<sum>} : vector<16xi1> -> vector<16xi32>
        %slice3A_484 = vector.extract_strided_slice %all_reduce_population_count3A_483 {offsets = [0], sizes = [1], strides = [1]} : vector<16xi32> to vector<1xi32>
        %squeeze3A_485 = vector.extract %slice3A_484[0] : i32 from vector<1xi32>
        %add3A_486 = arith.addi %add3A_466, %squeeze3A_485 : i32
        %add3A_487 = arith.constant 112 : i32
        %add3A_488 = vector.broadcast %add3A_487 : i32 to vector<16xi32>
        %add3A_489 = arith.addi %add3A_352, %add3A_488 : vector<16xi32>
        %gather3A_490 = tpu.vector_load_idx %arg4[%add3A_489] : memref<32768xf32, #tpu.memory_space<vmem>>[vector<16xi32>], vector<16xf32>,
        %gt3A_491 = arith.cmpf ogt, %gather3A_490, %broadcast_in_dim3A_95 : vector<16xf32>
        %and3A_492 = arith.andi %gt3A_491, %lt3A_343 : vector<16xi1>
        %le3A_493 = arith.constant 4080 : i32
        %le3A_494 = arith.cmpi sle, %add3A_482, %le3A_493 : i32
        %broadcast_in_dim3A_495 = vector.broadcast %le3A_494 : i1 to vector<16xi1>
        %and3A_496 = arith.andi %and3A_492, %broadcast_in_dim3A_495 : vector<16xi1>
        %swap3A_497 = arith.index_cast %add3A_482 : i32 to index
        %swap3A_498 = tpu.vector_load %arg6[%swap3A_497] masked %and3A_496 {strides = array<i32>} : memref<4112xf32, #tpu.memory_space<vmem>>, vector<16xf32>, vector<16xi1>
        tpu.vector_store %arg6[%swap3A_497], %gather3A_490 masked %and3A_496 {strides = array<i32>} : memref<4112xf32, #tpu.memory_space<vmem>>, vector<16xf32>, vector<16xi1>
        %all_reduce_population_count3A_499 = tpu.all_reduce %and3A_496 {dim = 0 : i64, kind = #tpu.reduction_kind<sum>} : vector<16xi1> -> vector<16xi32>
        %slice3A_500 = vector.extract_strided_slice %all_reduce_population_count3A_499 {offsets = [0], sizes = [1], strides = [1]} : vector<16xi32> to vector<1xi32>
        %squeeze3A_501 = vector.extract %slice3A_500[0] : i32 from vector<1xi32>
        %add3A_502 = arith.addi %add3A_482, %squeeze3A_501 : i32
        %all_reduce_population_count3A_503 = tpu.all_reduce %and3A_492 {dim = 0 : i64, kind = #tpu.reduction_kind<sum>} : vector<16xi1> -> vector<16xi32>
        %slice3A_504 = vector.extract_strided_slice %all_reduce_population_count3A_503 {offsets = [0], sizes = [1], strides = [1]} : vector<16xi32> to vector<1xi32>
        %squeeze3A_505 = vector.extract %slice3A_504[0] : i32 from vector<1xi32>
        %add3A_506 = arith.addi %add3A_486, %squeeze3A_505 : i32
        %add3A_507 = arith.constant 128 : i32
        %add3A_508 = vector.broadcast %add3A_507 : i32 to vector<16xi32>
        %add3A_509 = arith.addi %add3A_352, %add3A_508 : vector<16xi32>
        %gather3A_510 = tpu.vector_load_idx %arg4[%add3A_509] : memref<32768xf32, #tpu.memory_space<vmem>>[vector<16xi32>], vector<16xf32>,
        %gt3A_511 = arith.cmpf ogt, %gather3A_510, %broadcast_in_dim3A_95 : vector<16xf32>
        %and3A_512 = arith.andi %gt3A_511, %lt3A_343 : vector<16xi1>
        %le3A_513 = arith.constant 4080 : i32
        %le3A_514 = arith.cmpi sle, %add3A_502, %le3A_513 : i32
        %broadcast_in_dim3A_515 = vector.broadcast %le3A_514 : i1 to vector<16xi1>
        %and3A_516 = arith.andi %and3A_512, %broadcast_in_dim3A_515 : vector<16xi1>
        %swap3A_517 = arith.index_cast %add3A_502 : i32 to index
        %swap3A_518 = tpu.vector_load %arg6[%swap3A_517] masked %and3A_516 {strides = array<i32>} : memref<4112xf32, #tpu.memory_space<vmem>>, vector<16xf32>, vector<16xi1>
        tpu.vector_store %arg6[%swap3A_517], %gather3A_510 masked %and3A_516 {strides = array<i32>} : memref<4112xf32, #tpu.memory_space<vmem>>, vector<16xf32>, vector<16xi1>
        %all_reduce_population_count3A_519 = tpu.all_reduce %and3A_516 {dim = 0 : i64, kind = #tpu.reduction_kind<sum>} : vector<16xi1> -> vector<16xi32>
        %slice3A_520 = vector.extract_strided_slice %all_reduce_population_count3A_519 {offsets = [0], sizes = [1], strides = [1]} : vector<16xi32> to vector<1xi32>
        %squeeze3A_521 = vector.extract %slice3A_520[0] : i32 from vector<1xi32>
        %add3A_522 = arith.addi %add3A_502, %squeeze3A_521 : i32
        %all_reduce_population_count3A_523 = tpu.all_reduce %and3A_512 {dim = 0 : i64, kind = #tpu.reduction_kind<sum>} : vector<16xi1> -> vector<16xi32>
        %slice3A_524 = vector.extract_strided_slice %all_reduce_population_count3A_523 {offsets = [0], sizes = [1], strides = [1]} : vector<16xi32> to vector<1xi32>
        %squeeze3A_525 = vector.extract %slice3A_524[0] : i32 from vector<1xi32>
        %add3A_526 = arith.addi %add3A_506, %squeeze3A_525 : i32
        %add3A_527 = arith.constant 144 : i32
        %add3A_528 = vector.broadcast %add3A_527 : i32 to vector<16xi32>
        %add3A_529 = arith.addi %add3A_352, %add3A_528 : vector<16xi32>
        %gather3A_530 = tpu.vector_load_idx %arg4[%add3A_529] : memref<32768xf32, #tpu.memory_space<vmem>>[vector<16xi32>], vector<16xf32>,
        %gt3A_531 = arith.cmpf ogt, %gather3A_530, %broadcast_in_dim3A_95 : vector<16xf32>
        %and3A_532 = arith.andi %gt3A_531, %lt3A_343 : vector<16xi1>
        %le3A_533 = arith.constant 4080 : i32
        %le3A_534 = arith.cmpi sle, %add3A_522, %le3A_533 : i32
        %broadcast_in_dim3A_535 = vector.broadcast %le3A_534 : i1 to vector<16xi1>
        %and3A_536 = arith.andi %and3A_532, %broadcast_in_dim3A_535 : vector<16xi1>
        %swap3A_537 = arith.index_cast %add3A_522 : i32 to index
        %swap3A_538 = tpu.vector_load %arg6[%swap3A_537] masked %and3A_536 {strides = array<i32>} : memref<4112xf32, #tpu.memory_space<vmem>>, vector<16xf32>, vector<16xi1>
        tpu.vector_store %arg6[%swap3A_537], %gather3A_530 masked %and3A_536 {strides = array<i32>} : memref<4112xf32, #tpu.memory_space<vmem>>, vector<16xf32>, vector<16xi1>
        %all_reduce_population_count3A_539 = tpu.all_reduce %and3A_536 {dim = 0 : i64, kind = #tpu.reduction_kind<sum>} : vector<16xi1> -> vector<16xi32>
        %slice3A_540 = vector.extract_strided_slice %all_reduce_population_count3A_539 {offsets = [0], sizes = [1], strides = [1]} : vector<16xi32> to vector<1xi32>
        %squeeze3A_541 = vector.extract %slice3A_540[0] : i32 from vector<1xi32>
        %add3A_542 = arith.addi %add3A_522, %squeeze3A_541 : i32
        %all_reduce_population_count3A_543 = tpu.all_reduce %and3A_532 {dim = 0 : i64, kind = #tpu.reduction_kind<sum>} : vector<16xi1> -> vector<16xi32>
        %slice3A_544 = vector.extract_strided_slice %all_reduce_population_count3A_543 {offsets = [0], sizes = [1], strides = [1]} : vector<16xi32> to vector<1xi32>
        %squeeze3A_545 = vector.extract %slice3A_544[0] : i32 from vector<1xi32>
        %add3A_546 = arith.addi %add3A_526, %squeeze3A_545 : i32
        %add3A_547 = arith.constant 160 : i32
        %add3A_548 = vector.broadcast %add3A_547 : i32 to vector<16xi32>
        %add3A_549 = arith.addi %add3A_352, %add3A_548 : vector<16xi32>
        %gather3A_550 = tpu.vector_load_idx %arg4[%add3A_549] : memref<32768xf32, #tpu.memory_space<vmem>>[vector<16xi32>], vector<16xf32>,
        %gt3A_551 = arith.cmpf ogt, %gather3A_550, %broadcast_in_dim3A_95 : vector<16xf32>
        %and3A_552 = arith.andi %gt3A_551, %lt3A_343 : vector<16xi1>
        %le3A_553 = arith.constant 4080 : i32
        %le3A_554 = arith.cmpi sle, %add3A_542, %le3A_553 : i32
        %broadcast_in_dim3A_555 = vector.broadcast %le3A_554 : i1 to vector<16xi1>
        %and3A_556 = arith.andi %and3A_552, %broadcast_in_dim3A_555 : vector<16xi1>
        %swap3A_557 = arith.index_cast %add3A_542 : i32 to index
        %swap3A_558 = tpu.vector_load %arg6[%swap3A_557] masked %and3A_556 {strides = array<i32>} : memref<4112xf32, #tpu.memory_space<vmem>>, vector<16xf32>, vector<16xi1>
        tpu.vector_store %arg6[%swap3A_557], %gather3A_550 masked %and3A_556 {strides = array<i32>} : memref<4112xf32, #tpu.memory_space<vmem>>, vector<16xf32>, vector<16xi1>
        %all_reduce_population_count3A_559 = tpu.all_reduce %and3A_556 {dim = 0 : i64, kind = #tpu.reduction_kind<sum>} : vector<16xi1> -> vector<16xi32>
        %slice3A_560 = vector.extract_strided_slice %all_reduce_population_count3A_559 {offsets = [0], sizes = [1], strides = [1]} : vector<16xi32> to vector<1xi32>
        %squeeze3A_561 = vector.extract %slice3A_560[0] : i32 from vector<1xi32>
        %add3A_562 = arith.addi %add3A_542, %squeeze3A_561 : i32
        %all_reduce_population_count3A_563 = tpu.all_reduce %and3A_552 {dim = 0 : i64, kind = #tpu.reduction_kind<sum>} : vector<16xi1> -> vector<16xi32>
        %slice3A_564 = vector.extract_strided_slice %all_reduce_population_count3A_563 {offsets = [0], sizes = [1], strides = [1]} : vector<16xi32> to vector<1xi32>
        %squeeze3A_565 = vector.extract %slice3A_564[0] : i32 from vector<1xi32>
        %add3A_566 = arith.addi %add3A_546, %squeeze3A_565 : i32
        %add3A_567 = arith.constant 176 : i32
        %add3A_568 = vector.broadcast %add3A_567 : i32 to vector<16xi32>
        %add3A_569 = arith.addi %add3A_352, %add3A_568 : vector<16xi32>
        %gather3A_570 = tpu.vector_load_idx %arg4[%add3A_569] : memref<32768xf32, #tpu.memory_space<vmem>>[vector<16xi32>], vector<16xf32>,
        %gt3A_571 = arith.cmpf ogt, %gather3A_570, %broadcast_in_dim3A_95 : vector<16xf32>
        %and3A_572 = arith.andi %gt3A_571, %lt3A_343 : vector<16xi1>
        %le3A_573 = arith.constant 4080 : i32
        %le3A_574 = arith.cmpi sle, %add3A_562, %le3A_573 : i32
        %broadcast_in_dim3A_575 = vector.broadcast %le3A_574 : i1 to vector<16xi1>
        %and3A_576 = arith.andi %and3A_572, %broadcast_in_dim3A_575 : vector<16xi1>
        %swap3A_577 = arith.index_cast %add3A_562 : i32 to index
        %swap3A_578 = tpu.vector_load %arg6[%swap3A_577] masked %and3A_576 {strides = array<i32>} : memref<4112xf32, #tpu.memory_space<vmem>>, vector<16xf32>, vector<16xi1>
        tpu.vector_store %arg6[%swap3A_577], %gather3A_570 masked %and3A_576 {strides = array<i32>} : memref<4112xf32, #tpu.memory_space<vmem>>, vector<16xf32>, vector<16xi1>
        %all_reduce_population_count3A_579 = tpu.all_reduce %and3A_576 {dim = 0 : i64, kind = #tpu.reduction_kind<sum>} : vector<16xi1> -> vector<16xi32>
        %slice3A_580 = vector.extract_strided_slice %all_reduce_population_count3A_579 {offsets = [0], sizes = [1], strides = [1]} : vector<16xi32> to vector<1xi32>
        %squeeze3A_581 = vector.extract %slice3A_580[0] : i32 from vector<1xi32>
        %add3A_582 = arith.addi %add3A_562, %squeeze3A_581 : i32
        %all_reduce_population_count3A_583 = tpu.all_reduce %and3A_572 {dim = 0 : i64, kind = #tpu.reduction_kind<sum>} : vector<16xi1> -> vector<16xi32>
        %slice3A_584 = vector.extract_strided_slice %all_reduce_population_count3A_583 {offsets = [0], sizes = [1], strides = [1]} : vector<16xi32> to vector<1xi32>
        %squeeze3A_585 = vector.extract %slice3A_584[0] : i32 from vector<1xi32>
        %add3A_586 = arith.addi %add3A_566, %squeeze3A_585 : i32
        %add3A_587 = arith.constant 192 : i32
        %add3A_588 = vector.broadcast %add3A_587 : i32 to vector<16xi32>
        %add3A_589 = arith.addi %add3A_352, %add3A_588 : vector<16xi32>
        %gather3A_590 = tpu.vector_load_idx %arg4[%add3A_589] : memref<32768xf32, #tpu.memory_space<vmem>>[vector<16xi32>], vector<16xf32>,
        %gt3A_591 = arith.cmpf ogt, %gather3A_590, %broadcast_in_dim3A_95 : vector<16xf32>
        %and3A_592 = arith.andi %gt3A_591, %lt3A_343 : vector<16xi1>
        %le3A_593 = arith.constant 4080 : i32
        %le3A_594 = arith.cmpi sle, %add3A_582, %le3A_593 : i32
        %broadcast_in_dim3A_595 = vector.broadcast %le3A_594 : i1 to vector<16xi1>
        %and3A_596 = arith.andi %and3A_592, %broadcast_in_dim3A_595 : vector<16xi1>
        %swap3A_597 = arith.index_cast %add3A_582 : i32 to index
        %swap3A_598 = tpu.vector_load %arg6[%swap3A_597] masked %and3A_596 {strides = array<i32>} : memref<4112xf32, #tpu.memory_space<vmem>>, vector<16xf32>, vector<16xi1>
        tpu.vector_store %arg6[%swap3A_597], %gather3A_590 masked %and3A_596 {strides = array<i32>} : memref<4112xf32, #tpu.memory_space<vmem>>, vector<16xf32>, vector<16xi1>
        %all_reduce_population_count3A_599 = tpu.all_reduce %and3A_596 {dim = 0 : i64, kind = #tpu.reduction_kind<sum>} : vector<16xi1> -> vector<16xi32>
        %slice3A_600 = vector.extract_strided_slice %all_reduce_population_count3A_599 {offsets = [0], sizes = [1], strides = [1]} : vector<16xi32> to vector<1xi32>
        %squeeze3A_601 = vector.extract %slice3A_600[0] : i32 from vector<1xi32>
        %add3A_602 = arith.addi %add3A_582, %squeeze3A_601 : i32
        %all_reduce_population_count3A_603 = tpu.all_reduce %and3A_592 {dim = 0 : i64, kind = #tpu.reduction_kind<sum>} : vector<16xi1> -> vector<16xi32>
        %slice3A_604 = vector.extract_strided_slice %all_reduce_population_count3A_603 {offsets = [0], sizes = [1], strides = [1]} : vector<16xi32> to vector<1xi32>
        %squeeze3A_605 = vector.extract %slice3A_604[0] : i32 from vector<1xi32>
        %add3A_606 = arith.addi %add3A_586, %squeeze3A_605 : i32
        %add3A_607 = arith.constant 208 : i32
        %add3A_608 = vector.broadcast %add3A_607 : i32 to vector<16xi32>
        %add3A_609 = arith.addi %add3A_352, %add3A_608 : vector<16xi32>
        %gather3A_610 = tpu.vector_load_idx %arg4[%add3A_609] : memref<32768xf32, #tpu.memory_space<vmem>>[vector<16xi32>], vector<16xf32>,
        %gt3A_611 = arith.cmpf ogt, %gather3A_610, %broadcast_in_dim3A_95 : vector<16xf32>
        %and3A_612 = arith.andi %gt3A_611, %lt3A_343 : vector<16xi1>
        %le3A_613 = arith.constant 4080 : i32
        %le3A_614 = arith.cmpi sle, %add3A_602, %le3A_613 : i32
        %broadcast_in_dim3A_615 = vector.broadcast %le3A_614 : i1 to vector<16xi1>
        %and3A_616 = arith.andi %and3A_612, %broadcast_in_dim3A_615 : vector<16xi1>
        %swap3A_617 = arith.index_cast %add3A_602 : i32 to index
        %swap3A_618 = tpu.vector_load %arg6[%swap3A_617] masked %and3A_616 {strides = array<i32>} : memref<4112xf32, #tpu.memory_space<vmem>>, vector<16xf32>, vector<16xi1>
        tpu.vector_store %arg6[%swap3A_617], %gather3A_610 masked %and3A_616 {strides = array<i32>} : memref<4112xf32, #tpu.memory_space<vmem>>, vector<16xf32>, vector<16xi1>
        %all_reduce_population_count3A_619 = tpu.all_reduce %and3A_616 {dim = 0 : i64, kind = #tpu.reduction_kind<sum>} : vector<16xi1> -> vector<16xi32>
        %slice3A_620 = vector.extract_strided_slice %all_reduce_population_count3A_619 {offsets = [0], sizes = [1], strides = [1]} : vector<16xi32> to vector<1xi32>
        %squeeze3A_621 = vector.extract %slice3A_620[0] : i32 from vector<1xi32>
        %add3A_622 = arith.addi %add3A_602, %squeeze3A_621 : i32
        %all_reduce_population_count3A_623 = tpu.all_reduce %and3A_612 {dim = 0 : i64, kind = #tpu.reduction_kind<sum>} : vector<16xi1> -> vector<16xi32>
        %slice3A_624 = vector.extract_strided_slice %all_reduce_population_count3A_623 {offsets = [0], sizes = [1], strides = [1]} : vector<16xi32> to vector<1xi32>
        %squeeze3A_625 = vector.extract %slice3A_624[0] : i32 from vector<1xi32>
        %add3A_626 = arith.addi %add3A_606, %squeeze3A_625 : i32
        %add3A_627 = arith.constant 224 : i32
        %add3A_628 = vector.broadcast %add3A_627 : i32 to vector<16xi32>
        %add3A_629 = arith.addi %add3A_352, %add3A_628 : vector<16xi32>
        %gather3A_630 = tpu.vector_load_idx %arg4[%add3A_629] : memref<32768xf32, #tpu.memory_space<vmem>>[vector<16xi32>], vector<16xf32>,
        %gt3A_631 = arith.cmpf ogt, %gather3A_630, %broadcast_in_dim3A_95 : vector<16xf32>
        %and3A_632 = arith.andi %gt3A_631, %lt3A_343 : vector<16xi1>
        %le3A_633 = arith.constant 4080 : i32
        %le3A_634 = arith.cmpi sle, %add3A_622, %le3A_633 : i32
        %broadcast_in_dim3A_635 = vector.broadcast %le3A_634 : i1 to vector<16xi1>
        %and3A_636 = arith.andi %and3A_632, %broadcast_in_dim3A_635 : vector<16xi1>
        %swap3A_637 = arith.index_cast %add3A_622 : i32 to index
        %swap3A_638 = tpu.vector_load %arg6[%swap3A_637] masked %and3A_636 {strides = array<i32>} : memref<4112xf32, #tpu.memory_space<vmem>>, vector<16xf32>, vector<16xi1>
        tpu.vector_store %arg6[%swap3A_637], %gather3A_630 masked %and3A_636 {strides = array<i32>} : memref<4112xf32, #tpu.memory_space<vmem>>, vector<16xf32>, vector<16xi1>
        %all_reduce_population_count3A_639 = tpu.all_reduce %and3A_636 {dim = 0 : i64, kind = #tpu.reduction_kind<sum>} : vector<16xi1> -> vector<16xi32>
        %slice3A_640 = vector.extract_strided_slice %all_reduce_population_count3A_639 {offsets = [0], sizes = [1], strides = [1]} : vector<16xi32> to vector<1xi32>
        %squeeze3A_641 = vector.extract %slice3A_640[0] : i32 from vector<1xi32>
        %add3A_642 = arith.addi %add3A_622, %squeeze3A_641 : i32
        %all_reduce_population_count3A_643 = tpu.all_reduce %and3A_632 {dim = 0 : i64, kind = #tpu.reduction_kind<sum>} : vector<16xi1> -> vector<16xi32>
        %slice3A_644 = vector.extract_strided_slice %all_reduce_population_count3A_643 {offsets = [0], sizes = [1], strides = [1]} : vector<16xi32> to vector<1xi32>
        %squeeze3A_645 = vector.extract %slice3A_644[0] : i32 from vector<1xi32>
        %add3A_646 = arith.addi %add3A_626, %squeeze3A_645 : i32
        %add3A_647 = arith.constant 240 : i32
        %add3A_648 = vector.broadcast %add3A_647 : i32 to vector<16xi32>
        %add3A_649 = arith.addi %add3A_352, %add3A_648 : vector<16xi32>
        %gather3A_650 = tpu.vector_load_idx %arg4[%add3A_649] : memref<32768xf32, #tpu.memory_space<vmem>>[vector<16xi32>], vector<16xf32>,
        %gt3A_651 = arith.cmpf ogt, %gather3A_650, %broadcast_in_dim3A_95 : vector<16xf32>
        %and3A_652 = arith.andi %gt3A_651, %lt3A_343 : vector<16xi1>
        %le3A_653 = arith.constant 4080 : i32
        %le3A_654 = arith.cmpi sle, %add3A_642, %le3A_653 : i32
        %broadcast_in_dim3A_655 = vector.broadcast %le3A_654 : i1 to vector<16xi1>
        %and3A_656 = arith.andi %and3A_652, %broadcast_in_dim3A_655 : vector<16xi1>
        %swap3A_657 = arith.index_cast %add3A_642 : i32 to index
        %swap3A_658 = tpu.vector_load %arg6[%swap3A_657] masked %and3A_656 {strides = array<i32>} : memref<4112xf32, #tpu.memory_space<vmem>>, vector<16xf32>, vector<16xi1>
        tpu.vector_store %arg6[%swap3A_657], %gather3A_650 masked %and3A_656 {strides = array<i32>} : memref<4112xf32, #tpu.memory_space<vmem>>, vector<16xf32>, vector<16xi1>
        %all_reduce_population_count3A_659 = tpu.all_reduce %and3A_656 {dim = 0 : i64, kind = #tpu.reduction_kind<sum>} : vector<16xi1> -> vector<16xi32>
        %slice3A_660 = vector.extract_strided_slice %all_reduce_population_count3A_659 {offsets = [0], sizes = [1], strides = [1]} : vector<16xi32> to vector<1xi32>
        %squeeze3A_661 = vector.extract %slice3A_660[0] : i32 from vector<1xi32>
        %add3A_662 = arith.addi %add3A_642, %squeeze3A_661 : i32
        %all_reduce_population_count3A_663 = tpu.all_reduce %and3A_652 {dim = 0 : i64, kind = #tpu.reduction_kind<sum>} : vector<16xi1> -> vector<16xi32>
        %slice3A_664 = vector.extract_strided_slice %all_reduce_population_count3A_663 {offsets = [0], sizes = [1], strides = [1]} : vector<16xi32> to vector<1xi32>
        %squeeze3A_665 = vector.extract %slice3A_664[0] : i32 from vector<1xi32>
        %add3A_666 = arith.addi %add3A_646, %squeeze3A_665 : i32
        scf.yield %add3A_662, %add3A_666 : i32, i32
      }
      %broadcast_in_dim3A_128 = arith.constant -3.000000e+38 : f32
      %broadcast_in_dim3A_129 = vector.broadcast %broadcast_in_dim3A_128 : f32 to vector<16xf32>
      %swap3A_130 = arith.index_cast %while3A_127#0 : i32 to index
      %swap3A_131 = tpu.vector_load %arg6[%swap3A_130] {strides = array<i32>} : memref<4112xf32, #tpu.memory_space<vmem>>, vector<16xf32>,
      tpu.vector_store %arg6[%swap3A_130], %broadcast_in_dim3A_129 {strides = array<i32>} : memref<4112xf32, #tpu.memory_space<vmem>>, vector<16xf32>,
      %add3A_132 = arith.constant 15 : i32
      %add3A_133 = arith.addi %while3A_127#0, %add3A_132 : i32
      %jit3A_134 = arith.constant 16 : i32
      %div3A_135 = arith.divsi %add3A_133, %jit3A_134 : i32
      %sign3A_136 = arith.constant 0 : i32
      %sign3A_137 = arith.cmpi sgt, %add3A_133, %sign3A_136 : i32
      %sign3A_138 = arith.extui %sign3A_137 : i1 to i32
      %sign3A_139 = arith.constant 0 : i32
      %sign3A_140 = arith.cmpi slt, %add3A_133, %sign3A_139 : i32
      %sign3A_141 = arith.extui %sign3A_140 : i1 to i32
      %sign3A_142 = arith.subi %sign3A_138, %sign3A_141 : i32
      %sign3A_143 = arith.constant 0 : i32
      %sign3A_144 = arith.cmpi sgt, %jit3A_134, %sign3A_143 : i32
      %sign3A_145 = arith.extui %sign3A_144 : i1 to i32
      %sign3A_146 = arith.constant 0 : i32
      %sign3A_147 = arith.cmpi slt, %jit3A_134, %sign3A_146 : i32
      %sign3A_148 = arith.extui %sign3A_147 : i1 to i32
      %sign3A_149 = arith.subi %sign3A_145, %sign3A_148 : i32
      %ne3A_150 = arith.cmpi ne, %sign3A_142, %sign3A_149 : i32
      %rem3A_151 = arith.remsi %add3A_133, %jit3A_134 : i32
      %ne3A_152 = arith.constant 0 : i32
      %ne3A_153 = arith.cmpi ne, %rem3A_151, %ne3A_152 : i32
      %and3A_154 = arith.andi %ne3A_150, %ne3A_153 : i1
      %sub3A_155 = arith.constant 1 : i32
      %sub3A_156 = arith.subi %div3A_135, %sub3A_155 : i32
      %select_n3A_157 = arith.select %and3A_154, %sub3A_156, %div3A_135 : i32
      %eq3A = arith.cmpi eq, %while3A_127#1, %while3A_127#0 : i32
      %convert_element_type3A = arith.extui %eq3A : i1 to i32
      %cond3A = arith.constant 0 : i32
      %cond3A_158 = arith.cmpi ne, %convert_element_type3A, %cond3A : i32
      %cond3A_159 = scf.if %cond3A_158 -> (vector<16xf32>) {
        %sub3A_332 = arith.constant 1.000000e+00 : f32
        %sub3A_333 = arith.subf %reduce_max3A_59, %sub3A_332 : f32
        %scan3A_334 = arith.constant 0 : i32
        %scan3A_335 = arith.constant 14 : i32
        %scan3A_336 = arith.addi %scan3A_334, %scan3A_335 : i32
        %scan3A_337 = arith.constant 1 : i32
        %scan3A_338:2 = scf.for %scan3A_347 = %scan3A_334 to %scan3A_336 step %scan3A_337 iter_args(%scan3A_348 = %sub3A_333, %scan3A_349 = %reduce_max3A_59) -> (f32, f32)  : i32 {
          %add3A_350 = arith.addf %scan3A_348, %scan3A_349 : f32
          %mul3A_351 = arith.constant 5.000000e-01 : f32
          %mul3A_352 = arith.mulf %mul3A_351, %add3A_350 : f32
          %broadcast_in_dim3A_353 = arith.constant 0.000000e+00 : f32
          %broadcast_in_dim3A_354 = vector.broadcast %broadcast_in_dim3A_353 : f32 to vector<16xf32>
          %while3A_355 = arith.constant 0 : i32
          %while3A_356 = arith.subi %select_n3A_157, %while3A_355 : i32
          %while3A_357 = arith.addi %while3A_355, %while3A_356 : i32
          %while3A_358 = arith.constant 1 : i32
          %while3A_359 = arith.divsi %while3A_356, %while3A_358 : i32
          %while3A_360 = arith.muli %while3A_359, %while3A_358 : i32
          %while3A_361 = arith.addi %while3A_355, %while3A_360 : i32
          %while3A_362 = arith.constant 1 : i32
          %while3A_363 = scf.for %while3A_372 = %while3A_355 to %while3A_361 step %while3A_362 iter_args(%while3A_373 = %broadcast_in_dim3A_354) -> (vector<16xf32>)  : i32 {
            %mul3A_374 = arith.constant 16 : i32
            %mul3A_375 = arith.muli %while3A_372, %mul3A_374 : i32
            %get3A = arith.index_cast %mul3A_375 : i32 to index
            %get3A_376 = tpu.vector_load %arg6[%get3A] {strides = array<i32>} : memref<4112xf32, #tpu.memory_space<vmem>>, vector<16xf32>,
            %sub3A_377 = vector.broadcast %mul3A_352 : f32 to vector<16xf32>
            %sub3A_378 = arith.subf %get3A_376, %sub3A_377 : vector<16xf32>
            %max3A = arith.constant 0.000000e+00 : f32
            %max3A_379 = vector.broadcast %max3A : f32 to vector<16xf32>
            %max3A_380 = arith.maximumf %sub3A_378, %max3A_379 : vector<16xf32>
            %add3A_381 = arith.addf %while3A_373, %max3A_380 : vector<16xf32>
            scf.yield %add3A_381 : vector<16xf32>
          }
          %while3A_364 = arith.constant 1 : i32
          %while3A_365 = scf.for %while3A_372 = %while3A_361 to %while3A_357 step %while3A_364 iter_args(%while3A_373 = %while3A_363) -> (vector<16xf32>)  : i32 {
            %mul3A_374 = arith.constant 16 : i32
            %mul3A_375 = arith.muli %while3A_372, %mul3A_374 : i32
            %get3A = arith.index_cast %mul3A_375 : i32 to index
            %get3A_376 = tpu.vector_load %arg6[%get3A] {strides = array<i32>} : memref<4112xf32, #tpu.memory_space<vmem>>, vector<16xf32>,
            %sub3A_377 = vector.broadcast %mul3A_352 : f32 to vector<16xf32>
            %sub3A_378 = arith.subf %get3A_376, %sub3A_377 : vector<16xf32>
            %max3A = arith.constant 0.000000e+00 : f32
            %max3A_379 = vector.broadcast %max3A : f32 to vector<16xf32>
            %max3A_380 = arith.maximumf %sub3A_378, %max3A_379 : vector<16xf32>
            %add3A_381 = arith.addf %while3A_373, %max3A_380 : vector<16xf32>
            scf.yield %add3A_381 : vector<16xf32>
          }
          %reduce_sum3A = arith.constant true
          %reduce_sum3A_366 = vector.broadcast %reduce_sum3A : i1 to vector<16xi1>
          %reduce_sum3A_367 = tpu.scan <sum>, %while3A_365 masked %reduce_sum3A_366 : vector<16xf32>, vector<16xi1> -> vector<16xf32>
          %reduce_sum3A_368 = vector.extract %reduce_sum3A_367[15] : f32 from vector<16xf32>
          %ge3A = arith.constant 1.000000e+00 : f32
          %ge3A_369 = arith.cmpf oge, %reduce_sum3A_368, %ge3A : f32
          %select_n3A_370 = arith.select %ge3A_369, %mul3A_352, %scan3A_348 : f32
          %select_n3A_371 = arith.select %ge3A_369, %scan3A_349, %mul3A_352 : f32
          scf.yield %select_n3A_370, %select_n3A_371 : f32, f32
        }
        %scan3A_339 = arith.constant 14 : i32
        %broadcast_in_dim3A_340 = vector.broadcast %scan3A_338#0 : f32 to vector<16xf32>
        %scan3A_341 = arith.constant 0 : i32
        %scan3A_342 = arith.constant 3 : i32
        %scan3A_343 = arith.addi %scan3A_341, %scan3A_342 : i32
        %scan3A_344 = arith.constant 1 : i32
        %scan3A_345 = scf.for %scan3A_347 = %scan3A_341 to %scan3A_343 step %scan3A_344 iter_args(%scan3A_348 = %broadcast_in_dim3A_340) -> (vector<16xf32>)  : i32 {
          %broadcast_in_dim3A_349 = arith.constant 0.000000e+00 : f32
          %broadcast_in_dim3A_350 = vector.broadcast %broadcast_in_dim3A_349 : f32 to vector<16xf32>
          %broadcast_in_dim3A_351 = arith.constant 0.000000e+00 : f32
          %broadcast_in_dim3A_352 = vector.broadcast %broadcast_in_dim3A_351 : f32 to vector<16xf32>
          %while3A_353 = arith.constant 0 : i32
          %while3A_354 = arith.subi %select_n3A_157, %while3A_353 : i32
          %while3A_355 = arith.addi %while3A_353, %while3A_354 : i32
          %while3A_356 = arith.constant 1 : i32
          %while3A_357 = arith.divsi %while3A_354, %while3A_356 : i32
          %while3A_358 = arith.muli %while3A_357, %while3A_356 : i32
          %while3A_359 = arith.addi %while3A_353, %while3A_358 : i32
          %while3A_360 = arith.constant 1 : i32
          %while3A_361:2 = scf.for %while3A_376 = %while3A_353 to %while3A_359 step %while3A_360 iter_args(%while3A_377 = %broadcast_in_dim3A_350, %while3A_378 = %broadcast_in_dim3A_352) -> (vector<16xf32>, vector<16xf32>)  : i32 {
            %mul3A_379 = arith.constant 16 : i32
            %mul3A_380 = arith.muli %while3A_376, %mul3A_379 : i32
            %get3A = arith.index_cast %mul3A_380 : i32 to index
            %get3A_381 = tpu.vector_load %arg6[%get3A] {strides = array<i32>} : memref<4112xf32, #tpu.memory_space<vmem>>, vector<16xf32>,
            %gt3A = arith.cmpf ogt, %get3A_381, %scan3A_348 : vector<16xf32>
            %jit3A_382 = arith.constant 0.000000e+00 : f32
            %broadcast_in_dim3A_383 = vector.broadcast %jit3A_382 : f32 to vector<16xf32>
            %select_n3A_384 = arith.select %gt3A, %get3A_381, %broadcast_in_dim3A_383 : vector<16xi1>, vector<16xf32>
            %add3A_385 = arith.addf %while3A_377, %select_n3A_384 : vector<16xf32>
            %jit3A_386 = arith.constant 1.000000e+00 : f32
            %jit3A_387 = arith.constant 0.000000e+00 : f32
            %broadcast_in_dim3A_388 = vector.broadcast %jit3A_386 : f32 to vector<16xf32>
            %broadcast_in_dim3A_389 = vector.broadcast %jit3A_387 : f32 to vector<16xf32>
            %select_n3A_390 = arith.select %gt3A, %broadcast_in_dim3A_388, %broadcast_in_dim3A_389 : vector<16xi1>, vector<16xf32>
            %add3A_391 = arith.addf %while3A_378, %select_n3A_390 : vector<16xf32>
            scf.yield %add3A_385, %add3A_391 : vector<16xf32>, vector<16xf32>
          }
          %while3A_362 = arith.constant 1 : i32
          %while3A_363:2 = scf.for %while3A_376 = %while3A_359 to %while3A_355 step %while3A_362 iter_args(%while3A_377 = %while3A_361#0, %while3A_378 = %while3A_361#1) -> (vector<16xf32>, vector<16xf32>)  : i32 {
            %mul3A_379 = arith.constant 16 : i32
            %mul3A_380 = arith.muli %while3A_376, %mul3A_379 : i32
            %get3A = arith.index_cast %mul3A_380 : i32 to index
            %get3A_381 = tpu.vector_load %arg6[%get3A] {strides = array<i32>} : memref<4112xf32, #tpu.memory_space<vmem>>, vector<16xf32>,
            %gt3A = arith.cmpf ogt, %get3A_381, %scan3A_348 : vector<16xf32>
            %jit3A_382 = arith.constant 0.000000e+00 : f32
            %broadcast_in_dim3A_383 = vector.broadcast %jit3A_382 : f32 to vector<16xf32>
            %select_n3A_384 = arith.select %gt3A, %get3A_381, %broadcast_in_dim3A_383 : vector<16xi1>, vector<16xf32>
            %add3A_385 = arith.addf %while3A_377, %select_n3A_384 : vector<16xf32>
            %jit3A_386 = arith.constant 1.000000e+00 : f32
            %jit3A_387 = arith.constant 0.000000e+00 : f32
            %broadcast_in_dim3A_388 = vector.broadcast %jit3A_386 : f32 to vector<16xf32>
            %broadcast_in_dim3A_389 = vector.broadcast %jit3A_387 : f32 to vector<16xf32>
            %select_n3A_390 = arith.select %gt3A, %broadcast_in_dim3A_388, %broadcast_in_dim3A_389 : vector<16xi1>, vector<16xf32>
            %add3A_391 = arith.addf %while3A_378, %select_n3A_390 : vector<16xf32>
            scf.yield %add3A_385, %add3A_391 : vector<16xf32>, vector<16xf32>
          }
          %reduce_sum3A = arith.constant true
          %reduce_sum3A_364 = vector.broadcast %reduce_sum3A : i1 to vector<16xi1>
          %reduce_sum3A_365 = tpu.scan <sum>, %while3A_363#0 masked %reduce_sum3A_364 : vector<16xf32>, vector<16xi1> -> vector<16xf32>
          %reduce_sum3A_366 = vector.extract %reduce_sum3A_365[15] : f32 from vector<16xf32>
          %sub3A_367 = arith.constant 1.000000e+00 : f32
          %sub3A_368 = arith.subf %reduce_sum3A_366, %sub3A_367 : f32
          %broadcast_in_dim3A_369 = vector.broadcast %sub3A_368 : f32 to vector<16xf32>
          %reduce_sum3A_370 = arith.constant true
          %reduce_sum3A_371 = vector.broadcast %reduce_sum3A_370 : i1 to vector<16xi1>
          %reduce_sum3A_372 = tpu.scan <sum>, %while3A_363#1 masked %reduce_sum3A_371 : vector<16xf32>, vector<16xi1> -> vector<16xf32>
          %reduce_sum3A_373 = vector.extract %reduce_sum3A_372[15] : f32 from vector<16xf32>
          %broadcast_in_dim3A_374 = vector.broadcast %reduce_sum3A_373 : f32 to vector<16xf32>
          %div3A_375 = arith.divf %broadcast_in_dim3A_369, %broadcast_in_dim3A_374 : vector<16xf32>
          %max3A = arith.maximumf %scan3A_348, %div3A_375 : vector<16xf32>
          scf.yield %max3A : vector<16xf32>
        }
        %scan3A_346 = arith.constant 3 : i32
        scf.yield %scan3A_345 : vector<16xf32>
      } else {
        %sub3A_332 = arith.constant 1.000000e+00 : f32
        %sub3A_333 = arith.subf %reduce_max3A_59, %sub3A_332 : f32
        %scan3A_334 = arith.constant 0 : i32
        %scan3A_335 = arith.constant 14 : i32
        %scan3A_336 = arith.addi %scan3A_334, %scan3A_335 : i32
        %scan3A_337 = arith.constant 1 : i32
        %scan3A_338:2 = scf.for %scan3A_347 = %scan3A_334 to %scan3A_336 step %scan3A_337 iter_args(%scan3A_348 = %sub3A_333, %scan3A_349 = %reduce_max3A_59) -> (f32, f32)  : i32 {
          %add3A_350 = arith.addf %scan3A_348, %scan3A_349 : f32
          %mul3A_351 = arith.constant 5.000000e-01 : f32
          %mul3A_352 = arith.mulf %mul3A_351, %add3A_350 : f32
          %broadcast_in_dim3A_353 = arith.constant 0.000000e+00 : f32
          %broadcast_in_dim3A_354 = vector.broadcast %broadcast_in_dim3A_353 : f32 to vector<16xf32>
          %scan3A_355 = arith.constant 0 : i32
          %scan3A_356 = arith.constant 2048 : i32
          %scan3A_357 = arith.addi %scan3A_355, %scan3A_356 : i32
          %scan3A_358 = arith.constant 1 : i32
          %scan3A_359 = scf.for %scan3A_367 = %scan3A_355 to %scan3A_357 step %scan3A_358 iter_args(%scan3A_368 = %broadcast_in_dim3A_354) -> (vector<16xf32>)  : i32 {
            %mul3A_369 = arith.constant 16 : i32
            %mul3A_370 = arith.muli %scan3A_367, %mul3A_369 : i32
            %get3A = arith.index_cast %mul3A_370 : i32 to index
            %get3A_371 = tpu.vector_load %arg4[%get3A] {strides = array<i32>} : memref<32768xf32, #tpu.memory_space<vmem>>, vector<16xf32>,
            %sub3A_372 = vector.broadcast %mul3A_352 : f32 to vector<16xf32>
            %sub3A_373 = arith.subf %get3A_371, %sub3A_372 : vector<16xf32>
            %max3A = arith.constant 0.000000e+00 : f32
            %max3A_374 = vector.broadcast %max3A : f32 to vector<16xf32>
            %max3A_375 = arith.maximumf %sub3A_373, %max3A_374 : vector<16xf32>
            %add3A_376 = arith.addf %scan3A_368, %max3A_375 : vector<16xf32>
            scf.yield %add3A_376 : vector<16xf32>
          }
          %scan3A_360 = arith.constant 2048 : i32
          %reduce_sum3A = arith.constant true
          %reduce_sum3A_361 = vector.broadcast %reduce_sum3A : i1 to vector<16xi1>
          %reduce_sum3A_362 = tpu.scan <sum>, %scan3A_359 masked %reduce_sum3A_361 : vector<16xf32>, vector<16xi1> -> vector<16xf32>
          %reduce_sum3A_363 = vector.extract %reduce_sum3A_362[15] : f32 from vector<16xf32>
          %ge3A = arith.constant 1.000000e+00 : f32
          %ge3A_364 = arith.cmpf oge, %reduce_sum3A_363, %ge3A : f32
          %select_n3A_365 = arith.select %ge3A_364, %mul3A_352, %scan3A_348 : f32
          %select_n3A_366 = arith.select %ge3A_364, %scan3A_349, %mul3A_352 : f32
          scf.yield %select_n3A_365, %select_n3A_366 : f32, f32
        }
        %scan3A_339 = arith.constant 14 : i32
        %broadcast_in_dim3A_340 = vector.broadcast %scan3A_338#0 : f32 to vector<16xf32>
        %scan3A_341 = arith.constant 0 : i32
        %scan3A_342 = arith.constant 3 : i32
        %scan3A_343 = arith.addi %scan3A_341, %scan3A_342 : i32
        %scan3A_344 = arith.constant 1 : i32
        %scan3A_345 = scf.for %scan3A_347 = %scan3A_341 to %scan3A_343 step %scan3A_344 iter_args(%scan3A_348 = %broadcast_in_dim3A_340) -> (vector<16xf32>)  : i32 {
          %broadcast_in_dim3A_349 = arith.constant 0.000000e+00 : f32
          %broadcast_in_dim3A_350 = vector.broadcast %broadcast_in_dim3A_349 : f32 to vector<16xf32>
          %broadcast_in_dim3A_351 = arith.constant 0.000000e+00 : f32
          %broadcast_in_dim3A_352 = vector.broadcast %broadcast_in_dim3A_351 : f32 to vector<16xf32>
          %scan3A_353 = arith.constant 0 : i32
          %scan3A_354 = arith.constant 2048 : i32
          %scan3A_355 = arith.addi %scan3A_353, %scan3A_354 : i32
          %scan3A_356 = arith.constant 1 : i32
          %scan3A_357:2 = scf.for %scan3A_371 = %scan3A_353 to %scan3A_355 step %scan3A_356 iter_args(%scan3A_372 = %broadcast_in_dim3A_350, %scan3A_373 = %broadcast_in_dim3A_352) -> (vector<16xf32>, vector<16xf32>)  : i32 {
            %mul3A_374 = arith.constant 16 : i32
            %mul3A_375 = arith.muli %scan3A_371, %mul3A_374 : i32
            %get3A = arith.index_cast %mul3A_375 : i32 to index
            %get3A_376 = tpu.vector_load %arg4[%get3A] {strides = array<i32>} : memref<32768xf32, #tpu.memory_space<vmem>>, vector<16xf32>,
            %gt3A = arith.cmpf ogt, %get3A_376, %scan3A_348 : vector<16xf32>
            %jit3A_377 = arith.constant 0.000000e+00 : f32
            %broadcast_in_dim3A_378 = vector.broadcast %jit3A_377 : f32 to vector<16xf32>
            %select_n3A_379 = arith.select %gt3A, %get3A_376, %broadcast_in_dim3A_378 : vector<16xi1>, vector<16xf32>
            %add3A_380 = arith.addf %scan3A_372, %select_n3A_379 : vector<16xf32>
            %jit3A_381 = arith.constant 1.000000e+00 : f32
            %jit3A_382 = arith.constant 0.000000e+00 : f32
            %broadcast_in_dim3A_383 = vector.broadcast %jit3A_381 : f32 to vector<16xf32>
            %broadcast_in_dim3A_384 = vector.broadcast %jit3A_382 : f32 to vector<16xf32>
            %select_n3A_385 = arith.select %gt3A, %broadcast_in_dim3A_383, %broadcast_in_dim3A_384 : vector<16xi1>, vector<16xf32>
            %add3A_386 = arith.addf %scan3A_373, %select_n3A_385 : vector<16xf32>
            scf.yield %add3A_380, %add3A_386 : vector<16xf32>, vector<16xf32>
          }
          %scan3A_358 = arith.constant 2048 : i32
          %reduce_sum3A = arith.constant true
          %reduce_sum3A_359 = vector.broadcast %reduce_sum3A : i1 to vector<16xi1>
          %reduce_sum3A_360 = tpu.scan <sum>, %scan3A_357#0 masked %reduce_sum3A_359 : vector<16xf32>, vector<16xi1> -> vector<16xf32>
          %reduce_sum3A_361 = vector.extract %reduce_sum3A_360[15] : f32 from vector<16xf32>
          %sub3A_362 = arith.constant 1.000000e+00 : f32
          %sub3A_363 = arith.subf %reduce_sum3A_361, %sub3A_362 : f32
          %broadcast_in_dim3A_364 = vector.broadcast %sub3A_363 : f32 to vector<16xf32>
          %reduce_sum3A_365 = arith.constant true
          %reduce_sum3A_366 = vector.broadcast %reduce_sum3A_365 : i1 to vector<16xi1>
          %reduce_sum3A_367 = tpu.scan <sum>, %scan3A_357#1 masked %reduce_sum3A_366 : vector<16xf32>, vector<16xi1> -> vector<16xf32>
          %reduce_sum3A_368 = vector.extract %reduce_sum3A_367[15] : f32 from vector<16xf32>
          %broadcast_in_dim3A_369 = vector.broadcast %reduce_sum3A_368 : f32 to vector<16xf32>
          %div3A_370 = arith.divf %broadcast_in_dim3A_364, %broadcast_in_dim3A_369 : vector<16xf32>
          %max3A = arith.maximumf %scan3A_348, %div3A_370 : vector<16xf32>
          scf.yield %max3A : vector<16xf32>
        }
        %scan3A_346 = arith.constant 3 : i32
        scf.yield %scan3A_345 : vector<16xf32>
      }
      %dma_wait3A_160 = arith.constant 0 : i32
      %dma_wait3A_161 = tpu.memref_slice %arg3[%add3A_41, %dma_wait3A_160] : memref<1024x32768xf32, #tpu.memory_space<hbm>> -> memref<1x32768xf32, #tpu.memory_space<hbm>>
      %dma_wait3A_162 = tpu.memref_squeeze %dma_wait3A_161 : memref<1x32768xf32, #tpu.memory_space<hbm>> -> memref<32768xf32, #tpu.memory_space<hbm>>
      %dma_wait3A_163 = arith.constant 0 : i32
      %dma_wait3A_164 = tpu.memref_slice %arg3[%add3A_41, %dma_wait3A_163] : memref<1024x32768xf32, #tpu.memory_space<hbm>> -> memref<1x32768xf32, #tpu.memory_space<hbm>>
      %dma_wait3A_165 = tpu.memref_squeeze %dma_wait3A_164 : memref<1x32768xf32, #tpu.memory_space<hbm>> -> memref<32768xf32, #tpu.memory_space<hbm>>
      tpu.wait_dma2 semaphore(%arg12 : memref<!tpu.dma_semaphore, #tpu.memory_space<semaphore_mem>>) src(%arg9 : memref<32768xf32, #tpu.memory_space<vmem>>) dst(%dma_wait3A_165 : memref<32768xf32, #tpu.memory_space<hbm>>)
      %while3A_166 = arith.constant 0 : i32
      %while3A_167 = arith.constant -1 : i32
      %while3A_168 = arith.constant 0 : i32
      %while3A_169 = arith.subi %scan3A_68, %while3A_166 : i32
      %while3A_170 = arith.addi %while3A_166, %while3A_169 : i32
      %while3A_171 = arith.constant 1 : i32
      %while3A_172 = arith.divsi %while3A_169, %while3A_171 : i32
      %while3A_173 = arith.muli %while3A_172, %while3A_171 : i32
      %while3A_174 = arith.addi %while3A_166, %while3A_173 : i32
      %while3A_175 = arith.constant 1 : i32
      %while3A_176:2 = scf.for %while3A_332 = %while3A_166 to %while3A_174 step %while3A_175 iter_args(%while3A_333 = %while3A_167, %while3A_334 = %while3A_168) -> (i32, i32)  : i32 {
        %get3A = arith.index_cast %while3A_332 : i32 to index
        %get3A_335 = tpu.vector_load %arg8[%get3A] {strides = array<i32>} : memref<2064xi32, #tpu.memory_space<vmem>>, vector<16xi32>,
        %slice3A = vector.extract_strided_slice %get3A_335 {offsets = [0], sizes = [1], strides = [1]} : vector<16xi32> to vector<1xi32>
        %squeeze3A = vector.extract %slice3A[0] : i32 from vector<1xi32>
        %shift_right_arithmetic3A = arith.constant 4 : i32
        %shift_right_arithmetic3A_336 = arith.shrsi %squeeze3A, %shift_right_arithmetic3A : i32
        %ne3A_337 = arith.cmpi ne, %shift_right_arithmetic3A_336, %while3A_333 : i32
        %convert_element_type3A_338 = arith.extui %ne3A_337 : i1 to i32
        %cond3A_339 = arith.constant 0 : i32
        %cond3A_340 = arith.cmpi ne, %convert_element_type3A_338, %cond3A_339 : i32
        %cond3A_341 = scf.if %cond3A_340 -> (i32) {
          %mul3A_342 = arith.constant 256 : i32
          %mul3A_343 = arith.muli %shift_right_arithmetic3A_336, %mul3A_342 : i32
          %add3A_344 = arith.constant 0 : i32
          %add3A_345 = arith.addi %mul3A_343, %add3A_344 : i32
          %get3A_346 = arith.index_cast %add3A_345 : i32 to index
          %get3A_347 = tpu.vector_load %arg4[%get3A_346] {strides = array<i32>} : memref<32768xf32, #tpu.memory_space<vmem>>, vector<16xf32>,
          %sub3A_348 = arith.subf %get3A_347, %cond3A_159 : vector<16xf32>
          %max3A = arith.constant 0.000000e+00 : f32
          %max3A_349 = vector.broadcast %max3A : f32 to vector<16xf32>
          %max3A_350 = arith.maximumf %sub3A_348, %max3A_349 : vector<16xf32>
          %add3A_351 = arith.constant 0 : i32
          %add3A_352 = arith.addi %mul3A_343, %add3A_351 : i32
          %swap3A_353 = arith.index_cast %add3A_352 : i32 to index
          %swap3A_354 = tpu.vector_load %arg4[%swap3A_353] {strides = array<i32>} : memref<32768xf32, #tpu.memory_space<vmem>>, vector<16xf32>,
          tpu.vector_store %arg4[%swap3A_353], %max3A_350 {strides = array<i32>} : memref<32768xf32, #tpu.memory_space<vmem>>, vector<16xf32>,
          %add3A_355 = arith.constant 16 : i32
          %add3A_356 = arith.addi %mul3A_343, %add3A_355 : i32
          %get3A_357 = arith.index_cast %add3A_356 : i32 to index
          %get3A_358 = tpu.vector_load %arg4[%get3A_357] {strides = array<i32>} : memref<32768xf32, #tpu.memory_space<vmem>>, vector<16xf32>,
          %sub3A_359 = arith.subf %get3A_358, %cond3A_159 : vector<16xf32>
          %max3A_360 = arith.constant 0.000000e+00 : f32
          %max3A_361 = vector.broadcast %max3A_360 : f32 to vector<16xf32>
          %max3A_362 = arith.maximumf %sub3A_359, %max3A_361 : vector<16xf32>
          %add3A_363 = arith.constant 16 : i32
          %add3A_364 = arith.addi %mul3A_343, %add3A_363 : i32
          %swap3A_365 = arith.index_cast %add3A_364 : i32 to index
          %swap3A_366 = tpu.vector_load %arg4[%swap3A_365] {strides = array<i32>} : memref<32768xf32, #tpu.memory_space<vmem>>, vector<16xf32>,
          tpu.vector_store %arg4[%swap3A_365], %max3A_362 {strides = array<i32>} : memref<32768xf32, #tpu.memory_space<vmem>>, vector<16xf32>,
          %add3A_367 = arith.constant 32 : i32
          %add3A_368 = arith.addi %mul3A_343, %add3A_367 : i32
          %get3A_369 = arith.index_cast %add3A_368 : i32 to index
          %get3A_370 = tpu.vector_load %arg4[%get3A_369] {strides = array<i32>} : memref<32768xf32, #tpu.memory_space<vmem>>, vector<16xf32>,
          %sub3A_371 = arith.subf %get3A_370, %cond3A_159 : vector<16xf32>
          %max3A_372 = arith.constant 0.000000e+00 : f32
          %max3A_373 = vector.broadcast %max3A_372 : f32 to vector<16xf32>
          %max3A_374 = arith.maximumf %sub3A_371, %max3A_373 : vector<16xf32>
          %add3A_375 = arith.constant 32 : i32
          %add3A_376 = arith.addi %mul3A_343, %add3A_375 : i32
          %swap3A_377 = arith.index_cast %add3A_376 : i32 to index
          %swap3A_378 = tpu.vector_load %arg4[%swap3A_377] {strides = array<i32>} : memref<32768xf32, #tpu.memory_space<vmem>>, vector<16xf32>,
          tpu.vector_store %arg4[%swap3A_377], %max3A_374 {strides = array<i32>} : memref<32768xf32, #tpu.memory_space<vmem>>, vector<16xf32>,
          %add3A_379 = arith.constant 48 : i32
          %add3A_380 = arith.addi %mul3A_343, %add3A_379 : i32
          %get3A_381 = arith.index_cast %add3A_380 : i32 to index
          %get3A_382 = tpu.vector_load %arg4[%get3A_381] {strides = array<i32>} : memref<32768xf32, #tpu.memory_space<vmem>>, vector<16xf32>,
          %sub3A_383 = arith.subf %get3A_382, %cond3A_159 : vector<16xf32>
          %max3A_384 = arith.constant 0.000000e+00 : f32
          %max3A_385 = vector.broadcast %max3A_384 : f32 to vector<16xf32>
          %max3A_386 = arith.maximumf %sub3A_383, %max3A_385 : vector<16xf32>
          %add3A_387 = arith.constant 48 : i32
          %add3A_388 = arith.addi %mul3A_343, %add3A_387 : i32
          %swap3A_389 = arith.index_cast %add3A_388 : i32 to index
          %swap3A_390 = tpu.vector_load %arg4[%swap3A_389] {strides = array<i32>} : memref<32768xf32, #tpu.memory_space<vmem>>, vector<16xf32>,
          tpu.vector_store %arg4[%swap3A_389], %max3A_386 {strides = array<i32>} : memref<32768xf32, #tpu.memory_space<vmem>>, vector<16xf32>,
          %add3A_391 = arith.constant 64 : i32
          %add3A_392 = arith.addi %mul3A_343, %add3A_391 : i32
          %get3A_393 = arith.index_cast %add3A_392 : i32 to index
          %get3A_394 = tpu.vector_load %arg4[%get3A_393] {strides = array<i32>} : memref<32768xf32, #tpu.memory_space<vmem>>, vector<16xf32>,
          %sub3A_395 = arith.subf %get3A_394, %cond3A_159 : vector<16xf32>
          %max3A_396 = arith.constant 0.000000e+00 : f32
          %max3A_397 = vector.broadcast %max3A_396 : f32 to vector<16xf32>
          %max3A_398 = arith.maximumf %sub3A_395, %max3A_397 : vector<16xf32>
          %add3A_399 = arith.constant 64 : i32
          %add3A_400 = arith.addi %mul3A_343, %add3A_399 : i32
          %swap3A_401 = arith.index_cast %add3A_400 : i32 to index
          %swap3A_402 = tpu.vector_load %arg4[%swap3A_401] {strides = array<i32>} : memref<32768xf32, #tpu.memory_space<vmem>>, vector<16xf32>,
          tpu.vector_store %arg4[%swap3A_401], %max3A_398 {strides = array<i32>} : memref<32768xf32, #tpu.memory_space<vmem>>, vector<16xf32>,
          %add3A_403 = arith.constant 80 : i32
          %add3A_404 = arith.addi %mul3A_343, %add3A_403 : i32
          %get3A_405 = arith.index_cast %add3A_404 : i32 to index
          %get3A_406 = tpu.vector_load %arg4[%get3A_405] {strides = array<i32>} : memref<32768xf32, #tpu.memory_space<vmem>>, vector<16xf32>,
          %sub3A_407 = arith.subf %get3A_406, %cond3A_159 : vector<16xf32>
          %max3A_408 = arith.constant 0.000000e+00 : f32
          %max3A_409 = vector.broadcast %max3A_408 : f32 to vector<16xf32>
          %max3A_410 = arith.maximumf %sub3A_407, %max3A_409 : vector<16xf32>
          %add3A_411 = arith.constant 80 : i32
          %add3A_412 = arith.addi %mul3A_343, %add3A_411 : i32
          %swap3A_413 = arith.index_cast %add3A_412 : i32 to index
          %swap3A_414 = tpu.vector_load %arg4[%swap3A_413] {strides = array<i32>} : memref<32768xf32, #tpu.memory_space<vmem>>, vector<16xf32>,
          tpu.vector_store %arg4[%swap3A_413], %max3A_410 {strides = array<i32>} : memref<32768xf32, #tpu.memory_space<vmem>>, vector<16xf32>,
          %add3A_415 = arith.constant 96 : i32
          %add3A_416 = arith.addi %mul3A_343, %add3A_415 : i32
          %get3A_417 = arith.index_cast %add3A_416 : i32 to index
          %get3A_418 = tpu.vector_load %arg4[%get3A_417] {strides = array<i32>} : memref<32768xf32, #tpu.memory_space<vmem>>, vector<16xf32>,
          %sub3A_419 = arith.subf %get3A_418, %cond3A_159 : vector<16xf32>
          %max3A_420 = arith.constant 0.000000e+00 : f32
          %max3A_421 = vector.broadcast %max3A_420 : f32 to vector<16xf32>
          %max3A_422 = arith.maximumf %sub3A_419, %max3A_421 : vector<16xf32>
          %add3A_423 = arith.constant 96 : i32
          %add3A_424 = arith.addi %mul3A_343, %add3A_423 : i32
          %swap3A_425 = arith.index_cast %add3A_424 : i32 to index
          %swap3A_426 = tpu.vector_load %arg4[%swap3A_425] {strides = array<i32>} : memref<32768xf32, #tpu.memory_space<vmem>>, vector<16xf32>,
          tpu.vector_store %arg4[%swap3A_425], %max3A_422 {strides = array<i32>} : memref<32768xf32, #tpu.memory_space<vmem>>, vector<16xf32>,
          %add3A_427 = arith.constant 112 : i32
          %add3A_428 = arith.addi %mul3A_343, %add3A_427 : i32
          %get3A_429 = arith.index_cast %add3A_428 : i32 to index
          %get3A_430 = tpu.vector_load %arg4[%get3A_429] {strides = array<i32>} : memref<32768xf32, #tpu.memory_space<vmem>>, vector<16xf32>,
          %sub3A_431 = arith.subf %get3A_430, %cond3A_159 : vector<16xf32>
          %max3A_432 = arith.constant 0.000000e+00 : f32
          %max3A_433 = vector.broadcast %max3A_432 : f32 to vector<16xf32>
          %max3A_434 = arith.maximumf %sub3A_431, %max3A_433 : vector<16xf32>
          %add3A_435 = arith.constant 112 : i32
          %add3A_436 = arith.addi %mul3A_343, %add3A_435 : i32
          %swap3A_437 = arith.index_cast %add3A_436 : i32 to index
          %swap3A_438 = tpu.vector_load %arg4[%swap3A_437] {strides = array<i32>} : memref<32768xf32, #tpu.memory_space<vmem>>, vector<16xf32>,
          tpu.vector_store %arg4[%swap3A_437], %max3A_434 {strides = array<i32>} : memref<32768xf32, #tpu.memory_space<vmem>>, vector<16xf32>,
          %add3A_439 = arith.constant 128 : i32
          %add3A_440 = arith.addi %mul3A_343, %add3A_439 : i32
          %get3A_441 = arith.index_cast %add3A_440 : i32 to index
          %get3A_442 = tpu.vector_load %arg4[%get3A_441] {strides = array<i32>} : memref<32768xf32, #tpu.memory_space<vmem>>, vector<16xf32>,
          %sub3A_443 = arith.subf %get3A_442, %cond3A_159 : vector<16xf32>
          %max3A_444 = arith.constant 0.000000e+00 : f32
          %max3A_445 = vector.broadcast %max3A_444 : f32 to vector<16xf32>
          %max3A_446 = arith.maximumf %sub3A_443, %max3A_445 : vector<16xf32>
          %add3A_447 = arith.constant 128 : i32
          %add3A_448 = arith.addi %mul3A_343, %add3A_447 : i32
          %swap3A_449 = arith.index_cast %add3A_448 : i32 to index
          %swap3A_450 = tpu.vector_load %arg4[%swap3A_449] {strides = array<i32>} : memref<32768xf32, #tpu.memory_space<vmem>>, vector<16xf32>,
          tpu.vector_store %arg4[%swap3A_449], %max3A_446 {strides = array<i32>} : memref<32768xf32, #tpu.memory_space<vmem>>, vector<16xf32>,
          %add3A_451 = arith.constant 144 : i32
          %add3A_452 = arith.addi %mul3A_343, %add3A_451 : i32
          %get3A_453 = arith.index_cast %add3A_452 : i32 to index
          %get3A_454 = tpu.vector_load %arg4[%get3A_453] {strides = array<i32>} : memref<32768xf32, #tpu.memory_space<vmem>>, vector<16xf32>,
          %sub3A_455 = arith.subf %get3A_454, %cond3A_159 : vector<16xf32>
          %max3A_456 = arith.constant 0.000000e+00 : f32
          %max3A_457 = vector.broadcast %max3A_456 : f32 to vector<16xf32>
          %max3A_458 = arith.maximumf %sub3A_455, %max3A_457 : vector<16xf32>
          %add3A_459 = arith.constant 144 : i32
          %add3A_460 = arith.addi %mul3A_343, %add3A_459 : i32
          %swap3A_461 = arith.index_cast %add3A_460 : i32 to index
          %swap3A_462 = tpu.vector_load %arg4[%swap3A_461] {strides = array<i32>} : memref<32768xf32, #tpu.memory_space<vmem>>, vector<16xf32>,
          tpu.vector_store %arg4[%swap3A_461], %max3A_458 {strides = array<i32>} : memref<32768xf32, #tpu.memory_space<vmem>>, vector<16xf32>,
          %add3A_463 = arith.constant 160 : i32
          %add3A_464 = arith.addi %mul3A_343, %add3A_463 : i32
          %get3A_465 = arith.index_cast %add3A_464 : i32 to index
          %get3A_466 = tpu.vector_load %arg4[%get3A_465] {strides = array<i32>} : memref<32768xf32, #tpu.memory_space<vmem>>, vector<16xf32>,
          %sub3A_467 = arith.subf %get3A_466, %cond3A_159 : vector<16xf32>
          %max3A_468 = arith.constant 0.000000e+00 : f32
          %max3A_469 = vector.broadcast %max3A_468 : f32 to vector<16xf32>
          %max3A_470 = arith.maximumf %sub3A_467, %max3A_469 : vector<16xf32>
          %add3A_471 = arith.constant 160 : i32
          %add3A_472 = arith.addi %mul3A_343, %add3A_471 : i32
          %swap3A_473 = arith.index_cast %add3A_472 : i32 to index
          %swap3A_474 = tpu.vector_load %arg4[%swap3A_473] {strides = array<i32>} : memref<32768xf32, #tpu.memory_space<vmem>>, vector<16xf32>,
          tpu.vector_store %arg4[%swap3A_473], %max3A_470 {strides = array<i32>} : memref<32768xf32, #tpu.memory_space<vmem>>, vector<16xf32>,
          %add3A_475 = arith.constant 176 : i32
          %add3A_476 = arith.addi %mul3A_343, %add3A_475 : i32
          %get3A_477 = arith.index_cast %add3A_476 : i32 to index
          %get3A_478 = tpu.vector_load %arg4[%get3A_477] {strides = array<i32>} : memref<32768xf32, #tpu.memory_space<vmem>>, vector<16xf32>,
          %sub3A_479 = arith.subf %get3A_478, %cond3A_159 : vector<16xf32>
          %max3A_480 = arith.constant 0.000000e+00 : f32
          %max3A_481 = vector.broadcast %max3A_480 : f32 to vector<16xf32>
          %max3A_482 = arith.maximumf %sub3A_479, %max3A_481 : vector<16xf32>
          %add3A_483 = arith.constant 176 : i32
          %add3A_484 = arith.addi %mul3A_343, %add3A_483 : i32
          %swap3A_485 = arith.index_cast %add3A_484 : i32 to index
          %swap3A_486 = tpu.vector_load %arg4[%swap3A_485] {strides = array<i32>} : memref<32768xf32, #tpu.memory_space<vmem>>, vector<16xf32>,
          tpu.vector_store %arg4[%swap3A_485], %max3A_482 {strides = array<i32>} : memref<32768xf32, #tpu.memory_space<vmem>>, vector<16xf32>,
          %add3A_487 = arith.constant 192 : i32
          %add3A_488 = arith.addi %mul3A_343, %add3A_487 : i32
          %get3A_489 = arith.index_cast %add3A_488 : i32 to index
          %get3A_490 = tpu.vector_load %arg4[%get3A_489] {strides = array<i32>} : memref<32768xf32, #tpu.memory_space<vmem>>, vector<16xf32>,
          %sub3A_491 = arith.subf %get3A_490, %cond3A_159 : vector<16xf32>
          %max3A_492 = arith.constant 0.000000e+00 : f32
          %max3A_493 = vector.broadcast %max3A_492 : f32 to vector<16xf32>
          %max3A_494 = arith.maximumf %sub3A_491, %max3A_493 : vector<16xf32>
          %add3A_495 = arith.constant 192 : i32
          %add3A_496 = arith.addi %mul3A_343, %add3A_495 : i32
          %swap3A_497 = arith.index_cast %add3A_496 : i32 to index
          %swap3A_498 = tpu.vector_load %arg4[%swap3A_497] {strides = array<i32>} : memref<32768xf32, #tpu.memory_space<vmem>>, vector<16xf32>,
          tpu.vector_store %arg4[%swap3A_497], %max3A_494 {strides = array<i32>} : memref<32768xf32, #tpu.memory_space<vmem>>, vector<16xf32>,
          %add3A_499 = arith.constant 208 : i32
          %add3A_500 = arith.addi %mul3A_343, %add3A_499 : i32
          %get3A_501 = arith.index_cast %add3A_500 : i32 to index
          %get3A_502 = tpu.vector_load %arg4[%get3A_501] {strides = array<i32>} : memref<32768xf32, #tpu.memory_space<vmem>>, vector<16xf32>,
          %sub3A_503 = arith.subf %get3A_502, %cond3A_159 : vector<16xf32>
          %max3A_504 = arith.constant 0.000000e+00 : f32
          %max3A_505 = vector.broadcast %max3A_504 : f32 to vector<16xf32>
          %max3A_506 = arith.maximumf %sub3A_503, %max3A_505 : vector<16xf32>
          %add3A_507 = arith.constant 208 : i32
          %add3A_508 = arith.addi %mul3A_343, %add3A_507 : i32
          %swap3A_509 = arith.index_cast %add3A_508 : i32 to index
          %swap3A_510 = tpu.vector_load %arg4[%swap3A_509] {strides = array<i32>} : memref<32768xf32, #tpu.memory_space<vmem>>, vector<16xf32>,
          tpu.vector_store %arg4[%swap3A_509], %max3A_506 {strides = array<i32>} : memref<32768xf32, #tpu.memory_space<vmem>>, vector<16xf32>,
          %add3A_511 = arith.constant 224 : i32
          %add3A_512 = arith.addi %mul3A_343, %add3A_511 : i32
          %get3A_513 = arith.index_cast %add3A_512 : i32 to index
          %get3A_514 = tpu.vector_load %arg4[%get3A_513] {strides = array<i32>} : memref<32768xf32, #tpu.memory_space<vmem>>, vector<16xf32>,
          %sub3A_515 = arith.subf %get3A_514, %cond3A_159 : vector<16xf32>
          %max3A_516 = arith.constant 0.000000e+00 : f32
          %max3A_517 = vector.broadcast %max3A_516 : f32 to vector<16xf32>
          %max3A_518 = arith.maximumf %sub3A_515, %max3A_517 : vector<16xf32>
          %add3A_519 = arith.constant 224 : i32
          %add3A_520 = arith.addi %mul3A_343, %add3A_519 : i32
          %swap3A_521 = arith.index_cast %add3A_520 : i32 to index
          %swap3A_522 = tpu.vector_load %arg4[%swap3A_521] {strides = array<i32>} : memref<32768xf32, #tpu.memory_space<vmem>>, vector<16xf32>,
          tpu.vector_store %arg4[%swap3A_521], %max3A_518 {strides = array<i32>} : memref<32768xf32, #tpu.memory_space<vmem>>, vector<16xf32>,
          %add3A_523 = arith.constant 240 : i32
          %add3A_524 = arith.addi %mul3A_343, %add3A_523 : i32
          %get3A_525 = arith.index_cast %add3A_524 : i32 to index
          %get3A_526 = tpu.vector_load %arg4[%get3A_525] {strides = array<i32>} : memref<32768xf32, #tpu.memory_space<vmem>>, vector<16xf32>,
          %sub3A_527 = arith.subf %get3A_526, %cond3A_159 : vector<16xf32>
          %max3A_528 = arith.constant 0.000000e+00 : f32
          %max3A_529 = vector.broadcast %max3A_528 : f32 to vector<16xf32>
          %max3A_530 = arith.maximumf %sub3A_527, %max3A_529 : vector<16xf32>
          %add3A_531 = arith.constant 240 : i32
          %add3A_532 = arith.addi %mul3A_343, %add3A_531 : i32
          %swap3A_533 = arith.index_cast %add3A_532 : i32 to index
          %swap3A_534 = tpu.vector_load %arg4[%swap3A_533] {strides = array<i32>} : memref<32768xf32, #tpu.memory_space<vmem>>, vector<16xf32>,
          tpu.vector_store %arg4[%swap3A_533], %max3A_530 {strides = array<i32>} : memref<32768xf32, #tpu.memory_space<vmem>>, vector<16xf32>,
          %dma_start3A_535 = tpu.memref_slice %arg4[%mul3A_343] : memref<32768xf32, #tpu.memory_space<vmem>> -> memref<256xf32, #tpu.memory_space<vmem>>
          %dma_start3A_536 = arith.constant 0 : i32
          %dma_start3A_537 = tpu.memref_slice %arg3[%add3A_41, %dma_start3A_536] : memref<1024x32768xf32, #tpu.memory_space<hbm>> -> memref<1x32768xf32, #tpu.memory_space<hbm>>
          %dma_start3A_538 = tpu.memref_squeeze %dma_start3A_537 : memref<1x32768xf32, #tpu.memory_space<hbm>> -> memref<32768xf32, #tpu.memory_space<hbm>>
          %dma_start3A_539 = tpu.memref_slice %dma_start3A_538[%mul3A_343] : memref<32768xf32, #tpu.memory_space<hbm>> -> memref<256xf32, #tpu.memory_space<hbm>>
          %dma_start3A_540 = arith.constant 0 : i32
          %dma_start3A_541 = tpu.memref_slice %arg3[%add3A_41, %dma_start3A_540] : memref<1024x32768xf32, #tpu.memory_space<hbm>> -> memref<1x32768xf32, #tpu.memory_space<hbm>>
          %dma_start3A_542 = tpu.memref_squeeze %dma_start3A_541 : memref<1x32768xf32, #tpu.memory_space<hbm>> -> memref<32768xf32, #tpu.memory_space<hbm>>
          %dma_start3A_543 = tpu.memref_slice %dma_start3A_542[%mul3A_343] : memref<32768xf32, #tpu.memory_space<hbm>> -> memref<256xf32, #tpu.memory_space<hbm>>
          %dma_start3A_544 = tpu.memref_slice %arg4[%mul3A_343] : memref<32768xf32, #tpu.memory_space<vmem>> -> memref<256xf32, #tpu.memory_space<vmem>>
          tpu.enqueue_dma source(%dma_start3A_544 : memref<256xf32, #tpu.memory_space<vmem>>) target(%dma_start3A_543 : memref<256xf32, #tpu.memory_space<hbm>>) target_semaphore(%arg13 : memref<!tpu.dma_semaphore, #tpu.memory_space<semaphore_mem>>)
          %add3A_545 = arith.constant 1 : i32
          %add3A_546 = arith.addi %while3A_334, %add3A_545 : i32
          scf.yield %add3A_546 : i32
        } else {
          scf.yield %while3A_334 : i32
        }
        scf.yield %shift_right_arithmetic3A_336, %cond3A_341 : i32, i32
      }
      %while3A_177 = arith.constant 1 : i32
      %while3A_178:2 = scf.for %while3A_332 = %while3A_174 to %while3A_170 step %while3A_177 iter_args(%while3A_333 = %while3A_176#0, %while3A_334 = %while3A_176#1) -> (i32, i32)  : i32 {
        %get3A = arith.index_cast %while3A_332 : i32 to index
        %get3A_335 = tpu.vector_load %arg8[%get3A] {strides = array<i32>} : memref<2064xi32, #tpu.memory_space<vmem>>, vector<16xi32>,
        %slice3A = vector.extract_strided_slice %get3A_335 {offsets = [0], sizes = [1], strides = [1]} : vector<16xi32> to vector<1xi32>
        %squeeze3A = vector.extract %slice3A[0] : i32 from vector<1xi32>
        %shift_right_arithmetic3A = arith.constant 4 : i32
        %shift_right_arithmetic3A_336 = arith.shrsi %squeeze3A, %shift_right_arithmetic3A : i32
        %ne3A_337 = arith.cmpi ne, %shift_right_arithmetic3A_336, %while3A_333 : i32
        %convert_element_type3A_338 = arith.extui %ne3A_337 : i1 to i32
        %cond3A_339 = arith.constant 0 : i32
        %cond3A_340 = arith.cmpi ne, %convert_element_type3A_338, %cond3A_339 : i32
        %cond3A_341 = scf.if %cond3A_340 -> (i32) {
          %mul3A_342 = arith.constant 256 : i32
          %mul3A_343 = arith.muli %shift_right_arithmetic3A_336, %mul3A_342 : i32
          %add3A_344 = arith.constant 0 : i32
          %add3A_345 = arith.addi %mul3A_343, %add3A_344 : i32
          %get3A_346 = arith.index_cast %add3A_345 : i32 to index
          %get3A_347 = tpu.vector_load %arg4[%get3A_346] {strides = array<i32>} : memref<32768xf32, #tpu.memory_space<vmem>>, vector<16xf32>,
          %sub3A_348 = arith.subf %get3A_347, %cond3A_159 : vector<16xf32>
          %max3A = arith.constant 0.000000e+00 : f32
          %max3A_349 = vector.broadcast %max3A : f32 to vector<16xf32>
          %max3A_350 = arith.maximumf %sub3A_348, %max3A_349 : vector<16xf32>
          %add3A_351 = arith.constant 0 : i32
          %add3A_352 = arith.addi %mul3A_343, %add3A_351 : i32
          %swap3A_353 = arith.index_cast %add3A_352 : i32 to index
          %swap3A_354 = tpu.vector_load %arg4[%swap3A_353] {strides = array<i32>} : memref<32768xf32, #tpu.memory_space<vmem>>, vector<16xf32>,
          tpu.vector_store %arg4[%swap3A_353], %max3A_350 {strides = array<i32>} : memref<32768xf32, #tpu.memory_space<vmem>>, vector<16xf32>,
          %add3A_355 = arith.constant 16 : i32
          %add3A_356 = arith.addi %mul3A_343, %add3A_355 : i32
          %get3A_357 = arith.index_cast %add3A_356 : i32 to index
          %get3A_358 = tpu.vector_load %arg4[%get3A_357] {strides = array<i32>} : memref<32768xf32, #tpu.memory_space<vmem>>, vector<16xf32>,
          %sub3A_359 = arith.subf %get3A_358, %cond3A_159 : vector<16xf32>
          %max3A_360 = arith.constant 0.000000e+00 : f32
          %max3A_361 = vector.broadcast %max3A_360 : f32 to vector<16xf32>
          %max3A_362 = arith.maximumf %sub3A_359, %max3A_361 : vector<16xf32>
          %add3A_363 = arith.constant 16 : i32
          %add3A_364 = arith.addi %mul3A_343, %add3A_363 : i32
          %swap3A_365 = arith.index_cast %add3A_364 : i32 to index
          %swap3A_366 = tpu.vector_load %arg4[%swap3A_365] {strides = array<i32>} : memref<32768xf32, #tpu.memory_space<vmem>>, vector<16xf32>,
          tpu.vector_store %arg4[%swap3A_365], %max3A_362 {strides = array<i32>} : memref<32768xf32, #tpu.memory_space<vmem>>, vector<16xf32>,
          %add3A_367 = arith.constant 32 : i32
          %add3A_368 = arith.addi %mul3A_343, %add3A_367 : i32
          %get3A_369 = arith.index_cast %add3A_368 : i32 to index
          %get3A_370 = tpu.vector_load %arg4[%get3A_369] {strides = array<i32>} : memref<32768xf32, #tpu.memory_space<vmem>>, vector<16xf32>,
          %sub3A_371 = arith.subf %get3A_370, %cond3A_159 : vector<16xf32>
          %max3A_372 = arith.constant 0.000000e+00 : f32
          %max3A_373 = vector.broadcast %max3A_372 : f32 to vector<16xf32>
          %max3A_374 = arith.maximumf %sub3A_371, %max3A_373 : vector<16xf32>
          %add3A_375 = arith.constant 32 : i32
          %add3A_376 = arith.addi %mul3A_343, %add3A_375 : i32
          %swap3A_377 = arith.index_cast %add3A_376 : i32 to index
          %swap3A_378 = tpu.vector_load %arg4[%swap3A_377] {strides = array<i32>} : memref<32768xf32, #tpu.memory_space<vmem>>, vector<16xf32>,
          tpu.vector_store %arg4[%swap3A_377], %max3A_374 {strides = array<i32>} : memref<32768xf32, #tpu.memory_space<vmem>>, vector<16xf32>,
          %add3A_379 = arith.constant 48 : i32
          %add3A_380 = arith.addi %mul3A_343, %add3A_379 : i32
          %get3A_381 = arith.index_cast %add3A_380 : i32 to index
          %get3A_382 = tpu.vector_load %arg4[%get3A_381] {strides = array<i32>} : memref<32768xf32, #tpu.memory_space<vmem>>, vector<16xf32>,
          %sub3A_383 = arith.subf %get3A_382, %cond3A_159 : vector<16xf32>
          %max3A_384 = arith.constant 0.000000e+00 : f32
          %max3A_385 = vector.broadcast %max3A_384 : f32 to vector<16xf32>
          %max3A_386 = arith.maximumf %sub3A_383, %max3A_385 : vector<16xf32>
          %add3A_387 = arith.constant 48 : i32
          %add3A_388 = arith.addi %mul3A_343, %add3A_387 : i32
          %swap3A_389 = arith.index_cast %add3A_388 : i32 to index
          %swap3A_390 = tpu.vector_load %arg4[%swap3A_389] {strides = array<i32>} : memref<32768xf32, #tpu.memory_space<vmem>>, vector<16xf32>,
          tpu.vector_store %arg4[%swap3A_389], %max3A_386 {strides = array<i32>} : memref<32768xf32, #tpu.memory_space<vmem>>, vector<16xf32>,
          %add3A_391 = arith.constant 64 : i32
          %add3A_392 = arith.addi %mul3A_343, %add3A_391 : i32
          %get3A_393 = arith.index_cast %add3A_392 : i32 to index
          %get3A_394 = tpu.vector_load %arg4[%get3A_393] {strides = array<i32>} : memref<32768xf32, #tpu.memory_space<vmem>>, vector<16xf32>,
          %sub3A_395 = arith.subf %get3A_394, %cond3A_159 : vector<16xf32>
          %max3A_396 = arith.constant 0.000000e+00 : f32
          %max3A_397 = vector.broadcast %max3A_396 : f32 to vector<16xf32>
          %max3A_398 = arith.maximumf %sub3A_395, %max3A_397 : vector<16xf32>
          %add3A_399 = arith.constant 64 : i32
          %add3A_400 = arith.addi %mul3A_343, %add3A_399 : i32
          %swap3A_401 = arith.index_cast %add3A_400 : i32 to index
          %swap3A_402 = tpu.vector_load %arg4[%swap3A_401] {strides = array<i32>} : memref<32768xf32, #tpu.memory_space<vmem>>, vector<16xf32>,
          tpu.vector_store %arg4[%swap3A_401], %max3A_398 {strides = array<i32>} : memref<32768xf32, #tpu.memory_space<vmem>>, vector<16xf32>,
          %add3A_403 = arith.constant 80 : i32
          %add3A_404 = arith.addi %mul3A_343, %add3A_403 : i32
          %get3A_405 = arith.index_cast %add3A_404 : i32 to index
          %get3A_406 = tpu.vector_load %arg4[%get3A_405] {strides = array<i32>} : memref<32768xf32, #tpu.memory_space<vmem>>, vector<16xf32>,
          %sub3A_407 = arith.subf %get3A_406, %cond3A_159 : vector<16xf32>
          %max3A_408 = arith.constant 0.000000e+00 : f32
          %max3A_409 = vector.broadcast %max3A_408 : f32 to vector<16xf32>
          %max3A_410 = arith.maximumf %sub3A_407, %max3A_409 : vector<16xf32>
          %add3A_411 = arith.constant 80 : i32
          %add3A_412 = arith.addi %mul3A_343, %add3A_411 : i32
          %swap3A_413 = arith.index_cast %add3A_412 : i32 to index
          %swap3A_414 = tpu.vector_load %arg4[%swap3A_413] {strides = array<i32>} : memref<32768xf32, #tpu.memory_space<vmem>>, vector<16xf32>,
          tpu.vector_store %arg4[%swap3A_413], %max3A_410 {strides = array<i32>} : memref<32768xf32, #tpu.memory_space<vmem>>, vector<16xf32>,
          %add3A_415 = arith.constant 96 : i32
          %add3A_416 = arith.addi %mul3A_343, %add3A_415 : i32
          %get3A_417 = arith.index_cast %add3A_416 : i32 to index
          %get3A_418 = tpu.vector_load %arg4[%get3A_417] {strides = array<i32>} : memref<32768xf32, #tpu.memory_space<vmem>>, vector<16xf32>,
          %sub3A_419 = arith.subf %get3A_418, %cond3A_159 : vector<16xf32>
          %max3A_420 = arith.constant 0.000000e+00 : f32
          %max3A_421 = vector.broadcast %max3A_420 : f32 to vector<16xf32>
          %max3A_422 = arith.maximumf %sub3A_419, %max3A_421 : vector<16xf32>
          %add3A_423 = arith.constant 96 : i32
          %add3A_424 = arith.addi %mul3A_343, %add3A_423 : i32
          %swap3A_425 = arith.index_cast %add3A_424 : i32 to index
          %swap3A_426 = tpu.vector_load %arg4[%swap3A_425] {strides = array<i32>} : memref<32768xf32, #tpu.memory_space<vmem>>, vector<16xf32>,
          tpu.vector_store %arg4[%swap3A_425], %max3A_422 {strides = array<i32>} : memref<32768xf32, #tpu.memory_space<vmem>>, vector<16xf32>,
          %add3A_427 = arith.constant 112 : i32
          %add3A_428 = arith.addi %mul3A_343, %add3A_427 : i32
          %get3A_429 = arith.index_cast %add3A_428 : i32 to index
          %get3A_430 = tpu.vector_load %arg4[%get3A_429] {strides = array<i32>} : memref<32768xf32, #tpu.memory_space<vmem>>, vector<16xf32>,
          %sub3A_431 = arith.subf %get3A_430, %cond3A_159 : vector<16xf32>
          %max3A_432 = arith.constant 0.000000e+00 : f32
          %max3A_433 = vector.broadcast %max3A_432 : f32 to vector<16xf32>
          %max3A_434 = arith.maximumf %sub3A_431, %max3A_433 : vector<16xf32>
          %add3A_435 = arith.constant 112 : i32
          %add3A_436 = arith.addi %mul3A_343, %add3A_435 : i32
          %swap3A_437 = arith.index_cast %add3A_436 : i32 to index
          %swap3A_438 = tpu.vector_load %arg4[%swap3A_437] {strides = array<i32>} : memref<32768xf32, #tpu.memory_space<vmem>>, vector<16xf32>,
          tpu.vector_store %arg4[%swap3A_437], %max3A_434 {strides = array<i32>} : memref<32768xf32, #tpu.memory_space<vmem>>, vector<16xf32>,
          %add3A_439 = arith.constant 128 : i32
          %add3A_440 = arith.addi %mul3A_343, %add3A_439 : i32
          %get3A_441 = arith.index_cast %add3A_440 : i32 to index
          %get3A_442 = tpu.vector_load %arg4[%get3A_441] {strides = array<i32>} : memref<32768xf32, #tpu.memory_space<vmem>>, vector<16xf32>,
          %sub3A_443 = arith.subf %get3A_442, %cond3A_159 : vector<16xf32>
          %max3A_444 = arith.constant 0.000000e+00 : f32
          %max3A_445 = vector.broadcast %max3A_444 : f32 to vector<16xf32>
          %max3A_446 = arith.maximumf %sub3A_443, %max3A_445 : vector<16xf32>
          %add3A_447 = arith.constant 128 : i32
          %add3A_448 = arith.addi %mul3A_343, %add3A_447 : i32
          %swap3A_449 = arith.index_cast %add3A_448 : i32 to index
          %swap3A_450 = tpu.vector_load %arg4[%swap3A_449] {strides = array<i32>} : memref<32768xf32, #tpu.memory_space<vmem>>, vector<16xf32>,
          tpu.vector_store %arg4[%swap3A_449], %max3A_446 {strides = array<i32>} : memref<32768xf32, #tpu.memory_space<vmem>>, vector<16xf32>,
          %add3A_451 = arith.constant 144 : i32
          %add3A_452 = arith.addi %mul3A_343, %add3A_451 : i32
          %get3A_453 = arith.index_cast %add3A_452 : i32 to index
          %get3A_454 = tpu.vector_load %arg4[%get3A_453] {strides = array<i32>} : memref<32768xf32, #tpu.memory_space<vmem>>, vector<16xf32>,
          %sub3A_455 = arith.subf %get3A_454, %cond3A_159 : vector<16xf32>
          %max3A_456 = arith.constant 0.000000e+00 : f32
          %max3A_457 = vector.broadcast %max3A_456 : f32 to vector<16xf32>
          %max3A_458 = arith.maximumf %sub3A_455, %max3A_457 : vector<16xf32>
          %add3A_459 = arith.constant 144 : i32
          %add3A_460 = arith.addi %mul3A_343, %add3A_459 : i32
          %swap3A_461 = arith.index_cast %add3A_460 : i32 to index
          %swap3A_462 = tpu.vector_load %arg4[%swap3A_461] {strides = array<i32>} : memref<32768xf32, #tpu.memory_space<vmem>>, vector<16xf32>,
          tpu.vector_store %arg4[%swap3A_461], %max3A_458 {strides = array<i32>} : memref<32768xf32, #tpu.memory_space<vmem>>, vector<16xf32>,
          %add3A_463 = arith.constant 160 : i32
          %add3A_464 = arith.addi %mul3A_343, %add3A_463 : i32
          %get3A_465 = arith.index_cast %add3A_464 : i32 to index
          %get3A_466 = tpu.vector_load %arg4[%get3A_465] {strides = array<i32>} : memref<32768xf32, #tpu.memory_space<vmem>>, vector<16xf32>,
          %sub3A_467 = arith.subf %get3A_466, %cond3A_159 : vector<16xf32>
          %max3A_468 = arith.constant 0.000000e+00 : f32
          %max3A_469 = vector.broadcast %max3A_468 : f32 to vector<16xf32>
          %max3A_470 = arith.maximumf %sub3A_467, %max3A_469 : vector<16xf32>
          %add3A_471 = arith.constant 160 : i32
          %add3A_472 = arith.addi %mul3A_343, %add3A_471 : i32
          %swap3A_473 = arith.index_cast %add3A_472 : i32 to index
          %swap3A_474 = tpu.vector_load %arg4[%swap3A_473] {strides = array<i32>} : memref<32768xf32, #tpu.memory_space<vmem>>, vector<16xf32>,
          tpu.vector_store %arg4[%swap3A_473], %max3A_470 {strides = array<i32>} : memref<32768xf32, #tpu.memory_space<vmem>>, vector<16xf32>,
          %add3A_475 = arith.constant 176 : i32
          %add3A_476 = arith.addi %mul3A_343, %add3A_475 : i32
          %get3A_477 = arith.index_cast %add3A_476 : i32 to index
          %get3A_478 = tpu.vector_load %arg4[%get3A_477] {strides = array<i32>} : memref<32768xf32, #tpu.memory_space<vmem>>, vector<16xf32>,
          %sub3A_479 = arith.subf %get3A_478, %cond3A_159 : vector<16xf32>
          %max3A_480 = arith.constant 0.000000e+00 : f32
          %max3A_481 = vector.broadcast %max3A_480 : f32 to vector<16xf32>
          %max3A_482 = arith.maximumf %sub3A_479, %max3A_481 : vector<16xf32>
          %add3A_483 = arith.constant 176 : i32
          %add3A_484 = arith.addi %mul3A_343, %add3A_483 : i32
          %swap3A_485 = arith.index_cast %add3A_484 : i32 to index
          %swap3A_486 = tpu.vector_load %arg4[%swap3A_485] {strides = array<i32>} : memref<32768xf32, #tpu.memory_space<vmem>>, vector<16xf32>,
          tpu.vector_store %arg4[%swap3A_485], %max3A_482 {strides = array<i32>} : memref<32768xf32, #tpu.memory_space<vmem>>, vector<16xf32>,
          %add3A_487 = arith.constant 192 : i32
          %add3A_488 = arith.addi %mul3A_343, %add3A_487 : i32
          %get3A_489 = arith.index_cast %add3A_488 : i32 to index
          %get3A_490 = tpu.vector_load %arg4[%get3A_489] {strides = array<i32>} : memref<32768xf32, #tpu.memory_space<vmem>>, vector<16xf32>,
          %sub3A_491 = arith.subf %get3A_490, %cond3A_159 : vector<16xf32>
          %max3A_492 = arith.constant 0.000000e+00 : f32
          %max3A_493 = vector.broadcast %max3A_492 : f32 to vector<16xf32>
          %max3A_494 = arith.maximumf %sub3A_491, %max3A_493 : vector<16xf32>
          %add3A_495 = arith.constant 192 : i32
          %add3A_496 = arith.addi %mul3A_343, %add3A_495 : i32
          %swap3A_497 = arith.index_cast %add3A_496 : i32 to index
          %swap3A_498 = tpu.vector_load %arg4[%swap3A_497] {strides = array<i32>} : memref<32768xf32, #tpu.memory_space<vmem>>, vector<16xf32>,
          tpu.vector_store %arg4[%swap3A_497], %max3A_494 {strides = array<i32>} : memref<32768xf32, #tpu.memory_space<vmem>>, vector<16xf32>,
          %add3A_499 = arith.constant 208 : i32
          %add3A_500 = arith.addi %mul3A_343, %add3A_499 : i32
          %get3A_501 = arith.index_cast %add3A_500 : i32 to index
          %get3A_502 = tpu.vector_load %arg4[%get3A_501] {strides = array<i32>} : memref<32768xf32, #tpu.memory_space<vmem>>, vector<16xf32>,
          %sub3A_503 = arith.subf %get3A_502, %cond3A_159 : vector<16xf32>
          %max3A_504 = arith.constant 0.000000e+00 : f32
          %max3A_505 = vector.broadcast %max3A_504 : f32 to vector<16xf32>
          %max3A_506 = arith.maximumf %sub3A_503, %max3A_505 : vector<16xf32>
          %add3A_507 = arith.constant 208 : i32
          %add3A_508 = arith.addi %mul3A_343, %add3A_507 : i32
          %swap3A_509 = arith.index_cast %add3A_508 : i32 to index
          %swap3A_510 = tpu.vector_load %arg4[%swap3A_509] {strides = array<i32>} : memref<32768xf32, #tpu.memory_space<vmem>>, vector<16xf32>,
          tpu.vector_store %arg4[%swap3A_509], %max3A_506 {strides = array<i32>} : memref<32768xf32, #tpu.memory_space<vmem>>, vector<16xf32>,
          %add3A_511 = arith.constant 224 : i32
          %add3A_512 = arith.addi %mul3A_343, %add3A_511 : i32
          %get3A_513 = arith.index_cast %add3A_512 : i32 to index
          %get3A_514 = tpu.vector_load %arg4[%get3A_513] {strides = array<i32>} : memref<32768xf32, #tpu.memory_space<vmem>>, vector<16xf32>,
          %sub3A_515 = arith.subf %get3A_514, %cond3A_159 : vector<16xf32>
          %max3A_516 = arith.constant 0.000000e+00 : f32
          %max3A_517 = vector.broadcast %max3A_516 : f32 to vector<16xf32>
          %max3A_518 = arith.maximumf %sub3A_515, %max3A_517 : vector<16xf32>
          %add3A_519 = arith.constant 224 : i32
          %add3A_520 = arith.addi %mul3A_343, %add3A_519 : i32
          %swap3A_521 = arith.index_cast %add3A_520 : i32 to index
          %swap3A_522 = tpu.vector_load %arg4[%swap3A_521] {strides = array<i32>} : memref<32768xf32, #tpu.memory_space<vmem>>, vector<16xf32>,
          tpu.vector_store %arg4[%swap3A_521], %max3A_518 {strides = array<i32>} : memref<32768xf32, #tpu.memory_space<vmem>>, vector<16xf32>,
          %add3A_523 = arith.constant 240 : i32
          %add3A_524 = arith.addi %mul3A_343, %add3A_523 : i32
          %get3A_525 = arith.index_cast %add3A_524 : i32 to index
          %get3A_526 = tpu.vector_load %arg4[%get3A_525] {strides = array<i32>} : memref<32768xf32, #tpu.memory_space<vmem>>, vector<16xf32>,
          %sub3A_527 = arith.subf %get3A_526, %cond3A_159 : vector<16xf32>
          %max3A_528 = arith.constant 0.000000e+00 : f32
          %max3A_529 = vector.broadcast %max3A_528 : f32 to vector<16xf32>
          %max3A_530 = arith.maximumf %sub3A_527, %max3A_529 : vector<16xf32>
          %add3A_531 = arith.constant 240 : i32
          %add3A_532 = arith.addi %mul3A_343, %add3A_531 : i32
          %swap3A_533 = arith.index_cast %add3A_532 : i32 to index
          %swap3A_534 = tpu.vector_load %arg4[%swap3A_533] {strides = array<i32>} : memref<32768xf32, #tpu.memory_space<vmem>>, vector<16xf32>,
          tpu.vector_store %arg4[%swap3A_533], %max3A_530 {strides = array<i32>} : memref<32768xf32, #tpu.memory_space<vmem>>, vector<16xf32>,
          %dma_start3A_535 = tpu.memref_slice %arg4[%mul3A_343] : memref<32768xf32, #tpu.memory_space<vmem>> -> memref<256xf32, #tpu.memory_space<vmem>>
          %dma_start3A_536 = arith.constant 0 : i32
          %dma_start3A_537 = tpu.memref_slice %arg3[%add3A_41, %dma_start3A_536] : memref<1024x32768xf32, #tpu.memory_space<hbm>> -> memref<1x32768xf32, #tpu.memory_space<hbm>>
          %dma_start3A_538 = tpu.memref_squeeze %dma_start3A_537 : memref<1x32768xf32, #tpu.memory_space<hbm>> -> memref<32768xf32, #tpu.memory_space<hbm>>
          %dma_start3A_539 = tpu.memref_slice %dma_start3A_538[%mul3A_343] : memref<32768xf32, #tpu.memory_space<hbm>> -> memref<256xf32, #tpu.memory_space<hbm>>
          %dma_start3A_540 = arith.constant 0 : i32
          %dma_start3A_541 = tpu.memref_slice %arg3[%add3A_41, %dma_start3A_540] : memref<1024x32768xf32, #tpu.memory_space<hbm>> -> memref<1x32768xf32, #tpu.memory_space<hbm>>
          %dma_start3A_542 = tpu.memref_squeeze %dma_start3A_541 : memref<1x32768xf32, #tpu.memory_space<hbm>> -> memref<32768xf32, #tpu.memory_space<hbm>>
          %dma_start3A_543 = tpu.memref_slice %dma_start3A_542[%mul3A_343] : memref<32768xf32, #tpu.memory_space<hbm>> -> memref<256xf32, #tpu.memory_space<hbm>>
          %dma_start3A_544 = tpu.memref_slice %arg4[%mul3A_343] : memref<32768xf32, #tpu.memory_space<vmem>> -> memref<256xf32, #tpu.memory_space<vmem>>
          tpu.enqueue_dma source(%dma_start3A_544 : memref<256xf32, #tpu.memory_space<vmem>>) target(%dma_start3A_543 : memref<256xf32, #tpu.memory_space<hbm>>) target_semaphore(%arg13 : memref<!tpu.dma_semaphore, #tpu.memory_space<semaphore_mem>>)
          %add3A_545 = arith.constant 1 : i32
          %add3A_546 = arith.addi %while3A_334, %add3A_545 : i32
          scf.yield %add3A_546 : i32
        } else {
          scf.yield %while3A_334 : i32
        }
        scf.yield %shift_right_arithmetic3A_336, %cond3A_341 : i32, i32
      }
      %mul3A_179 = arith.constant 2 : i32
      %mul3A_180 = arith.muli %scan3A_34, %mul3A_179 : i32
      %add3A_181 = arith.constant 1 : i32
      %add3A_182 = arith.addi %mul3A_180, %add3A_181 : i32
      %add3A_183 = arith.addi %mul3A_2, %add3A_182 : i32
      %dma_start3A_184 = arith.constant 0 : i32
      %dma_start3A_185 = tpu.memref_slice %arg3[%add3A_183, %dma_start3A_184] : memref<1024x32768xf32, #tpu.memory_space<hbm>> -> memref<1x32768xf32, #tpu.memory_space<hbm>>
      %dma_start3A_186 = tpu.memref_squeeze %dma_start3A_185 : memref<1x32768xf32, #tpu.memory_space<hbm>> -> memref<32768xf32, #tpu.memory_space<hbm>>
      %dma_start3A_187 = arith.constant 0 : i32
      %dma_start3A_188 = tpu.memref_slice %arg3[%add3A_183, %dma_start3A_187] : memref<1024x32768xf32, #tpu.memory_space<hbm>> -> memref<1x32768xf32, #tpu.memory_space<hbm>>
      %dma_start3A_189 = tpu.memref_squeeze %dma_start3A_188 : memref<1x32768xf32, #tpu.memory_space<hbm>> -> memref<32768xf32, #tpu.memory_space<hbm>>
      tpu.enqueue_dma source(%arg9 : memref<32768xf32, #tpu.memory_space<vmem>>) target(%dma_start3A_189 : memref<32768xf32, #tpu.memory_space<hbm>>) target_semaphore(%arg12 : memref<!tpu.dma_semaphore, #tpu.memory_space<semaphore_mem>>)
      %dma_wait3A_190 = arith.constant 0 : i32
      %dma_wait3A_191 = tpu.memref_slice %arg2[%add3A_183, %dma_wait3A_190] : memref<1024x32768xf32, #tpu.memory_space<hbm>> -> memref<1x32768xf32, #tpu.memory_space<hbm>>
      %dma_wait3A_192 = tpu.memref_squeeze %dma_wait3A_191 : memref<1x32768xf32, #tpu.memory_space<hbm>> -> memref<32768xf32, #tpu.memory_space<hbm>>
      %dma_wait3A_193 = arith.constant 0 : i32
      %dma_wait3A_194 = tpu.memref_slice %arg2[%add3A_183, %dma_wait3A_193] : memref<1024x32768xf32, #tpu.memory_space<hbm>> -> memref<1x32768xf32, #tpu.memory_space<hbm>>
      %dma_wait3A_195 = tpu.memref_squeeze %dma_wait3A_194 : memref<1x32768xf32, #tpu.memory_space<hbm>> -> memref<32768xf32, #tpu.memory_space<hbm>>
      tpu.wait_dma2 semaphore(%arg11 : memref<!tpu.dma_semaphore, #tpu.memory_space<semaphore_mem>>) src(%dma_wait3A_195 : memref<32768xf32, #tpu.memory_space<hbm>>) dst(%arg5 : memref<32768xf32, #tpu.memory_space<vmem>>)
      %broadcast_in_dim3A_196 = arith.constant -3.000000e+38 : f32
      %broadcast_in_dim3A_197 = vector.broadcast %broadcast_in_dim3A_196 : f32 to vector<16xf32>
      %parallel_loop3A_198 = arith.constant 0 : i32
      %parallel_loop3A_199 = arith.constant 128 : i32
      %parallel_loop3A_200 = arith.constant 1 : i32
      %parallel_loop3A_201 = scf.for %parallel_loop3A_332 = %parallel_loop3A_198 to %parallel_loop3A_199 step %parallel_loop3A_200 iter_args(%parallel_loop3A_333 = %broadcast_in_dim3A_197) -> (vector<16xf32>)  : i32 {
        %parallel_loop3A_334 = arith.constant 256 : i32
        %parallel_loop3A_335 = arith.muli %parallel_loop3A_332, %parallel_loop3A_334 : i32
        %parallel_loop3A_336 = arith.constant 0 : i32
        %parallel_loop3A_337 = arith.addi %parallel_loop3A_335, %parallel_loop3A_336 : i32
        %parallel_loop3A_338 = arith.index_cast %parallel_loop3A_337 : i32 to index
        %parallel_loop3A_339 = tpu.vector_load %arg5[%parallel_loop3A_338] {strides = array<i32>} : memref<32768xf32, #tpu.memory_space<vmem>>, vector<16xf32>,
        %parallel_loop3A_340 = arith.constant 16 : i32
        %parallel_loop3A_341 = arith.addi %parallel_loop3A_335, %parallel_loop3A_340 : i32
        %parallel_loop3A_342 = arith.index_cast %parallel_loop3A_341 : i32 to index
        %parallel_loop3A_343 = tpu.vector_load %arg5[%parallel_loop3A_342] {strides = array<i32>} : memref<32768xf32, #tpu.memory_space<vmem>>, vector<16xf32>,
        %parallel_loop3A_344 = arith.constant 32 : i32
        %parallel_loop3A_345 = arith.addi %parallel_loop3A_335, %parallel_loop3A_344 : i32
        %parallel_loop3A_346 = arith.index_cast %parallel_loop3A_345 : i32 to index
        %parallel_loop3A_347 = tpu.vector_load %arg5[%parallel_loop3A_346] {strides = array<i32>} : memref<32768xf32, #tpu.memory_space<vmem>>, vector<16xf32>,
        %parallel_loop3A_348 = arith.constant 48 : i32
        %parallel_loop3A_349 = arith.addi %parallel_loop3A_335, %parallel_loop3A_348 : i32
        %parallel_loop3A_350 = arith.index_cast %parallel_loop3A_349 : i32 to index
        %parallel_loop3A_351 = tpu.vector_load %arg5[%parallel_loop3A_350] {strides = array<i32>} : memref<32768xf32, #tpu.memory_space<vmem>>, vector<16xf32>,
        %parallel_loop3A_352 = arith.constant 64 : i32
        %parallel_loop3A_353 = arith.addi %parallel_loop3A_335, %parallel_loop3A_352 : i32
        %parallel_loop3A_354 = arith.index_cast %parallel_loop3A_353 : i32 to index
        %parallel_loop3A_355 = tpu.vector_load %arg5[%parallel_loop3A_354] {strides = array<i32>} : memref<32768xf32, #tpu.memory_space<vmem>>, vector<16xf32>,
        %parallel_loop3A_356 = arith.constant 80 : i32
        %parallel_loop3A_357 = arith.addi %parallel_loop3A_335, %parallel_loop3A_356 : i32
        %parallel_loop3A_358 = arith.index_cast %parallel_loop3A_357 : i32 to index
        %parallel_loop3A_359 = tpu.vector_load %arg5[%parallel_loop3A_358] {strides = array<i32>} : memref<32768xf32, #tpu.memory_space<vmem>>, vector<16xf32>,
        %parallel_loop3A_360 = arith.constant 96 : i32
        %parallel_loop3A_361 = arith.addi %parallel_loop3A_335, %parallel_loop3A_360 : i32
        %parallel_loop3A_362 = arith.index_cast %parallel_loop3A_361 : i32 to index
        %parallel_loop3A_363 = tpu.vector_load %arg5[%parallel_loop3A_362] {strides = array<i32>} : memref<32768xf32, #tpu.memory_space<vmem>>, vector<16xf32>,
        %parallel_loop3A_364 = arith.constant 112 : i32
        %parallel_loop3A_365 = arith.addi %parallel_loop3A_335, %parallel_loop3A_364 : i32
        %parallel_loop3A_366 = arith.index_cast %parallel_loop3A_365 : i32 to index
        %parallel_loop3A_367 = tpu.vector_load %arg5[%parallel_loop3A_366] {strides = array<i32>} : memref<32768xf32, #tpu.memory_space<vmem>>, vector<16xf32>,
        %parallel_loop3A_368 = arith.constant 128 : i32
        %parallel_loop3A_369 = arith.addi %parallel_loop3A_335, %parallel_loop3A_368 : i32
        %parallel_loop3A_370 = arith.index_cast %parallel_loop3A_369 : i32 to index
        %parallel_loop3A_371 = tpu.vector_load %arg5[%parallel_loop3A_370] {strides = array<i32>} : memref<32768xf32, #tpu.memory_space<vmem>>, vector<16xf32>,
        %parallel_loop3A_372 = arith.constant 144 : i32
        %parallel_loop3A_373 = arith.addi %parallel_loop3A_335, %parallel_loop3A_372 : i32
        %parallel_loop3A_374 = arith.index_cast %parallel_loop3A_373 : i32 to index
        %parallel_loop3A_375 = tpu.vector_load %arg5[%parallel_loop3A_374] {strides = array<i32>} : memref<32768xf32, #tpu.memory_space<vmem>>, vector<16xf32>,
        %parallel_loop3A_376 = arith.constant 160 : i32
        %parallel_loop3A_377 = arith.addi %parallel_loop3A_335, %parallel_loop3A_376 : i32
        %parallel_loop3A_378 = arith.index_cast %parallel_loop3A_377 : i32 to index
        %parallel_loop3A_379 = tpu.vector_load %arg5[%parallel_loop3A_378] {strides = array<i32>} : memref<32768xf32, #tpu.memory_space<vmem>>, vector<16xf32>,
        %parallel_loop3A_380 = arith.constant 176 : i32
        %parallel_loop3A_381 = arith.addi %parallel_loop3A_335, %parallel_loop3A_380 : i32
        %parallel_loop3A_382 = arith.index_cast %parallel_loop3A_381 : i32 to index
        %parallel_loop3A_383 = tpu.vector_load %arg5[%parallel_loop3A_382] {strides = array<i32>} : memref<32768xf32, #tpu.memory_space<vmem>>, vector<16xf32>,
        %parallel_loop3A_384 = arith.constant 192 : i32
        %parallel_loop3A_385 = arith.addi %parallel_loop3A_335, %parallel_loop3A_384 : i32
        %parallel_loop3A_386 = arith.index_cast %parallel_loop3A_385 : i32 to index
        %parallel_loop3A_387 = tpu.vector_load %arg5[%parallel_loop3A_386] {strides = array<i32>} : memref<32768xf32, #tpu.memory_space<vmem>>, vector<16xf32>,
        %parallel_loop3A_388 = arith.constant 208 : i32
        %parallel_loop3A_389 = arith.addi %parallel_loop3A_335, %parallel_loop3A_388 : i32
        %parallel_loop3A_390 = arith.index_cast %parallel_loop3A_389 : i32 to index
        %parallel_loop3A_391 = tpu.vector_load %arg5[%parallel_loop3A_390] {strides = array<i32>} : memref<32768xf32, #tpu.memory_space<vmem>>, vector<16xf32>,
        %parallel_loop3A_392 = arith.constant 224 : i32
        %parallel_loop3A_393 = arith.addi %parallel_loop3A_335, %parallel_loop3A_392 : i32
        %parallel_loop3A_394 = arith.index_cast %parallel_loop3A_393 : i32 to index
        %parallel_loop3A_395 = tpu.vector_load %arg5[%parallel_loop3A_394] {strides = array<i32>} : memref<32768xf32, #tpu.memory_space<vmem>>, vector<16xf32>,
        %parallel_loop3A_396 = arith.constant 240 : i32
        %parallel_loop3A_397 = arith.addi %parallel_loop3A_335, %parallel_loop3A_396 : i32
        %parallel_loop3A_398 = arith.index_cast %parallel_loop3A_397 : i32 to index
        %parallel_loop3A_399 = tpu.vector_load %arg5[%parallel_loop3A_398] {strides = array<i32>} : memref<32768xf32, #tpu.memory_space<vmem>>, vector<16xf32>,
        %parallel_loop3A_400 = arith.maximumf %parallel_loop3A_339, %parallel_loop3A_343 : vector<16xf32>
        %parallel_loop3A_401 = arith.maximumf %parallel_loop3A_347, %parallel_loop3A_351 : vector<16xf32>
        %parallel_loop3A_402 = arith.maximumf %parallel_loop3A_355, %parallel_loop3A_359 : vector<16xf32>
        %parallel_loop3A_403 = arith.maximumf %parallel_loop3A_363, %parallel_loop3A_367 : vector<16xf32>
        %parallel_loop3A_404 = arith.maximumf %parallel_loop3A_371, %parallel_loop3A_375 : vector<16xf32>
        %parallel_loop3A_405 = arith.maximumf %parallel_loop3A_379, %parallel_loop3A_383 : vector<16xf32>
        %parallel_loop3A_406 = arith.maximumf %parallel_loop3A_387, %parallel_loop3A_391 : vector<16xf32>
        %parallel_loop3A_407 = arith.maximumf %parallel_loop3A_395, %parallel_loop3A_399 : vector<16xf32>
        %parallel_loop3A_408 = arith.maximumf %parallel_loop3A_400, %parallel_loop3A_401 : vector<16xf32>
        %parallel_loop3A_409 = arith.maximumf %parallel_loop3A_402, %parallel_loop3A_403 : vector<16xf32>
        %parallel_loop3A_410 = arith.maximumf %parallel_loop3A_404, %parallel_loop3A_405 : vector<16xf32>
        %parallel_loop3A_411 = arith.maximumf %parallel_loop3A_406, %parallel_loop3A_407 : vector<16xf32>
        %parallel_loop3A_412 = arith.maximumf %parallel_loop3A_408, %parallel_loop3A_409 : vector<16xf32>
        %parallel_loop3A_413 = arith.maximumf %parallel_loop3A_410, %parallel_loop3A_411 : vector<16xf32>
        %parallel_loop3A_414 = arith.maximumf %parallel_loop3A_412, %parallel_loop3A_413 : vector<16xf32>
        %parallel_loop3A_415 = arith.constant 16 : i32
        %parallel_loop3A_416 = arith.muli %parallel_loop3A_332, %parallel_loop3A_415 : i32
        %parallel_loop3A_417 = arith.index_cast %parallel_loop3A_416 : i32 to index
        %parallel_loop3A_418 = tpu.vector_load %arg7[%parallel_loop3A_417] {strides = array<i32>} : memref<2048xf32, #tpu.memory_space<vmem>>, vector<16xf32>,
        tpu.vector_store %arg7[%parallel_loop3A_417], %parallel_loop3A_414 {strides = array<i32>} : memref<2048xf32, #tpu.memory_space<vmem>>, vector<16xf32>,
        %parallel_loop3A_419 = arith.maximumf %parallel_loop3A_333, %parallel_loop3A_414 : vector<16xf32>
        scf.yield %parallel_loop3A_419 : vector<16xf32>
      } {sc.loop_unroll_factor = 2 : i64, sc.parallel_access}
      %reduce_max3A_202 = arith.constant true
      %reduce_max3A_203 = vector.broadcast %reduce_max3A_202 : i1 to vector<16xi1>
      %reduce_max3A_204 = tpu.scan <max>, %parallel_loop3A_201 masked %reduce_max3A_203 : vector<16xf32>, vector<16xi1> -> vector<16xf32>
      %reduce_max3A_205 = vector.extract %reduce_max3A_204[15] : f32 from vector<16xf32>
      %sub3A_206 = arith.constant 1.000000e+00 : f32
      %sub3A_207 = arith.subf %reduce_max3A_205, %sub3A_206 : f32
      %broadcast_in_dim3A_208 = vector.broadcast %sub3A_207 : f32 to vector<16xf32>
      %scan3A_209 = arith.constant 0 : i32
      %scan3A_210 = arith.constant 0 : i32
      %scan3A_211 = arith.constant 32 : i32
      %scan3A_212 = arith.addi %scan3A_210, %scan3A_211 : i32
      %scan3A_213 = arith.constant 1 : i32
      %scan3A_214 = scf.for %scan3A_332 = %scan3A_210 to %scan3A_212 step %scan3A_213 iter_args(%scan3A_333 = %scan3A_209) -> (i32)  : i32 {
        %mul3A_334 = arith.constant 4 : i32
        %mul3A_335 = arith.muli %scan3A_332, %mul3A_334 : i32
        %add3A_336 = arith.constant 0 : i32
        %add3A_337 = arith.addi %mul3A_335, %add3A_336 : i32
        %mul3A_338 = arith.constant 16 : i32
        %mul3A_339 = arith.muli %add3A_337, %mul3A_338 : i32
        %get3A = arith.index_cast %mul3A_339 : i32 to index
        %get3A_340 = tpu.vector_load %arg7[%get3A] {strides = array<i32>} : memref<2048xf32, #tpu.memory_space<vmem>>, vector<16xf32>,
        %gt3A = arith.cmpf ogt, %get3A_340, %broadcast_in_dim3A_208 : vector<16xf32>
        %iota3A = tpu.iota {dimensions = array<i32: 0>} : vector<16xi32>
        %mul3A_341 = arith.constant 16 : i32
        %mul3A_342 = arith.muli %add3A_337, %mul3A_341 : i32
        %add3A_343 = vector.broadcast %mul3A_342 : i32 to vector<16xi32>
        %add3A_344 = arith.addi %iota3A, %add3A_343 : vector<16xi32>
        %swap3A_345 = arith.index_cast %scan3A_333 : i32 to index
        %swap3A_346 = tpu.vector_load %arg8[%swap3A_345] masked %gt3A {strides = array<i32>} : memref<2064xi32, #tpu.memory_space<vmem>>, vector<16xi32>, vector<16xi1>
        tpu.vector_store %arg8[%swap3A_345], %add3A_344 masked %gt3A {strides = array<i32>} : memref<2064xi32, #tpu.memory_space<vmem>>, vector<16xi32>, vector<16xi1>
        %all_reduce_population_count3A = tpu.all_reduce %gt3A {dim = 0 : i64, kind = #tpu.reduction_kind<sum>} : vector<16xi1> -> vector<16xi32>
        %slice3A = vector.extract_strided_slice %all_reduce_population_count3A {offsets = [0], sizes = [1], strides = [1]} : vector<16xi32> to vector<1xi32>
        %squeeze3A = vector.extract %slice3A[0] : i32 from vector<1xi32>
        %add3A_347 = arith.addi %scan3A_333, %squeeze3A : i32
        %mul3A_348 = arith.constant 4 : i32
        %mul3A_349 = arith.muli %scan3A_332, %mul3A_348 : i32
        %add3A_350 = arith.constant 1 : i32
        %add3A_351 = arith.addi %mul3A_349, %add3A_350 : i32
        %mul3A_352 = arith.constant 16 : i32
        %mul3A_353 = arith.muli %add3A_351, %mul3A_352 : i32
        %get3A_354 = arith.index_cast %mul3A_353 : i32 to index
        %get3A_355 = tpu.vector_load %arg7[%get3A_354] {strides = array<i32>} : memref<2048xf32, #tpu.memory_space<vmem>>, vector<16xf32>,
        %gt3A_356 = arith.cmpf ogt, %get3A_355, %broadcast_in_dim3A_208 : vector<16xf32>
        %iota3A_357 = tpu.iota {dimensions = array<i32: 0>} : vector<16xi32>
        %mul3A_358 = arith.constant 16 : i32
        %mul3A_359 = arith.muli %add3A_351, %mul3A_358 : i32
        %add3A_360 = vector.broadcast %mul3A_359 : i32 to vector<16xi32>
        %add3A_361 = arith.addi %iota3A_357, %add3A_360 : vector<16xi32>
        %swap3A_362 = arith.index_cast %add3A_347 : i32 to index
        %swap3A_363 = tpu.vector_load %arg8[%swap3A_362] masked %gt3A_356 {strides = array<i32>} : memref<2064xi32, #tpu.memory_space<vmem>>, vector<16xi32>, vector<16xi1>
        tpu.vector_store %arg8[%swap3A_362], %add3A_361 masked %gt3A_356 {strides = array<i32>} : memref<2064xi32, #tpu.memory_space<vmem>>, vector<16xi32>, vector<16xi1>
        %all_reduce_population_count3A_364 = tpu.all_reduce %gt3A_356 {dim = 0 : i64, kind = #tpu.reduction_kind<sum>} : vector<16xi1> -> vector<16xi32>
        %slice3A_365 = vector.extract_strided_slice %all_reduce_population_count3A_364 {offsets = [0], sizes = [1], strides = [1]} : vector<16xi32> to vector<1xi32>
        %squeeze3A_366 = vector.extract %slice3A_365[0] : i32 from vector<1xi32>
        %add3A_367 = arith.addi %add3A_347, %squeeze3A_366 : i32
        %mul3A_368 = arith.constant 4 : i32
        %mul3A_369 = arith.muli %scan3A_332, %mul3A_368 : i32
        %add3A_370 = arith.constant 2 : i32
        %add3A_371 = arith.addi %mul3A_369, %add3A_370 : i32
        %mul3A_372 = arith.constant 16 : i32
        %mul3A_373 = arith.muli %add3A_371, %mul3A_372 : i32
        %get3A_374 = arith.index_cast %mul3A_373 : i32 to index
        %get3A_375 = tpu.vector_load %arg7[%get3A_374] {strides = array<i32>} : memref<2048xf32, #tpu.memory_space<vmem>>, vector<16xf32>,
        %gt3A_376 = arith.cmpf ogt, %get3A_375, %broadcast_in_dim3A_208 : vector<16xf32>
        %iota3A_377 = tpu.iota {dimensions = array<i32: 0>} : vector<16xi32>
        %mul3A_378 = arith.constant 16 : i32
        %mul3A_379 = arith.muli %add3A_371, %mul3A_378 : i32
        %add3A_380 = vector.broadcast %mul3A_379 : i32 to vector<16xi32>
        %add3A_381 = arith.addi %iota3A_377, %add3A_380 : vector<16xi32>
        %swap3A_382 = arith.index_cast %add3A_367 : i32 to index
        %swap3A_383 = tpu.vector_load %arg8[%swap3A_382] masked %gt3A_376 {strides = array<i32>} : memref<2064xi32, #tpu.memory_space<vmem>>, vector<16xi32>, vector<16xi1>
        tpu.vector_store %arg8[%swap3A_382], %add3A_381 masked %gt3A_376 {strides = array<i32>} : memref<2064xi32, #tpu.memory_space<vmem>>, vector<16xi32>, vector<16xi1>
        %all_reduce_population_count3A_384 = tpu.all_reduce %gt3A_376 {dim = 0 : i64, kind = #tpu.reduction_kind<sum>} : vector<16xi1> -> vector<16xi32>
        %slice3A_385 = vector.extract_strided_slice %all_reduce_population_count3A_384 {offsets = [0], sizes = [1], strides = [1]} : vector<16xi32> to vector<1xi32>
        %squeeze3A_386 = vector.extract %slice3A_385[0] : i32 from vector<1xi32>
        %add3A_387 = arith.addi %add3A_367, %squeeze3A_386 : i32
        %mul3A_388 = arith.constant 4 : i32
        %mul3A_389 = arith.muli %scan3A_332, %mul3A_388 : i32
        %add3A_390 = arith.constant 3 : i32
        %add3A_391 = arith.addi %mul3A_389, %add3A_390 : i32
        %mul3A_392 = arith.constant 16 : i32
        %mul3A_393 = arith.muli %add3A_391, %mul3A_392 : i32
        %get3A_394 = arith.index_cast %mul3A_393 : i32 to index
        %get3A_395 = tpu.vector_load %arg7[%get3A_394] {strides = array<i32>} : memref<2048xf32, #tpu.memory_space<vmem>>, vector<16xf32>,
        %gt3A_396 = arith.cmpf ogt, %get3A_395, %broadcast_in_dim3A_208 : vector<16xf32>
        %iota3A_397 = tpu.iota {dimensions = array<i32: 0>} : vector<16xi32>
        %mul3A_398 = arith.constant 16 : i32
        %mul3A_399 = arith.muli %add3A_391, %mul3A_398 : i32
        %add3A_400 = vector.broadcast %mul3A_399 : i32 to vector<16xi32>
        %add3A_401 = arith.addi %iota3A_397, %add3A_400 : vector<16xi32>
        %swap3A_402 = arith.index_cast %add3A_387 : i32 to index
        %swap3A_403 = tpu.vector_load %arg8[%swap3A_402] masked %gt3A_396 {strides = array<i32>} : memref<2064xi32, #tpu.memory_space<vmem>>, vector<16xi32>, vector<16xi1>
        tpu.vector_store %arg8[%swap3A_402], %add3A_401 masked %gt3A_396 {strides = array<i32>} : memref<2064xi32, #tpu.memory_space<vmem>>, vector<16xi32>, vector<16xi1>
        %all_reduce_population_count3A_404 = tpu.all_reduce %gt3A_396 {dim = 0 : i64, kind = #tpu.reduction_kind<sum>} : vector<16xi1> -> vector<16xi32>
        %slice3A_405 = vector.extract_strided_slice %all_reduce_population_count3A_404 {offsets = [0], sizes = [1], strides = [1]} : vector<16xi32> to vector<1xi32>
        %squeeze3A_406 = vector.extract %slice3A_405[0] : i32 from vector<1xi32>
        %add3A_407 = arith.addi %add3A_387, %squeeze3A_406 : i32
        scf.yield %add3A_407 : i32
      }
      %scan3A_215 = arith.constant 32 : i32
      %broadcast_in_dim3A_216 = arith.constant 0 : i32
      %broadcast_in_dim3A_217 = vector.broadcast %broadcast_in_dim3A_216 : i32 to vector<16xi32>
      %swap3A_218 = arith.index_cast %scan3A_214 : i32 to index
      %swap3A_219 = tpu.vector_load %arg8[%swap3A_218] {strides = array<i32>} : memref<2064xi32, #tpu.memory_space<vmem>>, vector<16xi32>,
      tpu.vector_store %arg8[%swap3A_218], %broadcast_in_dim3A_217 {strides = array<i32>} : memref<2064xi32, #tpu.memory_space<vmem>>, vector<16xi32>,
      %sub3A_220 = arith.constant 1 : i32
      %sub3A_221 = arith.subi %add3A_183, %sub3A_220 : i32
      %while3A_222 = arith.constant 0 : i32
      %while3A_223 = arith.constant 0 : i32
      %while3A_224 = arith.subi %while3A_178#1, %while3A_223 : i32
      %while3A_225 = arith.addi %while3A_223, %while3A_224 : i32
      %while3A_226 = arith.constant 1 : i32
      %while3A_227 = arith.divsi %while3A_224, %while3A_226 : i32
      %while3A_228 = arith.muli %while3A_227, %while3A_226 : i32
      %while3A_229 = arith.addi %while3A_223, %while3A_228 : i32
      %while3A_230 = arith.constant 1 : i32
      scf.for %while3A_332 = %while3A_223 to %while3A_229 step %while3A_230  : i32 {
        %dma_wait3A_333 = arith.constant 0 : i32
        %dma_wait3A_334 = tpu.memref_slice %arg4[%dma_wait3A_333] : memref<32768xf32, #tpu.memory_space<vmem>> -> memref<256xf32, #tpu.memory_space<vmem>>
        %dma_wait3A_335 = arith.constant 0 : i32
        %dma_wait3A_336 = tpu.memref_slice %arg3[%sub3A_221, %dma_wait3A_335] : memref<1024x32768xf32, #tpu.memory_space<hbm>> -> memref<1x32768xf32, #tpu.memory_space<hbm>>
        %dma_wait3A_337 = tpu.memref_squeeze %dma_wait3A_336 : memref<1x32768xf32, #tpu.memory_space<hbm>> -> memref<32768xf32, #tpu.memory_space<hbm>>
        %dma_wait3A_338 = arith.constant 0 : i32
        %dma_wait3A_339 = tpu.memref_slice %dma_wait3A_337[%dma_wait3A_338] : memref<32768xf32, #tpu.memory_space<hbm>> -> memref<256xf32, #tpu.memory_space<hbm>>
        %dma_wait3A_340 = arith.constant 0 : i32
        %dma_wait3A_341 = tpu.memref_slice %arg3[%sub3A_221, %dma_wait3A_340] : memref<1024x32768xf32, #tpu.memory_space<hbm>> -> memref<1x32768xf32, #tpu.memory_space<hbm>>
        %dma_wait3A_342 = tpu.memref_squeeze %dma_wait3A_341 : memref<1x32768xf32, #tpu.memory_space<hbm>> -> memref<32768xf32, #tpu.memory_space<hbm>>
        %dma_wait3A_343 = arith.constant 0 : i32
        %dma_wait3A_344 = tpu.memref_slice %dma_wait3A_342[%dma_wait3A_343] : memref<32768xf32, #tpu.memory_space<hbm>> -> memref<256xf32, #tpu.memory_space<hbm>>
        %dma_wait3A_345 = arith.constant 0 : i32
        %dma_wait3A_346 = tpu.memref_slice %arg4[%dma_wait3A_345] : memref<32768xf32, #tpu.memory_space<vmem>> -> memref<256xf32, #tpu.memory_space<vmem>>
        tpu.wait_dma2 semaphore(%arg13 : memref<!tpu.dma_semaphore, #tpu.memory_space<semaphore_mem>>) src(%dma_wait3A_346 : memref<256xf32, #tpu.memory_space<vmem>>) dst(%dma_wait3A_344 : memref<256xf32, #tpu.memory_space<hbm>>)
      }
      %while3A_231 = arith.constant 1 : i32
      scf.for %while3A_332 = %while3A_229 to %while3A_225 step %while3A_231  : i32 {
        %dma_wait3A_333 = arith.constant 0 : i32
        %dma_wait3A_334 = tpu.memref_slice %arg4[%dma_wait3A_333] : memref<32768xf32, #tpu.memory_space<vmem>> -> memref<256xf32, #tpu.memory_space<vmem>>
        %dma_wait3A_335 = arith.constant 0 : i32
        %dma_wait3A_336 = tpu.memref_slice %arg3[%sub3A_221, %dma_wait3A_335] : memref<1024x32768xf32, #tpu.memory_space<hbm>> -> memref<1x32768xf32, #tpu.memory_space<hbm>>
        %dma_wait3A_337 = tpu.memref_squeeze %dma_wait3A_336 : memref<1x32768xf32, #tpu.memory_space<hbm>> -> memref<32768xf32, #tpu.memory_space<hbm>>
        %dma_wait3A_338 = arith.constant 0 : i32
        %dma_wait3A_339 = tpu.memref_slice %dma_wait3A_337[%dma_wait3A_338] : memref<32768xf32, #tpu.memory_space<hbm>> -> memref<256xf32, #tpu.memory_space<hbm>>
        %dma_wait3A_340 = arith.constant 0 : i32
        %dma_wait3A_341 = tpu.memref_slice %arg3[%sub3A_221, %dma_wait3A_340] : memref<1024x32768xf32, #tpu.memory_space<hbm>> -> memref<1x32768xf32, #tpu.memory_space<hbm>>
        %dma_wait3A_342 = tpu.memref_squeeze %dma_wait3A_341 : memref<1x32768xf32, #tpu.memory_space<hbm>> -> memref<32768xf32, #tpu.memory_space<hbm>>
        %dma_wait3A_343 = arith.constant 0 : i32
        %dma_wait3A_344 = tpu.memref_slice %dma_wait3A_342[%dma_wait3A_343] : memref<32768xf32, #tpu.memory_space<hbm>> -> memref<256xf32, #tpu.memory_space<hbm>>
        %dma_wait3A_345 = arith.constant 0 : i32
        %dma_wait3A_346 = tpu.memref_slice %arg4[%dma_wait3A_345] : memref<32768xf32, #tpu.memory_space<vmem>> -> memref<256xf32, #tpu.memory_space<vmem>>
        tpu.wait_dma2 semaphore(%arg13 : memref<!tpu.dma_semaphore, #tpu.memory_space<semaphore_mem>>) src(%dma_wait3A_346 : memref<256xf32, #tpu.memory_space<vmem>>) dst(%dma_wait3A_344 : memref<256xf32, #tpu.memory_space<hbm>>)
      }
      %lt3A = arith.constant 15 : i32
      %lt3A_232 = arith.cmpi slt, %scan3A_34, %lt3A : i32
      %convert_element_type3A_233 = arith.extui %lt3A_232 : i1 to i32
      %cond3A_234 = arith.constant 0 : i32
      %cond3A_235 = arith.cmpi ne, %convert_element_type3A_233, %cond3A_234 : i32
      scf.if %cond3A_235 {
        %add3A_332 = arith.constant 1 : i32
        %add3A_333 = arith.addi %add3A_183, %add3A_332 : i32
        %dma_start3A_334 = arith.constant 0 : i32
        %dma_start3A_335 = tpu.memref_slice %arg2[%add3A_333, %dma_start3A_334] : memref<1024x32768xf32, #tpu.memory_space<hbm>> -> memref<1x32768xf32, #tpu.memory_space<hbm>>
        %dma_start3A_336 = tpu.memref_squeeze %dma_start3A_335 : memref<1x32768xf32, #tpu.memory_space<hbm>> -> memref<32768xf32, #tpu.memory_space<hbm>>
        %dma_start3A_337 = arith.constant 0 : i32
        %dma_start3A_338 = tpu.memref_slice %arg2[%add3A_333, %dma_start3A_337] : memref<1024x32768xf32, #tpu.memory_space<hbm>> -> memref<1x32768xf32, #tpu.memory_space<hbm>>
        %dma_start3A_339 = tpu.memref_squeeze %dma_start3A_338 : memref<1x32768xf32, #tpu.memory_space<hbm>> -> memref<32768xf32, #tpu.memory_space<hbm>>
        tpu.enqueue_dma source(%dma_start3A_339 : memref<32768xf32, #tpu.memory_space<hbm>>) target(%arg4 : memref<32768xf32, #tpu.memory_space<vmem>>) target_semaphore(%arg10 : memref<!tpu.dma_semaphore, #tpu.memory_space<semaphore_mem>>)
      } else {
      }
      %sub3A_236 = arith.constant 1.000000e+00 : f32
      %sub3A_237 = arith.subf %reduce_max3A_205, %sub3A_236 : f32
      %broadcast_in_dim3A_238 = vector.broadcast %sub3A_237 : f32 to vector<16xf32>
      %add3A_239 = arith.constant 15 : i32
      %add3A_240 = arith.addi %scan3A_214, %add3A_239 : i32
      %jit3A_241 = arith.constant 16 : i32
      %div3A_242 = arith.divsi %add3A_240, %jit3A_241 : i32
      %sign3A_243 = arith.constant 0 : i32
      %sign3A_244 = arith.cmpi sgt, %add3A_240, %sign3A_243 : i32
      %sign3A_245 = arith.extui %sign3A_244 : i1 to i32
      %sign3A_246 = arith.constant 0 : i32
      %sign3A_247 = arith.cmpi slt, %add3A_240, %sign3A_246 : i32
      %sign3A_248 = arith.extui %sign3A_247 : i1 to i32
      %sign3A_249 = arith.subi %sign3A_245, %sign3A_248 : i32
      %sign3A_250 = arith.constant 0 : i32
      %sign3A_251 = arith.cmpi sgt, %jit3A_241, %sign3A_250 : i32
      %sign3A_252 = arith.extui %sign3A_251 : i1 to i32
      %sign3A_253 = arith.constant 0 : i32
      %sign3A_254 = arith.cmpi slt, %jit3A_241, %sign3A_253 : i32
      %sign3A_255 = arith.extui %sign3A_254 : i1 to i32
      %sign3A_256 = arith.subi %sign3A_252, %sign3A_255 : i32
      %ne3A_257 = arith.cmpi ne, %sign3A_249, %sign3A_256 : i32
      %rem3A_258 = arith.remsi %add3A_240, %jit3A_241 : i32
      %ne3A_259 = arith.constant 0 : i32
      %ne3A_260 = arith.cmpi ne, %rem3A_258, %ne3A_259 : i32
      %and3A_261 = arith.andi %ne3A_257, %ne3A_260 : i1
      %sub3A_262 = arith.constant 1 : i32
      %sub3A_263 = arith.subi %div3A_242, %sub3A_262 : i32
      %select_n3A_264 = arith.select %and3A_261, %sub3A_263, %div3A_242 : i32
      %while3A_265 = arith.constant 0 : i32
      %while3A_266 = arith.constant 0 : i32
      %while3A_267 = arith.constant 0 : i32
      %while3A_268 = arith.subi %select_n3A_264, %while3A_265 : i32
      %while3A_269 = arith.addi %while3A_265, %while3A_268 : i32
      %while3A_270 = arith.constant 1 : i32
      %while3A_271 = arith.divsi %while3A_268, %while3A_270 : i32
      %while3A_272 = arith.muli %while3A_271, %while3A_270 : i32
      %while3A_273 = arith.addi %while3A_265, %while3A_272 : i32
      %while3A_274 = arith.constant 1 : i32
      %while3A_275:2 = scf.for %while3A_332 = %while3A_265 to %while3A_273 step %while3A_274 iter_args(%while3A_333 = %while3A_266, %while3A_334 = %while3A_267) -> (i32, i32)  : i32 {
        %mul3A_335 = arith.constant 16 : i32
        %mul3A_336 = arith.muli %while3A_332, %mul3A_335 : i32
        %get3A = arith.index_cast %mul3A_336 : i32 to index
        %get3A_337 = tpu.vector_load %arg8[%get3A] {strides = array<i32>} : memref<2064xi32, #tpu.memory_space<vmem>>, vector<16xi32>,
        %iota3A = tpu.iota {dimensions = array<i32: 0>} : vector<16xi32>
        %mul3A_338 = arith.constant 16 : i32
        %mul3A_339 = arith.muli %while3A_332, %mul3A_338 : i32
        %add3A_340 = vector.broadcast %mul3A_339 : i32 to vector<16xi32>
        %add3A_341 = arith.addi %iota3A, %add3A_340 : vector<16xi32>
        %lt3A_342 = vector.broadcast %scan3A_214 : i32 to vector<16xi32>
        %lt3A_343 = arith.cmpi slt, %add3A_341, %lt3A_342 : vector<16xi32>
        %shift_right_arithmetic3A = arith.constant 4 : i32
        %shift_right_arithmetic3A_344 = vector.broadcast %shift_right_arithmetic3A : i32 to vector<16xi32>
        %shift_right_arithmetic3A_345 = arith.shrsi %get3A_337, %shift_right_arithmetic3A_344 : vector<16xi32>
        %mul3A_346 = arith.constant 256 : i32
        %mul3A_347 = vector.broadcast %mul3A_346 : i32 to vector<16xi32>
        %mul3A_348 = arith.muli %shift_right_arithmetic3A_345, %mul3A_347 : vector<16xi32>
        %and3A_349 = arith.constant 15 : i32
        %and3A_350 = vector.broadcast %and3A_349 : i32 to vector<16xi32>
        %and3A_351 = arith.andi %get3A_337, %and3A_350 : vector<16xi32>
        %add3A_352 = arith.addi %mul3A_348, %and3A_351 : vector<16xi32>
        %add3A_353 = arith.constant 0 : i32
        %add3A_354 = vector.broadcast %add3A_353 : i32 to vector<16xi32>
        %add3A_355 = arith.addi %add3A_352, %add3A_354 : vector<16xi32>
        %gather3A = tpu.vector_load_idx %arg5[%add3A_355] : memref<32768xf32, #tpu.memory_space<vmem>>[vector<16xi32>], vector<16xf32>,
        %gt3A = arith.cmpf ogt, %gather3A, %broadcast_in_dim3A_238 : vector<16xf32>
        %and3A_356 = arith.andi %gt3A, %lt3A_343 : vector<16xi1>
        %le3A = arith.constant 4080 : i32
        %le3A_357 = arith.cmpi sle, %while3A_333, %le3A : i32
        %broadcast_in_dim3A_358 = vector.broadcast %le3A_357 : i1 to vector<16xi1>
        %and3A_359 = arith.andi %and3A_356, %broadcast_in_dim3A_358 : vector<16xi1>
        %swap3A_360 = arith.index_cast %while3A_333 : i32 to index
        %swap3A_361 = tpu.vector_load %arg6[%swap3A_360] masked %and3A_359 {strides = array<i32>} : memref<4112xf32, #tpu.memory_space<vmem>>, vector<16xf32>, vector<16xi1>
        tpu.vector_store %arg6[%swap3A_360], %gather3A masked %and3A_359 {strides = array<i32>} : memref<4112xf32, #tpu.memory_space<vmem>>, vector<16xf32>, vector<16xi1>
        %all_reduce_population_count3A = tpu.all_reduce %and3A_359 {dim = 0 : i64, kind = #tpu.reduction_kind<sum>} : vector<16xi1> -> vector<16xi32>
        %slice3A = vector.extract_strided_slice %all_reduce_population_count3A {offsets = [0], sizes = [1], strides = [1]} : vector<16xi32> to vector<1xi32>
        %squeeze3A = vector.extract %slice3A[0] : i32 from vector<1xi32>
        %add3A_362 = arith.addi %while3A_333, %squeeze3A : i32
        %all_reduce_population_count3A_363 = tpu.all_reduce %and3A_356 {dim = 0 : i64, kind = #tpu.reduction_kind<sum>} : vector<16xi1> -> vector<16xi32>
        %slice3A_364 = vector.extract_strided_slice %all_reduce_population_count3A_363 {offsets = [0], sizes = [1], strides = [1]} : vector<16xi32> to vector<1xi32>
        %squeeze3A_365 = vector.extract %slice3A_364[0] : i32 from vector<1xi32>
        %add3A_366 = arith.addi %while3A_334, %squeeze3A_365 : i32
        %add3A_367 = arith.constant 16 : i32
        %add3A_368 = vector.broadcast %add3A_367 : i32 to vector<16xi32>
        %add3A_369 = arith.addi %add3A_352, %add3A_368 : vector<16xi32>
        %gather3A_370 = tpu.vector_load_idx %arg5[%add3A_369] : memref<32768xf32, #tpu.memory_space<vmem>>[vector<16xi32>], vector<16xf32>,
        %gt3A_371 = arith.cmpf ogt, %gather3A_370, %broadcast_in_dim3A_238 : vector<16xf32>
        %and3A_372 = arith.andi %gt3A_371, %lt3A_343 : vector<16xi1>
        %le3A_373 = arith.constant 4080 : i32
        %le3A_374 = arith.cmpi sle, %add3A_362, %le3A_373 : i32
        %broadcast_in_dim3A_375 = vector.broadcast %le3A_374 : i1 to vector<16xi1>
        %and3A_376 = arith.andi %and3A_372, %broadcast_in_dim3A_375 : vector<16xi1>
        %swap3A_377 = arith.index_cast %add3A_362 : i32 to index
        %swap3A_378 = tpu.vector_load %arg6[%swap3A_377] masked %and3A_376 {strides = array<i32>} : memref<4112xf32, #tpu.memory_space<vmem>>, vector<16xf32>, vector<16xi1>
        tpu.vector_store %arg6[%swap3A_377], %gather3A_370 masked %and3A_376 {strides = array<i32>} : memref<4112xf32, #tpu.memory_space<vmem>>, vector<16xf32>, vector<16xi1>
        %all_reduce_population_count3A_379 = tpu.all_reduce %and3A_376 {dim = 0 : i64, kind = #tpu.reduction_kind<sum>} : vector<16xi1> -> vector<16xi32>
        %slice3A_380 = vector.extract_strided_slice %all_reduce_population_count3A_379 {offsets = [0], sizes = [1], strides = [1]} : vector<16xi32> to vector<1xi32>
        %squeeze3A_381 = vector.extract %slice3A_380[0] : i32 from vector<1xi32>
        %add3A_382 = arith.addi %add3A_362, %squeeze3A_381 : i32
        %all_reduce_population_count3A_383 = tpu.all_reduce %and3A_372 {dim = 0 : i64, kind = #tpu.reduction_kind<sum>} : vector<16xi1> -> vector<16xi32>
        %slice3A_384 = vector.extract_strided_slice %all_reduce_population_count3A_383 {offsets = [0], sizes = [1], strides = [1]} : vector<16xi32> to vector<1xi32>
        %squeeze3A_385 = vector.extract %slice3A_384[0] : i32 from vector<1xi32>
        %add3A_386 = arith.addi %add3A_366, %squeeze3A_385 : i32
        %add3A_387 = arith.constant 32 : i32
        %add3A_388 = vector.broadcast %add3A_387 : i32 to vector<16xi32>
        %add3A_389 = arith.addi %add3A_352, %add3A_388 : vector<16xi32>
        %gather3A_390 = tpu.vector_load_idx %arg5[%add3A_389] : memref<32768xf32, #tpu.memory_space<vmem>>[vector<16xi32>], vector<16xf32>,
        %gt3A_391 = arith.cmpf ogt, %gather3A_390, %broadcast_in_dim3A_238 : vector<16xf32>
        %and3A_392 = arith.andi %gt3A_391, %lt3A_343 : vector<16xi1>
        %le3A_393 = arith.constant 4080 : i32
        %le3A_394 = arith.cmpi sle, %add3A_382, %le3A_393 : i32
        %broadcast_in_dim3A_395 = vector.broadcast %le3A_394 : i1 to vector<16xi1>
        %and3A_396 = arith.andi %and3A_392, %broadcast_in_dim3A_395 : vector<16xi1>
        %swap3A_397 = arith.index_cast %add3A_382 : i32 to index
        %swap3A_398 = tpu.vector_load %arg6[%swap3A_397] masked %and3A_396 {strides = array<i32>} : memref<4112xf32, #tpu.memory_space<vmem>>, vector<16xf32>, vector<16xi1>
        tpu.vector_store %arg6[%swap3A_397], %gather3A_390 masked %and3A_396 {strides = array<i32>} : memref<4112xf32, #tpu.memory_space<vmem>>, vector<16xf32>, vector<16xi1>
        %all_reduce_population_count3A_399 = tpu.all_reduce %and3A_396 {dim = 0 : i64, kind = #tpu.reduction_kind<sum>} : vector<16xi1> -> vector<16xi32>
        %slice3A_400 = vector.extract_strided_slice %all_reduce_population_count3A_399 {offsets = [0], sizes = [1], strides = [1]} : vector<16xi32> to vector<1xi32>
        %squeeze3A_401 = vector.extract %slice3A_400[0] : i32 from vector<1xi32>
        %add3A_402 = arith.addi %add3A_382, %squeeze3A_401 : i32
        %all_reduce_population_count3A_403 = tpu.all_reduce %and3A_392 {dim = 0 : i64, kind = #tpu.reduction_kind<sum>} : vector<16xi1> -> vector<16xi32>
        %slice3A_404 = vector.extract_strided_slice %all_reduce_population_count3A_403 {offsets = [0], sizes = [1], strides = [1]} : vector<16xi32> to vector<1xi32>
        %squeeze3A_405 = vector.extract %slice3A_404[0] : i32 from vector<1xi32>
        %add3A_406 = arith.addi %add3A_386, %squeeze3A_405 : i32
        %add3A_407 = arith.constant 48 : i32
        %add3A_408 = vector.broadcast %add3A_407 : i32 to vector<16xi32>
        %add3A_409 = arith.addi %add3A_352, %add3A_408 : vector<16xi32>
        %gather3A_410 = tpu.vector_load_idx %arg5[%add3A_409] : memref<32768xf32, #tpu.memory_space<vmem>>[vector<16xi32>], vector<16xf32>,
        %gt3A_411 = arith.cmpf ogt, %gather3A_410, %broadcast_in_dim3A_238 : vector<16xf32>
        %and3A_412 = arith.andi %gt3A_411, %lt3A_343 : vector<16xi1>
        %le3A_413 = arith.constant 4080 : i32
        %le3A_414 = arith.cmpi sle, %add3A_402, %le3A_413 : i32
        %broadcast_in_dim3A_415 = vector.broadcast %le3A_414 : i1 to vector<16xi1>
        %and3A_416 = arith.andi %and3A_412, %broadcast_in_dim3A_415 : vector<16xi1>
        %swap3A_417 = arith.index_cast %add3A_402 : i32 to index
        %swap3A_418 = tpu.vector_load %arg6[%swap3A_417] masked %and3A_416 {strides = array<i32>} : memref<4112xf32, #tpu.memory_space<vmem>>, vector<16xf32>, vector<16xi1>
        tpu.vector_store %arg6[%swap3A_417], %gather3A_410 masked %and3A_416 {strides = array<i32>} : memref<4112xf32, #tpu.memory_space<vmem>>, vector<16xf32>, vector<16xi1>
        %all_reduce_population_count3A_419 = tpu.all_reduce %and3A_416 {dim = 0 : i64, kind = #tpu.reduction_kind<sum>} : vector<16xi1> -> vector<16xi32>
        %slice3A_420 = vector.extract_strided_slice %all_reduce_population_count3A_419 {offsets = [0], sizes = [1], strides = [1]} : vector<16xi32> to vector<1xi32>
        %squeeze3A_421 = vector.extract %slice3A_420[0] : i32 from vector<1xi32>
        %add3A_422 = arith.addi %add3A_402, %squeeze3A_421 : i32
        %all_reduce_population_count3A_423 = tpu.all_reduce %and3A_412 {dim = 0 : i64, kind = #tpu.reduction_kind<sum>} : vector<16xi1> -> vector<16xi32>
        %slice3A_424 = vector.extract_strided_slice %all_reduce_population_count3A_423 {offsets = [0], sizes = [1], strides = [1]} : vector<16xi32> to vector<1xi32>
        %squeeze3A_425 = vector.extract %slice3A_424[0] : i32 from vector<1xi32>
        %add3A_426 = arith.addi %add3A_406, %squeeze3A_425 : i32
        %add3A_427 = arith.constant 64 : i32
        %add3A_428 = vector.broadcast %add3A_427 : i32 to vector<16xi32>
        %add3A_429 = arith.addi %add3A_352, %add3A_428 : vector<16xi32>
        %gather3A_430 = tpu.vector_load_idx %arg5[%add3A_429] : memref<32768xf32, #tpu.memory_space<vmem>>[vector<16xi32>], vector<16xf32>,
        %gt3A_431 = arith.cmpf ogt, %gather3A_430, %broadcast_in_dim3A_238 : vector<16xf32>
        %and3A_432 = arith.andi %gt3A_431, %lt3A_343 : vector<16xi1>
        %le3A_433 = arith.constant 4080 : i32
        %le3A_434 = arith.cmpi sle, %add3A_422, %le3A_433 : i32
        %broadcast_in_dim3A_435 = vector.broadcast %le3A_434 : i1 to vector<16xi1>
        %and3A_436 = arith.andi %and3A_432, %broadcast_in_dim3A_435 : vector<16xi1>
        %swap3A_437 = arith.index_cast %add3A_422 : i32 to index
        %swap3A_438 = tpu.vector_load %arg6[%swap3A_437] masked %and3A_436 {strides = array<i32>} : memref<4112xf32, #tpu.memory_space<vmem>>, vector<16xf32>, vector<16xi1>
        tpu.vector_store %arg6[%swap3A_437], %gather3A_430 masked %and3A_436 {strides = array<i32>} : memref<4112xf32, #tpu.memory_space<vmem>>, vector<16xf32>, vector<16xi1>
        %all_reduce_population_count3A_439 = tpu.all_reduce %and3A_436 {dim = 0 : i64, kind = #tpu.reduction_kind<sum>} : vector<16xi1> -> vector<16xi32>
        %slice3A_440 = vector.extract_strided_slice %all_reduce_population_count3A_439 {offsets = [0], sizes = [1], strides = [1]} : vector<16xi32> to vector<1xi32>
        %squeeze3A_441 = vector.extract %slice3A_440[0] : i32 from vector<1xi32>
        %add3A_442 = arith.addi %add3A_422, %squeeze3A_441 : i32
        %all_reduce_population_count3A_443 = tpu.all_reduce %and3A_432 {dim = 0 : i64, kind = #tpu.reduction_kind<sum>} : vector<16xi1> -> vector<16xi32>
        %slice3A_444 = vector.extract_strided_slice %all_reduce_population_count3A_443 {offsets = [0], sizes = [1], strides = [1]} : vector<16xi32> to vector<1xi32>
        %squeeze3A_445 = vector.extract %slice3A_444[0] : i32 from vector<1xi32>
        %add3A_446 = arith.addi %add3A_426, %squeeze3A_445 : i32
        %add3A_447 = arith.constant 80 : i32
        %add3A_448 = vector.broadcast %add3A_447 : i32 to vector<16xi32>
        %add3A_449 = arith.addi %add3A_352, %add3A_448 : vector<16xi32>
        %gather3A_450 = tpu.vector_load_idx %arg5[%add3A_449] : memref<32768xf32, #tpu.memory_space<vmem>>[vector<16xi32>], vector<16xf32>,
        %gt3A_451 = arith.cmpf ogt, %gather3A_450, %broadcast_in_dim3A_238 : vector<16xf32>
        %and3A_452 = arith.andi %gt3A_451, %lt3A_343 : vector<16xi1>
        %le3A_453 = arith.constant 4080 : i32
        %le3A_454 = arith.cmpi sle, %add3A_442, %le3A_453 : i32
        %broadcast_in_dim3A_455 = vector.broadcast %le3A_454 : i1 to vector<16xi1>
        %and3A_456 = arith.andi %and3A_452, %broadcast_in_dim3A_455 : vector<16xi1>
        %swap3A_457 = arith.index_cast %add3A_442 : i32 to index
        %swap3A_458 = tpu.vector_load %arg6[%swap3A_457] masked %and3A_456 {strides = array<i32>} : memref<4112xf32, #tpu.memory_space<vmem>>, vector<16xf32>, vector<16xi1>
        tpu.vector_store %arg6[%swap3A_457], %gather3A_450 masked %and3A_456 {strides = array<i32>} : memref<4112xf32, #tpu.memory_space<vmem>>, vector<16xf32>, vector<16xi1>
        %all_reduce_population_count3A_459 = tpu.all_reduce %and3A_456 {dim = 0 : i64, kind = #tpu.reduction_kind<sum>} : vector<16xi1> -> vector<16xi32>
        %slice3A_460 = vector.extract_strided_slice %all_reduce_population_count3A_459 {offsets = [0], sizes = [1], strides = [1]} : vector<16xi32> to vector<1xi32>
        %squeeze3A_461 = vector.extract %slice3A_460[0] : i32 from vector<1xi32>
        %add3A_462 = arith.addi %add3A_442, %squeeze3A_461 : i32
        %all_reduce_population_count3A_463 = tpu.all_reduce %and3A_452 {dim = 0 : i64, kind = #tpu.reduction_kind<sum>} : vector<16xi1> -> vector<16xi32>
        %slice3A_464 = vector.extract_strided_slice %all_reduce_population_count3A_463 {offsets = [0], sizes = [1], strides = [1]} : vector<16xi32> to vector<1xi32>
        %squeeze3A_465 = vector.extract %slice3A_464[0] : i32 from vector<1xi32>
        %add3A_466 = arith.addi %add3A_446, %squeeze3A_465 : i32
        %add3A_467 = arith.constant 96 : i32
        %add3A_468 = vector.broadcast %add3A_467 : i32 to vector<16xi32>
        %add3A_469 = arith.addi %add3A_352, %add3A_468 : vector<16xi32>
        %gather3A_470 = tpu.vector_load_idx %arg5[%add3A_469] : memref<32768xf32, #tpu.memory_space<vmem>>[vector<16xi32>], vector<16xf32>,
        %gt3A_471 = arith.cmpf ogt, %gather3A_470, %broadcast_in_dim3A_238 : vector<16xf32>
        %and3A_472 = arith.andi %gt3A_471, %lt3A_343 : vector<16xi1>
        %le3A_473 = arith.constant 4080 : i32
        %le3A_474 = arith.cmpi sle, %add3A_462, %le3A_473 : i32
        %broadcast_in_dim3A_475 = vector.broadcast %le3A_474 : i1 to vector<16xi1>
        %and3A_476 = arith.andi %and3A_472, %broadcast_in_dim3A_475 : vector<16xi1>
        %swap3A_477 = arith.index_cast %add3A_462 : i32 to index
        %swap3A_478 = tpu.vector_load %arg6[%swap3A_477] masked %and3A_476 {strides = array<i32>} : memref<4112xf32, #tpu.memory_space<vmem>>, vector<16xf32>, vector<16xi1>
        tpu.vector_store %arg6[%swap3A_477], %gather3A_470 masked %and3A_476 {strides = array<i32>} : memref<4112xf32, #tpu.memory_space<vmem>>, vector<16xf32>, vector<16xi1>
        %all_reduce_population_count3A_479 = tpu.all_reduce %and3A_476 {dim = 0 : i64, kind = #tpu.reduction_kind<sum>} : vector<16xi1> -> vector<16xi32>
        %slice3A_480 = vector.extract_strided_slice %all_reduce_population_count3A_479 {offsets = [0], sizes = [1], strides = [1]} : vector<16xi32> to vector<1xi32>
        %squeeze3A_481 = vector.extract %slice3A_480[0] : i32 from vector<1xi32>
        %add3A_482 = arith.addi %add3A_462, %squeeze3A_481 : i32
        %all_reduce_population_count3A_483 = tpu.all_reduce %and3A_472 {dim = 0 : i64, kind = #tpu.reduction_kind<sum>} : vector<16xi1> -> vector<16xi32>
        %slice3A_484 = vector.extract_strided_slice %all_reduce_population_count3A_483 {offsets = [0], sizes = [1], strides = [1]} : vector<16xi32> to vector<1xi32>
        %squeeze3A_485 = vector.extract %slice3A_484[0] : i32 from vector<1xi32>
        %add3A_486 = arith.addi %add3A_466, %squeeze3A_485 : i32
        %add3A_487 = arith.constant 112 : i32
        %add3A_488 = vector.broadcast %add3A_487 : i32 to vector<16xi32>
        %add3A_489 = arith.addi %add3A_352, %add3A_488 : vector<16xi32>
        %gather3A_490 = tpu.vector_load_idx %arg5[%add3A_489] : memref<32768xf32, #tpu.memory_space<vmem>>[vector<16xi32>], vector<16xf32>,
        %gt3A_491 = arith.cmpf ogt, %gather3A_490, %broadcast_in_dim3A_238 : vector<16xf32>
        %and3A_492 = arith.andi %gt3A_491, %lt3A_343 : vector<16xi1>
        %le3A_493 = arith.constant 4080 : i32
        %le3A_494 = arith.cmpi sle, %add3A_482, %le3A_493 : i32
        %broadcast_in_dim3A_495 = vector.broadcast %le3A_494 : i1 to vector<16xi1>
        %and3A_496 = arith.andi %and3A_492, %broadcast_in_dim3A_495 : vector<16xi1>
        %swap3A_497 = arith.index_cast %add3A_482 : i32 to index
        %swap3A_498 = tpu.vector_load %arg6[%swap3A_497] masked %and3A_496 {strides = array<i32>} : memref<4112xf32, #tpu.memory_space<vmem>>, vector<16xf32>, vector<16xi1>
        tpu.vector_store %arg6[%swap3A_497], %gather3A_490 masked %and3A_496 {strides = array<i32>} : memref<4112xf32, #tpu.memory_space<vmem>>, vector<16xf32>, vector<16xi1>
        %all_reduce_population_count3A_499 = tpu.all_reduce %and3A_496 {dim = 0 : i64, kind = #tpu.reduction_kind<sum>} : vector<16xi1> -> vector<16xi32>
        %slice3A_500 = vector.extract_strided_slice %all_reduce_population_count3A_499 {offsets = [0], sizes = [1], strides = [1]} : vector<16xi32> to vector<1xi32>
        %squeeze3A_501 = vector.extract %slice3A_500[0] : i32 from vector<1xi32>
        %add3A_502 = arith.addi %add3A_482, %squeeze3A_501 : i32
        %all_reduce_population_count3A_503 = tpu.all_reduce %and3A_492 {dim = 0 : i64, kind = #tpu.reduction_kind<sum>} : vector<16xi1> -> vector<16xi32>
        %slice3A_504 = vector.extract_strided_slice %all_reduce_population_count3A_503 {offsets = [0], sizes = [1], strides = [1]} : vector<16xi32> to vector<1xi32>
        %squeeze3A_505 = vector.extract %slice3A_504[0] : i32 from vector<1xi32>
        %add3A_506 = arith.addi %add3A_486, %squeeze3A_505 : i32
        %add3A_507 = arith.constant 128 : i32
        %add3A_508 = vector.broadcast %add3A_507 : i32 to vector<16xi32>
        %add3A_509 = arith.addi %add3A_352, %add3A_508 : vector<16xi32>
        %gather3A_510 = tpu.vector_load_idx %arg5[%add3A_509] : memref<32768xf32, #tpu.memory_space<vmem>>[vector<16xi32>], vector<16xf32>,
        %gt3A_511 = arith.cmpf ogt, %gather3A_510, %broadcast_in_dim3A_238 : vector<16xf32>
        %and3A_512 = arith.andi %gt3A_511, %lt3A_343 : vector<16xi1>
        %le3A_513 = arith.constant 4080 : i32
        %le3A_514 = arith.cmpi sle, %add3A_502, %le3A_513 : i32
        %broadcast_in_dim3A_515 = vector.broadcast %le3A_514 : i1 to vector<16xi1>
        %and3A_516 = arith.andi %and3A_512, %broadcast_in_dim3A_515 : vector<16xi1>
        %swap3A_517 = arith.index_cast %add3A_502 : i32 to index
        %swap3A_518 = tpu.vector_load %arg6[%swap3A_517] masked %and3A_516 {strides = array<i32>} : memref<4112xf32, #tpu.memory_space<vmem>>, vector<16xf32>, vector<16xi1>
        tpu.vector_store %arg6[%swap3A_517], %gather3A_510 masked %and3A_516 {strides = array<i32>} : memref<4112xf32, #tpu.memory_space<vmem>>, vector<16xf32>, vector<16xi1>
        %all_reduce_population_count3A_519 = tpu.all_reduce %and3A_516 {dim = 0 : i64, kind = #tpu.reduction_kind<sum>} : vector<16xi1> -> vector<16xi32>
        %slice3A_520 = vector.extract_strided_slice %all_reduce_population_count3A_519 {offsets = [0], sizes = [1], strides = [1]} : vector<16xi32> to vector<1xi32>
        %squeeze3A_521 = vector.extract %slice3A_520[0] : i32 from vector<1xi32>
        %add3A_522 = arith.addi %add3A_502, %squeeze3A_521 : i32
        %all_reduce_population_count3A_523 = tpu.all_reduce %and3A_512 {dim = 0 : i64, kind = #tpu.reduction_kind<sum>} : vector<16xi1> -> vector<16xi32>
        %slice3A_524 = vector.extract_strided_slice %all_reduce_population_count3A_523 {offsets = [0], sizes = [1], strides = [1]} : vector<16xi32> to vector<1xi32>
        %squeeze3A_525 = vector.extract %slice3A_524[0] : i32 from vector<1xi32>
        %add3A_526 = arith.addi %add3A_506, %squeeze3A_525 : i32
        %add3A_527 = arith.constant 144 : i32
        %add3A_528 = vector.broadcast %add3A_527 : i32 to vector<16xi32>
        %add3A_529 = arith.addi %add3A_352, %add3A_528 : vector<16xi32>
        %gather3A_530 = tpu.vector_load_idx %arg5[%add3A_529] : memref<32768xf32, #tpu.memory_space<vmem>>[vector<16xi32>], vector<16xf32>,
        %gt3A_531 = arith.cmpf ogt, %gather3A_530, %broadcast_in_dim3A_238 : vector<16xf32>
        %and3A_532 = arith.andi %gt3A_531, %lt3A_343 : vector<16xi1>
        %le3A_533 = arith.constant 4080 : i32
        %le3A_534 = arith.cmpi sle, %add3A_522, %le3A_533 : i32
        %broadcast_in_dim3A_535 = vector.broadcast %le3A_534 : i1 to vector<16xi1>
        %and3A_536 = arith.andi %and3A_532, %broadcast_in_dim3A_535 : vector<16xi1>
        %swap3A_537 = arith.index_cast %add3A_522 : i32 to index
        %swap3A_538 = tpu.vector_load %arg6[%swap3A_537] masked %and3A_536 {strides = array<i32>} : memref<4112xf32, #tpu.memory_space<vmem>>, vector<16xf32>, vector<16xi1>
        tpu.vector_store %arg6[%swap3A_537], %gather3A_530 masked %and3A_536 {strides = array<i32>} : memref<4112xf32, #tpu.memory_space<vmem>>, vector<16xf32>, vector<16xi1>
        %all_reduce_population_count3A_539 = tpu.all_reduce %and3A_536 {dim = 0 : i64, kind = #tpu.reduction_kind<sum>} : vector<16xi1> -> vector<16xi32>
        %slice3A_540 = vector.extract_strided_slice %all_reduce_population_count3A_539 {offsets = [0], sizes = [1], strides = [1]} : vector<16xi32> to vector<1xi32>
        %squeeze3A_541 = vector.extract %slice3A_540[0] : i32 from vector<1xi32>
        %add3A_542 = arith.addi %add3A_522, %squeeze3A_541 : i32
        %all_reduce_population_count3A_543 = tpu.all_reduce %and3A_532 {dim = 0 : i64, kind = #tpu.reduction_kind<sum>} : vector<16xi1> -> vector<16xi32>
        %slice3A_544 = vector.extract_strided_slice %all_reduce_population_count3A_543 {offsets = [0], sizes = [1], strides = [1]} : vector<16xi32> to vector<1xi32>
        %squeeze3A_545 = vector.extract %slice3A_544[0] : i32 from vector<1xi32>
        %add3A_546 = arith.addi %add3A_526, %squeeze3A_545 : i32
        %add3A_547 = arith.constant 160 : i32
        %add3A_548 = vector.broadcast %add3A_547 : i32 to vector<16xi32>
        %add3A_549 = arith.addi %add3A_352, %add3A_548 : vector<16xi32>
        %gather3A_550 = tpu.vector_load_idx %arg5[%add3A_549] : memref<32768xf32, #tpu.memory_space<vmem>>[vector<16xi32>], vector<16xf32>,
        %gt3A_551 = arith.cmpf ogt, %gather3A_550, %broadcast_in_dim3A_238 : vector<16xf32>
        %and3A_552 = arith.andi %gt3A_551, %lt3A_343 : vector<16xi1>
        %le3A_553 = arith.constant 4080 : i32
        %le3A_554 = arith.cmpi sle, %add3A_542, %le3A_553 : i32
        %broadcast_in_dim3A_555 = vector.broadcast %le3A_554 : i1 to vector<16xi1>
        %and3A_556 = arith.andi %and3A_552, %broadcast_in_dim3A_555 : vector<16xi1>
        %swap3A_557 = arith.index_cast %add3A_542 : i32 to index
        %swap3A_558 = tpu.vector_load %arg6[%swap3A_557] masked %and3A_556 {strides = array<i32>} : memref<4112xf32, #tpu.memory_space<vmem>>, vector<16xf32>, vector<16xi1>
        tpu.vector_store %arg6[%swap3A_557], %gather3A_550 masked %and3A_556 {strides = array<i32>} : memref<4112xf32, #tpu.memory_space<vmem>>, vector<16xf32>, vector<16xi1>
        %all_reduce_population_count3A_559 = tpu.all_reduce %and3A_556 {dim = 0 : i64, kind = #tpu.reduction_kind<sum>} : vector<16xi1> -> vector<16xi32>
        %slice3A_560 = vector.extract_strided_slice %all_reduce_population_count3A_559 {offsets = [0], sizes = [1], strides = [1]} : vector<16xi32> to vector<1xi32>
        %squeeze3A_561 = vector.extract %slice3A_560[0] : i32 from vector<1xi32>
        %add3A_562 = arith.addi %add3A_542, %squeeze3A_561 : i32
        %all_reduce_population_count3A_563 = tpu.all_reduce %and3A_552 {dim = 0 : i64, kind = #tpu.reduction_kind<sum>} : vector<16xi1> -> vector<16xi32>
        %slice3A_564 = vector.extract_strided_slice %all_reduce_population_count3A_563 {offsets = [0], sizes = [1], strides = [1]} : vector<16xi32> to vector<1xi32>
        %squeeze3A_565 = vector.extract %slice3A_564[0] : i32 from vector<1xi32>
        %add3A_566 = arith.addi %add3A_546, %squeeze3A_565 : i32
        %add3A_567 = arith.constant 176 : i32
        %add3A_568 = vector.broadcast %add3A_567 : i32 to vector<16xi32>
        %add3A_569 = arith.addi %add3A_352, %add3A_568 : vector<16xi32>
        %gather3A_570 = tpu.vector_load_idx %arg5[%add3A_569] : memref<32768xf32, #tpu.memory_space<vmem>>[vector<16xi32>], vector<16xf32>,
        %gt3A_571 = arith.cmpf ogt, %gather3A_570, %broadcast_in_dim3A_238 : vector<16xf32>
        %and3A_572 = arith.andi %gt3A_571, %lt3A_343 : vector<16xi1>
        %le3A_573 = arith.constant 4080 : i32
        %le3A_574 = arith.cmpi sle, %add3A_562, %le3A_573 : i32
        %broadcast_in_dim3A_575 = vector.broadcast %le3A_574 : i1 to vector<16xi1>
        %and3A_576 = arith.andi %and3A_572, %broadcast_in_dim3A_575 : vector<16xi1>
        %swap3A_577 = arith.index_cast %add3A_562 : i32 to index
        %swap3A_578 = tpu.vector_load %arg6[%swap3A_577] masked %and3A_576 {strides = array<i32>} : memref<4112xf32, #tpu.memory_space<vmem>>, vector<16xf32>, vector<16xi1>
        tpu.vector_store %arg6[%swap3A_577], %gather3A_570 masked %and3A_576 {strides = array<i32>} : memref<4112xf32, #tpu.memory_space<vmem>>, vector<16xf32>, vector<16xi1>
        %all_reduce_population_count3A_579 = tpu.all_reduce %and3A_576 {dim = 0 : i64, kind = #tpu.reduction_kind<sum>} : vector<16xi1> -> vector<16xi32>
        %slice3A_580 = vector.extract_strided_slice %all_reduce_population_count3A_579 {offsets = [0], sizes = [1], strides = [1]} : vector<16xi32> to vector<1xi32>
        %squeeze3A_581 = vector.extract %slice3A_580[0] : i32 from vector<1xi32>
        %add3A_582 = arith.addi %add3A_562, %squeeze3A_581 : i32
        %all_reduce_population_count3A_583 = tpu.all_reduce %and3A_572 {dim = 0 : i64, kind = #tpu.reduction_kind<sum>} : vector<16xi1> -> vector<16xi32>
        %slice3A_584 = vector.extract_strided_slice %all_reduce_population_count3A_583 {offsets = [0], sizes = [1], strides = [1]} : vector<16xi32> to vector<1xi32>
        %squeeze3A_585 = vector.extract %slice3A_584[0] : i32 from vector<1xi32>
        %add3A_586 = arith.addi %add3A_566, %squeeze3A_585 : i32
        %add3A_587 = arith.constant 192 : i32
        %add3A_588 = vector.broadcast %add3A_587 : i32 to vector<16xi32>
        %add3A_589 = arith.addi %add3A_352, %add3A_588 : vector<16xi32>
        %gather3A_590 = tpu.vector_load_idx %arg5[%add3A_589] : memref<32768xf32, #tpu.memory_space<vmem>>[vector<16xi32>], vector<16xf32>,
        %gt3A_591 = arith.cmpf ogt, %gather3A_590, %broadcast_in_dim3A_238 : vector<16xf32>
        %and3A_592 = arith.andi %gt3A_591, %lt3A_343 : vector<16xi1>
        %le3A_593 = arith.constant 4080 : i32
        %le3A_594 = arith.cmpi sle, %add3A_582, %le3A_593 : i32
        %broadcast_in_dim3A_595 = vector.broadcast %le3A_594 : i1 to vector<16xi1>
        %and3A_596 = arith.andi %and3A_592, %broadcast_in_dim3A_595 : vector<16xi1>
        %swap3A_597 = arith.index_cast %add3A_582 : i32 to index
        %swap3A_598 = tpu.vector_load %arg6[%swap3A_597] masked %and3A_596 {strides = array<i32>} : memref<4112xf32, #tpu.memory_space<vmem>>, vector<16xf32>, vector<16xi1>
        tpu.vector_store %arg6[%swap3A_597], %gather3A_590 masked %and3A_596 {strides = array<i32>} : memref<4112xf32, #tpu.memory_space<vmem>>, vector<16xf32>, vector<16xi1>
        %all_reduce_population_count3A_599 = tpu.all_reduce %and3A_596 {dim = 0 : i64, kind = #tpu.reduction_kind<sum>} : vector<16xi1> -> vector<16xi32>
        %slice3A_600 = vector.extract_strided_slice %all_reduce_population_count3A_599 {offsets = [0], sizes = [1], strides = [1]} : vector<16xi32> to vector<1xi32>
        %squeeze3A_601 = vector.extract %slice3A_600[0] : i32 from vector<1xi32>
        %add3A_602 = arith.addi %add3A_582, %squeeze3A_601 : i32
        %all_reduce_population_count3A_603 = tpu.all_reduce %and3A_592 {dim = 0 : i64, kind = #tpu.reduction_kind<sum>} : vector<16xi1> -> vector<16xi32>
        %slice3A_604 = vector.extract_strided_slice %all_reduce_population_count3A_603 {offsets = [0], sizes = [1], strides = [1]} : vector<16xi32> to vector<1xi32>
        %squeeze3A_605 = vector.extract %slice3A_604[0] : i32 from vector<1xi32>
        %add3A_606 = arith.addi %add3A_586, %squeeze3A_605 : i32
        %add3A_607 = arith.constant 208 : i32
        %add3A_608 = vector.broadcast %add3A_607 : i32 to vector<16xi32>
        %add3A_609 = arith.addi %add3A_352, %add3A_608 : vector<16xi32>
        %gather3A_610 = tpu.vector_load_idx %arg5[%add3A_609] : memref<32768xf32, #tpu.memory_space<vmem>>[vector<16xi32>], vector<16xf32>,
        %gt3A_611 = arith.cmpf ogt, %gather3A_610, %broadcast_in_dim3A_238 : vector<16xf32>
        %and3A_612 = arith.andi %gt3A_611, %lt3A_343 : vector<16xi1>
        %le3A_613 = arith.constant 4080 : i32
        %le3A_614 = arith.cmpi sle, %add3A_602, %le3A_613 : i32
        %broadcast_in_dim3A_615 = vector.broadcast %le3A_614 : i1 to vector<16xi1>
        %and3A_616 = arith.andi %and3A_612, %broadcast_in_dim3A_615 : vector<16xi1>
        %swap3A_617 = arith.index_cast %add3A_602 : i32 to index
        %swap3A_618 = tpu.vector_load %arg6[%swap3A_617] masked %and3A_616 {strides = array<i32>} : memref<4112xf32, #tpu.memory_space<vmem>>, vector<16xf32>, vector<16xi1>
        tpu.vector_store %arg6[%swap3A_617], %gather3A_610 masked %and3A_616 {strides = array<i32>} : memref<4112xf32, #tpu.memory_space<vmem>>, vector<16xf32>, vector<16xi1>
        %all_reduce_population_count3A_619 = tpu.all_reduce %and3A_616 {dim = 0 : i64, kind = #tpu.reduction_kind<sum>} : vector<16xi1> -> vector<16xi32>
        %slice3A_620 = vector.extract_strided_slice %all_reduce_population_count3A_619 {offsets = [0], sizes = [1], strides = [1]} : vector<16xi32> to vector<1xi32>
        %squeeze3A_621 = vector.extract %slice3A_620[0] : i32 from vector<1xi32>
        %add3A_622 = arith.addi %add3A_602, %squeeze3A_621 : i32
        %all_reduce_population_count3A_623 = tpu.all_reduce %and3A_612 {dim = 0 : i64, kind = #tpu.reduction_kind<sum>} : vector<16xi1> -> vector<16xi32>
        %slice3A_624 = vector.extract_strided_slice %all_reduce_population_count3A_623 {offsets = [0], sizes = [1], strides = [1]} : vector<16xi32> to vector<1xi32>
        %squeeze3A_625 = vector.extract %slice3A_624[0] : i32 from vector<1xi32>
        %add3A_626 = arith.addi %add3A_606, %squeeze3A_625 : i32
        %add3A_627 = arith.constant 224 : i32
        %add3A_628 = vector.broadcast %add3A_627 : i32 to vector<16xi32>
        %add3A_629 = arith.addi %add3A_352, %add3A_628 : vector<16xi32>
        %gather3A_630 = tpu.vector_load_idx %arg5[%add3A_629] : memref<32768xf32, #tpu.memory_space<vmem>>[vector<16xi32>], vector<16xf32>,
        %gt3A_631 = arith.cmpf ogt, %gather3A_630, %broadcast_in_dim3A_238 : vector<16xf32>
        %and3A_632 = arith.andi %gt3A_631, %lt3A_343 : vector<16xi1>
        %le3A_633 = arith.constant 4080 : i32
        %le3A_634 = arith.cmpi sle, %add3A_622, %le3A_633 : i32
        %broadcast_in_dim3A_635 = vector.broadcast %le3A_634 : i1 to vector<16xi1>
        %and3A_636 = arith.andi %and3A_632, %broadcast_in_dim3A_635 : vector<16xi1>
        %swap3A_637 = arith.index_cast %add3A_622 : i32 to index
        %swap3A_638 = tpu.vector_load %arg6[%swap3A_637] masked %and3A_636 {strides = array<i32>} : memref<4112xf32, #tpu.memory_space<vmem>>, vector<16xf32>, vector<16xi1>
        tpu.vector_store %arg6[%swap3A_637], %gather3A_630 masked %and3A_636 {strides = array<i32>} : memref<4112xf32, #tpu.memory_space<vmem>>, vector<16xf32>, vector<16xi1>
        %all_reduce_population_count3A_639 = tpu.all_reduce %and3A_636 {dim = 0 : i64, kind = #tpu.reduction_kind<sum>} : vector<16xi1> -> vector<16xi32>
        %slice3A_640 = vector.extract_strided_slice %all_reduce_population_count3A_639 {offsets = [0], sizes = [1], strides = [1]} : vector<16xi32> to vector<1xi32>
        %squeeze3A_641 = vector.extract %slice3A_640[0] : i32 from vector<1xi32>
        %add3A_642 = arith.addi %add3A_622, %squeeze3A_641 : i32
        %all_reduce_population_count3A_643 = tpu.all_reduce %and3A_632 {dim = 0 : i64, kind = #tpu.reduction_kind<sum>} : vector<16xi1> -> vector<16xi32>
        %slice3A_644 = vector.extract_strided_slice %all_reduce_population_count3A_643 {offsets = [0], sizes = [1], strides = [1]} : vector<16xi32> to vector<1xi32>
        %squeeze3A_645 = vector.extract %slice3A_644[0] : i32 from vector<1xi32>
        %add3A_646 = arith.addi %add3A_626, %squeeze3A_645 : i32
        %add3A_647 = arith.constant 240 : i32
        %add3A_648 = vector.broadcast %add3A_647 : i32 to vector<16xi32>
        %add3A_649 = arith.addi %add3A_352, %add3A_648 : vector<16xi32>
        %gather3A_650 = tpu.vector_load_idx %arg5[%add3A_649] : memref<32768xf32, #tpu.memory_space<vmem>>[vector<16xi32>], vector<16xf32>,
        %gt3A_651 = arith.cmpf ogt, %gather3A_650, %broadcast_in_dim3A_238 : vector<16xf32>
        %and3A_652 = arith.andi %gt3A_651, %lt3A_343 : vector<16xi1>
        %le3A_653 = arith.constant 4080 : i32
        %le3A_654 = arith.cmpi sle, %add3A_642, %le3A_653 : i32
        %broadcast_in_dim3A_655 = vector.broadcast %le3A_654 : i1 to vector<16xi1>
        %and3A_656 = arith.andi %and3A_652, %broadcast_in_dim3A_655 : vector<16xi1>
        %swap3A_657 = arith.index_cast %add3A_642 : i32 to index
        %swap3A_658 = tpu.vector_load %arg6[%swap3A_657] masked %and3A_656 {strides = array<i32>} : memref<4112xf32, #tpu.memory_space<vmem>>, vector<16xf32>, vector<16xi1>
        tpu.vector_store %arg6[%swap3A_657], %gather3A_650 masked %and3A_656 {strides = array<i32>} : memref<4112xf32, #tpu.memory_space<vmem>>, vector<16xf32>, vector<16xi1>
        %all_reduce_population_count3A_659 = tpu.all_reduce %and3A_656 {dim = 0 : i64, kind = #tpu.reduction_kind<sum>} : vector<16xi1> -> vector<16xi32>
        %slice3A_660 = vector.extract_strided_slice %all_reduce_population_count3A_659 {offsets = [0], sizes = [1], strides = [1]} : vector<16xi32> to vector<1xi32>
        %squeeze3A_661 = vector.extract %slice3A_660[0] : i32 from vector<1xi32>
        %add3A_662 = arith.addi %add3A_642, %squeeze3A_661 : i32
        %all_reduce_population_count3A_663 = tpu.all_reduce %and3A_652 {dim = 0 : i64, kind = #tpu.reduction_kind<sum>} : vector<16xi1> -> vector<16xi32>
        %slice3A_664 = vector.extract_strided_slice %all_reduce_population_count3A_663 {offsets = [0], sizes = [1], strides = [1]} : vector<16xi32> to vector<1xi32>
        %squeeze3A_665 = vector.extract %slice3A_664[0] : i32 from vector<1xi32>
        %add3A_666 = arith.addi %add3A_646, %squeeze3A_665 : i32
        scf.yield %add3A_662, %add3A_666 : i32, i32
      }
      %while3A_276 = arith.constant 1 : i32
      %while3A_277:2 = scf.for %while3A_332 = %while3A_273 to %while3A_269 step %while3A_276 iter_args(%while3A_333 = %while3A_275#0, %while3A_334 = %while3A_275#1) -> (i32, i32)  : i32 {
        %mul3A_335 = arith.constant 16 : i32
        %mul3A_336 = arith.muli %while3A_332, %mul3A_335 : i32
        %get3A = arith.index_cast %mul3A_336 : i32 to index
        %get3A_337 = tpu.vector_load %arg8[%get3A] {strides = array<i32>} : memref<2064xi32, #tpu.memory_space<vmem>>, vector<16xi32>,
        %iota3A = tpu.iota {dimensions = array<i32: 0>} : vector<16xi32>
        %mul3A_338 = arith.constant 16 : i32
        %mul3A_339 = arith.muli %while3A_332, %mul3A_338 : i32
        %add3A_340 = vector.broadcast %mul3A_339 : i32 to vector<16xi32>
        %add3A_341 = arith.addi %iota3A, %add3A_340 : vector<16xi32>
        %lt3A_342 = vector.broadcast %scan3A_214 : i32 to vector<16xi32>
        %lt3A_343 = arith.cmpi slt, %add3A_341, %lt3A_342 : vector<16xi32>
        %shift_right_arithmetic3A = arith.constant 4 : i32
        %shift_right_arithmetic3A_344 = vector.broadcast %shift_right_arithmetic3A : i32 to vector<16xi32>
        %shift_right_arithmetic3A_345 = arith.shrsi %get3A_337, %shift_right_arithmetic3A_344 : vector<16xi32>
        %mul3A_346 = arith.constant 256 : i32
        %mul3A_347 = vector.broadcast %mul3A_346 : i32 to vector<16xi32>
        %mul3A_348 = arith.muli %shift_right_arithmetic3A_345, %mul3A_347 : vector<16xi32>
        %and3A_349 = arith.constant 15 : i32
        %and3A_350 = vector.broadcast %and3A_349 : i32 to vector<16xi32>
        %and3A_351 = arith.andi %get3A_337, %and3A_350 : vector<16xi32>
        %add3A_352 = arith.addi %mul3A_348, %and3A_351 : vector<16xi32>
        %add3A_353 = arith.constant 0 : i32
        %add3A_354 = vector.broadcast %add3A_353 : i32 to vector<16xi32>
        %add3A_355 = arith.addi %add3A_352, %add3A_354 : vector<16xi32>
        %gather3A = tpu.vector_load_idx %arg5[%add3A_355] : memref<32768xf32, #tpu.memory_space<vmem>>[vector<16xi32>], vector<16xf32>,
        %gt3A = arith.cmpf ogt, %gather3A, %broadcast_in_dim3A_238 : vector<16xf32>
        %and3A_356 = arith.andi %gt3A, %lt3A_343 : vector<16xi1>
        %le3A = arith.constant 4080 : i32
        %le3A_357 = arith.cmpi sle, %while3A_333, %le3A : i32
        %broadcast_in_dim3A_358 = vector.broadcast %le3A_357 : i1 to vector<16xi1>
        %and3A_359 = arith.andi %and3A_356, %broadcast_in_dim3A_358 : vector<16xi1>
        %swap3A_360 = arith.index_cast %while3A_333 : i32 to index
        %swap3A_361 = tpu.vector_load %arg6[%swap3A_360] masked %and3A_359 {strides = array<i32>} : memref<4112xf32, #tpu.memory_space<vmem>>, vector<16xf32>, vector<16xi1>
        tpu.vector_store %arg6[%swap3A_360], %gather3A masked %and3A_359 {strides = array<i32>} : memref<4112xf32, #tpu.memory_space<vmem>>, vector<16xf32>, vector<16xi1>
        %all_reduce_population_count3A = tpu.all_reduce %and3A_359 {dim = 0 : i64, kind = #tpu.reduction_kind<sum>} : vector<16xi1> -> vector<16xi32>
        %slice3A = vector.extract_strided_slice %all_reduce_population_count3A {offsets = [0], sizes = [1], strides = [1]} : vector<16xi32> to vector<1xi32>
        %squeeze3A = vector.extract %slice3A[0] : i32 from vector<1xi32>
        %add3A_362 = arith.addi %while3A_333, %squeeze3A : i32
        %all_reduce_population_count3A_363 = tpu.all_reduce %and3A_356 {dim = 0 : i64, kind = #tpu.reduction_kind<sum>} : vector<16xi1> -> vector<16xi32>
        %slice3A_364 = vector.extract_strided_slice %all_reduce_population_count3A_363 {offsets = [0], sizes = [1], strides = [1]} : vector<16xi32> to vector<1xi32>
        %squeeze3A_365 = vector.extract %slice3A_364[0] : i32 from vector<1xi32>
        %add3A_366 = arith.addi %while3A_334, %squeeze3A_365 : i32
        %add3A_367 = arith.constant 16 : i32
        %add3A_368 = vector.broadcast %add3A_367 : i32 to vector<16xi32>
        %add3A_369 = arith.addi %add3A_352, %add3A_368 : vector<16xi32>
        %gather3A_370 = tpu.vector_load_idx %arg5[%add3A_369] : memref<32768xf32, #tpu.memory_space<vmem>>[vector<16xi32>], vector<16xf32>,
        %gt3A_371 = arith.cmpf ogt, %gather3A_370, %broadcast_in_dim3A_238 : vector<16xf32>
        %and3A_372 = arith.andi %gt3A_371, %lt3A_343 : vector<16xi1>
        %le3A_373 = arith.constant 4080 : i32
        %le3A_374 = arith.cmpi sle, %add3A_362, %le3A_373 : i32
        %broadcast_in_dim3A_375 = vector.broadcast %le3A_374 : i1 to vector<16xi1>
        %and3A_376 = arith.andi %and3A_372, %broadcast_in_dim3A_375 : vector<16xi1>
        %swap3A_377 = arith.index_cast %add3A_362 : i32 to index
        %swap3A_378 = tpu.vector_load %arg6[%swap3A_377] masked %and3A_376 {strides = array<i32>} : memref<4112xf32, #tpu.memory_space<vmem>>, vector<16xf32>, vector<16xi1>
        tpu.vector_store %arg6[%swap3A_377], %gather3A_370 masked %and3A_376 {strides = array<i32>} : memref<4112xf32, #tpu.memory_space<vmem>>, vector<16xf32>, vector<16xi1>
        %all_reduce_population_count3A_379 = tpu.all_reduce %and3A_376 {dim = 0 : i64, kind = #tpu.reduction_kind<sum>} : vector<16xi1> -> vector<16xi32>
        %slice3A_380 = vector.extract_strided_slice %all_reduce_population_count3A_379 {offsets = [0], sizes = [1], strides = [1]} : vector<16xi32> to vector<1xi32>
        %squeeze3A_381 = vector.extract %slice3A_380[0] : i32 from vector<1xi32>
        %add3A_382 = arith.addi %add3A_362, %squeeze3A_381 : i32
        %all_reduce_population_count3A_383 = tpu.all_reduce %and3A_372 {dim = 0 : i64, kind = #tpu.reduction_kind<sum>} : vector<16xi1> -> vector<16xi32>
        %slice3A_384 = vector.extract_strided_slice %all_reduce_population_count3A_383 {offsets = [0], sizes = [1], strides = [1]} : vector<16xi32> to vector<1xi32>
        %squeeze3A_385 = vector.extract %slice3A_384[0] : i32 from vector<1xi32>
        %add3A_386 = arith.addi %add3A_366, %squeeze3A_385 : i32
        %add3A_387 = arith.constant 32 : i32
        %add3A_388 = vector.broadcast %add3A_387 : i32 to vector<16xi32>
        %add3A_389 = arith.addi %add3A_352, %add3A_388 : vector<16xi32>
        %gather3A_390 = tpu.vector_load_idx %arg5[%add3A_389] : memref<32768xf32, #tpu.memory_space<vmem>>[vector<16xi32>], vector<16xf32>,
        %gt3A_391 = arith.cmpf ogt, %gather3A_390, %broadcast_in_dim3A_238 : vector<16xf32>
        %and3A_392 = arith.andi %gt3A_391, %lt3A_343 : vector<16xi1>
        %le3A_393 = arith.constant 4080 : i32
        %le3A_394 = arith.cmpi sle, %add3A_382, %le3A_393 : i32
        %broadcast_in_dim3A_395 = vector.broadcast %le3A_394 : i1 to vector<16xi1>
        %and3A_396 = arith.andi %and3A_392, %broadcast_in_dim3A_395 : vector<16xi1>
        %swap3A_397 = arith.index_cast %add3A_382 : i32 to index
        %swap3A_398 = tpu.vector_load %arg6[%swap3A_397] masked %and3A_396 {strides = array<i32>} : memref<4112xf32, #tpu.memory_space<vmem>>, vector<16xf32>, vector<16xi1>
        tpu.vector_store %arg6[%swap3A_397], %gather3A_390 masked %and3A_396 {strides = array<i32>} : memref<4112xf32, #tpu.memory_space<vmem>>, vector<16xf32>, vector<16xi1>
        %all_reduce_population_count3A_399 = tpu.all_reduce %and3A_396 {dim = 0 : i64, kind = #tpu.reduction_kind<sum>} : vector<16xi1> -> vector<16xi32>
        %slice3A_400 = vector.extract_strided_slice %all_reduce_population_count3A_399 {offsets = [0], sizes = [1], strides = [1]} : vector<16xi32> to vector<1xi32>
        %squeeze3A_401 = vector.extract %slice3A_400[0] : i32 from vector<1xi32>
        %add3A_402 = arith.addi %add3A_382, %squeeze3A_401 : i32
        %all_reduce_population_count3A_403 = tpu.all_reduce %and3A_392 {dim = 0 : i64, kind = #tpu.reduction_kind<sum>} : vector<16xi1> -> vector<16xi32>
        %slice3A_404 = vector.extract_strided_slice %all_reduce_population_count3A_403 {offsets = [0], sizes = [1], strides = [1]} : vector<16xi32> to vector<1xi32>
        %squeeze3A_405 = vector.extract %slice3A_404[0] : i32 from vector<1xi32>
        %add3A_406 = arith.addi %add3A_386, %squeeze3A_405 : i32
        %add3A_407 = arith.constant 48 : i32
        %add3A_408 = vector.broadcast %add3A_407 : i32 to vector<16xi32>
        %add3A_409 = arith.addi %add3A_352, %add3A_408 : vector<16xi32>
        %gather3A_410 = tpu.vector_load_idx %arg5[%add3A_409] : memref<32768xf32, #tpu.memory_space<vmem>>[vector<16xi32>], vector<16xf32>,
        %gt3A_411 = arith.cmpf ogt, %gather3A_410, %broadcast_in_dim3A_238 : vector<16xf32>
        %and3A_412 = arith.andi %gt3A_411, %lt3A_343 : vector<16xi1>
        %le3A_413 = arith.constant 4080 : i32
        %le3A_414 = arith.cmpi sle, %add3A_402, %le3A_413 : i32
        %broadcast_in_dim3A_415 = vector.broadcast %le3A_414 : i1 to vector<16xi1>
        %and3A_416 = arith.andi %and3A_412, %broadcast_in_dim3A_415 : vector<16xi1>
        %swap3A_417 = arith.index_cast %add3A_402 : i32 to index
        %swap3A_418 = tpu.vector_load %arg6[%swap3A_417] masked %and3A_416 {strides = array<i32>} : memref<4112xf32, #tpu.memory_space<vmem>>, vector<16xf32>, vector<16xi1>
        tpu.vector_store %arg6[%swap3A_417], %gather3A_410 masked %and3A_416 {strides = array<i32>} : memref<4112xf32, #tpu.memory_space<vmem>>, vector<16xf32>, vector<16xi1>
        %all_reduce_population_count3A_419 = tpu.all_reduce %and3A_416 {dim = 0 : i64, kind = #tpu.reduction_kind<sum>} : vector<16xi1> -> vector<16xi32>
        %slice3A_420 = vector.extract_strided_slice %all_reduce_population_count3A_419 {offsets = [0], sizes = [1], strides = [1]} : vector<16xi32> to vector<1xi32>
        %squeeze3A_421 = vector.extract %slice3A_420[0] : i32 from vector<1xi32>
        %add3A_422 = arith.addi %add3A_402, %squeeze3A_421 : i32
        %all_reduce_population_count3A_423 = tpu.all_reduce %and3A_412 {dim = 0 : i64, kind = #tpu.reduction_kind<sum>} : vector<16xi1> -> vector<16xi32>
        %slice3A_424 = vector.extract_strided_slice %all_reduce_population_count3A_423 {offsets = [0], sizes = [1], strides = [1]} : vector<16xi32> to vector<1xi32>
        %squeeze3A_425 = vector.extract %slice3A_424[0] : i32 from vector<1xi32>
        %add3A_426 = arith.addi %add3A_406, %squeeze3A_425 : i32
        %add3A_427 = arith.constant 64 : i32
        %add3A_428 = vector.broadcast %add3A_427 : i32 to vector<16xi32>
        %add3A_429 = arith.addi %add3A_352, %add3A_428 : vector<16xi32>
        %gather3A_430 = tpu.vector_load_idx %arg5[%add3A_429] : memref<32768xf32, #tpu.memory_space<vmem>>[vector<16xi32>], vector<16xf32>,
        %gt3A_431 = arith.cmpf ogt, %gather3A_430, %broadcast_in_dim3A_238 : vector<16xf32>
        %and3A_432 = arith.andi %gt3A_431, %lt3A_343 : vector<16xi1>
        %le3A_433 = arith.constant 4080 : i32
        %le3A_434 = arith.cmpi sle, %add3A_422, %le3A_433 : i32
        %broadcast_in_dim3A_435 = vector.broadcast %le3A_434 : i1 to vector<16xi1>
        %and3A_436 = arith.andi %and3A_432, %broadcast_in_dim3A_435 : vector<16xi1>
        %swap3A_437 = arith.index_cast %add3A_422 : i32 to index
        %swap3A_438 = tpu.vector_load %arg6[%swap3A_437] masked %and3A_436 {strides = array<i32>} : memref<4112xf32, #tpu.memory_space<vmem>>, vector<16xf32>, vector<16xi1>
        tpu.vector_store %arg6[%swap3A_437], %gather3A_430 masked %and3A_436 {strides = array<i32>} : memref<4112xf32, #tpu.memory_space<vmem>>, vector<16xf32>, vector<16xi1>
        %all_reduce_population_count3A_439 = tpu.all_reduce %and3A_436 {dim = 0 : i64, kind = #tpu.reduction_kind<sum>} : vector<16xi1> -> vector<16xi32>
        %slice3A_440 = vector.extract_strided_slice %all_reduce_population_count3A_439 {offsets = [0], sizes = [1], strides = [1]} : vector<16xi32> to vector<1xi32>
        %squeeze3A_441 = vector.extract %slice3A_440[0] : i32 from vector<1xi32>
        %add3A_442 = arith.addi %add3A_422, %squeeze3A_441 : i32
        %all_reduce_population_count3A_443 = tpu.all_reduce %and3A_432 {dim = 0 : i64, kind = #tpu.reduction_kind<sum>} : vector<16xi1> -> vector<16xi32>
        %slice3A_444 = vector.extract_strided_slice %all_reduce_population_count3A_443 {offsets = [0], sizes = [1], strides = [1]} : vector<16xi32> to vector<1xi32>
        %squeeze3A_445 = vector.extract %slice3A_444[0] : i32 from vector<1xi32>
        %add3A_446 = arith.addi %add3A_426, %squeeze3A_445 : i32
        %add3A_447 = arith.constant 80 : i32
        %add3A_448 = vector.broadcast %add3A_447 : i32 to vector<16xi32>
        %add3A_449 = arith.addi %add3A_352, %add3A_448 : vector<16xi32>
        %gather3A_450 = tpu.vector_load_idx %arg5[%add3A_449] : memref<32768xf32, #tpu.memory_space<vmem>>[vector<16xi32>], vector<16xf32>,
        %gt3A_451 = arith.cmpf ogt, %gather3A_450, %broadcast_in_dim3A_238 : vector<16xf32>
        %and3A_452 = arith.andi %gt3A_451, %lt3A_343 : vector<16xi1>
        %le3A_453 = arith.constant 4080 : i32
        %le3A_454 = arith.cmpi sle, %add3A_442, %le3A_453 : i32
        %broadcast_in_dim3A_455 = vector.broadcast %le3A_454 : i1 to vector<16xi1>
        %and3A_456 = arith.andi %and3A_452, %broadcast_in_dim3A_455 : vector<16xi1>
        %swap3A_457 = arith.index_cast %add3A_442 : i32 to index
        %swap3A_458 = tpu.vector_load %arg6[%swap3A_457] masked %and3A_456 {strides = array<i32>} : memref<4112xf32, #tpu.memory_space<vmem>>, vector<16xf32>, vector<16xi1>
        tpu.vector_store %arg6[%swap3A_457], %gather3A_450 masked %and3A_456 {strides = array<i32>} : memref<4112xf32, #tpu.memory_space<vmem>>, vector<16xf32>, vector<16xi1>
        %all_reduce_population_count3A_459 = tpu.all_reduce %and3A_456 {dim = 0 : i64, kind = #tpu.reduction_kind<sum>} : vector<16xi1> -> vector<16xi32>
        %slice3A_460 = vector.extract_strided_slice %all_reduce_population_count3A_459 {offsets = [0], sizes = [1], strides = [1]} : vector<16xi32> to vector<1xi32>
        %squeeze3A_461 = vector.extract %slice3A_460[0] : i32 from vector<1xi32>
        %add3A_462 = arith.addi %add3A_442, %squeeze3A_461 : i32
        %all_reduce_population_count3A_463 = tpu.all_reduce %and3A_452 {dim = 0 : i64, kind = #tpu.reduction_kind<sum>} : vector<16xi1> -> vector<16xi32>
        %slice3A_464 = vector.extract_strided_slice %all_reduce_population_count3A_463 {offsets = [0], sizes = [1], strides = [1]} : vector<16xi32> to vector<1xi32>
        %squeeze3A_465 = vector.extract %slice3A_464[0] : i32 from vector<1xi32>
        %add3A_466 = arith.addi %add3A_446, %squeeze3A_465 : i32
        %add3A_467 = arith.constant 96 : i32
        %add3A_468 = vector.broadcast %add3A_467 : i32 to vector<16xi32>
        %add3A_469 = arith.addi %add3A_352, %add3A_468 : vector<16xi32>
        %gather3A_470 = tpu.vector_load_idx %arg5[%add3A_469] : memref<32768xf32, #tpu.memory_space<vmem>>[vector<16xi32>], vector<16xf32>,
        %gt3A_471 = arith.cmpf ogt, %gather3A_470, %broadcast_in_dim3A_238 : vector<16xf32>
        %and3A_472 = arith.andi %gt3A_471, %lt3A_343 : vector<16xi1>
        %le3A_473 = arith.constant 4080 : i32
        %le3A_474 = arith.cmpi sle, %add3A_462, %le3A_473 : i32
        %broadcast_in_dim3A_475 = vector.broadcast %le3A_474 : i1 to vector<16xi1>
        %and3A_476 = arith.andi %and3A_472, %broadcast_in_dim3A_475 : vector<16xi1>
        %swap3A_477 = arith.index_cast %add3A_462 : i32 to index
        %swap3A_478 = tpu.vector_load %arg6[%swap3A_477] masked %and3A_476 {strides = array<i32>} : memref<4112xf32, #tpu.memory_space<vmem>>, vector<16xf32>, vector<16xi1>
        tpu.vector_store %arg6[%swap3A_477], %gather3A_470 masked %and3A_476 {strides = array<i32>} : memref<4112xf32, #tpu.memory_space<vmem>>, vector<16xf32>, vector<16xi1>
        %all_reduce_population_count3A_479 = tpu.all_reduce %and3A_476 {dim = 0 : i64, kind = #tpu.reduction_kind<sum>} : vector<16xi1> -> vector<16xi32>
        %slice3A_480 = vector.extract_strided_slice %all_reduce_population_count3A_479 {offsets = [0], sizes = [1], strides = [1]} : vector<16xi32> to vector<1xi32>
        %squeeze3A_481 = vector.extract %slice3A_480[0] : i32 from vector<1xi32>
        %add3A_482 = arith.addi %add3A_462, %squeeze3A_481 : i32
        %all_reduce_population_count3A_483 = tpu.all_reduce %and3A_472 {dim = 0 : i64, kind = #tpu.reduction_kind<sum>} : vector<16xi1> -> vector<16xi32>
        %slice3A_484 = vector.extract_strided_slice %all_reduce_population_count3A_483 {offsets = [0], sizes = [1], strides = [1]} : vector<16xi32> to vector<1xi32>
        %squeeze3A_485 = vector.extract %slice3A_484[0] : i32 from vector<1xi32>
        %add3A_486 = arith.addi %add3A_466, %squeeze3A_485 : i32
        %add3A_487 = arith.constant 112 : i32
        %add3A_488 = vector.broadcast %add3A_487 : i32 to vector<16xi32>
        %add3A_489 = arith.addi %add3A_352, %add3A_488 : vector<16xi32>
        %gather3A_490 = tpu.vector_load_idx %arg5[%add3A_489] : memref<32768xf32, #tpu.memory_space<vmem>>[vector<16xi32>], vector<16xf32>,
        %gt3A_491 = arith.cmpf ogt, %gather3A_490, %broadcast_in_dim3A_238 : vector<16xf32>
        %and3A_492 = arith.andi %gt3A_491, %lt3A_343 : vector<16xi1>
        %le3A_493 = arith.constant 4080 : i32
        %le3A_494 = arith.cmpi sle, %add3A_482, %le3A_493 : i32
        %broadcast_in_dim3A_495 = vector.broadcast %le3A_494 : i1 to vector<16xi1>
        %and3A_496 = arith.andi %and3A_492, %broadcast_in_dim3A_495 : vector<16xi1>
        %swap3A_497 = arith.index_cast %add3A_482 : i32 to index
        %swap3A_498 = tpu.vector_load %arg6[%swap3A_497] masked %and3A_496 {strides = array<i32>} : memref<4112xf32, #tpu.memory_space<vmem>>, vector<16xf32>, vector<16xi1>
        tpu.vector_store %arg6[%swap3A_497], %gather3A_490 masked %and3A_496 {strides = array<i32>} : memref<4112xf32, #tpu.memory_space<vmem>>, vector<16xf32>, vector<16xi1>
        %all_reduce_population_count3A_499 = tpu.all_reduce %and3A_496 {dim = 0 : i64, kind = #tpu.reduction_kind<sum>} : vector<16xi1> -> vector<16xi32>
        %slice3A_500 = vector.extract_strided_slice %all_reduce_population_count3A_499 {offsets = [0], sizes = [1], strides = [1]} : vector<16xi32> to vector<1xi32>
        %squeeze3A_501 = vector.extract %slice3A_500[0] : i32 from vector<1xi32>
        %add3A_502 = arith.addi %add3A_482, %squeeze3A_501 : i32
        %all_reduce_population_count3A_503 = tpu.all_reduce %and3A_492 {dim = 0 : i64, kind = #tpu.reduction_kind<sum>} : vector<16xi1> -> vector<16xi32>
        %slice3A_504 = vector.extract_strided_slice %all_reduce_population_count3A_503 {offsets = [0], sizes = [1], strides = [1]} : vector<16xi32> to vector<1xi32>
        %squeeze3A_505 = vector.extract %slice3A_504[0] : i32 from vector<1xi32>
        %add3A_506 = arith.addi %add3A_486, %squeeze3A_505 : i32
        %add3A_507 = arith.constant 128 : i32
        %add3A_508 = vector.broadcast %add3A_507 : i32 to vector<16xi32>
        %add3A_509 = arith.addi %add3A_352, %add3A_508 : vector<16xi32>
        %gather3A_510 = tpu.vector_load_idx %arg5[%add3A_509] : memref<32768xf32, #tpu.memory_space<vmem>>[vector<16xi32>], vector<16xf32>,
        %gt3A_511 = arith.cmpf ogt, %gather3A_510, %broadcast_in_dim3A_238 : vector<16xf32>
        %and3A_512 = arith.andi %gt3A_511, %lt3A_343 : vector<16xi1>
        %le3A_513 = arith.constant 4080 : i32
        %le3A_514 = arith.cmpi sle, %add3A_502, %le3A_513 : i32
        %broadcast_in_dim3A_515 = vector.broadcast %le3A_514 : i1 to vector<16xi1>
        %and3A_516 = arith.andi %and3A_512, %broadcast_in_dim3A_515 : vector<16xi1>
        %swap3A_517 = arith.index_cast %add3A_502 : i32 to index
        %swap3A_518 = tpu.vector_load %arg6[%swap3A_517] masked %and3A_516 {strides = array<i32>} : memref<4112xf32, #tpu.memory_space<vmem>>, vector<16xf32>, vector<16xi1>
        tpu.vector_store %arg6[%swap3A_517], %gather3A_510 masked %and3A_516 {strides = array<i32>} : memref<4112xf32, #tpu.memory_space<vmem>>, vector<16xf32>, vector<16xi1>
        %all_reduce_population_count3A_519 = tpu.all_reduce %and3A_516 {dim = 0 : i64, kind = #tpu.reduction_kind<sum>} : vector<16xi1> -> vector<16xi32>
        %slice3A_520 = vector.extract_strided_slice %all_reduce_population_count3A_519 {offsets = [0], sizes = [1], strides = [1]} : vector<16xi32> to vector<1xi32>
        %squeeze3A_521 = vector.extract %slice3A_520[0] : i32 from vector<1xi32>
        %add3A_522 = arith.addi %add3A_502, %squeeze3A_521 : i32
        %all_reduce_population_count3A_523 = tpu.all_reduce %and3A_512 {dim = 0 : i64, kind = #tpu.reduction_kind<sum>} : vector<16xi1> -> vector<16xi32>
        %slice3A_524 = vector.extract_strided_slice %all_reduce_population_count3A_523 {offsets = [0], sizes = [1], strides = [1]} : vector<16xi32> to vector<1xi32>
        %squeeze3A_525 = vector.extract %slice3A_524[0] : i32 from vector<1xi32>
        %add3A_526 = arith.addi %add3A_506, %squeeze3A_525 : i32
        %add3A_527 = arith.constant 144 : i32
        %add3A_528 = vector.broadcast %add3A_527 : i32 to vector<16xi32>
        %add3A_529 = arith.addi %add3A_352, %add3A_528 : vector<16xi32>
        %gather3A_530 = tpu.vector_load_idx %arg5[%add3A_529] : memref<32768xf32, #tpu.memory_space<vmem>>[vector<16xi32>], vector<16xf32>,
        %gt3A_531 = arith.cmpf ogt, %gather3A_530, %broadcast_in_dim3A_238 : vector<16xf32>
        %and3A_532 = arith.andi %gt3A_531, %lt3A_343 : vector<16xi1>
        %le3A_533 = arith.constant 4080 : i32
        %le3A_534 = arith.cmpi sle, %add3A_522, %le3A_533 : i32
        %broadcast_in_dim3A_535 = vector.broadcast %le3A_534 : i1 to vector<16xi1>
        %and3A_536 = arith.andi %and3A_532, %broadcast_in_dim3A_535 : vector<16xi1>
        %swap3A_537 = arith.index_cast %add3A_522 : i32 to index
        %swap3A_538 = tpu.vector_load %arg6[%swap3A_537] masked %and3A_536 {strides = array<i32>} : memref<4112xf32, #tpu.memory_space<vmem>>, vector<16xf32>, vector<16xi1>
        tpu.vector_store %arg6[%swap3A_537], %gather3A_530 masked %and3A_536 {strides = array<i32>} : memref<4112xf32, #tpu.memory_space<vmem>>, vector<16xf32>, vector<16xi1>
        %all_reduce_population_count3A_539 = tpu.all_reduce %and3A_536 {dim = 0 : i64, kind = #tpu.reduction_kind<sum>} : vector<16xi1> -> vector<16xi32>
        %slice3A_540 = vector.extract_strided_slice %all_reduce_population_count3A_539 {offsets = [0], sizes = [1], strides = [1]} : vector<16xi32> to vector<1xi32>
        %squeeze3A_541 = vector.extract %slice3A_540[0] : i32 from vector<1xi32>
        %add3A_542 = arith.addi %add3A_522, %squeeze3A_541 : i32
        %all_reduce_population_count3A_543 = tpu.all_reduce %and3A_532 {dim = 0 : i64, kind = #tpu.reduction_kind<sum>} : vector<16xi1> -> vector<16xi32>
        %slice3A_544 = vector.extract_strided_slice %all_reduce_population_count3A_543 {offsets = [0], sizes = [1], strides = [1]} : vector<16xi32> to vector<1xi32>
        %squeeze3A_545 = vector.extract %slice3A_544[0] : i32 from vector<1xi32>
        %add3A_546 = arith.addi %add3A_526, %squeeze3A_545 : i32
        %add3A_547 = arith.constant 160 : i32
        %add3A_548 = vector.broadcast %add3A_547 : i32 to vector<16xi32>
        %add3A_549 = arith.addi %add3A_352, %add3A_548 : vector<16xi32>
        %gather3A_550 = tpu.vector_load_idx %arg5[%add3A_549] : memref<32768xf32, #tpu.memory_space<vmem>>[vector<16xi32>], vector<16xf32>,
        %gt3A_551 = arith.cmpf ogt, %gather3A_550, %broadcast_in_dim3A_238 : vector<16xf32>
        %and3A_552 = arith.andi %gt3A_551, %lt3A_343 : vector<16xi1>
        %le3A_553 = arith.constant 4080 : i32
        %le3A_554 = arith.cmpi sle, %add3A_542, %le3A_553 : i32
        %broadcast_in_dim3A_555 = vector.broadcast %le3A_554 : i1 to vector<16xi1>
        %and3A_556 = arith.andi %and3A_552, %broadcast_in_dim3A_555 : vector<16xi1>
        %swap3A_557 = arith.index_cast %add3A_542 : i32 to index
        %swap3A_558 = tpu.vector_load %arg6[%swap3A_557] masked %and3A_556 {strides = array<i32>} : memref<4112xf32, #tpu.memory_space<vmem>>, vector<16xf32>, vector<16xi1>
        tpu.vector_store %arg6[%swap3A_557], %gather3A_550 masked %and3A_556 {strides = array<i32>} : memref<4112xf32, #tpu.memory_space<vmem>>, vector<16xf32>, vector<16xi1>
        %all_reduce_population_count3A_559 = tpu.all_reduce %and3A_556 {dim = 0 : i64, kind = #tpu.reduction_kind<sum>} : vector<16xi1> -> vector<16xi32>
        %slice3A_560 = vector.extract_strided_slice %all_reduce_population_count3A_559 {offsets = [0], sizes = [1], strides = [1]} : vector<16xi32> to vector<1xi32>
        %squeeze3A_561 = vector.extract %slice3A_560[0] : i32 from vector<1xi32>
        %add3A_562 = arith.addi %add3A_542, %squeeze3A_561 : i32
        %all_reduce_population_count3A_563 = tpu.all_reduce %and3A_552 {dim = 0 : i64, kind = #tpu.reduction_kind<sum>} : vector<16xi1> -> vector<16xi32>
        %slice3A_564 = vector.extract_strided_slice %all_reduce_population_count3A_563 {offsets = [0], sizes = [1], strides = [1]} : vector<16xi32> to vector<1xi32>
        %squeeze3A_565 = vector.extract %slice3A_564[0] : i32 from vector<1xi32>
        %add3A_566 = arith.addi %add3A_546, %squeeze3A_565 : i32
        %add3A_567 = arith.constant 176 : i32
        %add3A_568 = vector.broadcast %add3A_567 : i32 to vector<16xi32>
        %add3A_569 = arith.addi %add3A_352, %add3A_568 : vector<16xi32>
        %gather3A_570 = tpu.vector_load_idx %arg5[%add3A_569] : memref<32768xf32, #tpu.memory_space<vmem>>[vector<16xi32>], vector<16xf32>,
        %gt3A_571 = arith.cmpf ogt, %gather3A_570, %broadcast_in_dim3A_238 : vector<16xf32>
        %and3A_572 = arith.andi %gt3A_571, %lt3A_343 : vector<16xi1>
        %le3A_573 = arith.constant 4080 : i32
        %le3A_574 = arith.cmpi sle, %add3A_562, %le3A_573 : i32
        %broadcast_in_dim3A_575 = vector.broadcast %le3A_574 : i1 to vector<16xi1>
        %and3A_576 = arith.andi %and3A_572, %broadcast_in_dim3A_575 : vector<16xi1>
        %swap3A_577 = arith.index_cast %add3A_562 : i32 to index
        %swap3A_578 = tpu.vector_load %arg6[%swap3A_577] masked %and3A_576 {strides = array<i32>} : memref<4112xf32, #tpu.memory_space<vmem>>, vector<16xf32>, vector<16xi1>
        tpu.vector_store %arg6[%swap3A_577], %gather3A_570 masked %and3A_576 {strides = array<i32>} : memref<4112xf32, #tpu.memory_space<vmem>>, vector<16xf32>, vector<16xi1>
        %all_reduce_population_count3A_579 = tpu.all_reduce %and3A_576 {dim = 0 : i64, kind = #tpu.reduction_kind<sum>} : vector<16xi1> -> vector<16xi32>
        %slice3A_580 = vector.extract_strided_slice %all_reduce_population_count3A_579 {offsets = [0], sizes = [1], strides = [1]} : vector<16xi32> to vector<1xi32>
        %squeeze3A_581 = vector.extract %slice3A_580[0] : i32 from vector<1xi32>
        %add3A_582 = arith.addi %add3A_562, %squeeze3A_581 : i32
        %all_reduce_population_count3A_583 = tpu.all_reduce %and3A_572 {dim = 0 : i64, kind = #tpu.reduction_kind<sum>} : vector<16xi1> -> vector<16xi32>
        %slice3A_584 = vector.extract_strided_slice %all_reduce_population_count3A_583 {offsets = [0], sizes = [1], strides = [1]} : vector<16xi32> to vector<1xi32>
        %squeeze3A_585 = vector.extract %slice3A_584[0] : i32 from vector<1xi32>
        %add3A_586 = arith.addi %add3A_566, %squeeze3A_585 : i32
        %add3A_587 = arith.constant 192 : i32
        %add3A_588 = vector.broadcast %add3A_587 : i32 to vector<16xi32>
        %add3A_589 = arith.addi %add3A_352, %add3A_588 : vector<16xi32>
        %gather3A_590 = tpu.vector_load_idx %arg5[%add3A_589] : memref<32768xf32, #tpu.memory_space<vmem>>[vector<16xi32>], vector<16xf32>,
        %gt3A_591 = arith.cmpf ogt, %gather3A_590, %broadcast_in_dim3A_238 : vector<16xf32>
        %and3A_592 = arith.andi %gt3A_591, %lt3A_343 : vector<16xi1>
        %le3A_593 = arith.constant 4080 : i32
        %le3A_594 = arith.cmpi sle, %add3A_582, %le3A_593 : i32
        %broadcast_in_dim3A_595 = vector.broadcast %le3A_594 : i1 to vector<16xi1>
        %and3A_596 = arith.andi %and3A_592, %broadcast_in_dim3A_595 : vector<16xi1>
        %swap3A_597 = arith.index_cast %add3A_582 : i32 to index
        %swap3A_598 = tpu.vector_load %arg6[%swap3A_597] masked %and3A_596 {strides = array<i32>} : memref<4112xf32, #tpu.memory_space<vmem>>, vector<16xf32>, vector<16xi1>
        tpu.vector_store %arg6[%swap3A_597], %gather3A_590 masked %and3A_596 {strides = array<i32>} : memref<4112xf32, #tpu.memory_space<vmem>>, vector<16xf32>, vector<16xi1>
        %all_reduce_population_count3A_599 = tpu.all_reduce %and3A_596 {dim = 0 : i64, kind = #tpu.reduction_kind<sum>} : vector<16xi1> -> vector<16xi32>
        %slice3A_600 = vector.extract_strided_slice %all_reduce_population_count3A_599 {offsets = [0], sizes = [1], strides = [1]} : vector<16xi32> to vector<1xi32>
        %squeeze3A_601 = vector.extract %slice3A_600[0] : i32 from vector<1xi32>
        %add3A_602 = arith.addi %add3A_582, %squeeze3A_601 : i32
        %all_reduce_population_count3A_603 = tpu.all_reduce %and3A_592 {dim = 0 : i64, kind = #tpu.reduction_kind<sum>} : vector<16xi1> -> vector<16xi32>
        %slice3A_604 = vector.extract_strided_slice %all_reduce_population_count3A_603 {offsets = [0], sizes = [1], strides = [1]} : vector<16xi32> to vector<1xi32>
        %squeeze3A_605 = vector.extract %slice3A_604[0] : i32 from vector<1xi32>
        %add3A_606 = arith.addi %add3A_586, %squeeze3A_605 : i32
        %add3A_607 = arith.constant 208 : i32
        %add3A_608 = vector.broadcast %add3A_607 : i32 to vector<16xi32>
        %add3A_609 = arith.addi %add3A_352, %add3A_608 : vector<16xi32>
        %gather3A_610 = tpu.vector_load_idx %arg5[%add3A_609] : memref<32768xf32, #tpu.memory_space<vmem>>[vector<16xi32>], vector<16xf32>,
        %gt3A_611 = arith.cmpf ogt, %gather3A_610, %broadcast_in_dim3A_238 : vector<16xf32>
        %and3A_612 = arith.andi %gt3A_611, %lt3A_343 : vector<16xi1>
        %le3A_613 = arith.constant 4080 : i32
        %le3A_614 = arith.cmpi sle, %add3A_602, %le3A_613 : i32
        %broadcast_in_dim3A_615 = vector.broadcast %le3A_614 : i1 to vector<16xi1>
        %and3A_616 = arith.andi %and3A_612, %broadcast_in_dim3A_615 : vector<16xi1>
        %swap3A_617 = arith.index_cast %add3A_602 : i32 to index
        %swap3A_618 = tpu.vector_load %arg6[%swap3A_617] masked %and3A_616 {strides = array<i32>} : memref<4112xf32, #tpu.memory_space<vmem>>, vector<16xf32>, vector<16xi1>
        tpu.vector_store %arg6[%swap3A_617], %gather3A_610 masked %and3A_616 {strides = array<i32>} : memref<4112xf32, #tpu.memory_space<vmem>>, vector<16xf32>, vector<16xi1>
        %all_reduce_population_count3A_619 = tpu.all_reduce %and3A_616 {dim = 0 : i64, kind = #tpu.reduction_kind<sum>} : vector<16xi1> -> vector<16xi32>
        %slice3A_620 = vector.extract_strided_slice %all_reduce_population_count3A_619 {offsets = [0], sizes = [1], strides = [1]} : vector<16xi32> to vector<1xi32>
        %squeeze3A_621 = vector.extract %slice3A_620[0] : i32 from vector<1xi32>
        %add3A_622 = arith.addi %add3A_602, %squeeze3A_621 : i32
        %all_reduce_population_count3A_623 = tpu.all_reduce %and3A_612 {dim = 0 : i64, kind = #tpu.reduction_kind<sum>} : vector<16xi1> -> vector<16xi32>
        %slice3A_624 = vector.extract_strided_slice %all_reduce_population_count3A_623 {offsets = [0], sizes = [1], strides = [1]} : vector<16xi32> to vector<1xi32>
        %squeeze3A_625 = vector.extract %slice3A_624[0] : i32 from vector<1xi32>
        %add3A_626 = arith.addi %add3A_606, %squeeze3A_625 : i32
        %add3A_627 = arith.constant 224 : i32
        %add3A_628 = vector.broadcast %add3A_627 : i32 to vector<16xi32>
        %add3A_629 = arith.addi %add3A_352, %add3A_628 : vector<16xi32>
        %gather3A_630 = tpu.vector_load_idx %arg5[%add3A_629] : memref<32768xf32, #tpu.memory_space<vmem>>[vector<16xi32>], vector<16xf32>,
        %gt3A_631 = arith.cmpf ogt, %gather3A_630, %broadcast_in_dim3A_238 : vector<16xf32>
        %and3A_632 = arith.andi %gt3A_631, %lt3A_343 : vector<16xi1>
        %le3A_633 = arith.constant 4080 : i32
        %le3A_634 = arith.cmpi sle, %add3A_622, %le3A_633 : i32
        %broadcast_in_dim3A_635 = vector.broadcast %le3A_634 : i1 to vector<16xi1>
        %and3A_636 = arith.andi %and3A_632, %broadcast_in_dim3A_635 : vector<16xi1>
        %swap3A_637 = arith.index_cast %add3A_622 : i32 to index
        %swap3A_638 = tpu.vector_load %arg6[%swap3A_637] masked %and3A_636 {strides = array<i32>} : memref<4112xf32, #tpu.memory_space<vmem>>, vector<16xf32>, vector<16xi1>
        tpu.vector_store %arg6[%swap3A_637], %gather3A_630 masked %and3A_636 {strides = array<i32>} : memref<4112xf32, #tpu.memory_space<vmem>>, vector<16xf32>, vector<16xi1>
        %all_reduce_population_count3A_639 = tpu.all_reduce %and3A_636 {dim = 0 : i64, kind = #tpu.reduction_kind<sum>} : vector<16xi1> -> vector<16xi32>
        %slice3A_640 = vector.extract_strided_slice %all_reduce_population_count3A_639 {offsets = [0], sizes = [1], strides = [1]} : vector<16xi32> to vector<1xi32>
        %squeeze3A_641 = vector.extract %slice3A_640[0] : i32 from vector<1xi32>
        %add3A_642 = arith.addi %add3A_622, %squeeze3A_641 : i32
        %all_reduce_population_count3A_643 = tpu.all_reduce %and3A_632 {dim = 0 : i64, kind = #tpu.reduction_kind<sum>} : vector<16xi1> -> vector<16xi32>
        %slice3A_644 = vector.extract_strided_slice %all_reduce_population_count3A_643 {offsets = [0], sizes = [1], strides = [1]} : vector<16xi32> to vector<1xi32>
        %squeeze3A_645 = vector.extract %slice3A_644[0] : i32 from vector<1xi32>
        %add3A_646 = arith.addi %add3A_626, %squeeze3A_645 : i32
        %add3A_647 = arith.constant 240 : i32
        %add3A_648 = vector.broadcast %add3A_647 : i32 to vector<16xi32>
        %add3A_649 = arith.addi %add3A_352, %add3A_648 : vector<16xi32>
        %gather3A_650 = tpu.vector_load_idx %arg5[%add3A_649] : memref<32768xf32, #tpu.memory_space<vmem>>[vector<16xi32>], vector<16xf32>,
        %gt3A_651 = arith.cmpf ogt, %gather3A_650, %broadcast_in_dim3A_238 : vector<16xf32>
        %and3A_652 = arith.andi %gt3A_651, %lt3A_343 : vector<16xi1>
        %le3A_653 = arith.constant 4080 : i32
        %le3A_654 = arith.cmpi sle, %add3A_642, %le3A_653 : i32
        %broadcast_in_dim3A_655 = vector.broadcast %le3A_654 : i1 to vector<16xi1>
        %and3A_656 = arith.andi %and3A_652, %broadcast_in_dim3A_655 : vector<16xi1>
        %swap3A_657 = arith.index_cast %add3A_642 : i32 to index
        %swap3A_658 = tpu.vector_load %arg6[%swap3A_657] masked %and3A_656 {strides = array<i32>} : memref<4112xf32, #tpu.memory_space<vmem>>, vector<16xf32>, vector<16xi1>
        tpu.vector_store %arg6[%swap3A_657], %gather3A_650 masked %and3A_656 {strides = array<i32>} : memref<4112xf32, #tpu.memory_space<vmem>>, vector<16xf32>, vector<16xi1>
        %all_reduce_population_count3A_659 = tpu.all_reduce %and3A_656 {dim = 0 : i64, kind = #tpu.reduction_kind<sum>} : vector<16xi1> -> vector<16xi32>
        %slice3A_660 = vector.extract_strided_slice %all_reduce_population_count3A_659 {offsets = [0], sizes = [1], strides = [1]} : vector<16xi32> to vector<1xi32>
        %squeeze3A_661 = vector.extract %slice3A_660[0] : i32 from vector<1xi32>
        %add3A_662 = arith.addi %add3A_642, %squeeze3A_661 : i32
        %all_reduce_population_count3A_663 = tpu.all_reduce %and3A_652 {dim = 0 : i64, kind = #tpu.reduction_kind<sum>} : vector<16xi1> -> vector<16xi32>
        %slice3A_664 = vector.extract_strided_slice %all_reduce_population_count3A_663 {offsets = [0], sizes = [1], strides = [1]} : vector<16xi32> to vector<1xi32>
        %squeeze3A_665 = vector.extract %slice3A_664[0] : i32 from vector<1xi32>
        %add3A_666 = arith.addi %add3A_646, %squeeze3A_665 : i32
        scf.yield %add3A_662, %add3A_666 : i32, i32
      }
      %broadcast_in_dim3A_278 = arith.constant -3.000000e+38 : f32
      %broadcast_in_dim3A_279 = vector.broadcast %broadcast_in_dim3A_278 : f32 to vector<16xf32>
      %swap3A_280 = arith.index_cast %while3A_277#0 : i32 to index
      %swap3A_281 = tpu.vector_load %arg6[%swap3A_280] {strides = array<i32>} : memref<4112xf32, #tpu.memory_space<vmem>>, vector<16xf32>,
      tpu.vector_store %arg6[%swap3A_280], %broadcast_in_dim3A_279 {strides = array<i32>} : memref<4112xf32, #tpu.memory_space<vmem>>, vector<16xf32>,
      %add3A_282 = arith.constant 15 : i32
      %add3A_283 = arith.addi %while3A_277#0, %add3A_282 : i32
      %jit3A_284 = arith.constant 16 : i32
      %div3A_285 = arith.divsi %add3A_283, %jit3A_284 : i32
      %sign3A_286 = arith.constant 0 : i32
      %sign3A_287 = arith.cmpi sgt, %add3A_283, %sign3A_286 : i32
      %sign3A_288 = arith.extui %sign3A_287 : i1 to i32
      %sign3A_289 = arith.constant 0 : i32
      %sign3A_290 = arith.cmpi slt, %add3A_283, %sign3A_289 : i32
      %sign3A_291 = arith.extui %sign3A_290 : i1 to i32
      %sign3A_292 = arith.subi %sign3A_288, %sign3A_291 : i32
      %sign3A_293 = arith.constant 0 : i32
      %sign3A_294 = arith.cmpi sgt, %jit3A_284, %sign3A_293 : i32
      %sign3A_295 = arith.extui %sign3A_294 : i1 to i32
      %sign3A_296 = arith.constant 0 : i32
      %sign3A_297 = arith.cmpi slt, %jit3A_284, %sign3A_296 : i32
      %sign3A_298 = arith.extui %sign3A_297 : i1 to i32
      %sign3A_299 = arith.subi %sign3A_295, %sign3A_298 : i32
      %ne3A_300 = arith.cmpi ne, %sign3A_292, %sign3A_299 : i32
      %rem3A_301 = arith.remsi %add3A_283, %jit3A_284 : i32
      %ne3A_302 = arith.constant 0 : i32
      %ne3A_303 = arith.cmpi ne, %rem3A_301, %ne3A_302 : i32
      %and3A_304 = arith.andi %ne3A_300, %ne3A_303 : i1
      %sub3A_305 = arith.constant 1 : i32
      %sub3A_306 = arith.subi %div3A_285, %sub3A_305 : i32
      %select_n3A_307 = arith.select %and3A_304, %sub3A_306, %div3A_285 : i32
      %eq3A_308 = arith.cmpi eq, %while3A_277#1, %while3A_277#0 : i32
      %convert_element_type3A_309 = arith.extui %eq3A_308 : i1 to i32
      %cond3A_310 = arith.constant 0 : i32
      %cond3A_311 = arith.cmpi ne, %convert_element_type3A_309, %cond3A_310 : i32
      %cond3A_312 = scf.if %cond3A_311 -> (vector<16xf32>) {
        %sub3A_332 = arith.constant 1.000000e+00 : f32
        %sub3A_333 = arith.subf %reduce_max3A_205, %sub3A_332 : f32
        %scan3A_334 = arith.constant 0 : i32
        %scan3A_335 = arith.constant 14 : i32
        %scan3A_336 = arith.addi %scan3A_334, %scan3A_335 : i32
        %scan3A_337 = arith.constant 1 : i32
        %scan3A_338:2 = scf.for %scan3A_347 = %scan3A_334 to %scan3A_336 step %scan3A_337 iter_args(%scan3A_348 = %sub3A_333, %scan3A_349 = %reduce_max3A_205) -> (f32, f32)  : i32 {
          %add3A_350 = arith.addf %scan3A_348, %scan3A_349 : f32
          %mul3A_351 = arith.constant 5.000000e-01 : f32
          %mul3A_352 = arith.mulf %mul3A_351, %add3A_350 : f32
          %broadcast_in_dim3A_353 = arith.constant 0.000000e+00 : f32
          %broadcast_in_dim3A_354 = vector.broadcast %broadcast_in_dim3A_353 : f32 to vector<16xf32>
          %while3A_355 = arith.constant 0 : i32
          %while3A_356 = arith.subi %select_n3A_307, %while3A_355 : i32
          %while3A_357 = arith.addi %while3A_355, %while3A_356 : i32
          %while3A_358 = arith.constant 1 : i32
          %while3A_359 = arith.divsi %while3A_356, %while3A_358 : i32
          %while3A_360 = arith.muli %while3A_359, %while3A_358 : i32
          %while3A_361 = arith.addi %while3A_355, %while3A_360 : i32
          %while3A_362 = arith.constant 1 : i32
          %while3A_363 = scf.for %while3A_372 = %while3A_355 to %while3A_361 step %while3A_362 iter_args(%while3A_373 = %broadcast_in_dim3A_354) -> (vector<16xf32>)  : i32 {
            %mul3A_374 = arith.constant 16 : i32
            %mul3A_375 = arith.muli %while3A_372, %mul3A_374 : i32
            %get3A = arith.index_cast %mul3A_375 : i32 to index
            %get3A_376 = tpu.vector_load %arg6[%get3A] {strides = array<i32>} : memref<4112xf32, #tpu.memory_space<vmem>>, vector<16xf32>,
            %sub3A_377 = vector.broadcast %mul3A_352 : f32 to vector<16xf32>
            %sub3A_378 = arith.subf %get3A_376, %sub3A_377 : vector<16xf32>
            %max3A = arith.constant 0.000000e+00 : f32
            %max3A_379 = vector.broadcast %max3A : f32 to vector<16xf32>
            %max3A_380 = arith.maximumf %sub3A_378, %max3A_379 : vector<16xf32>
            %add3A_381 = arith.addf %while3A_373, %max3A_380 : vector<16xf32>
            scf.yield %add3A_381 : vector<16xf32>
          }
          %while3A_364 = arith.constant 1 : i32
          %while3A_365 = scf.for %while3A_372 = %while3A_361 to %while3A_357 step %while3A_364 iter_args(%while3A_373 = %while3A_363) -> (vector<16xf32>)  : i32 {
            %mul3A_374 = arith.constant 16 : i32
            %mul3A_375 = arith.muli %while3A_372, %mul3A_374 : i32
            %get3A = arith.index_cast %mul3A_375 : i32 to index
            %get3A_376 = tpu.vector_load %arg6[%get3A] {strides = array<i32>} : memref<4112xf32, #tpu.memory_space<vmem>>, vector<16xf32>,
            %sub3A_377 = vector.broadcast %mul3A_352 : f32 to vector<16xf32>
            %sub3A_378 = arith.subf %get3A_376, %sub3A_377 : vector<16xf32>
            %max3A = arith.constant 0.000000e+00 : f32
            %max3A_379 = vector.broadcast %max3A : f32 to vector<16xf32>
            %max3A_380 = arith.maximumf %sub3A_378, %max3A_379 : vector<16xf32>
            %add3A_381 = arith.addf %while3A_373, %max3A_380 : vector<16xf32>
            scf.yield %add3A_381 : vector<16xf32>
          }
          %reduce_sum3A = arith.constant true
          %reduce_sum3A_366 = vector.broadcast %reduce_sum3A : i1 to vector<16xi1>
          %reduce_sum3A_367 = tpu.scan <sum>, %while3A_365 masked %reduce_sum3A_366 : vector<16xf32>, vector<16xi1> -> vector<16xf32>
          %reduce_sum3A_368 = vector.extract %reduce_sum3A_367[15] : f32 from vector<16xf32>
          %ge3A = arith.constant 1.000000e+00 : f32
          %ge3A_369 = arith.cmpf oge, %reduce_sum3A_368, %ge3A : f32
          %select_n3A_370 = arith.select %ge3A_369, %mul3A_352, %scan3A_348 : f32
          %select_n3A_371 = arith.select %ge3A_369, %scan3A_349, %mul3A_352 : f32
          scf.yield %select_n3A_370, %select_n3A_371 : f32, f32
        }
        %scan3A_339 = arith.constant 14 : i32
        %broadcast_in_dim3A_340 = vector.broadcast %scan3A_338#0 : f32 to vector<16xf32>
        %scan3A_341 = arith.constant 0 : i32
        %scan3A_342 = arith.constant 3 : i32
        %scan3A_343 = arith.addi %scan3A_341, %scan3A_342 : i32
        %scan3A_344 = arith.constant 1 : i32
        %scan3A_345 = scf.for %scan3A_347 = %scan3A_341 to %scan3A_343 step %scan3A_344 iter_args(%scan3A_348 = %broadcast_in_dim3A_340) -> (vector<16xf32>)  : i32 {
          %broadcast_in_dim3A_349 = arith.constant 0.000000e+00 : f32
          %broadcast_in_dim3A_350 = vector.broadcast %broadcast_in_dim3A_349 : f32 to vector<16xf32>
          %broadcast_in_dim3A_351 = arith.constant 0.000000e+00 : f32
          %broadcast_in_dim3A_352 = vector.broadcast %broadcast_in_dim3A_351 : f32 to vector<16xf32>
          %while3A_353 = arith.constant 0 : i32
          %while3A_354 = arith.subi %select_n3A_307, %while3A_353 : i32
          %while3A_355 = arith.addi %while3A_353, %while3A_354 : i32
          %while3A_356 = arith.constant 1 : i32
          %while3A_357 = arith.divsi %while3A_354, %while3A_356 : i32
          %while3A_358 = arith.muli %while3A_357, %while3A_356 : i32
          %while3A_359 = arith.addi %while3A_353, %while3A_358 : i32
          %while3A_360 = arith.constant 1 : i32
          %while3A_361:2 = scf.for %while3A_376 = %while3A_353 to %while3A_359 step %while3A_360 iter_args(%while3A_377 = %broadcast_in_dim3A_350, %while3A_378 = %broadcast_in_dim3A_352) -> (vector<16xf32>, vector<16xf32>)  : i32 {
            %mul3A_379 = arith.constant 16 : i32
            %mul3A_380 = arith.muli %while3A_376, %mul3A_379 : i32
            %get3A = arith.index_cast %mul3A_380 : i32 to index
            %get3A_381 = tpu.vector_load %arg6[%get3A] {strides = array<i32>} : memref<4112xf32, #tpu.memory_space<vmem>>, vector<16xf32>,
            %gt3A = arith.cmpf ogt, %get3A_381, %scan3A_348 : vector<16xf32>
            %jit3A_382 = arith.constant 0.000000e+00 : f32
            %broadcast_in_dim3A_383 = vector.broadcast %jit3A_382 : f32 to vector<16xf32>
            %select_n3A_384 = arith.select %gt3A, %get3A_381, %broadcast_in_dim3A_383 : vector<16xi1>, vector<16xf32>
            %add3A_385 = arith.addf %while3A_377, %select_n3A_384 : vector<16xf32>
            %jit3A_386 = arith.constant 1.000000e+00 : f32
            %jit3A_387 = arith.constant 0.000000e+00 : f32
            %broadcast_in_dim3A_388 = vector.broadcast %jit3A_386 : f32 to vector<16xf32>
            %broadcast_in_dim3A_389 = vector.broadcast %jit3A_387 : f32 to vector<16xf32>
            %select_n3A_390 = arith.select %gt3A, %broadcast_in_dim3A_388, %broadcast_in_dim3A_389 : vector<16xi1>, vector<16xf32>
            %add3A_391 = arith.addf %while3A_378, %select_n3A_390 : vector<16xf32>
            scf.yield %add3A_385, %add3A_391 : vector<16xf32>, vector<16xf32>
          }
          %while3A_362 = arith.constant 1 : i32
          %while3A_363:2 = scf.for %while3A_376 = %while3A_359 to %while3A_355 step %while3A_362 iter_args(%while3A_377 = %while3A_361#0, %while3A_378 = %while3A_361#1) -> (vector<16xf32>, vector<16xf32>)  : i32 {
            %mul3A_379 = arith.constant 16 : i32
            %mul3A_380 = arith.muli %while3A_376, %mul3A_379 : i32
            %get3A = arith.index_cast %mul3A_380 : i32 to index
            %get3A_381 = tpu.vector_load %arg6[%get3A] {strides = array<i32>} : memref<4112xf32, #tpu.memory_space<vmem>>, vector<16xf32>,
            %gt3A = arith.cmpf ogt, %get3A_381, %scan3A_348 : vector<16xf32>
            %jit3A_382 = arith.constant 0.000000e+00 : f32
            %broadcast_in_dim3A_383 = vector.broadcast %jit3A_382 : f32 to vector<16xf32>
            %select_n3A_384 = arith.select %gt3A, %get3A_381, %broadcast_in_dim3A_383 : vector<16xi1>, vector<16xf32>
            %add3A_385 = arith.addf %while3A_377, %select_n3A_384 : vector<16xf32>
            %jit3A_386 = arith.constant 1.000000e+00 : f32
            %jit3A_387 = arith.constant 0.000000e+00 : f32
            %broadcast_in_dim3A_388 = vector.broadcast %jit3A_386 : f32 to vector<16xf32>
            %broadcast_in_dim3A_389 = vector.broadcast %jit3A_387 : f32 to vector<16xf32>
            %select_n3A_390 = arith.select %gt3A, %broadcast_in_dim3A_388, %broadcast_in_dim3A_389 : vector<16xi1>, vector<16xf32>
            %add3A_391 = arith.addf %while3A_378, %select_n3A_390 : vector<16xf32>
            scf.yield %add3A_385, %add3A_391 : vector<16xf32>, vector<16xf32>
          }
          %reduce_sum3A = arith.constant true
          %reduce_sum3A_364 = vector.broadcast %reduce_sum3A : i1 to vector<16xi1>
          %reduce_sum3A_365 = tpu.scan <sum>, %while3A_363#0 masked %reduce_sum3A_364 : vector<16xf32>, vector<16xi1> -> vector<16xf32>
          %reduce_sum3A_366 = vector.extract %reduce_sum3A_365[15] : f32 from vector<16xf32>
          %sub3A_367 = arith.constant 1.000000e+00 : f32
          %sub3A_368 = arith.subf %reduce_sum3A_366, %sub3A_367 : f32
          %broadcast_in_dim3A_369 = vector.broadcast %sub3A_368 : f32 to vector<16xf32>
          %reduce_sum3A_370 = arith.constant true
          %reduce_sum3A_371 = vector.broadcast %reduce_sum3A_370 : i1 to vector<16xi1>
          %reduce_sum3A_372 = tpu.scan <sum>, %while3A_363#1 masked %reduce_sum3A_371 : vector<16xf32>, vector<16xi1> -> vector<16xf32>
          %reduce_sum3A_373 = vector.extract %reduce_sum3A_372[15] : f32 from vector<16xf32>
          %broadcast_in_dim3A_374 = vector.broadcast %reduce_sum3A_373 : f32 to vector<16xf32>
          %div3A_375 = arith.divf %broadcast_in_dim3A_369, %broadcast_in_dim3A_374 : vector<16xf32>
          %max3A = arith.maximumf %scan3A_348, %div3A_375 : vector<16xf32>
          scf.yield %max3A : vector<16xf32>
        }
        %scan3A_346 = arith.constant 3 : i32
        scf.yield %scan3A_345 : vector<16xf32>
      } else {
        %sub3A_332 = arith.constant 1.000000e+00 : f32
        %sub3A_333 = arith.subf %reduce_max3A_205, %sub3A_332 : f32
        %scan3A_334 = arith.constant 0 : i32
        %scan3A_335 = arith.constant 14 : i32
        %scan3A_336 = arith.addi %scan3A_334, %scan3A_335 : i32
        %scan3A_337 = arith.constant 1 : i32
        %scan3A_338:2 = scf.for %scan3A_347 = %scan3A_334 to %scan3A_336 step %scan3A_337 iter_args(%scan3A_348 = %sub3A_333, %scan3A_349 = %reduce_max3A_205) -> (f32, f32)  : i32 {
          %add3A_350 = arith.addf %scan3A_348, %scan3A_349 : f32
          %mul3A_351 = arith.constant 5.000000e-01 : f32
          %mul3A_352 = arith.mulf %mul3A_351, %add3A_350 : f32
          %broadcast_in_dim3A_353 = arith.constant 0.000000e+00 : f32
          %broadcast_in_dim3A_354 = vector.broadcast %broadcast_in_dim3A_353 : f32 to vector<16xf32>
          %scan3A_355 = arith.constant 0 : i32
          %scan3A_356 = arith.constant 2048 : i32
          %scan3A_357 = arith.addi %scan3A_355, %scan3A_356 : i32
          %scan3A_358 = arith.constant 1 : i32
          %scan3A_359 = scf.for %scan3A_367 = %scan3A_355 to %scan3A_357 step %scan3A_358 iter_args(%scan3A_368 = %broadcast_in_dim3A_354) -> (vector<16xf32>)  : i32 {
            %mul3A_369 = arith.constant 16 : i32
            %mul3A_370 = arith.muli %scan3A_367, %mul3A_369 : i32
            %get3A = arith.index_cast %mul3A_370 : i32 to index
            %get3A_371 = tpu.vector_load %arg5[%get3A] {strides = array<i32>} : memref<32768xf32, #tpu.memory_space<vmem>>, vector<16xf32>,
            %sub3A_372 = vector.broadcast %mul3A_352 : f32 to vector<16xf32>
            %sub3A_373 = arith.subf %get3A_371, %sub3A_372 : vector<16xf32>
            %max3A = arith.constant 0.000000e+00 : f32
            %max3A_374 = vector.broadcast %max3A : f32 to vector<16xf32>
            %max3A_375 = arith.maximumf %sub3A_373, %max3A_374 : vector<16xf32>
            %add3A_376 = arith.addf %scan3A_368, %max3A_375 : vector<16xf32>
            scf.yield %add3A_376 : vector<16xf32>
          }
          %scan3A_360 = arith.constant 2048 : i32
          %reduce_sum3A = arith.constant true
          %reduce_sum3A_361 = vector.broadcast %reduce_sum3A : i1 to vector<16xi1>
          %reduce_sum3A_362 = tpu.scan <sum>, %scan3A_359 masked %reduce_sum3A_361 : vector<16xf32>, vector<16xi1> -> vector<16xf32>
          %reduce_sum3A_363 = vector.extract %reduce_sum3A_362[15] : f32 from vector<16xf32>
          %ge3A = arith.constant 1.000000e+00 : f32
          %ge3A_364 = arith.cmpf oge, %reduce_sum3A_363, %ge3A : f32
          %select_n3A_365 = arith.select %ge3A_364, %mul3A_352, %scan3A_348 : f32
          %select_n3A_366 = arith.select %ge3A_364, %scan3A_349, %mul3A_352 : f32
          scf.yield %select_n3A_365, %select_n3A_366 : f32, f32
        }
        %scan3A_339 = arith.constant 14 : i32
        %broadcast_in_dim3A_340 = vector.broadcast %scan3A_338#0 : f32 to vector<16xf32>
        %scan3A_341 = arith.constant 0 : i32
        %scan3A_342 = arith.constant 3 : i32
        %scan3A_343 = arith.addi %scan3A_341, %scan3A_342 : i32
        %scan3A_344 = arith.constant 1 : i32
        %scan3A_345 = scf.for %scan3A_347 = %scan3A_341 to %scan3A_343 step %scan3A_344 iter_args(%scan3A_348 = %broadcast_in_dim3A_340) -> (vector<16xf32>)  : i32 {
          %broadcast_in_dim3A_349 = arith.constant 0.000000e+00 : f32
          %broadcast_in_dim3A_350 = vector.broadcast %broadcast_in_dim3A_349 : f32 to vector<16xf32>
          %broadcast_in_dim3A_351 = arith.constant 0.000000e+00 : f32
          %broadcast_in_dim3A_352 = vector.broadcast %broadcast_in_dim3A_351 : f32 to vector<16xf32>
          %scan3A_353 = arith.constant 0 : i32
          %scan3A_354 = arith.constant 2048 : i32
          %scan3A_355 = arith.addi %scan3A_353, %scan3A_354 : i32
          %scan3A_356 = arith.constant 1 : i32
          %scan3A_357:2 = scf.for %scan3A_371 = %scan3A_353 to %scan3A_355 step %scan3A_356 iter_args(%scan3A_372 = %broadcast_in_dim3A_350, %scan3A_373 = %broadcast_in_dim3A_352) -> (vector<16xf32>, vector<16xf32>)  : i32 {
            %mul3A_374 = arith.constant 16 : i32
            %mul3A_375 = arith.muli %scan3A_371, %mul3A_374 : i32
            %get3A = arith.index_cast %mul3A_375 : i32 to index
            %get3A_376 = tpu.vector_load %arg5[%get3A] {strides = array<i32>} : memref<32768xf32, #tpu.memory_space<vmem>>, vector<16xf32>,
            %gt3A = arith.cmpf ogt, %get3A_376, %scan3A_348 : vector<16xf32>
            %jit3A_377 = arith.constant 0.000000e+00 : f32
            %broadcast_in_dim3A_378 = vector.broadcast %jit3A_377 : f32 to vector<16xf32>
            %select_n3A_379 = arith.select %gt3A, %get3A_376, %broadcast_in_dim3A_378 : vector<16xi1>, vector<16xf32>
            %add3A_380 = arith.addf %scan3A_372, %select_n3A_379 : vector<16xf32>
            %jit3A_381 = arith.constant 1.000000e+00 : f32
            %jit3A_382 = arith.constant 0.000000e+00 : f32
            %broadcast_in_dim3A_383 = vector.broadcast %jit3A_381 : f32 to vector<16xf32>
            %broadcast_in_dim3A_384 = vector.broadcast %jit3A_382 : f32 to vector<16xf32>
            %select_n3A_385 = arith.select %gt3A, %broadcast_in_dim3A_383, %broadcast_in_dim3A_384 : vector<16xi1>, vector<16xf32>
            %add3A_386 = arith.addf %scan3A_373, %select_n3A_385 : vector<16xf32>
            scf.yield %add3A_380, %add3A_386 : vector<16xf32>, vector<16xf32>
          }
          %scan3A_358 = arith.constant 2048 : i32
          %reduce_sum3A = arith.constant true
          %reduce_sum3A_359 = vector.broadcast %reduce_sum3A : i1 to vector<16xi1>
          %reduce_sum3A_360 = tpu.scan <sum>, %scan3A_357#0 masked %reduce_sum3A_359 : vector<16xf32>, vector<16xi1> -> vector<16xf32>
          %reduce_sum3A_361 = vector.extract %reduce_sum3A_360[15] : f32 from vector<16xf32>
          %sub3A_362 = arith.constant 1.000000e+00 : f32
          %sub3A_363 = arith.subf %reduce_sum3A_361, %sub3A_362 : f32
          %broadcast_in_dim3A_364 = vector.broadcast %sub3A_363 : f32 to vector<16xf32>
          %reduce_sum3A_365 = arith.constant true
          %reduce_sum3A_366 = vector.broadcast %reduce_sum3A_365 : i1 to vector<16xi1>
          %reduce_sum3A_367 = tpu.scan <sum>, %scan3A_357#1 masked %reduce_sum3A_366 : vector<16xf32>, vector<16xi1> -> vector<16xf32>
          %reduce_sum3A_368 = vector.extract %reduce_sum3A_367[15] : f32 from vector<16xf32>
          %broadcast_in_dim3A_369 = vector.broadcast %reduce_sum3A_368 : f32 to vector<16xf32>
          %div3A_370 = arith.divf %broadcast_in_dim3A_364, %broadcast_in_dim3A_369 : vector<16xf32>
          %max3A = arith.maximumf %scan3A_348, %div3A_370 : vector<16xf32>
          scf.yield %max3A : vector<16xf32>
        }
        %scan3A_346 = arith.constant 3 : i32
        scf.yield %scan3A_345 : vector<16xf32>
      }
      %dma_wait3A_313 = arith.constant 0 : i32
      %dma_wait3A_314 = tpu.memref_slice %arg3[%add3A_183, %dma_wait3A_313] : memref<1024x32768xf32, #tpu.memory_space<hbm>> -> memref<1x32768xf32, #tpu.memory_space<hbm>>
      %dma_wait3A_315 = tpu.memref_squeeze %dma_wait3A_314 : memref<1x32768xf32, #tpu.memory_space<hbm>> -> memref<32768xf32, #tpu.memory_space<hbm>>
      %dma_wait3A_316 = arith.constant 0 : i32
      %dma_wait3A_317 = tpu.memref_slice %arg3[%add3A_183, %dma_wait3A_316] : memref<1024x32768xf32, #tpu.memory_space<hbm>> -> memref<1x32768xf32, #tpu.memory_space<hbm>>
      %dma_wait3A_318 = tpu.memref_squeeze %dma_wait3A_317 : memref<1x32768xf32, #tpu.memory_space<hbm>> -> memref<32768xf32, #tpu.memory_space<hbm>>
      tpu.wait_dma2 semaphore(%arg12 : memref<!tpu.dma_semaphore, #tpu.memory_space<semaphore_mem>>) src(%arg9 : memref<32768xf32, #tpu.memory_space<vmem>>) dst(%dma_wait3A_318 : memref<32768xf32, #tpu.memory_space<hbm>>)
      %while3A_319 = arith.constant 0 : i32
      %while3A_320 = arith.constant -1 : i32
      %while3A_321 = arith.constant 0 : i32
      %while3A_322 = arith.subi %scan3A_214, %while3A_319 : i32
      %while3A_323 = arith.addi %while3A_319, %while3A_322 : i32
      %while3A_324 = arith.constant 1 : i32
      %while3A_325 = arith.divsi %while3A_322, %while3A_324 : i32
      %while3A_326 = arith.muli %while3A_325, %while3A_324 : i32
      %while3A_327 = arith.addi %while3A_319, %while3A_326 : i32
      %while3A_328 = arith.constant 1 : i32
      %while3A_329:2 = scf.for %while3A_332 = %while3A_319 to %while3A_327 step %while3A_328 iter_args(%while3A_333 = %while3A_320, %while3A_334 = %while3A_321) -> (i32, i32)  : i32 {
        %get3A = arith.index_cast %while3A_332 : i32 to index
        %get3A_335 = tpu.vector_load %arg8[%get3A] {strides = array<i32>} : memref<2064xi32, #tpu.memory_space<vmem>>, vector<16xi32>,
        %slice3A = vector.extract_strided_slice %get3A_335 {offsets = [0], sizes = [1], strides = [1]} : vector<16xi32> to vector<1xi32>
        %squeeze3A = vector.extract %slice3A[0] : i32 from vector<1xi32>
        %shift_right_arithmetic3A = arith.constant 4 : i32
        %shift_right_arithmetic3A_336 = arith.shrsi %squeeze3A, %shift_right_arithmetic3A : i32
        %ne3A_337 = arith.cmpi ne, %shift_right_arithmetic3A_336, %while3A_333 : i32
        %convert_element_type3A_338 = arith.extui %ne3A_337 : i1 to i32
        %cond3A_339 = arith.constant 0 : i32
        %cond3A_340 = arith.cmpi ne, %convert_element_type3A_338, %cond3A_339 : i32
        %cond3A_341 = scf.if %cond3A_340 -> (i32) {
          %mul3A_342 = arith.constant 256 : i32
          %mul3A_343 = arith.muli %shift_right_arithmetic3A_336, %mul3A_342 : i32
          %add3A_344 = arith.constant 0 : i32
          %add3A_345 = arith.addi %mul3A_343, %add3A_344 : i32
          %get3A_346 = arith.index_cast %add3A_345 : i32 to index
          %get3A_347 = tpu.vector_load %arg5[%get3A_346] {strides = array<i32>} : memref<32768xf32, #tpu.memory_space<vmem>>, vector<16xf32>,
          %sub3A_348 = arith.subf %get3A_347, %cond3A_312 : vector<16xf32>
          %max3A = arith.constant 0.000000e+00 : f32
          %max3A_349 = vector.broadcast %max3A : f32 to vector<16xf32>
          %max3A_350 = arith.maximumf %sub3A_348, %max3A_349 : vector<16xf32>
          %add3A_351 = arith.constant 0 : i32
          %add3A_352 = arith.addi %mul3A_343, %add3A_351 : i32
          %swap3A_353 = arith.index_cast %add3A_352 : i32 to index
          %swap3A_354 = tpu.vector_load %arg5[%swap3A_353] {strides = array<i32>} : memref<32768xf32, #tpu.memory_space<vmem>>, vector<16xf32>,
          tpu.vector_store %arg5[%swap3A_353], %max3A_350 {strides = array<i32>} : memref<32768xf32, #tpu.memory_space<vmem>>, vector<16xf32>,
          %add3A_355 = arith.constant 16 : i32
          %add3A_356 = arith.addi %mul3A_343, %add3A_355 : i32
          %get3A_357 = arith.index_cast %add3A_356 : i32 to index
          %get3A_358 = tpu.vector_load %arg5[%get3A_357] {strides = array<i32>} : memref<32768xf32, #tpu.memory_space<vmem>>, vector<16xf32>,
          %sub3A_359 = arith.subf %get3A_358, %cond3A_312 : vector<16xf32>
          %max3A_360 = arith.constant 0.000000e+00 : f32
          %max3A_361 = vector.broadcast %max3A_360 : f32 to vector<16xf32>
          %max3A_362 = arith.maximumf %sub3A_359, %max3A_361 : vector<16xf32>
          %add3A_363 = arith.constant 16 : i32
          %add3A_364 = arith.addi %mul3A_343, %add3A_363 : i32
          %swap3A_365 = arith.index_cast %add3A_364 : i32 to index
          %swap3A_366 = tpu.vector_load %arg5[%swap3A_365] {strides = array<i32>} : memref<32768xf32, #tpu.memory_space<vmem>>, vector<16xf32>,
          tpu.vector_store %arg5[%swap3A_365], %max3A_362 {strides = array<i32>} : memref<32768xf32, #tpu.memory_space<vmem>>, vector<16xf32>,
          %add3A_367 = arith.constant 32 : i32
          %add3A_368 = arith.addi %mul3A_343, %add3A_367 : i32
          %get3A_369 = arith.index_cast %add3A_368 : i32 to index
          %get3A_370 = tpu.vector_load %arg5[%get3A_369] {strides = array<i32>} : memref<32768xf32, #tpu.memory_space<vmem>>, vector<16xf32>,
          %sub3A_371 = arith.subf %get3A_370, %cond3A_312 : vector<16xf32>
          %max3A_372 = arith.constant 0.000000e+00 : f32
          %max3A_373 = vector.broadcast %max3A_372 : f32 to vector<16xf32>
          %max3A_374 = arith.maximumf %sub3A_371, %max3A_373 : vector<16xf32>
          %add3A_375 = arith.constant 32 : i32
          %add3A_376 = arith.addi %mul3A_343, %add3A_375 : i32
          %swap3A_377 = arith.index_cast %add3A_376 : i32 to index
          %swap3A_378 = tpu.vector_load %arg5[%swap3A_377] {strides = array<i32>} : memref<32768xf32, #tpu.memory_space<vmem>>, vector<16xf32>,
          tpu.vector_store %arg5[%swap3A_377], %max3A_374 {strides = array<i32>} : memref<32768xf32, #tpu.memory_space<vmem>>, vector<16xf32>,
          %add3A_379 = arith.constant 48 : i32
          %add3A_380 = arith.addi %mul3A_343, %add3A_379 : i32
          %get3A_381 = arith.index_cast %add3A_380 : i32 to index
          %get3A_382 = tpu.vector_load %arg5[%get3A_381] {strides = array<i32>} : memref<32768xf32, #tpu.memory_space<vmem>>, vector<16xf32>,
          %sub3A_383 = arith.subf %get3A_382, %cond3A_312 : vector<16xf32>
          %max3A_384 = arith.constant 0.000000e+00 : f32
          %max3A_385 = vector.broadcast %max3A_384 : f32 to vector<16xf32>
          %max3A_386 = arith.maximumf %sub3A_383, %max3A_385 : vector<16xf32>
          %add3A_387 = arith.constant 48 : i32
          %add3A_388 = arith.addi %mul3A_343, %add3A_387 : i32
          %swap3A_389 = arith.index_cast %add3A_388 : i32 to index
          %swap3A_390 = tpu.vector_load %arg5[%swap3A_389] {strides = array<i32>} : memref<32768xf32, #tpu.memory_space<vmem>>, vector<16xf32>,
          tpu.vector_store %arg5[%swap3A_389], %max3A_386 {strides = array<i32>} : memref<32768xf32, #tpu.memory_space<vmem>>, vector<16xf32>,
          %add3A_391 = arith.constant 64 : i32
          %add3A_392 = arith.addi %mul3A_343, %add3A_391 : i32
          %get3A_393 = arith.index_cast %add3A_392 : i32 to index
          %get3A_394 = tpu.vector_load %arg5[%get3A_393] {strides = array<i32>} : memref<32768xf32, #tpu.memory_space<vmem>>, vector<16xf32>,
          %sub3A_395 = arith.subf %get3A_394, %cond3A_312 : vector<16xf32>
          %max3A_396 = arith.constant 0.000000e+00 : f32
          %max3A_397 = vector.broadcast %max3A_396 : f32 to vector<16xf32>
          %max3A_398 = arith.maximumf %sub3A_395, %max3A_397 : vector<16xf32>
          %add3A_399 = arith.constant 64 : i32
          %add3A_400 = arith.addi %mul3A_343, %add3A_399 : i32
          %swap3A_401 = arith.index_cast %add3A_400 : i32 to index
          %swap3A_402 = tpu.vector_load %arg5[%swap3A_401] {strides = array<i32>} : memref<32768xf32, #tpu.memory_space<vmem>>, vector<16xf32>,
          tpu.vector_store %arg5[%swap3A_401], %max3A_398 {strides = array<i32>} : memref<32768xf32, #tpu.memory_space<vmem>>, vector<16xf32>,
          %add3A_403 = arith.constant 80 : i32
          %add3A_404 = arith.addi %mul3A_343, %add3A_403 : i32
          %get3A_405 = arith.index_cast %add3A_404 : i32 to index
          %get3A_406 = tpu.vector_load %arg5[%get3A_405] {strides = array<i32>} : memref<32768xf32, #tpu.memory_space<vmem>>, vector<16xf32>,
          %sub3A_407 = arith.subf %get3A_406, %cond3A_312 : vector<16xf32>
          %max3A_408 = arith.constant 0.000000e+00 : f32
          %max3A_409 = vector.broadcast %max3A_408 : f32 to vector<16xf32>
          %max3A_410 = arith.maximumf %sub3A_407, %max3A_409 : vector<16xf32>
          %add3A_411 = arith.constant 80 : i32
          %add3A_412 = arith.addi %mul3A_343, %add3A_411 : i32
          %swap3A_413 = arith.index_cast %add3A_412 : i32 to index
          %swap3A_414 = tpu.vector_load %arg5[%swap3A_413] {strides = array<i32>} : memref<32768xf32, #tpu.memory_space<vmem>>, vector<16xf32>,
          tpu.vector_store %arg5[%swap3A_413], %max3A_410 {strides = array<i32>} : memref<32768xf32, #tpu.memory_space<vmem>>, vector<16xf32>,
          %add3A_415 = arith.constant 96 : i32
          %add3A_416 = arith.addi %mul3A_343, %add3A_415 : i32
          %get3A_417 = arith.index_cast %add3A_416 : i32 to index
          %get3A_418 = tpu.vector_load %arg5[%get3A_417] {strides = array<i32>} : memref<32768xf32, #tpu.memory_space<vmem>>, vector<16xf32>,
          %sub3A_419 = arith.subf %get3A_418, %cond3A_312 : vector<16xf32>
          %max3A_420 = arith.constant 0.000000e+00 : f32
          %max3A_421 = vector.broadcast %max3A_420 : f32 to vector<16xf32>
          %max3A_422 = arith.maximumf %sub3A_419, %max3A_421 : vector<16xf32>
          %add3A_423 = arith.constant 96 : i32
          %add3A_424 = arith.addi %mul3A_343, %add3A_423 : i32
          %swap3A_425 = arith.index_cast %add3A_424 : i32 to index
          %swap3A_426 = tpu.vector_load %arg5[%swap3A_425] {strides = array<i32>} : memref<32768xf32, #tpu.memory_space<vmem>>, vector<16xf32>,
          tpu.vector_store %arg5[%swap3A_425], %max3A_422 {strides = array<i32>} : memref<32768xf32, #tpu.memory_space<vmem>>, vector<16xf32>,
          %add3A_427 = arith.constant 112 : i32
          %add3A_428 = arith.addi %mul3A_343, %add3A_427 : i32
          %get3A_429 = arith.index_cast %add3A_428 : i32 to index
          %get3A_430 = tpu.vector_load %arg5[%get3A_429] {strides = array<i32>} : memref<32768xf32, #tpu.memory_space<vmem>>, vector<16xf32>,
          %sub3A_431 = arith.subf %get3A_430, %cond3A_312 : vector<16xf32>
          %max3A_432 = arith.constant 0.000000e+00 : f32
          %max3A_433 = vector.broadcast %max3A_432 : f32 to vector<16xf32>
          %max3A_434 = arith.maximumf %sub3A_431, %max3A_433 : vector<16xf32>
          %add3A_435 = arith.constant 112 : i32
          %add3A_436 = arith.addi %mul3A_343, %add3A_435 : i32
          %swap3A_437 = arith.index_cast %add3A_436 : i32 to index
          %swap3A_438 = tpu.vector_load %arg5[%swap3A_437] {strides = array<i32>} : memref<32768xf32, #tpu.memory_space<vmem>>, vector<16xf32>,
          tpu.vector_store %arg5[%swap3A_437], %max3A_434 {strides = array<i32>} : memref<32768xf32, #tpu.memory_space<vmem>>, vector<16xf32>,
          %add3A_439 = arith.constant 128 : i32
          %add3A_440 = arith.addi %mul3A_343, %add3A_439 : i32
          %get3A_441 = arith.index_cast %add3A_440 : i32 to index
          %get3A_442 = tpu.vector_load %arg5[%get3A_441] {strides = array<i32>} : memref<32768xf32, #tpu.memory_space<vmem>>, vector<16xf32>,
          %sub3A_443 = arith.subf %get3A_442, %cond3A_312 : vector<16xf32>
          %max3A_444 = arith.constant 0.000000e+00 : f32
          %max3A_445 = vector.broadcast %max3A_444 : f32 to vector<16xf32>
          %max3A_446 = arith.maximumf %sub3A_443, %max3A_445 : vector<16xf32>
          %add3A_447 = arith.constant 128 : i32
          %add3A_448 = arith.addi %mul3A_343, %add3A_447 : i32
          %swap3A_449 = arith.index_cast %add3A_448 : i32 to index
          %swap3A_450 = tpu.vector_load %arg5[%swap3A_449] {strides = array<i32>} : memref<32768xf32, #tpu.memory_space<vmem>>, vector<16xf32>,
          tpu.vector_store %arg5[%swap3A_449], %max3A_446 {strides = array<i32>} : memref<32768xf32, #tpu.memory_space<vmem>>, vector<16xf32>,
          %add3A_451 = arith.constant 144 : i32
          %add3A_452 = arith.addi %mul3A_343, %add3A_451 : i32
          %get3A_453 = arith.index_cast %add3A_452 : i32 to index
          %get3A_454 = tpu.vector_load %arg5[%get3A_453] {strides = array<i32>} : memref<32768xf32, #tpu.memory_space<vmem>>, vector<16xf32>,
          %sub3A_455 = arith.subf %get3A_454, %cond3A_312 : vector<16xf32>
          %max3A_456 = arith.constant 0.000000e+00 : f32
          %max3A_457 = vector.broadcast %max3A_456 : f32 to vector<16xf32>
          %max3A_458 = arith.maximumf %sub3A_455, %max3A_457 : vector<16xf32>
          %add3A_459 = arith.constant 144 : i32
          %add3A_460 = arith.addi %mul3A_343, %add3A_459 : i32
          %swap3A_461 = arith.index_cast %add3A_460 : i32 to index
          %swap3A_462 = tpu.vector_load %arg5[%swap3A_461] {strides = array<i32>} : memref<32768xf32, #tpu.memory_space<vmem>>, vector<16xf32>,
          tpu.vector_store %arg5[%swap3A_461], %max3A_458 {strides = array<i32>} : memref<32768xf32, #tpu.memory_space<vmem>>, vector<16xf32>,
          %add3A_463 = arith.constant 160 : i32
          %add3A_464 = arith.addi %mul3A_343, %add3A_463 : i32
          %get3A_465 = arith.index_cast %add3A_464 : i32 to index
          %get3A_466 = tpu.vector_load %arg5[%get3A_465] {strides = array<i32>} : memref<32768xf32, #tpu.memory_space<vmem>>, vector<16xf32>,
          %sub3A_467 = arith.subf %get3A_466, %cond3A_312 : vector<16xf32>
          %max3A_468 = arith.constant 0.000000e+00 : f32
          %max3A_469 = vector.broadcast %max3A_468 : f32 to vector<16xf32>
          %max3A_470 = arith.maximumf %sub3A_467, %max3A_469 : vector<16xf32>
          %add3A_471 = arith.constant 160 : i32
          %add3A_472 = arith.addi %mul3A_343, %add3A_471 : i32
          %swap3A_473 = arith.index_cast %add3A_472 : i32 to index
          %swap3A_474 = tpu.vector_load %arg5[%swap3A_473] {strides = array<i32>} : memref<32768xf32, #tpu.memory_space<vmem>>, vector<16xf32>,
          tpu.vector_store %arg5[%swap3A_473], %max3A_470 {strides = array<i32>} : memref<32768xf32, #tpu.memory_space<vmem>>, vector<16xf32>,
          %add3A_475 = arith.constant 176 : i32
          %add3A_476 = arith.addi %mul3A_343, %add3A_475 : i32
          %get3A_477 = arith.index_cast %add3A_476 : i32 to index
          %get3A_478 = tpu.vector_load %arg5[%get3A_477] {strides = array<i32>} : memref<32768xf32, #tpu.memory_space<vmem>>, vector<16xf32>,
          %sub3A_479 = arith.subf %get3A_478, %cond3A_312 : vector<16xf32>
          %max3A_480 = arith.constant 0.000000e+00 : f32
          %max3A_481 = vector.broadcast %max3A_480 : f32 to vector<16xf32>
          %max3A_482 = arith.maximumf %sub3A_479, %max3A_481 : vector<16xf32>
          %add3A_483 = arith.constant 176 : i32
          %add3A_484 = arith.addi %mul3A_343, %add3A_483 : i32
          %swap3A_485 = arith.index_cast %add3A_484 : i32 to index
          %swap3A_486 = tpu.vector_load %arg5[%swap3A_485] {strides = array<i32>} : memref<32768xf32, #tpu.memory_space<vmem>>, vector<16xf32>,
          tpu.vector_store %arg5[%swap3A_485], %max3A_482 {strides = array<i32>} : memref<32768xf32, #tpu.memory_space<vmem>>, vector<16xf32>,
          %add3A_487 = arith.constant 192 : i32
          %add3A_488 = arith.addi %mul3A_343, %add3A_487 : i32
          %get3A_489 = arith.index_cast %add3A_488 : i32 to index
          %get3A_490 = tpu.vector_load %arg5[%get3A_489] {strides = array<i32>} : memref<32768xf32, #tpu.memory_space<vmem>>, vector<16xf32>,
          %sub3A_491 = arith.subf %get3A_490, %cond3A_312 : vector<16xf32>
          %max3A_492 = arith.constant 0.000000e+00 : f32
          %max3A_493 = vector.broadcast %max3A_492 : f32 to vector<16xf32>
          %max3A_494 = arith.maximumf %sub3A_491, %max3A_493 : vector<16xf32>
          %add3A_495 = arith.constant 192 : i32
          %add3A_496 = arith.addi %mul3A_343, %add3A_495 : i32
          %swap3A_497 = arith.index_cast %add3A_496 : i32 to index
          %swap3A_498 = tpu.vector_load %arg5[%swap3A_497] {strides = array<i32>} : memref<32768xf32, #tpu.memory_space<vmem>>, vector<16xf32>,
          tpu.vector_store %arg5[%swap3A_497], %max3A_494 {strides = array<i32>} : memref<32768xf32, #tpu.memory_space<vmem>>, vector<16xf32>,
          %add3A_499 = arith.constant 208 : i32
          %add3A_500 = arith.addi %mul3A_343, %add3A_499 : i32
          %get3A_501 = arith.index_cast %add3A_500 : i32 to index
          %get3A_502 = tpu.vector_load %arg5[%get3A_501] {strides = array<i32>} : memref<32768xf32, #tpu.memory_space<vmem>>, vector<16xf32>,
          %sub3A_503 = arith.subf %get3A_502, %cond3A_312 : vector<16xf32>
          %max3A_504 = arith.constant 0.000000e+00 : f32
          %max3A_505 = vector.broadcast %max3A_504 : f32 to vector<16xf32>
          %max3A_506 = arith.maximumf %sub3A_503, %max3A_505 : vector<16xf32>
          %add3A_507 = arith.constant 208 : i32
          %add3A_508 = arith.addi %mul3A_343, %add3A_507 : i32
          %swap3A_509 = arith.index_cast %add3A_508 : i32 to index
          %swap3A_510 = tpu.vector_load %arg5[%swap3A_509] {strides = array<i32>} : memref<32768xf32, #tpu.memory_space<vmem>>, vector<16xf32>,
          tpu.vector_store %arg5[%swap3A_509], %max3A_506 {strides = array<i32>} : memref<32768xf32, #tpu.memory_space<vmem>>, vector<16xf32>,
          %add3A_511 = arith.constant 224 : i32
          %add3A_512 = arith.addi %mul3A_343, %add3A_511 : i32
          %get3A_513 = arith.index_cast %add3A_512 : i32 to index
          %get3A_514 = tpu.vector_load %arg5[%get3A_513] {strides = array<i32>} : memref<32768xf32, #tpu.memory_space<vmem>>, vector<16xf32>,
          %sub3A_515 = arith.subf %get3A_514, %cond3A_312 : vector<16xf32>
          %max3A_516 = arith.constant 0.000000e+00 : f32
          %max3A_517 = vector.broadcast %max3A_516 : f32 to vector<16xf32>
          %max3A_518 = arith.maximumf %sub3A_515, %max3A_517 : vector<16xf32>
          %add3A_519 = arith.constant 224 : i32
          %add3A_520 = arith.addi %mul3A_343, %add3A_519 : i32
          %swap3A_521 = arith.index_cast %add3A_520 : i32 to index
          %swap3A_522 = tpu.vector_load %arg5[%swap3A_521] {strides = array<i32>} : memref<32768xf32, #tpu.memory_space<vmem>>, vector<16xf32>,
          tpu.vector_store %arg5[%swap3A_521], %max3A_518 {strides = array<i32>} : memref<32768xf32, #tpu.memory_space<vmem>>, vector<16xf32>,
          %add3A_523 = arith.constant 240 : i32
          %add3A_524 = arith.addi %mul3A_343, %add3A_523 : i32
          %get3A_525 = arith.index_cast %add3A_524 : i32 to index
          %get3A_526 = tpu.vector_load %arg5[%get3A_525] {strides = array<i32>} : memref<32768xf32, #tpu.memory_space<vmem>>, vector<16xf32>,
          %sub3A_527 = arith.subf %get3A_526, %cond3A_312 : vector<16xf32>
          %max3A_528 = arith.constant 0.000000e+00 : f32
          %max3A_529 = vector.broadcast %max3A_528 : f32 to vector<16xf32>
          %max3A_530 = arith.maximumf %sub3A_527, %max3A_529 : vector<16xf32>
          %add3A_531 = arith.constant 240 : i32
          %add3A_532 = arith.addi %mul3A_343, %add3A_531 : i32
          %swap3A_533 = arith.index_cast %add3A_532 : i32 to index
          %swap3A_534 = tpu.vector_load %arg5[%swap3A_533] {strides = array<i32>} : memref<32768xf32, #tpu.memory_space<vmem>>, vector<16xf32>,
          tpu.vector_store %arg5[%swap3A_533], %max3A_530 {strides = array<i32>} : memref<32768xf32, #tpu.memory_space<vmem>>, vector<16xf32>,
          %dma_start3A_535 = tpu.memref_slice %arg5[%mul3A_343] : memref<32768xf32, #tpu.memory_space<vmem>> -> memref<256xf32, #tpu.memory_space<vmem>>
          %dma_start3A_536 = arith.constant 0 : i32
          %dma_start3A_537 = tpu.memref_slice %arg3[%add3A_183, %dma_start3A_536] : memref<1024x32768xf32, #tpu.memory_space<hbm>> -> memref<1x32768xf32, #tpu.memory_space<hbm>>
          %dma_start3A_538 = tpu.memref_squeeze %dma_start3A_537 : memref<1x32768xf32, #tpu.memory_space<hbm>> -> memref<32768xf32, #tpu.memory_space<hbm>>
          %dma_start3A_539 = tpu.memref_slice %dma_start3A_538[%mul3A_343] : memref<32768xf32, #tpu.memory_space<hbm>> -> memref<256xf32, #tpu.memory_space<hbm>>
          %dma_start3A_540 = arith.constant 0 : i32
          %dma_start3A_541 = tpu.memref_slice %arg3[%add3A_183, %dma_start3A_540] : memref<1024x32768xf32, #tpu.memory_space<hbm>> -> memref<1x32768xf32, #tpu.memory_space<hbm>>
          %dma_start3A_542 = tpu.memref_squeeze %dma_start3A_541 : memref<1x32768xf32, #tpu.memory_space<hbm>> -> memref<32768xf32, #tpu.memory_space<hbm>>
          %dma_start3A_543 = tpu.memref_slice %dma_start3A_542[%mul3A_343] : memref<32768xf32, #tpu.memory_space<hbm>> -> memref<256xf32, #tpu.memory_space<hbm>>
          %dma_start3A_544 = tpu.memref_slice %arg5[%mul3A_343] : memref<32768xf32, #tpu.memory_space<vmem>> -> memref<256xf32, #tpu.memory_space<vmem>>
          tpu.enqueue_dma source(%dma_start3A_544 : memref<256xf32, #tpu.memory_space<vmem>>) target(%dma_start3A_543 : memref<256xf32, #tpu.memory_space<hbm>>) target_semaphore(%arg14 : memref<!tpu.dma_semaphore, #tpu.memory_space<semaphore_mem>>)
          %add3A_545 = arith.constant 1 : i32
          %add3A_546 = arith.addi %while3A_334, %add3A_545 : i32
          scf.yield %add3A_546 : i32
        } else {
          scf.yield %while3A_334 : i32
        }
        scf.yield %shift_right_arithmetic3A_336, %cond3A_341 : i32, i32
      }
      %while3A_330 = arith.constant 1 : i32
      %while3A_331:2 = scf.for %while3A_332 = %while3A_327 to %while3A_323 step %while3A_330 iter_args(%while3A_333 = %while3A_329#0, %while3A_334 = %while3A_329#1) -> (i32, i32)  : i32 {
        %get3A = arith.index_cast %while3A_332 : i32 to index
        %get3A_335 = tpu.vector_load %arg8[%get3A] {strides = array<i32>} : memref<2064xi32, #tpu.memory_space<vmem>>, vector<16xi32>,
        %slice3A = vector.extract_strided_slice %get3A_335 {offsets = [0], sizes = [1], strides = [1]} : vector<16xi32> to vector<1xi32>
        %squeeze3A = vector.extract %slice3A[0] : i32 from vector<1xi32>
        %shift_right_arithmetic3A = arith.constant 4 : i32
        %shift_right_arithmetic3A_336 = arith.shrsi %squeeze3A, %shift_right_arithmetic3A : i32
        %ne3A_337 = arith.cmpi ne, %shift_right_arithmetic3A_336, %while3A_333 : i32
        %convert_element_type3A_338 = arith.extui %ne3A_337 : i1 to i32
        %cond3A_339 = arith.constant 0 : i32
        %cond3A_340 = arith.cmpi ne, %convert_element_type3A_338, %cond3A_339 : i32
        %cond3A_341 = scf.if %cond3A_340 -> (i32) {
          %mul3A_342 = arith.constant 256 : i32
          %mul3A_343 = arith.muli %shift_right_arithmetic3A_336, %mul3A_342 : i32
          %add3A_344 = arith.constant 0 : i32
          %add3A_345 = arith.addi %mul3A_343, %add3A_344 : i32
          %get3A_346 = arith.index_cast %add3A_345 : i32 to index
          %get3A_347 = tpu.vector_load %arg5[%get3A_346] {strides = array<i32>} : memref<32768xf32, #tpu.memory_space<vmem>>, vector<16xf32>,
          %sub3A_348 = arith.subf %get3A_347, %cond3A_312 : vector<16xf32>
          %max3A = arith.constant 0.000000e+00 : f32
          %max3A_349 = vector.broadcast %max3A : f32 to vector<16xf32>
          %max3A_350 = arith.maximumf %sub3A_348, %max3A_349 : vector<16xf32>
          %add3A_351 = arith.constant 0 : i32
          %add3A_352 = arith.addi %mul3A_343, %add3A_351 : i32
          %swap3A_353 = arith.index_cast %add3A_352 : i32 to index
          %swap3A_354 = tpu.vector_load %arg5[%swap3A_353] {strides = array<i32>} : memref<32768xf32, #tpu.memory_space<vmem>>, vector<16xf32>,
          tpu.vector_store %arg5[%swap3A_353], %max3A_350 {strides = array<i32>} : memref<32768xf32, #tpu.memory_space<vmem>>, vector<16xf32>,
          %add3A_355 = arith.constant 16 : i32
          %add3A_356 = arith.addi %mul3A_343, %add3A_355 : i32
          %get3A_357 = arith.index_cast %add3A_356 : i32 to index
          %get3A_358 = tpu.vector_load %arg5[%get3A_357] {strides = array<i32>} : memref<32768xf32, #tpu.memory_space<vmem>>, vector<16xf32>,
          %sub3A_359 = arith.subf %get3A_358, %cond3A_312 : vector<16xf32>
          %max3A_360 = arith.constant 0.000000e+00 : f32
          %max3A_361 = vector.broadcast %max3A_360 : f32 to vector<16xf32>
          %max3A_362 = arith.maximumf %sub3A_359, %max3A_361 : vector<16xf32>
          %add3A_363 = arith.constant 16 : i32
          %add3A_364 = arith.addi %mul3A_343, %add3A_363 : i32
          %swap3A_365 = arith.index_cast %add3A_364 : i32 to index
          %swap3A_366 = tpu.vector_load %arg5[%swap3A_365] {strides = array<i32>} : memref<32768xf32, #tpu.memory_space<vmem>>, vector<16xf32>,
          tpu.vector_store %arg5[%swap3A_365], %max3A_362 {strides = array<i32>} : memref<32768xf32, #tpu.memory_space<vmem>>, vector<16xf32>,
          %add3A_367 = arith.constant 32 : i32
          %add3A_368 = arith.addi %mul3A_343, %add3A_367 : i32
          %get3A_369 = arith.index_cast %add3A_368 : i32 to index
          %get3A_370 = tpu.vector_load %arg5[%get3A_369] {strides = array<i32>} : memref<32768xf32, #tpu.memory_space<vmem>>, vector<16xf32>,
          %sub3A_371 = arith.subf %get3A_370, %cond3A_312 : vector<16xf32>
          %max3A_372 = arith.constant 0.000000e+00 : f32
          %max3A_373 = vector.broadcast %max3A_372 : f32 to vector<16xf32>
          %max3A_374 = arith.maximumf %sub3A_371, %max3A_373 : vector<16xf32>
          %add3A_375 = arith.constant 32 : i32
          %add3A_376 = arith.addi %mul3A_343, %add3A_375 : i32
          %swap3A_377 = arith.index_cast %add3A_376 : i32 to index
          %swap3A_378 = tpu.vector_load %arg5[%swap3A_377] {strides = array<i32>} : memref<32768xf32, #tpu.memory_space<vmem>>, vector<16xf32>,
          tpu.vector_store %arg5[%swap3A_377], %max3A_374 {strides = array<i32>} : memref<32768xf32, #tpu.memory_space<vmem>>, vector<16xf32>,
          %add3A_379 = arith.constant 48 : i32
          %add3A_380 = arith.addi %mul3A_343, %add3A_379 : i32
          %get3A_381 = arith.index_cast %add3A_380 : i32 to index
          %get3A_382 = tpu.vector_load %arg5[%get3A_381] {strides = array<i32>} : memref<32768xf32, #tpu.memory_space<vmem>>, vector<16xf32>,
          %sub3A_383 = arith.subf %get3A_382, %cond3A_312 : vector<16xf32>
          %max3A_384 = arith.constant 0.000000e+00 : f32
          %max3A_385 = vector.broadcast %max3A_384 : f32 to vector<16xf32>
          %max3A_386 = arith.maximumf %sub3A_383, %max3A_385 : vector<16xf32>
          %add3A_387 = arith.constant 48 : i32
          %add3A_388 = arith.addi %mul3A_343, %add3A_387 : i32
          %swap3A_389 = arith.index_cast %add3A_388 : i32 to index
          %swap3A_390 = tpu.vector_load %arg5[%swap3A_389] {strides = array<i32>} : memref<32768xf32, #tpu.memory_space<vmem>>, vector<16xf32>,
          tpu.vector_store %arg5[%swap3A_389], %max3A_386 {strides = array<i32>} : memref<32768xf32, #tpu.memory_space<vmem>>, vector<16xf32>,
          %add3A_391 = arith.constant 64 : i32
          %add3A_392 = arith.addi %mul3A_343, %add3A_391 : i32
          %get3A_393 = arith.index_cast %add3A_392 : i32 to index
          %get3A_394 = tpu.vector_load %arg5[%get3A_393] {strides = array<i32>} : memref<32768xf32, #tpu.memory_space<vmem>>, vector<16xf32>,
          %sub3A_395 = arith.subf %get3A_394, %cond3A_312 : vector<16xf32>
          %max3A_396 = arith.constant 0.000000e+00 : f32
          %max3A_397 = vector.broadcast %max3A_396 : f32 to vector<16xf32>
          %max3A_398 = arith.maximumf %sub3A_395, %max3A_397 : vector<16xf32>
          %add3A_399 = arith.constant 64 : i32
          %add3A_400 = arith.addi %mul3A_343, %add3A_399 : i32
          %swap3A_401 = arith.index_cast %add3A_400 : i32 to index
          %swap3A_402 = tpu.vector_load %arg5[%swap3A_401] {strides = array<i32>} : memref<32768xf32, #tpu.memory_space<vmem>>, vector<16xf32>,
          tpu.vector_store %arg5[%swap3A_401], %max3A_398 {strides = array<i32>} : memref<32768xf32, #tpu.memory_space<vmem>>, vector<16xf32>,
          %add3A_403 = arith.constant 80 : i32
          %add3A_404 = arith.addi %mul3A_343, %add3A_403 : i32
          %get3A_405 = arith.index_cast %add3A_404 : i32 to index
          %get3A_406 = tpu.vector_load %arg5[%get3A_405] {strides = array<i32>} : memref<32768xf32, #tpu.memory_space<vmem>>, vector<16xf32>,
          %sub3A_407 = arith.subf %get3A_406, %cond3A_312 : vector<16xf32>
          %max3A_408 = arith.constant 0.000000e+00 : f32
          %max3A_409 = vector.broadcast %max3A_408 : f32 to vector<16xf32>
          %max3A_410 = arith.maximumf %sub3A_407, %max3A_409 : vector<16xf32>
          %add3A_411 = arith.constant 80 : i32
          %add3A_412 = arith.addi %mul3A_343, %add3A_411 : i32
          %swap3A_413 = arith.index_cast %add3A_412 : i32 to index
          %swap3A_414 = tpu.vector_load %arg5[%swap3A_413] {strides = array<i32>} : memref<32768xf32, #tpu.memory_space<vmem>>, vector<16xf32>,
          tpu.vector_store %arg5[%swap3A_413], %max3A_410 {strides = array<i32>} : memref<32768xf32, #tpu.memory_space<vmem>>, vector<16xf32>,
          %add3A_415 = arith.constant 96 : i32
          %add3A_416 = arith.addi %mul3A_343, %add3A_415 : i32
          %get3A_417 = arith.index_cast %add3A_416 : i32 to index
          %get3A_418 = tpu.vector_load %arg5[%get3A_417] {strides = array<i32>} : memref<32768xf32, #tpu.memory_space<vmem>>, vector<16xf32>,
          %sub3A_419 = arith.subf %get3A_418, %cond3A_312 : vector<16xf32>
          %max3A_420 = arith.constant 0.000000e+00 : f32
          %max3A_421 = vector.broadcast %max3A_420 : f32 to vector<16xf32>
          %max3A_422 = arith.maximumf %sub3A_419, %max3A_421 : vector<16xf32>
          %add3A_423 = arith.constant 96 : i32
          %add3A_424 = arith.addi %mul3A_343, %add3A_423 : i32
          %swap3A_425 = arith.index_cast %add3A_424 : i32 to index
          %swap3A_426 = tpu.vector_load %arg5[%swap3A_425] {strides = array<i32>} : memref<32768xf32, #tpu.memory_space<vmem>>, vector<16xf32>,
          tpu.vector_store %arg5[%swap3A_425], %max3A_422 {strides = array<i32>} : memref<32768xf32, #tpu.memory_space<vmem>>, vector<16xf32>,
          %add3A_427 = arith.constant 112 : i32
          %add3A_428 = arith.addi %mul3A_343, %add3A_427 : i32
          %get3A_429 = arith.index_cast %add3A_428 : i32 to index
          %get3A_430 = tpu.vector_load %arg5[%get3A_429] {strides = array<i32>} : memref<32768xf32, #tpu.memory_space<vmem>>, vector<16xf32>,
          %sub3A_431 = arith.subf %get3A_430, %cond3A_312 : vector<16xf32>
          %max3A_432 = arith.constant 0.000000e+00 : f32
          %max3A_433 = vector.broadcast %max3A_432 : f32 to vector<16xf32>
          %max3A_434 = arith.maximumf %sub3A_431, %max3A_433 : vector<16xf32>
          %add3A_435 = arith.constant 112 : i32
          %add3A_436 = arith.addi %mul3A_343, %add3A_435 : i32
          %swap3A_437 = arith.index_cast %add3A_436 : i32 to index
          %swap3A_438 = tpu.vector_load %arg5[%swap3A_437] {strides = array<i32>} : memref<32768xf32, #tpu.memory_space<vmem>>, vector<16xf32>,
          tpu.vector_store %arg5[%swap3A_437], %max3A_434 {strides = array<i32>} : memref<32768xf32, #tpu.memory_space<vmem>>, vector<16xf32>,
          %add3A_439 = arith.constant 128 : i32
          %add3A_440 = arith.addi %mul3A_343, %add3A_439 : i32
          %get3A_441 = arith.index_cast %add3A_440 : i32 to index
          %get3A_442 = tpu.vector_load %arg5[%get3A_441] {strides = array<i32>} : memref<32768xf32, #tpu.memory_space<vmem>>, vector<16xf32>,
          %sub3A_443 = arith.subf %get3A_442, %cond3A_312 : vector<16xf32>
          %max3A_444 = arith.constant 0.000000e+00 : f32
          %max3A_445 = vector.broadcast %max3A_444 : f32 to vector<16xf32>
          %max3A_446 = arith.maximumf %sub3A_443, %max3A_445 : vector<16xf32>
          %add3A_447 = arith.constant 128 : i32
          %add3A_448 = arith.addi %mul3A_343, %add3A_447 : i32
          %swap3A_449 = arith.index_cast %add3A_448 : i32 to index
          %swap3A_450 = tpu.vector_load %arg5[%swap3A_449] {strides = array<i32>} : memref<32768xf32, #tpu.memory_space<vmem>>, vector<16xf32>,
          tpu.vector_store %arg5[%swap3A_449], %max3A_446 {strides = array<i32>} : memref<32768xf32, #tpu.memory_space<vmem>>, vector<16xf32>,
          %add3A_451 = arith.constant 144 : i32
          %add3A_452 = arith.addi %mul3A_343, %add3A_451 : i32
          %get3A_453 = arith.index_cast %add3A_452 : i32 to index
          %get3A_454 = tpu.vector_load %arg5[%get3A_453] {strides = array<i32>} : memref<32768xf32, #tpu.memory_space<vmem>>, vector<16xf32>,
          %sub3A_455 = arith.subf %get3A_454, %cond3A_312 : vector<16xf32>
          %max3A_456 = arith.constant 0.000000e+00 : f32
          %max3A_457 = vector.broadcast %max3A_456 : f32 to vector<16xf32>
          %max3A_458 = arith.maximumf %sub3A_455, %max3A_457 : vector<16xf32>
          %add3A_459 = arith.constant 144 : i32
          %add3A_460 = arith.addi %mul3A_343, %add3A_459 : i32
          %swap3A_461 = arith.index_cast %add3A_460 : i32 to index
          %swap3A_462 = tpu.vector_load %arg5[%swap3A_461] {strides = array<i32>} : memref<32768xf32, #tpu.memory_space<vmem>>, vector<16xf32>,
          tpu.vector_store %arg5[%swap3A_461], %max3A_458 {strides = array<i32>} : memref<32768xf32, #tpu.memory_space<vmem>>, vector<16xf32>,
          %add3A_463 = arith.constant 160 : i32
          %add3A_464 = arith.addi %mul3A_343, %add3A_463 : i32
          %get3A_465 = arith.index_cast %add3A_464 : i32 to index
          %get3A_466 = tpu.vector_load %arg5[%get3A_465] {strides = array<i32>} : memref<32768xf32, #tpu.memory_space<vmem>>, vector<16xf32>,
          %sub3A_467 = arith.subf %get3A_466, %cond3A_312 : vector<16xf32>
          %max3A_468 = arith.constant 0.000000e+00 : f32
          %max3A_469 = vector.broadcast %max3A_468 : f32 to vector<16xf32>
          %max3A_470 = arith.maximumf %sub3A_467, %max3A_469 : vector<16xf32>
          %add3A_471 = arith.constant 160 : i32
          %add3A_472 = arith.addi %mul3A_343, %add3A_471 : i32
          %swap3A_473 = arith.index_cast %add3A_472 : i32 to index
          %swap3A_474 = tpu.vector_load %arg5[%swap3A_473] {strides = array<i32>} : memref<32768xf32, #tpu.memory_space<vmem>>, vector<16xf32>,
          tpu.vector_store %arg5[%swap3A_473], %max3A_470 {strides = array<i32>} : memref<32768xf32, #tpu.memory_space<vmem>>, vector<16xf32>,
          %add3A_475 = arith.constant 176 : i32
          %add3A_476 = arith.addi %mul3A_343, %add3A_475 : i32
          %get3A_477 = arith.index_cast %add3A_476 : i32 to index
          %get3A_478 = tpu.vector_load %arg5[%get3A_477] {strides = array<i32>} : memref<32768xf32, #tpu.memory_space<vmem>>, vector<16xf32>,
          %sub3A_479 = arith.subf %get3A_478, %cond3A_312 : vector<16xf32>
          %max3A_480 = arith.constant 0.000000e+00 : f32
          %max3A_481 = vector.broadcast %max3A_480 : f32 to vector<16xf32>
          %max3A_482 = arith.maximumf %sub3A_479, %max3A_481 : vector<16xf32>
          %add3A_483 = arith.constant 176 : i32
          %add3A_484 = arith.addi %mul3A_343, %add3A_483 : i32
          %swap3A_485 = arith.index_cast %add3A_484 : i32 to index
          %swap3A_486 = tpu.vector_load %arg5[%swap3A_485] {strides = array<i32>} : memref<32768xf32, #tpu.memory_space<vmem>>, vector<16xf32>,
          tpu.vector_store %arg5[%swap3A_485], %max3A_482 {strides = array<i32>} : memref<32768xf32, #tpu.memory_space<vmem>>, vector<16xf32>,
          %add3A_487 = arith.constant 192 : i32
          %add3A_488 = arith.addi %mul3A_343, %add3A_487 : i32
          %get3A_489 = arith.index_cast %add3A_488 : i32 to index
          %get3A_490 = tpu.vector_load %arg5[%get3A_489] {strides = array<i32>} : memref<32768xf32, #tpu.memory_space<vmem>>, vector<16xf32>,
          %sub3A_491 = arith.subf %get3A_490, %cond3A_312 : vector<16xf32>
          %max3A_492 = arith.constant 0.000000e+00 : f32
          %max3A_493 = vector.broadcast %max3A_492 : f32 to vector<16xf32>
          %max3A_494 = arith.maximumf %sub3A_491, %max3A_493 : vector<16xf32>
          %add3A_495 = arith.constant 192 : i32
          %add3A_496 = arith.addi %mul3A_343, %add3A_495 : i32
          %swap3A_497 = arith.index_cast %add3A_496 : i32 to index
          %swap3A_498 = tpu.vector_load %arg5[%swap3A_497] {strides = array<i32>} : memref<32768xf32, #tpu.memory_space<vmem>>, vector<16xf32>,
          tpu.vector_store %arg5[%swap3A_497], %max3A_494 {strides = array<i32>} : memref<32768xf32, #tpu.memory_space<vmem>>, vector<16xf32>,
          %add3A_499 = arith.constant 208 : i32
          %add3A_500 = arith.addi %mul3A_343, %add3A_499 : i32
          %get3A_501 = arith.index_cast %add3A_500 : i32 to index
          %get3A_502 = tpu.vector_load %arg5[%get3A_501] {strides = array<i32>} : memref<32768xf32, #tpu.memory_space<vmem>>, vector<16xf32>,
          %sub3A_503 = arith.subf %get3A_502, %cond3A_312 : vector<16xf32>
          %max3A_504 = arith.constant 0.000000e+00 : f32
          %max3A_505 = vector.broadcast %max3A_504 : f32 to vector<16xf32>
          %max3A_506 = arith.maximumf %sub3A_503, %max3A_505 : vector<16xf32>
          %add3A_507 = arith.constant 208 : i32
          %add3A_508 = arith.addi %mul3A_343, %add3A_507 : i32
          %swap3A_509 = arith.index_cast %add3A_508 : i32 to index
          %swap3A_510 = tpu.vector_load %arg5[%swap3A_509] {strides = array<i32>} : memref<32768xf32, #tpu.memory_space<vmem>>, vector<16xf32>,
          tpu.vector_store %arg5[%swap3A_509], %max3A_506 {strides = array<i32>} : memref<32768xf32, #tpu.memory_space<vmem>>, vector<16xf32>,
          %add3A_511 = arith.constant 224 : i32
          %add3A_512 = arith.addi %mul3A_343, %add3A_511 : i32
          %get3A_513 = arith.index_cast %add3A_512 : i32 to index
          %get3A_514 = tpu.vector_load %arg5[%get3A_513] {strides = array<i32>} : memref<32768xf32, #tpu.memory_space<vmem>>, vector<16xf32>,
          %sub3A_515 = arith.subf %get3A_514, %cond3A_312 : vector<16xf32>
          %max3A_516 = arith.constant 0.000000e+00 : f32
          %max3A_517 = vector.broadcast %max3A_516 : f32 to vector<16xf32>
          %max3A_518 = arith.maximumf %sub3A_515, %max3A_517 : vector<16xf32>
          %add3A_519 = arith.constant 224 : i32
          %add3A_520 = arith.addi %mul3A_343, %add3A_519 : i32
          %swap3A_521 = arith.index_cast %add3A_520 : i32 to index
          %swap3A_522 = tpu.vector_load %arg5[%swap3A_521] {strides = array<i32>} : memref<32768xf32, #tpu.memory_space<vmem>>, vector<16xf32>,
          tpu.vector_store %arg5[%swap3A_521], %max3A_518 {strides = array<i32>} : memref<32768xf32, #tpu.memory_space<vmem>>, vector<16xf32>,
          %add3A_523 = arith.constant 240 : i32
          %add3A_524 = arith.addi %mul3A_343, %add3A_523 : i32
          %get3A_525 = arith.index_cast %add3A_524 : i32 to index
          %get3A_526 = tpu.vector_load %arg5[%get3A_525] {strides = array<i32>} : memref<32768xf32, #tpu.memory_space<vmem>>, vector<16xf32>,
          %sub3A_527 = arith.subf %get3A_526, %cond3A_312 : vector<16xf32>
          %max3A_528 = arith.constant 0.000000e+00 : f32
          %max3A_529 = vector.broadcast %max3A_528 : f32 to vector<16xf32>
          %max3A_530 = arith.maximumf %sub3A_527, %max3A_529 : vector<16xf32>
          %add3A_531 = arith.constant 240 : i32
          %add3A_532 = arith.addi %mul3A_343, %add3A_531 : i32
          %swap3A_533 = arith.index_cast %add3A_532 : i32 to index
          %swap3A_534 = tpu.vector_load %arg5[%swap3A_533] {strides = array<i32>} : memref<32768xf32, #tpu.memory_space<vmem>>, vector<16xf32>,
          tpu.vector_store %arg5[%swap3A_533], %max3A_530 {strides = array<i32>} : memref<32768xf32, #tpu.memory_space<vmem>>, vector<16xf32>,
          %dma_start3A_535 = tpu.memref_slice %arg5[%mul3A_343] : memref<32768xf32, #tpu.memory_space<vmem>> -> memref<256xf32, #tpu.memory_space<vmem>>
          %dma_start3A_536 = arith.constant 0 : i32
          %dma_start3A_537 = tpu.memref_slice %arg3[%add3A_183, %dma_start3A_536] : memref<1024x32768xf32, #tpu.memory_space<hbm>> -> memref<1x32768xf32, #tpu.memory_space<hbm>>
          %dma_start3A_538 = tpu.memref_squeeze %dma_start3A_537 : memref<1x32768xf32, #tpu.memory_space<hbm>> -> memref<32768xf32, #tpu.memory_space<hbm>>
          %dma_start3A_539 = tpu.memref_slice %dma_start3A_538[%mul3A_343] : memref<32768xf32, #tpu.memory_space<hbm>> -> memref<256xf32, #tpu.memory_space<hbm>>
          %dma_start3A_540 = arith.constant 0 : i32
          %dma_start3A_541 = tpu.memref_slice %arg3[%add3A_183, %dma_start3A_540] : memref<1024x32768xf32, #tpu.memory_space<hbm>> -> memref<1x32768xf32, #tpu.memory_space<hbm>>
          %dma_start3A_542 = tpu.memref_squeeze %dma_start3A_541 : memref<1x32768xf32, #tpu.memory_space<hbm>> -> memref<32768xf32, #tpu.memory_space<hbm>>
          %dma_start3A_543 = tpu.memref_slice %dma_start3A_542[%mul3A_343] : memref<32768xf32, #tpu.memory_space<hbm>> -> memref<256xf32, #tpu.memory_space<hbm>>
          %dma_start3A_544 = tpu.memref_slice %arg5[%mul3A_343] : memref<32768xf32, #tpu.memory_space<vmem>> -> memref<256xf32, #tpu.memory_space<vmem>>
          tpu.enqueue_dma source(%dma_start3A_544 : memref<256xf32, #tpu.memory_space<vmem>>) target(%dma_start3A_543 : memref<256xf32, #tpu.memory_space<hbm>>) target_semaphore(%arg14 : memref<!tpu.dma_semaphore, #tpu.memory_space<semaphore_mem>>)
          %add3A_545 = arith.constant 1 : i32
          %add3A_546 = arith.addi %while3A_334, %add3A_545 : i32
          scf.yield %add3A_546 : i32
        } else {
          scf.yield %while3A_334 : i32
        }
        scf.yield %shift_right_arithmetic3A_336, %cond3A_341 : i32, i32
      }
      scf.yield %while3A_178#1, %while3A_331#1 : i32, i32
    }
    %scan3A_21 = arith.constant 16 : i32
    %add3A_22 = arith.constant 32 : i32
    %add3A_23 = arith.addi %mul3A_2, %add3A_22 : i32
    %sub3A = arith.constant 1 : i32
    %sub3A_24 = arith.subi %add3A_23, %sub3A : i32
    %while3A = arith.constant 0 : i32
    %while3A_25 = arith.constant 0 : i32
    %while3A_26 = arith.subi %scan3A_20#1, %while3A_25 : i32
    %while3A_27 = arith.addi %while3A_25, %while3A_26 : i32
    %while3A_28 = arith.constant 1 : i32
    %while3A_29 = arith.divsi %while3A_26, %while3A_28 : i32
    %while3A_30 = arith.muli %while3A_29, %while3A_28 : i32
    %while3A_31 = arith.addi %while3A_25, %while3A_30 : i32
    %while3A_32 = arith.constant 1 : i32
    scf.for %while3A_34 = %while3A_25 to %while3A_31 step %while3A_32  : i32 {
      %dma_wait3A = arith.constant 0 : i32
      %dma_wait3A_35 = tpu.memref_slice %arg5[%dma_wait3A] : memref<32768xf32, #tpu.memory_space<vmem>> -> memref<256xf32, #tpu.memory_space<vmem>>
      %dma_wait3A_36 = arith.constant 0 : i32
      %dma_wait3A_37 = tpu.memref_slice %arg3[%sub3A_24, %dma_wait3A_36] : memref<1024x32768xf32, #tpu.memory_space<hbm>> -> memref<1x32768xf32, #tpu.memory_space<hbm>>
      %dma_wait3A_38 = tpu.memref_squeeze %dma_wait3A_37 : memref<1x32768xf32, #tpu.memory_space<hbm>> -> memref<32768xf32, #tpu.memory_space<hbm>>
      %dma_wait3A_39 = arith.constant 0 : i32
      %dma_wait3A_40 = tpu.memref_slice %dma_wait3A_38[%dma_wait3A_39] : memref<32768xf32, #tpu.memory_space<hbm>> -> memref<256xf32, #tpu.memory_space<hbm>>
      %dma_wait3A_41 = arith.constant 0 : i32
      %dma_wait3A_42 = tpu.memref_slice %arg3[%sub3A_24, %dma_wait3A_41] : memref<1024x32768xf32, #tpu.memory_space<hbm>> -> memref<1x32768xf32, #tpu.memory_space<hbm>>
      %dma_wait3A_43 = tpu.memref_squeeze %dma_wait3A_42 : memref<1x32768xf32, #tpu.memory_space<hbm>> -> memref<32768xf32, #tpu.memory_space<hbm>>
      %dma_wait3A_44 = arith.constant 0 : i32
      %dma_wait3A_45 = tpu.memref_slice %dma_wait3A_43[%dma_wait3A_44] : memref<32768xf32, #tpu.memory_space<hbm>> -> memref<256xf32, #tpu.memory_space<hbm>>
      %dma_wait3A_46 = arith.constant 0 : i32
      %dma_wait3A_47 = tpu.memref_slice %arg5[%dma_wait3A_46] : memref<32768xf32, #tpu.memory_space<vmem>> -> memref<256xf32, #tpu.memory_space<vmem>>
      tpu.wait_dma2 semaphore(%arg14 : memref<!tpu.dma_semaphore, #tpu.memory_space<semaphore_mem>>) src(%dma_wait3A_47 : memref<256xf32, #tpu.memory_space<vmem>>) dst(%dma_wait3A_45 : memref<256xf32, #tpu.memory_space<hbm>>)
    }
    %while3A_33 = arith.constant 1 : i32
    scf.for %while3A_34 = %while3A_31 to %while3A_27 step %while3A_33  : i32 {
      %dma_wait3A = arith.constant 0 : i32
      %dma_wait3A_35 = tpu.memref_slice %arg5[%dma_wait3A] : memref<32768xf32, #tpu.memory_space<vmem>> -> memref<256xf32, #tpu.memory_space<vmem>>
      %dma_wait3A_36 = arith.constant 0 : i32
      %dma_wait3A_37 = tpu.memref_slice %arg3[%sub3A_24, %dma_wait3A_36] : memref<1024x32768xf32, #tpu.memory_space<hbm>> -> memref<1x32768xf32, #tpu.memory_space<hbm>>
      %dma_wait3A_38 = tpu.memref_squeeze %dma_wait3A_37 : memref<1x32768xf32, #tpu.memory_space<hbm>> -> memref<32768xf32, #tpu.memory_space<hbm>>
      %dma_wait3A_39 = arith.constant 0 : i32
      %dma_wait3A_40 = tpu.memref_slice %dma_wait3A_38[%dma_wait3A_39] : memref<32768xf32, #tpu.memory_space<hbm>> -> memref<256xf32, #tpu.memory_space<hbm>>
      %dma_wait3A_41 = arith.constant 0 : i32
      %dma_wait3A_42 = tpu.memref_slice %arg3[%sub3A_24, %dma_wait3A_41] : memref<1024x32768xf32, #tpu.memory_space<hbm>> -> memref<1x32768xf32, #tpu.memory_space<hbm>>
      %dma_wait3A_43 = tpu.memref_squeeze %dma_wait3A_42 : memref<1x32768xf32, #tpu.memory_space<hbm>> -> memref<32768xf32, #tpu.memory_space<hbm>>
      %dma_wait3A_44 = arith.constant 0 : i32
      %dma_wait3A_45 = tpu.memref_slice %dma_wait3A_43[%dma_wait3A_44] : memref<32768xf32, #tpu.memory_space<hbm>> -> memref<256xf32, #tpu.memory_space<hbm>>
      %dma_wait3A_46 = arith.constant 0 : i32
      %dma_wait3A_47 = tpu.memref_slice %arg5[%dma_wait3A_46] : memref<32768xf32, #tpu.memory_space<vmem>> -> memref<256xf32, #tpu.memory_space<vmem>>
      tpu.wait_dma2 semaphore(%arg14 : memref<!tpu.dma_semaphore, #tpu.memory_space<semaphore_mem>>) src(%dma_wait3A_47 : memref<256xf32, #tpu.memory_space<vmem>>) dst(%dma_wait3A_45 : memref<256xf32, #tpu.memory_space<hbm>>)
    }
    return
  }
}

</mosaic_0001>

<sc_bundles>
// kernel: kernel.3.cloned.1.call-start
scs
__scs_entry_jumppad:
0x0: {  	(pc) =	sbr.rel $0x88, $3  }
0x1: {  	(tag) =	ssettag $0x0;
	lr =	simm.s32 $0x1  }
0x2: {  	[smem:$0x3FA0] =	sst lr;
	_ =	strace $0xD0000000  }
0x3: {  	_ = 	snop  }
0x4: {  	_ = 	snop  }
0x5: {  	_ = 	snop  }
0x6: {  	_ = 	snop  }
0x7: {  	_ = 	snop  }
__scs_overlays_trampoline_lowered:
0x8: {  	[smem:$0x3FAF] =	sst s0  }
0x9: {  	[smem:$0x3FB0] =	sst s1  }
0xa: {  	[smem:$0x3FB1] =	sst s2  }
0xb: {  	[smem:$0x3FB2] =	sst s3  }
0xc: {  	[smem:$0x3FB3] =	sst s4  }
0xd: {  	[smem:$0x3FB4] =	sst s5  }
0xe: {  	[smem:$0x3FB5] =	sst s6  }
0xf: {  	[smem:$0x3FB6] =	sst s7  }
0x10: {  	[smem:$0x3FB7] =	sst s8  }
0x11: {  	[smem:$0x3FB8] =	sst s9;
	s0 =	simm.s32 @!p0 $0x0  }
0x12: {  	s1 =	sld [smem:$0x3F9E];
	s0 =	simm.s32 @p0 $0x1  }
0x13: {  	[smem:$0x3FB9] =	sst s0;
	s0 =	simm.s32 @!p1 $0x0  }
0x14: {  	s2 =	sld [smem:$0x3F9D];
	s0 =	simm.s32 @p1 $0x1  }
0x15: {  	[smem:$0x3FBA] =	sst s0;
	s0 =	simm.s32 @!p2 $0x0  }
0x16: {  	s3 =	sld [smem:$0x3FDB];
	s0 =	simm.s32 @p2 $0x1  }
0x17: {  	s4 =	simm.s32 $0x1BF5;
	[smem:$0x3FBC] =	sst s0  }
0x18: {  	s0 =	sld [smem:$0x3F9F];
	_ =	swait.ge [sflag:s4], $0x0  }
0x19: {  	s7 =	sld [smem:$0x3FA0]  }
0x1a: {  	s8 =	sadd.s32 $0xFFFFE003, lr  }
0x1b: {  	s9 =	sadd.s32 $0xFFFFFEF7, lr;
	s5 =	simm.s32 $0xFFFFFFFF;
	p2 =	slt.u32 s8, $0xFFFFF086  }
0x1c: {  	p1 =	slt.u32 s9, $0xF7A;
	s5 =	simm.s32 @!p2 $0x0  }
0x1d: {  	s5 =	simm.s32 @p1 $0x1;
	p0 =	seq.s32 s7, s2  }
0x1e: {  	s7 =	smul.u32 @!p0 $0xF7A, s2;
	p2 =	seq.s32 @!p0 s5, $0x0  }
0x1f: {  	s9 =	smul.u32 $0xF7A, s1;
	s8 =	simm.s32 @!p0 $0x1BF5;
	p2 =	por !p2, p0  }
0x20: {  	[sflag:s8] =	ssyncset.s32 @!p0 $0xFFFFF086;
	s6 =	sadd.s32 @!p0 s3, s7;
	s7 =	simm.s32 @!p0 $0x108  }
0x21: {  	s3 =	sadd.s32 s3, s9;
	s6 =	sadd.s32 @!p0 $0x88, s6;
	s7 =	simm.s32 @p2 $0x1082  }
0x22: {  	[simem:s7], [sflag:s8] =	dma.local @!p0 [hbm:s6], $0xF7A  }
0x23: {  	s9 =	sor.u32 $0xD0000000, s2;
	s6 =	simm.s32 $0x108;
	_ =	swait.ge @!p0 [sflag:s8], $0x0  }
0x24: {  	s3 =	sadd.s32 $0x88, s3;
	s6 =	simm.s32 @!p1 $0x1082;
	[sflag:s4] =	ssyncset.s32 $0xFFFFF086  }
0x25: {  	[simem:s6], [sflag:s4] =	dma.local [hbm:s3], $0xF7A  }
0x26: {  	[smem:$0x3FA0] =	sst s1;
	(tag) =	ssettag s2;
	_ =	strace s9  }
0x27: {  	s1 =	sld [smem:$0x3FB0]  }
0x28: {  	s2 =	sld [smem:$0x3FB1]  }
0x29: {  	s4 =	sld [smem:$0x3FB3]  }
0x2a: {  	p0 =	seq.s32 s5, $0x0;
	s5 =	sld [smem:$0x3FB4]  }
0x2b: {  	s6 =	sld [smem:$0x3FB5]  }
0x2c: {  	s7 =	sld [smem:$0x3FB6]  }
0x2d: {  	s3 =	simm.s32 $0x108;
	s8 =	sld [smem:$0x3FB7]  }
0x2e: {  	s3 =	simm.s32 @!p0 $0x1082;
	s9 =	sld [smem:$0x3FB8]  }
0x2f: {  	lr =	sadd.s32 s0, s3;
	s0 =	sld [smem:$0x3FAF]  }
0x30: {  	s3 =	sld [smem:$0x3FB2]  }
0x31: {  	[smem:$0x3FBB] =	sst s10  }
0x32: {  	s10 =	sld [smem:$0x3FB9];
	_ =	sdelay $0x3  }
0x33: {  	p0 =	seq.s32 s10, $0x1;
	s10 =	sld [smem:$0x3FBB];
	_ =	sdelay $0x3  }
0x34: {  	[smem:$0x3FBB] =	sst s10  }
0x35: {  	s10 =	sld [smem:$0x3FBA];
	_ =	sdelay $0x3  }
0x36: {  	p1 =	seq.s32 s10, $0x1;
	s10 =	sld [smem:$0x3FBB];
	_ =	sdelay $0x3  }
0x37: {  	[smem:$0x3FBB] =	sst s10  }
0x38: {  	s10 =	sld [smem:$0x3FBC]  }
0x39: {  	_ = 	snop;
	(pc) =	sbr.ind lr, $3  }
0x3a: {  	_ = 	snop  }
0x3b: {  	_ = 	snop  }
0x3c: {  	p2 =	seq.s32 s10, $0x1;
	s10 =	sld [smem:$0x3FBB]  }
0x3d: {  	_ =	shalt  }
0x3e: {  	_ =	shalt  }
0x3f: {  	_ =	shalt  }
0x40: {  	_ =	shalt  }
0x41: {  	_ =	shalt  }
0x42: {  	_ =	shalt  }
0x43: {  	_ =	shalt  }
0x44: {  	_ =	shalt  }
0x45: {  	_ =	shalt  }
0x46: {  	_ =	shalt  }
0x47: {  	_ =	shalt  }
0x48: {  	_ =	shalt  }
0x49: {  	_ =	shalt  }
0x4a: {  	_ =	shalt  }
0x4b: {  	_ =	shalt  }
0x4c: {  	_ =	shalt  }
0x4d: {  	_ =	shalt  }
0x4e: {  	_ =	shalt  }
0x4f: {  	_ =	shalt  }
0x50: {  	_ =	shalt  }
0x51: {  	_ =	shalt  }
0x52: {  	_ =	shalt  }
0x53: {  	_ =	shalt  }
0x54: {  	_ =	shalt  }
0x55: {  	_ =	shalt  }
0x56: {  	_ =	shalt  }
0x57: {  	_ =	shalt  }
0x58: {  	_ =	shalt  }
0x59: {  	_ =	shalt  }
0x5a: {  	_ =	shalt  }
0x5b: {  	_ =	shalt  }
0x5c: {  	_ =	shalt  }
0x5d: {  	_ =	shalt  }
0x5e: {  	_ =	shalt  }
0x5f: {  	_ =	shalt  }
0x60: {  	_ =	shalt  }
0x61: {  	_ =	shalt  }
0x62: {  	_ =	shalt  }
0x63: {  	_ =	shalt  }
0x64: {  	_ =	shalt  }
0x65: {  	_ =	shalt  }
0x66: {  	_ =	shalt  }
0x67: {  	_ =	shalt  }
0x68: {  	_ =	shalt  }
0x69: {  	_ =	shalt  }
0x6a: {  	_ =	shalt  }
0x6b: {  	_ =	shalt  }
0x6c: {  	_ =	shalt  }
0x6d: {  	_ =	shalt  }
0x6e: {  	_ =	shalt  }
0x6f: {  	_ =	shalt  }
0x70: {  	_ =	shalt  }
0x71: {  	_ =	shalt  }
0x72: {  	_ =	shalt  }
0x73: {  	_ =	shalt  }
0x74: {  	_ =	shalt  }
0x75: {  	_ =	shalt  }
0x76: {  	_ =	shalt  }
0x77: {  	_ =	shalt  }
0x78: {  	_ =	shalt  }
0x79: {  	_ =	shalt  }
0x7a: {  	_ =	shalt  }
0x7b: {  	_ =	shalt  }
0x7c: {  	_ =	shalt  }
0x7d: {  	_ =	shalt  }
0x7e: {  	_ =	shalt  }
0x7f: {  	_ =	shalt  }
0x80: {  	_ =	shalt  }
0x81: {  	_ =	shalt  }
0x82: {  	_ =	shalt  }
0x83: {  	_ =	shalt  }
0x84: {  	_ =	shalt  }
0x85: {  	_ =	shalt  }
0x86: {  	_ =	shalt  }
0x87: {  	_ =	shalt  }
.Lfunc_end0:
.L_simem_size_0:
called_computation_lowered:
.L_overlay_start_0:
0x88: {  	s2 =	sld [smem:$0x3FD9]  }
0x89: {  	s3 =	sld [smem:$0x3FFE];
	_ =	sdelay $0x1  }
0x8a: {  	s1 =	srdreg.scid  }
0x8b: {  	s0 =	sand.u32 $0x1, s1  }
0x8c: {  	s18 =	sshll.u32 s0, $0xA;
	s2 =	sadd.s32 s3, s2  }
0x8d: {  	s2 =	sadd.s32 s2, s18  }
0x8e: {  	[smem:$0x3FC7] =	sst s2  }
0x8f: {  	_ = 	snop  }
0x90: {  	s2 =	sld [smem:$0x3FC9]  }
0x91: {  	s19 =	sld [smem:$0x3FD0];
	(tm) =	ssettm $0x1  }
0x92: {  	s4 =	sld [smem:$0x3FFB];
	_ =	sdelay $0x3  }
0x93: {  	_ =	strace s4  }
0x94: {  	s4 =	sld [smem:$0x3FFC];
	_ =	sdelay $0x3  }
0x95: {  	_ =	strace s4  }
0x96: {  	s4 =	sld [smem:$0x3FFD];
	_ =	sdelay $0x3  }
0x97: {  	_ =	strace s4  }
0x98: {  	_ =	strace $0x8FFFFFFF  }
0x99: {  	s20 =	sld [smem:$0x3FDB];
	_ =	sdelay $0x1  }
0x9a: {  	s5 =	simm.s32 $_scs_section_size  }
0x9b: {  	s6 =	simm.s32 $_size__tile_overlayer_lowered;
	s7 =	simm.s32 $_tile_overlayer_lowered  }
0x9c: {  	s23 =	simm.s32 $0x1BFF;
	s22 =	sshll.u32 s7, $0x1;
	s4 =	sadd.s32 s5, s20  }
0x9d: {  	s8 =	simm.s32 $0x0;
	s21 =	sshll.u32 s6, $0x1;
	s6 =	sadd.s32 s22, s4  }
0x9e: {  	[timem:s8], [sflag:s23] =	dma.local [hbm:s6], s21  }
0x9f: {  	_ =	swait.ge [sflag:s23], s21  }
0xa0: {  	s5 =	ssub.s32 $0x0, s21;
	[sflag:s23] =	ssyncset.done $0x0  }
0xa1: {  	[sflag:s23] =	ssyncadd.s32 s5;
	_ =	sdelay $0x1  }
0xa2: {  	s24 =	simm.s32 $0x1B8B  }
0xa3: {  	_ =	swait.ge [sflag:s24], $0x1  }
0xa4: {  	[sflag:s24] =	ssyncset.done $0x0  }
0xa5: {  	s25 =	simm.s32 $0x1B8E;
	[sflag:s24] =	ssyncadd.s32 $0xFFFFFFFF  }
0xa6: {  	s26 =	simm.s32 $execute0_lowered;
	[smem:$0x3FD2] =	sst s25  }
0xa7: {  	s5 =	sshll.u32 s26, $0x1;
	_ =	strace $0x80000046;
	[dreg:$0x1] =	wrdreg $0xFFFFFFFF  }
0xa8: {  	s28 =	simm.s32 $_size_execute0_lowered;
	s4 =	sadd.s32 s4, s5;
	[dreg:$0x0] =	wrdreg $0x0  }
0xa9: {  	s5 =	sshll.u32 s28, $0x1;
	[dreg:$0x2] =	wrdreg s4  }
0xaa: {  	[dreg:$0x3] =	wrdreg s5  }
0xab: {  	[dreg:$0x4] =	wrdreg $0xC0  }
0xac: {  	_ =	task [dreg:s8], $0x5FFFF  }
0xad: {  	[dreg:$0x1] =	wrdreg $0xFFFFFFFF  }
0xae: {  	[dreg:$0x0] =	wrdreg $0x60  }
0xaf: {  	[dreg:$0x2] =	wrdreg s2  }
0xb0: {  	[dreg:$0x3] =	wrdreg s19  }
0xb1: {  	[dreg:$0x4] =	wrdreg $0x9  }
0xb2: {  	_ =	task.clear_ibuf [dreg:s8], $0x5FFFF;
	_ =	strace $0x90000046  }
0xb3: {  	s29 =	simm.s32 $0x9;
	_ =	strace $0x80000048  }
0xb4: {  	_ =	swait.ge [sflag:s29], $0x1  }
0xb5: {  	[sflag:s29] =	ssyncadd.s32 $0xFFFFFFFF  }
0xb6: {  	_ =	strace $0x90000048  }
0xb7: {  	_ =	sfence  }
0xb8: {  	s30 =	sld [smem:$0x0];
	_ =	sdelay $0x2  }
0xb9: {  	s31 =	sshll.u32 s1, $0xD;
	s1 =	sshrl.u32 s1, $0x2  }
0xba: {  	s3 =	sand.u32 $0x4000, s31;
	s1 =	sadd.s32 s1, s30  }
0xbb: {  	s0 =	sor.u32 s3, s0;
	s1 =	sshll.u32 s1, $0x11  }
0xbc: {  	s0 =	sor.u32 s1, s0  }
0xbd: {  	s0 =	sadd.s32 $0x8F2B, s0  }
0xbe: {  	[sflag:s0] =	ssyncadd.remote.s32 $0x1  }
0xbf: {  	_ =	sfence.sel $0xFFFF  }
0xc0: {  	[dreg:$0x0] =	wrdreg $0xFFFFFFFF;
	(pc) =	sbr.abs _section_cstart, $3  }
0xc1: {  	[dreg:$0x1] =	wrdreg $0xFFFFFFFF  }
0xc2: {  	_ =	task.clear_ibuf [dreg:s8], $0x2FFFF;
	_ =	strace $0x9FFFFFFF  }
0xc3: {  	(tm) =	ssettm $0x7FFFFFFF  }
tec
execute0_lowered:
.L_overlay_start_1:
0x0: {  	(tag) =	ssettag $0x1  }
0x1: {  	s5 =	rddreg [dreg:$0x0];
	s0 =	srdreg.scid  }
0x2: {  	s4 =	simm.s32 $0x0;
	s2 =	stileid.u32;
	s8 =	simm.s32 $0x80  }
0x3: {  	s9 =	simm.s32 $0x400;
	s12 =	simm.s32 $0x5;
	s0 =	sand.u32 $0x1, s0  }
0x4: {  	s2 =	sshll.u32 s2, $0x6;
	s1 =	ssub.s32 $0x2, s0;
	s0 =	sshll.u32 s0, $0x5  }
.Ltmp0:
0x5: {  	[smem:$0x7FF] =	sst s4;
	s2 =	sor.u32 s0, s2;
	(pc) =	sbr.rel .LBB2_1-.Ltmp0, $4  }
0x6: {  	_ =	strace $0x80000047;
	s3 =	sshrl.u32 s1, $0x1;
	s31 =	sshll.u32 s2, $0xC  }
0x7: {  	s30 =	ssub.s32 s1, s3;
	[dreg:$0x3] =	wrdreg s2;
	s1 =	sadd.s32 s5, s31  }
0x8: {  	v0 =	vimm.f32 $0.0e+00;
	v1 =	vlaneseq.u32;
	s13 =	simm.s32 $0x8000;
	s0 =	smax.u32 s30, $0x1;
	[dreg:$0x4] =	wrdreg s1  }
0x9: {  	v2 =	vimm.s32 $0x0;
	vm0 =	vmxor vm0, vm0;
	v3 =	vimm.f32 $-3.000000010e+38;
	s16 =	simm.s32 $0x4;
	[dreg:$0x5] =	wrdreg s0;
	s1 =	simm.s32 $0x0  }
.LBB2_88:
0xa: {  	[sflag:s12] =	ssyncadd.s32 $0xFFFFFF00  }
.LBB2_89:
0xb: {  	s1 =	rddreg [dreg:$0x6]  }
0xc: {  	s0 =	rddreg [dreg:$0x5];
	s1 =	sadd.s32 $0x1, s1  }
0xd: {  	p0 =	sne.s32 s1, s0  }
.Ltmp1:
0xe: {  	_ = 	snop;
	(pc) =	sbr.rel @!p0 .LBB2_90-.Ltmp1, $1  }
0xf: {  	_ =	sdelay $0x3  }
.LBB2_1:
0x10: {  	[dreg:$0x6] =	wrdreg s1;
	s0 =	simm.s32 $0x0;
	s1 =	simm.s32 $0x400  }
.LBB2_2:
0x11: {  	p0 =	sne.s32 s1, $0x1FC00;
	[tilespmem:s0+$0x121F0] =	vst v0  }
0x12: {  	[tilespmem:s0+$0x12100] =	vst v0  }
0x13: {  	[tilespmem:s0+$0x12110] =	vst v0  }
0x14: {  	[tilespmem:s0+$0x12120] =	vst v0  }
0x15: {  	[tilespmem:s0+$0x12130] =	vst v0  }
0x16: {  	[tilespmem:s0+$0x12140] =	vst v0  }
0x17: {  	[tilespmem:s0+$0x12150] =	vst v0  }
0x18: {  	[tilespmem:s0+$0x12160] =	vst v0  }
0x19: {  	[tilespmem:s0+$0x12170] =	vst v0  }
0x1a: {  	[tilespmem:s0+$0x12180] =	vst v0  }
0x1b: {  	[tilespmem:s0+$0x12190] =	vst v0  }
.Ltmp2:
0x1c: {  	[tilespmem:s0+$0x121A0] =	vst v0;
	(pc) =	sbr.rel @p0 .LBB2_2-.Ltmp2, $4  }
0x1d: {  	[tilespmem:s0+$0x121B0] =	vst v0  }
0x1e: {  	[tilespmem:s0+$0x121C0] =	vst v0  }
0x1f: {  	[tilespmem:s0+$0x121D0] =	vst v0  }
0x20: {  	[tilespmem:s0+$0x121E0] =	vst v0;
	s0 =	sshra.s32 s1, $0x2;
	s1 =	sadd.s32 $0x400, s1  }
0x21: {  	[tilespmem:s0+$0x121F0] =	vst v0  }
0x22: {  	[tilespmem:s0+$0x12100] =	vst v0  }
0x23: {  	[tilespmem:s0+$0x12110] =	vst v0  }
0x24: {  	[tilespmem:s0+$0x12120] =	vst v0  }
0x25: {  	[tilespmem:s0+$0x12130] =	vst v0  }
0x26: {  	[tilespmem:s0+$0x12140] =	vst v0  }
0x27: {  	[tilespmem:s0+$0x12150] =	vst v0  }
0x28: {  	[tilespmem:s0+$0x12160] =	vst v0  }
0x29: {  	[tilespmem:s0+$0x12170] =	vst v0  }
0x2a: {  	[tilespmem:s0+$0x12180] =	vst v0  }
0x2b: {  	[tilespmem:s0+$0x12190] =	vst v0  }
0x2c: {  	[tilespmem:s0+$0x121A0] =	vst v0  }
.Ltmp3:
0x2d: {  	[tilespmem:s0+$0x121B0] =	vst v0;
	(pc) =	sbr.rel .LBB2_4-.Ltmp3, $4  }
0x2e: {  	[tilespmem:s0+$0x121C0] =	vst v0  }
0x2f: {  	[tilespmem:s0+$0x121D0] =	vst v0  }
0x30: {  	[tilespmem:s0+$0x121E0] =	vst v0;
	s24 =	simm.s32 $0x0;
	s31 =	rddreg [dreg:$0x4];
	s11 =	simm.s32 $0x0  }
0x31: {  	[tilespmem:s24], [sflag:$0x1] =	stream.strided.gather [hbm4b:s31+s8], $0x8000, s9, s8, $0x38;
	[tilespmem:$0x1A100] =	vst v63  }
.LBB2_84:
0x32: {  	s11 =	sadd.s32 $0x1, s11  }
0x33: {  	p0 =	seq.s32 s11, $0x10  }
.Ltmp4:
0x34: {  	_ = 	snop;
	(pc) =	sbr.rel @p0 .LBB2_85-.Ltmp4, $1  }
0x35: {  	_ =	sdelay $0x3  }
.LBB2_4:
0x36: {  	s14 =	sshll.u32 s11, $0x1;
	s0 =	rddreg [dreg:$0x3]  }
0x37: {  	s1 =	sshll.u32 s11, $0x5;
	s0 =	sadd.s32 s0, s14  }
0x38: {  	s28 =	rddreg [dreg:$0x1];
	s26 =	sand.u32 $0x60, s1;
	s0 =	sshll.u32 s0, $0xC  }
0x39: {  	s25 =	sand.u32 $0x3F8000, s0;
	s0 =	sadd.s32 s28, s26  }
0x3a: {  	s29 =	simm.s32 $0x12100;
	s30 =	simm.s32 $0x1;
	s20 =	sadd.s32 s25, s0  }
0x3b: {  	[hbm4b:s20+s8] =	stream.strided.scatter [tilespmem:s29], [sflag:$0x3], $0x8000, s9, s8, $0x38;
	[tilespmem:$0x1A100] =	vst v63  }
0x3c: {  	_ =	swait.ge [sflag:s30], $0x8000  }
0x3d: {  	[sflag:s30] =	ssyncset.done $0x0  }
0x3e: {  	s31 =	simm.s32 $0x100;
	[sflag:s30] =	ssyncadd.s32 $0xFFFF8000  }
0x3f: {  	v4 =	vld [tilespmem:s31+$0x70]  }
0x40: {  	v5 =	vld [tilespmem:s31+$0xF0]  }
0x41: {  	v6 =	vld [tilespmem:s31+$0xE0]  }
0x42: {  	v7 =	vld [tilespmem:s31+$0xD0]  }
0x43: {  	v8 =	vld [tilespmem:s31+$0xC0]  }
0x44: {  	v14 =	vld [tilespmem:s31+$0x0]  }
0x45: {  	v13 =	vld [tilespmem:s31+$0xFFFFFF10]  }
0x46: {  	v15 =	vld [tilespmem:s31+$0xFFFFFF20]  }
0x47: {  	v16 =	vld [tilespmem:s31+$0xFFFFFF30]  }
0x48: {  	v9 =	vld [tilespmem:s31+$0xFFFFFF40]  }
0x49: {  	v11 =	vld [tilespmem:s31+$0xFFFFFF50]  }
0x4a: {  	v10 =	vld [tilespmem:s31+$0xFFFFFF60]  }
0x4b: {  	v12 =	vld [tilespmem:s31+$0xFFFFFF70]  }
0x4c: {  	v17 =	vld [tilespmem:s31+$0xFFFFFF80]  }
0x4d: {  	v18 =	vld [tilespmem:s31+$0xFFFFFF90]  }
0x4e: {  	v19 =	vld [tilespmem:s31+$0xB0]  }
0x4f: {  	v20 =	vld [tilespmem:s31+$0x40]  }
0x50: {  	v21 =	vld [tilespmem:s31+$0xA0]  }
0x51: {  	v22 =	vld [tilespmem:s31+$0x50]  }
0x52: {  	v23 =	vld [tilespmem:s31+$0x60]  }
0x53: {  	v24 =	vld [tilespmem:s31+$0xFFFFFFC0]  }
0x54: {  	v25 =	vld [tilespmem:s31+$0xFFFFFFD0]  }
0x55: {  	v26 =	vld [tilespmem:s31+$0xFFFFFFE0]  }
0x56: {  	v27 =	vld [tilespmem:s31+$0xFFFFFFF0]  }
0x57: {  	v28 =	vld [tilespmem:s31+$0xFFFFFF00]  }
0x58: {  	v29 =	vld [tilespmem:s31+$0x10];
	v5 =	vmax.f32 v6, v5  }
0x59: {  	v6 =	vmax.f32 v8, v7;
	v8 =	vmax.f32 v17, v18;
	v17 =	vmax.f32 v10, v12;
	v10 =	vld [tilespmem:s31+$0x20]  }
0x5a: {  	v7 =	vmax.f32 v21, v19;
	v18 =	vmax.f32 v20, v22;
	v9 =	vmax.f32 v9, v11;
	v12 =	vld [tilespmem:s31+$0x30]  }
0x5b: {  	v19 =	vmax.f32 v23, v4;
	v4 =	vimm.f32 $-3.000000010e+38;
	v11 =	vld [tilespmem:s31+$0x90];
	v16 =	vmax.f32 v15, v16  }
0x5c: {  	v15 =	vld [tilespmem:s31+$0xFFFFFFA0];
	v13 =	vmax.f32 v28, v13;
	v20 =	vmax.f32 v9, v17;
	v9 =	vmax.f32 v18, v19  }
0x5d: {  	s2 =	simm.s32 $0x11090;
	v18 =	vmax.f32 v24, v25;
	v19 =	vmax.f32 v26, v27;
	v17 =	vld [tilespmem:s31+$0xFFFFFFB0];
	v63 =	vmax.f32 v13, v16  }
0x5e: {  	s3 =	simm.s32 $0x0;
	s6 =	simm.s32 $0x300;
	s0 =	simm.s32 $0x11090;
	v16 =	vmax.f32 v14, v29;
	v13 =	vmax.f32 v18, v19;
	v14 =	vmax.f32 v63, v20;
	v18 =	vld [tilespmem:s31+$0x80]  }
.LBB2_5:
0x5f: {  	v19 =	vld [tilespmem:s6+$0x70];
	s3 =	sadd.s32 $0x2, s3;
	s2 =	sadd.s32 $0x20, s2  }
0x60: {  	v20 =	vld [tilespmem:s6+$0xF0];
	p0 =	slt.u32 s3, $0x7E  }
0x61: {  	v21 =	vld [tilespmem:s6+$0xE0]  }
0x62: {  	v10 =	vmax.f32 v10, v12;
	v5 =	vmax.f32 v6, v5;
	v22 =	vld [tilespmem:s6+$0xD0];
	v15 =	vmax.f32 v15, v17  }
0x63: {  	v10 =	vmax.f32 v16, v10;
	v6 =	vld [tilespmem:s6+$0xC0];
	v8 =	vmax.f32 v8, v15;
	v11 =	vmax.f32 v18, v11  }
0x64: {  	v9 =	vmax.f32 v10, v9;
	v16 =	vld [tilespmem:s6+$0x0];
	v8 =	vmax.f32 v8, v13;
	v7 =	vmax.f32 v11, v7  }
0x65: {  	v13 =	vld [tilespmem:s6+$0xFFFFFF10];
	v8 =	vmax.f32 v14, v8;
	v7 =	vmax.f32 v7, v5  }
0x66: {  	v10 =	vld [tilespmem:s6+$0xFFFFFF20];
	v5 =	vmax.f32 v21, v20;
	[tilespmem:s0+$0xFFFFFFF0] =	vst v8;
	v4 =	vmax.f32 v4, v8;
	v7 =	vmax.f32 v9, v7  }
0x67: {  	v11 =	vld [tilespmem:s6+$0xFFFFFF30];
	[tilespmem:s0+$0x0] =	vst v7;
	v4 =	vmax.f32 v4, v7;
	s0 =	smov.u32 s2  }
0x68: {  	v9 =	vld [tilespmem:s6+$0xFFFFFF40];
	v6 =	vmax.f32 v6, v22  }
0x69: {  	v12 =	vld [tilespmem:s6+$0xFFFFFF50]  }
0x6a: {  	v7 =	vld [tilespmem:s6+$0xFFFFFF60]  }
0x6b: {  	v14 =	vld [tilespmem:s6+$0xFFFFFF70]  }
0x6c: {  	v8 =	vld [tilespmem:s6+$0xFFFFFF80]  }
0x6d: {  	v15 =	vld [tilespmem:s6+$0xFFFFFF90]  }
0x6e: {  	v17 =	vld [tilespmem:s6+$0xB0]  }
0x6f: {  	v18 =	vld [tilespmem:s6+$0x40]  }
0x70: {  	v20 =	vld [tilespmem:s6+$0xA0]  }
0x71: {  	v21 =	vld [tilespmem:s6+$0x50]  }
0x72: {  	v22 =	vld [tilespmem:s6+$0x60]  }
0x73: {  	v8 =	vmax.f32 v8, v15;
	v23 =	vld [tilespmem:s6+$0xFFFFFFC0]  }
0x74: {  	v15 =	vld [tilespmem:s6+$0xFFFFFFD0]  }
0x75: {  	v14 =	vmax.f32 v7, v14;
	v24 =	vld [tilespmem:s6+$0xFFFFFFE0];
	v7 =	vmax.f32 v20, v17  }
0x76: {  	v17 =	vld [tilespmem:s6+$0xFFFFFFF0];
	v18 =	vmax.f32 v18, v21  }
0x77: {  	v9 =	vmax.f32 v9, v12;
	v20 =	vld [tilespmem:s6+$0xFFFFFF00];
	v12 =	vmax.f32 v22, v19  }
0x78: {  	v14 =	vmax.f32 v9, v14;
	v19 =	vld [tilespmem:s6+$0x10];
	v9 =	vmax.f32 v18, v12  }
0x79: {  	v18 =	vmax.f32 v10, v11;
	v21 =	vmax.f32 v23, v15;
	v10 =	vld [tilespmem:s6+$0x20]  }
.Ltmp5:
0x7a: {  	v12 =	vld [tilespmem:s6+$0x30];
	(pc) =	sbr.rel @p0 .LBB2_5-.Ltmp5, $4  }
0x7b: {  	v17 =	vmax.f32 v24, v17;
	v11 =	vld [tilespmem:s6+$0x90]  }
0x7c: {  	v15 =	vld [tilespmem:s6+$0xFFFFFFA0];
	v20 =	vmax.f32 v20, v13;
	v13 =	vmax.f32 v21, v17  }
0x7d: {  	v17 =	vld [tilespmem:s6+$0xFFFFFFB0];
	v18 =	vmax.f32 v20, v18;
	v16 =	vmax.f32 v16, v19  }
0x7e: {  	v14 =	vmax.f32 v18, v14;
	v18 =	vld [tilespmem:s6+$0x80];
	s6 =	sadd.s32 $0x200, s6  }
0x7f: {  	_ =	sdelay $0x2  }
0x80: {  	v10 =	vmax.f32 v10, v12;
	v15 =	vmax.f32 v15, v17  }
0x81: {  	v5 =	vmax.f32 v6, v5;
	v6 =	vmax.f32 v8, v15;
	v8 =	vmax.f32 v18, v11  }
0x82: {  	v10 =	vmax.f32 v16, v10;
	v6 =	vmax.f32 v6, v13;
	v7 =	vmax.f32 v8, v7  }
0x83: {  	v8 =	vmax.f32 v10, v9;
	v6 =	vmax.f32 v14, v6;
	v5 =	vmax.f32 v7, v5  }
0x84: {  	v4 =	vmax.f32 v4, v6;
	v5 =	vmax.f32 v8, v5  }
0x85: {  	v4 =	vmax.f32 v4, v5  }
0x86: {  	(xrf0) =	vmax.scan.msk.f32 $0xffff, v4;
	_ =	sdelay $0x5  }
0x87: {  	v4, _, _ =	vpop (xrf0)  }
0x88: {  	(v2sf) =	vpush v4, $0xF;
	_ =	sdelay $0xb  }
0x89: {  	[tilespmem:s0+$0xFFFFFFF0] =	vst v6  }
0x8a: {  	s21 =	simm.s32 $0x110A0;
	[tilespmem:s0+$0x0] =	vst v5  }
0x8b: {  	v5 =	vld [tilespmem:s21+$0xFFFFFFE0]  }
0x8c: {  	s23 =	spop (v2sf)  }
0x8d: {  	s22 =	sadd.f32 $-1.000000000e+00, s23;
	_ =	sdelay $0x1  }
0x8e: {  	s1 =	simm.s32 $0x0;
	v4 =	vmov s22  }
0x8f: {  	v6 =	vor.u32 s1, v1;
	vm1 =	vgt.f32 v5, v4  }
0x90: {  	[tilespmem:s1+$0x11880] =	vst.msk vm1, v6;
	v5 =	vmpcnt.ones.xlane vm1  }
0x91: {  	v6 =	vld [tilespmem:s21+$0xFFFFFFF0]  }
0x92: {  	(v2sf) =	vpush v5, $0x0;
	_ =	sdelay $0x3  }
0x93: {  	vm1 =	vgt.f32 v6, v4  }
0x94: {  	v5 =	vmpcnt.ones.xlane vm1;
	_ =	sdelay $0x1  }
0x95: {  	(v2sf) =	vpush v5, $0x0;
	_ =	sdelay $0x7  }
0x96: {  	s28 =	simm.s32 $0x10;
	s2 =	spop (v2sf)  }
0x97: {  	v5 =	vor.u32 s28, v1;
	s2 =	sadd.s32 $0x0, s2  }
0x98: {  	[tilespmem:s2+$0x11880] =	vst.msk vm1, v5  }
0x99: {  	v5 =	vld [tilespmem:s21+$0x0];
	_ =	sdelay $0x3  }
0x9a: {  	s29 =	simm.s32 $0x20;
	s3 =	spop (v2sf)  }
0x9b: {  	s2 =	sadd.s32 s2, s3;
	vm1 =	vgt.f32 v5, v4;
	v5 =	vor.u32 s29, v1  }
0x9c: {  	[tilespmem:s2+$0x11880] =	vst.msk vm1, v5  }
0x9d: {  	v6 =	vmpcnt.ones.xlane vm1;
	v5 =	vld [tilespmem:s21+$0x10];
	_ =	sdelay $0x1  }
0x9e: {  	(v2sf) =	vpush v6, $0x0;
	_ =	sdelay $0x2  }
0x9f: {  	vm1 =	vgt.f32 v5, v4  }
0xa0: {  	v5 =	vmpcnt.ones.xlane vm1;
	_ =	sdelay $0x1  }
0xa1: {  	(v2sf) =	vpush v5, $0x0;
	_ =	sdelay $0x8  }
0xa2: {  	s30 =	simm.s32 $0x30;
	s31 =	spop (v2sf)  }
0xa3: {  	v5 =	vor.u32 s30, v1;
	s3 =	sadd.s32 s2, s31  }
0xa4: {  	s2 =	simm.s32 $0x110E0;
	[tilespmem:s3+$0x11880] =	vst.msk vm1, v5  }
0xa5: {  	v6 =	vld [tilespmem:s2+$0xFFFFFFE0];
	_ =	sdelay $0x1  }
0xa6: {  	s0 =	simm.s32 $0x40  }
0xa7: {  	s1 =	simm.s32 $0x80;
	v5 =	vor.u32 s0, v1;
	s6 =	spop (v2sf)  }
.LBB2_7:
0xa8: {  	p0 =	sne.s32 s1, $0x7C0  }
0xa9: {  	v7 =	vor.u32 s1, v1;
	vm1 =	vgt.f32 v6, v4;
	s6 =	sadd.s32 s3, s6;
	s3 =	smov.u32 s1;
	s1 =	sadd.s32 $0x40, s1  }
0xaa: {  	[tilespmem:s6+$0x11880] =	vst.msk vm1, v5;
	v6 =	vmpcnt.ones.xlane vm1;
	v5 =	vmov v7  }
0xab: {  	v7 =	vld [tilespmem:s2+$0xFFFFFFF0]  }
0xac: {  	(v2sf) =	vpush v6, $0x0;
	_ =	sdelay $0x3  }
0xad: {  	vm1 =	vgt.f32 v7, v4  }
0xae: {  	v6 =	vmpcnt.ones.xlane vm1;
	_ =	sdelay $0x1  }
0xaf: {  	(v2sf) =	vpush v6, $0x0;
	_ =	sdelay $0x7  }
0xb0: {  	s7 =	sadd.s32 $0x10, s0;
	s10 =	spop (v2sf)  }
0xb1: {  	v6 =	vor.u32 s7, v1;
	s6 =	sadd.s32 s6, s10  }
0xb2: {  	[tilespmem:s6+$0x11880] =	vst.msk vm1, v6  }
0xb3: {  	v6 =	vld [tilespmem:s2+$0x0];
	_ =	sdelay $0x3  }
0xb4: {  	s7 =	sadd.s32 $0x20, s0;
	s10 =	spop (v2sf)  }
0xb5: {  	s6 =	sadd.s32 s6, s10;
	vm1 =	vgt.f32 v6, v4;
	v6 =	vor.u32 s7, v1  }
0xb6: {  	[tilespmem:s6+$0x11880] =	vst.msk vm1, v6;
	v6 =	vmpcnt.ones.xlane vm1  }
0xb7: {  	v7 =	vld [tilespmem:s2+$0x10]  }
0xb8: {  	(v2sf) =	vpush v6, $0x0;
	_ =	sdelay $0x3  }
0xb9: {  	vm1 =	vgt.f32 v7, v4  }
0xba: {  	v6 =	vmpcnt.ones.xlane vm1;
	_ =	sdelay $0x1  }
0xbb: {  	(v2sf) =	vpush v6, $0x0;
	_ =	sdelay $0x7  }
0xbc: {  	s7 =	sadd.s32 $0x30, s0;
	s0 =	smov.u32 s3;
	s10 =	spop (v2sf)  }
0xbd: {  	v6 =	vor.u32 s7, v1;
	s3 =	sadd.s32 s6, s10  }
0xbe: {  	s2 =	sadd.s32 $0x40, s2;
	[tilespmem:s3+$0x11880] =	vst.msk vm1, v6  }
.Ltmp6:
0xbf: {  	v6 =	vld [tilespmem:s2+$0xFFFFFFE0];
	(pc) =	sbr.rel @p0 .LBB2_7-.Ltmp6, $2  }
0xc0: {  	_ =	sdelay $0x2  }
0xc1: {  	s6 =	spop (v2sf)  }
0xc2: {  	vm1 =	vgt.f32 v6, v4;
	s1 =	sadd.s32 s3, s6  }
0xc3: {  	[tilespmem:s1+$0x11880] =	vst.msk vm1, v5;
	v5 =	vmpcnt.ones.xlane vm1  }
0xc4: {  	v6 =	vld [tilespmem:s2+$0xFFFFFFF0]  }
0xc5: {  	(v2sf) =	vpush v5, $0x0;
	_ =	sdelay $0x3  }
0xc6: {  	vm1 =	vgt.f32 v6, v4  }
0xc7: {  	v5 =	vmpcnt.ones.xlane vm1;
	_ =	sdelay $0x1  }
0xc8: {  	(v2sf) =	vpush v5, $0x0;
	_ =	sdelay $0x7  }
0xc9: {  	s18 =	sadd.s32 $0x10, s0;
	s19 =	spop (v2sf)  }
0xca: {  	v5 =	vor.u32 s18, v1;
	s1 =	sadd.s32 s1, s19  }
0xcb: {  	[tilespmem:s1+$0x11880] =	vst.msk vm1, v5  }
0xcc: {  	v5 =	vld [tilespmem:s2+$0x0];
	_ =	sdelay $0x3  }
0xcd: {  	s21 =	sadd.s32 $0x20, s0;
	s28 =	spop (v2sf)  }
0xce: {  	s1 =	sadd.s32 s1, s28;
	vm1 =	vgt.f32 v5, v4;
	v5 =	vor.u32 s21, v1  }
0xcf: {  	[tilespmem:s1+$0x11880] =	vst.msk vm1, v5  }
0xd0: {  	v5 =	vld [tilespmem:s2+$0x10];
	_ =	sdelay $0x4  }
0xd1: {  	v6 =	vmpcnt.ones.xlane vm1;
	vm1 =	vgt.f32 v5, v4  }
0xd2: {  	v5 =	vmpcnt.ones.xlane vm1  }
0xd3: {  	(v2sf) =	vpush v6, $0x0  }
0xd4: {  	(v2sf) =	vpush v5, $0x0;
	_ =	sdelay $0xb  }
0xd5: {  	p0 =	slt.s32 s24, $0x1  }
.Ltmp7:
0xd6: {  	_ = 	snop;
	(pc) =	sbr.rel @p0 .LBB2_12-.Ltmp7, $4  }
0xd7: {  	s29 =	sadd.s32 $0x30, s0;
	s30 =	spop (v2sf)  }
0xd8: {  	v5 =	vor.u32 s29, v1;
	s1 =	sadd.s32 s1, s30;
	s31 =	spop (v2sf)  }
0xd9: {  	[tilespmem:s1+$0x11880] =	vst.msk vm1, v5;
	s21 =	sadd.s32 s1, s31  }
0xda: {  	[tilespmem:s21+$0x11880] =	vst v2  }
0xdb: {  	p0 =	sne.s32 s24, $0x1  }
.Ltmp8:
0xdc: {  	_ = 	snop;
	(pc) =	sbr.rel @!p0 .LBB2_11-.Ltmp8, $3  }
0xdd: {  	_ =	sdelay $0x1  }
0xde: {  	_ =	swait.ge [sflag:s12], $0x100  }
0xdf: {  	s0 =	sadd.s32 $0xFFFFFFFF, s24;
	[sflag:s12] =	ssyncset.done $0x0  }
.LBB2_10:
0xe0: {  	p0 =	sne.s32 s0, $0x1;
	s0 =	sadd.s32 $0xFFFFFFFF, s0;
	[sflag:s12] =	ssyncadd.s32 $0xFFFFFF00  }
.Ltmp9:
0xe1: {  	(pc) =	sbr.rel @p0 .LBB2_10-.Ltmp9, $3  }
0xe2: {  	_ =	sdelay $0x1  }
0xe3: {  	_ =	swait.ge [sflag:s12], $0x100  }
0xe4: {  	[sflag:s12] =	ssyncset.done $0x0  }
.LBB2_11:
0xe5: {  	[sflag:s12] =	ssyncadd.s32 $0xFFFFFF00  }
.LBB2_12:
0xe6: {  	s0 =	rddreg [dreg:$0x0];
	s30 =	sadd.s32 $0xF, s21  }
0xe7: {  	s0 =	sadd.s32 s26, s0;
	s1 =	sand.u32 $0xF, s30;
	s31 =	sshra.s32 s30, $0x1F  }
0xe8: {  	p1 =	slt.s32 s30, $0x1;
	s0 =	sadd.s32 s25, s0;
	p0 =	sne.s32 s1, $0x0  }
0xe9: {  	s1 =	sshrl.u32 s31, $0x1C;
	s0 =	sadd.s32 $0x10, s0;
	p0 =	por !p1, !p0  }
0xea: {  	[tilespmem:s13], [sflag:$0x2] =	stream.strided.gather [hbm4b:s0+s8], $0x8000, s9, s8, $0x38;
	[tilespmem:$0x1A100] =	vst v63  }
0xeb: {  	s0 =	sadd.s32 s1, s30;
	p0 =	por !p0, !p0;
	s1 =	simm.s32 $0x1  }
0xec: {  	s0 =	sshra.s32 s0, $0x4;
	s1 =	simm.s32 @!p0 $0x0  }
0xed: {  	s25 =	ssub.s32 s0, s1  }
0xee: {  	p0 =	slt.s32 s25, $0x1  }
.Ltmp10:
0xef: {  	_ = 	snop;
	(pc) =	sbr.rel @p0 .LBB2_13-.Ltmp10, $2  }
0xf0: {  	_ =	sdelay $0x2  }
0xf1: {  	s24 =	simm.s32 $0x0;
	[dreg:$0x7] =	wrdreg s11  }
0xf2: {  	[dreg:$0x8] =	wrdreg s14;
	s26 =	simm.s32 $0x11880  }
0xf3: {  	v5 =	vmov s21;
	s0 =	simm.s32 $0x0;
	s28 =	simm.s32 $0x0;
	s29 =	simm.s32 $0x0  }
.LBB2_15:
0xf4: {  	v7 =	vld [tilespmem:s26+$0x0];
	_ =	sdelay $0x4  }
0xf5: {  	v6 =	vshll.u32 v7, $0x4  }
0xf6: {  	v7 =	vand.u32 $0xF, v7;
	v8 =	vand.u32 $0xFFFFFF00, v6  }
0xf7: {  	v8 =	vor.u32 v7, v8;
	_ =	sdelay $0x4  }
0xf8: {  	v9 =	vld.idx.msk [tilespmem:v8+s4+$0x0], $0xffff;
	_ =	sdelay $0x3  }
0xf9: {  	v10 =	vor.u32 s28, v1  }
0xfa: {  	p0 =	slt.s32 s0, $0xFF1;
	vm3 =	vmmov vm0;
	vm1 =	vlt.s32 v10, v5;
	vm2 =	vgt.f32 v9, v4  }
0xfb: {  	vm3 =	vmneg @p0 vm3;
	vm2 =	vmand vm1, vm2  }
0xfc: {  	vm3 =	vmand vm3, vm2  }
0xfd: {  	v22 =	vmpcnt.ones.xlane vm3;
	_ =	sdelay $0x1  }
0xfe: {  	(v2sf) =	vpush v22, $0x0;
	_ =	sdelay $0x6  }
0xff: {  	v23 =	vor.u32 $0x10, v8;
	_ =	sdelay $0x3  }
0x100: {  	[tilespmem:s0+$0x10000] =	vst.msk vm3, v9  }
0x101: {  	v9 =	vld.idx.msk [tilespmem:v23+s4+$0x0], $0xffff;
	_ =	sdelay $0x2  }
0x102: {  	s1 =	spop (v2sf)  }
0x103: {  	s11 =	sadd.s32 s0, s1  }
0x104: {  	vm4 =	vmmov vm0;
	vm3 =	vgt.f32 v9, v4;
	p0 =	slt.s32 s11, $0xFF1  }
0x105: {  	vm3 =	vmand vm1, vm3;
	vm4 =	vmneg @p0 vm4  }
0x106: {  	v24 =	vmpcnt.ones.xlane vm2;
	vm2 =	vmand vm3, vm4  }
0x107: {  	v11 =	vmpcnt.ones.xlane vm2  }
0x108: {  	(v2sf) =	vpush v24, $0x0  }
0x109: {  	(v2sf) =	vpush v11, $0x0;
	_ =	sdelay $0x6  }
0x10a: {  	v25 =	vor.u32 $0x20, v8;
	_ =	sdelay $0x3  }
0x10b: {  	[tilespmem:s11+$0x10000] =	vst.msk vm2, v9  }
0x10c: {  	v9 =	vld.idx.msk [tilespmem:v25+s4+$0x0], $0xffff;
	_ =	sdelay $0x1  }
0x10d: {  	s30 =	spop (v2sf)  }
0x10e: {  	s14 =	spop (v2sf)  }
0x10f: {  	s0 =	sadd.s32 s11, s14  }
0x110: {  	vm4 =	vmmov vm0;
	vm2 =	vgt.f32 v9, v4;
	p0 =	slt.s32 s0, $0xFF1  }
0x111: {  	vm2 =	vmand vm1, vm2;
	vm4 =	vmneg @p0 vm4  }
0x112: {  	v26 =	vmpcnt.ones.xlane vm3;
	vm3 =	vmand vm2, vm4  }
0x113: {  	v27 =	vmpcnt.ones.xlane vm3  }
0x114: {  	(v2sf) =	vpush v26, $0x0  }
0x115: {  	(v2sf) =	vpush v27, $0x0;
	_ =	sdelay $0x6  }
0x116: {  	v28 =	vor.u32 $0x30, v8;
	_ =	sdelay $0x3  }
0x117: {  	[tilespmem:s0+$0x10000] =	vst.msk vm3, v9  }
0x118: {  	v9 =	vld.idx.msk [tilespmem:v28+s4+$0x0], $0xffff;
	_ =	sdelay $0x1  }
0x119: {  	s31 =	spop (v2sf)  }
0x11a: {  	s15 =	spop (v2sf)  }
0x11b: {  	s1 =	sadd.s32 s0, s15  }
0x11c: {  	vm4 =	vmmov vm0;
	vm3 =	vgt.f32 v9, v4;
	p0 =	slt.s32 s1, $0xFF1  }
0x11d: {  	vm3 =	vmand vm1, vm3;
	vm4 =	vmneg @p0 vm4  }
0x11e: {  	v29 =	vmpcnt.ones.xlane vm2;
	vm2 =	vmand vm3, vm4  }
0x11f: {  	v30 =	vmpcnt.ones.xlane vm2  }
0x120: {  	(v2sf) =	vpush v29, $0x0  }
0x121: {  	(v2sf) =	vpush v30, $0x0;
	_ =	sdelay $0x6  }
0x122: {  	v31 =	vor.u32 $0x40, v8;
	_ =	sdelay $0x3  }
0x123: {  	[tilespmem:s1+$0x10000] =	vst.msk vm2, v9  }
0x124: {  	v9 =	vld.idx.msk [tilespmem:v31+s4+$0x0], $0xffff;
	_ =	sdelay $0x1  }
0x125: {  	s0 =	spop (v2sf)  }
0x126: {  	s2 =	spop (v2sf)  }
0x127: {  	s1 =	sadd.s32 s1, s2  }
0x128: {  	vm4 =	vmmov vm0;
	vm2 =	vgt.f32 v9, v4;
	p0 =	slt.s32 s1, $0xFF1  }
0x129: {  	vm2 =	vmand vm1, vm2;
	vm4 =	vmneg @p0 vm4  }
0x12a: {  	v32 =	vmpcnt.ones.xlane vm3;
	vm3 =	vmand vm2, vm4  }
0x12b: {  	v33 =	vmpcnt.ones.xlane vm3  }
0x12c: {  	(v2sf) =	vpush v32, $0x0  }
0x12d: {  	(v2sf) =	vpush v33, $0x0;
	_ =	sdelay $0x6  }
0x12e: {  	v34 =	vor.u32 $0x50, v8;
	_ =	sdelay $0x3  }
0x12f: {  	[tilespmem:s1+$0x10000] =	vst.msk vm3, v9  }
0x130: {  	v9 =	vld.idx.msk [tilespmem:v34+s4+$0x0], $0xffff;
	_ =	sdelay $0x1  }
0x131: {  	s2 =	spop (v2sf)  }
0x132: {  	s3 =	spop (v2sf)  }
0x133: {  	s1 =	sadd.s32 s1, s3  }
0x134: {  	vm4 =	vmmov vm0;
	vm3 =	vgt.f32 v9, v4;
	p0 =	slt.s32 s1, $0xFF1  }
0x135: {  	vm3 =	vmand vm1, vm3;
	vm4 =	vmneg @p0 vm4  }
0x136: {  	v35 =	vmpcnt.ones.xlane vm2;
	vm2 =	vmand vm3, vm4  }
0x137: {  	v36 =	vmpcnt.ones.xlane vm2  }
0x138: {  	(v2sf) =	vpush v35, $0x0  }
0x139: {  	(v2sf) =	vpush v36, $0x0;
	_ =	sdelay $0x6  }
0x13a: {  	v37 =	vor.u32 $0x60, v8;
	_ =	sdelay $0x3  }
0x13b: {  	[tilespmem:s1+$0x10000] =	vst.msk vm2, v9  }
0x13c: {  	v9 =	vld.idx.msk [tilespmem:v37+s4+$0x0], $0xffff;
	_ =	sdelay $0x1  }
0x13d: {  	s6 =	spop (v2sf)  }
0x13e: {  	s17 =	spop (v2sf)  }
0x13f: {  	s1 =	sadd.s32 s1, s17  }
0x140: {  	vm4 =	vmmov vm0;
	vm2 =	vgt.f32 v9, v4;
	p0 =	slt.s32 s1, $0xFF1  }
0x141: {  	vm2 =	vmand vm1, vm2;
	vm4 =	vmneg @p0 vm4  }
0x142: {  	v38 =	vmpcnt.ones.xlane vm3;
	vm3 =	vmand vm2, vm4  }
0x143: {  	v39 =	vmpcnt.ones.xlane vm3  }
0x144: {  	(v2sf) =	vpush v38, $0x0  }
0x145: {  	(v2sf) =	vpush v39, $0x0;
	_ =	sdelay $0x6  }
0x146: {  	v40 =	vor.u32 $0x70, v8;
	_ =	sdelay $0x3  }
0x147: {  	[tilespmem:s1+$0x10000] =	vst.msk vm3, v9  }
0x148: {  	v9 =	vld.idx.msk [tilespmem:v40+s4+$0x0], $0xffff;
	_ =	sdelay $0x1  }
0x149: {  	s7 =	spop (v2sf)  }
0x14a: {  	s18 =	spop (v2sf)  }
0x14b: {  	s1 =	sadd.s32 s1, s18  }
0x14c: {  	vm4 =	vmmov vm0;
	vm3 =	vgt.f32 v9, v4;
	p0 =	slt.s32 s1, $0xFF1  }
0x14d: {  	vm3 =	vmand vm1, vm3;
	vm4 =	vmneg @p0 vm4  }
0x14e: {  	v41 =	vmpcnt.ones.xlane vm2;
	vm2 =	vmand vm3, vm4  }
0x14f: {  	v42 =	vmpcnt.ones.xlane vm2  }
0x150: {  	(v2sf) =	vpush v41, $0x0  }
0x151: {  	(v2sf) =	vpush v42, $0x0;
	_ =	sdelay $0x6  }
0x152: {  	v43 =	vor.u32 $0x80, v8;
	_ =	sdelay $0x3  }
0x153: {  	[tilespmem:s1+$0x10000] =	vst.msk vm2, v9  }
0x154: {  	v9 =	vld.idx.msk [tilespmem:v43+s4+$0x0], $0xffff;
	_ =	sdelay $0x1  }
0x155: {  	s17 =	spop (v2sf)  }
0x156: {  	s19 =	spop (v2sf)  }
0x157: {  	s1 =	sadd.s32 s1, s19  }
0x158: {  	vm4 =	vmmov vm0;
	vm2 =	vgt.f32 v9, v4;
	p0 =	slt.s32 s1, $0xFF1  }
0x159: {  	vm2 =	vmand vm1, vm2;
	vm4 =	vmneg @p0 vm4  }
0x15a: {  	v44 =	vmpcnt.ones.xlane vm3;
	vm3 =	vmand vm2, vm4  }
0x15b: {  	v45 =	vmpcnt.ones.xlane vm3  }
0x15c: {  	(v2sf) =	vpush v44, $0x0  }
0x15d: {  	(v2sf) =	vpush v45, $0x0;
	_ =	sdelay $0x6  }
0x15e: {  	v46 =	vor.u32 $0x90, v8;
	_ =	sdelay $0x3  }
0x15f: {  	[tilespmem:s1+$0x10000] =	vst.msk vm3, v9  }
0x160: {  	v9 =	vld.idx.msk [tilespmem:v46+s4+$0x0], $0xffff;
	_ =	sdelay $0x1  }
0x161: {  	s3 =	spop (v2sf)  }
0x162: {  	s10 =	spop (v2sf)  }
0x163: {  	s10 =	sadd.s32 s1, s10  }
0x164: {  	vm4 =	vmmov vm0;
	vm3 =	vgt.f32 v9, v4;
	p0 =	slt.s32 s10, $0xFF1  }
0x165: {  	vm3 =	vmand vm1, vm3;
	vm4 =	vmneg @p0 vm4  }
0x166: {  	v47 =	vmpcnt.ones.xlane vm2;
	vm2 =	vmand vm3, vm4  }
0x167: {  	v48 =	vmpcnt.ones.xlane vm2  }
0x168: {  	(v2sf) =	vpush v47, $0x0  }
0x169: {  	(v2sf) =	vpush v48, $0x0;
	_ =	sdelay $0x6  }
0x16a: {  	v49 =	vor.u32 $0xA0, v8;
	_ =	sdelay $0x3  }
0x16b: {  	[tilespmem:s10+$0x10000] =	vst.msk vm2, v9  }
0x16c: {  	v9 =	vld.idx.msk [tilespmem:v49+s4+$0x0], $0xffff;
	_ =	sdelay $0x1  }
0x16d: {  	s1 =	spop (v2sf)  }
0x16e: {  	s11 =	spop (v2sf)  }
0x16f: {  	s11 =	sadd.s32 s10, s11  }
0x170: {  	vm4 =	vmmov vm0;
	vm2 =	vgt.f32 v9, v4;
	p0 =	slt.s32 s11, $0xFF1  }
0x171: {  	vm2 =	vmand vm1, vm2;
	vm4 =	vmneg @p0 vm4  }
0x172: {  	v50 =	vmpcnt.ones.xlane vm3;
	vm3 =	vmand vm2, vm4  }
0x173: {  	v51 =	vmpcnt.ones.xlane vm3  }
0x174: {  	(v2sf) =	vpush v50, $0x0  }
0x175: {  	(v2sf) =	vpush v51, $0x0;
	_ =	sdelay $0x6  }
0x176: {  	v52 =	vor.u32 $0xB0, v8;
	_ =	sdelay $0x3  }
0x177: {  	[tilespmem:s11+$0x10000] =	vst.msk vm3, v9  }
0x178: {  	v9 =	vld.idx.msk [tilespmem:v52+s4+$0x0], $0xffff;
	_ =	sdelay $0x1  }
0x179: {  	s10 =	spop (v2sf)  }
0x17a: {  	s15 =	spop (v2sf)  }
0x17b: {  	s15 =	sadd.s32 s11, s15  }
0x17c: {  	vm4 =	vmmov vm0;
	vm3 =	vgt.f32 v9, v4;
	p0 =	slt.s32 s15, $0xFF1  }
0x17d: {  	vm3 =	vmand vm1, vm3;
	vm4 =	vmneg @p0 vm4  }
0x17e: {  	v53 =	vmpcnt.ones.xlane vm2;
	vm2 =	vmand vm3, vm4  }
0x17f: {  	v54 =	vmpcnt.ones.xlane vm2  }
0x180: {  	(v2sf) =	vpush v53, $0x0  }
0x181: {  	(v2sf) =	vpush v54, $0x0;
	_ =	sdelay $0x6  }
0x182: {  	v55 =	vor.u32 $0xC0, v8;
	_ =	sdelay $0x3  }
0x183: {  	[tilespmem:s15+$0x10000] =	vst.msk vm2, v9  }
0x184: {  	v9 =	vld.idx.msk [tilespmem:v55+s4+$0x0], $0xffff;
	_ =	sdelay $0x1  }
0x185: {  	s11 =	spop (v2sf)  }
0x186: {  	s5 =	spop (v2sf)  }
0x187: {  	s5 =	sadd.s32 s15, s5  }
0x188: {  	vm4 =	vmmov vm0;
	vm2 =	vgt.f32 v9, v4;
	p0 =	slt.s32 s5, $0xFF1  }
0x189: {  	vm2 =	vmand vm1, vm2;
	vm4 =	vmneg @p0 vm4  }
0x18a: {  	v56 =	vmpcnt.ones.xlane vm3;
	vm3 =	vmand vm2, vm4  }
0x18b: {  	v57 =	vmpcnt.ones.xlane vm3  }
0x18c: {  	(v2sf) =	vpush v56, $0x0  }
0x18d: {  	(v2sf) =	vpush v57, $0x0;
	_ =	sdelay $0x6  }
0x18e: {  	v58 =	vor.u32 $0xD0, v8;
	_ =	sdelay $0x3  }
0x18f: {  	[tilespmem:s5+$0x10000] =	vst.msk vm3, v9  }
0x190: {  	v9 =	vld.idx.msk [tilespmem:v58+s4+$0x0], $0xffff;
	_ =	sdelay $0x1  }
0x191: {  	s15 =	spop (v2sf)  }
0x192: {  	s14 =	spop (v2sf)  }
0x193: {  	s5 =	sadd.s32 s5, s14  }
0x194: {  	vm4 =	vmmov vm0;
	vm3 =	vgt.f32 v9, v4;
	p0 =	slt.s32 s5, $0xFF1  }
0x195: {  	vm3 =	vmand vm1, vm3;
	vm4 =	vmneg @p0 vm4  }
0x196: {  	v59 =	vmpcnt.ones.xlane vm2;
	vm2 =	vmand vm3, vm4  }
0x197: {  	v60 =	vmpcnt.ones.xlane vm2  }
0x198: {  	(v2sf) =	vpush v59, $0x0  }
0x199: {  	(v2sf) =	vpush v60, $0x0;
	_ =	sdelay $0x6  }
0x19a: {  	v8 =	vor.u32 $0xE0, v8;
	_ =	sdelay $0x3  }
0x19b: {  	[tilespmem:s5+$0x10000] =	vst.msk vm2, v9  }
0x19c: {  	v8 =	vld.idx.msk [tilespmem:v8+s4+$0x0], $0xffff;
	_ =	sdelay $0x1  }
0x19d: {  	s14 =	spop (v2sf)  }
0x19e: {  	s19 =	spop (v2sf)  }
0x19f: {  	s5 =	sadd.s32 s5, s19  }
0x1a0: {  	vm4 =	vmmov vm0;
	vm2 =	vgt.f32 v8, v4;
	p0 =	slt.s32 s5, $0xFF1  }
0x1a1: {  	vm2 =	vmand vm1, vm2;
	vm4 =	vmneg @p0 vm4  }
0x1a2: {  	v61 =	vmpcnt.ones.xlane vm3;
	vm3 =	vmand vm2, vm4  }
0x1a3: {  	v62 =	vmpcnt.ones.xlane vm3  }
0x1a4: {  	(v2sf) =	vpush v61, $0x0  }
0x1a5: {  	(v2sf) =	vpush v62, $0x0;
	_ =	sdelay $0x5  }
0x1a6: {  	v6 =	vor.u32 v6, v7  }
0x1a7: {  	v6 =	vor.u32 $0xF0, v6;
	_ =	sdelay $0x3  }
0x1a8: {  	[tilespmem:s5+$0x10000] =	vst.msk vm3, v8  }
0x1a9: {  	v6 =	vld.idx.msk [tilespmem:v6+s4+$0x0], $0xffff;
	_ =	sdelay $0x1  }
0x1aa: {  	s19 =	spop (v2sf)  }
0x1ab: {  	s18 =	spop (v2sf)  }
0x1ac: {  	s5 =	sadd.s32 s5, s18  }
0x1ad: {  	vm4 =	vmmov vm0;
	vm3 =	vgt.f32 v6, v4;
	p0 =	slt.s32 s5, $0xFF1  }
0x1ae: {  	vm1 =	vmand vm1, vm3;
	vm4 =	vmneg @p0 vm4  }
0x1af: {  	v7 =	vmpcnt.ones.xlane vm2;
	vm2 =	vmand vm1, vm4  }
0x1b0: {  	v63 =	vmpcnt.ones.xlane vm2  }
0x1b1: {  	(v2sf) =	vpush v7, $0x0;
	v7 =	vmpcnt.ones.xlane vm1  }
0x1b2: {  	(v2sf) =	vpush v63, $0x0  }
0x1b3: {  	(v2sf) =	vpush v7, $0x0  }
0x1b4: {  	s30 =	sadd.s32 s29, s30  }
0x1b5: {  	s18 =	sadd.s32 s31, s30  }
0x1b6: {  	s0 =	sadd.s32 s0, s18  }
0x1b7: {  	s0 =	sadd.s32 s2, s0  }
0x1b8: {  	s0 =	sadd.s32 s6, s0  }
0x1b9: {  	s0 =	sadd.s32 s7, s0  }
0x1ba: {  	s0 =	sadd.s32 s17, s0  }
0x1bb: {  	s0 =	sadd.s32 s3, s0  }
0x1bc: {  	s0 =	sadd.s32 s1, s0  }
0x1bd: {  	s0 =	sadd.s32 s10, s0  }
0x1be: {  	p0 =	sne.s32 s25, $0x1;
	s0 =	sadd.s32 s11, s0  }
.Ltmp11:
0x1bf: {  	s0 =	sadd.s32 s15, s0;
	(pc) =	sbr.rel @p0 .LBB2_15-.Ltmp11, $4  }
0x1c0: {  	s18 =	spop (v2sf);
	s0 =	sadd.s32 s14, s0  }
0x1c1: {  	s26 =	sadd.s32 $0x10, s26;
	s0 =	sadd.s32 s19, s0;
	s30 =	spop (v2sf)  }
0x1c2: {  	s28 =	sadd.s32 $0x10, s28;
	s0 =	sadd.s32 s18, s0;
	s31 =	spop (v2sf)  }
0x1c3: {  	s25 =	sadd.s32 $0xFFFFFFFF, s25;
	[tilespmem:s5+$0x10000] =	vst.msk vm2, v6;
	s29 =	sadd.s32 s31, s0;
	s0 =	sadd.s32 s5, s30  }
.Ltmp12:
0x1c4: {  	(pc) =	sbr.rel .LBB2_17-.Ltmp12, $3  }
0x1c5: {  	_ =	sdelay $0x1  }
0x1c6: {  	s11 =	rddreg [dreg:$0x7]  }
0x1c7: {  	p0 =	seq.s32 s29, s0;
	s14 =	rddreg [dreg:$0x8]  }
.LBB2_13:
0x1c8: {  	p0 =	por $0x1, $0x1;
	s0 =	simm.s32 $0x0  }
.LBB2_17:
.Ltmp13:
0x1c9: {  	(pc) =	sbr.rel @!p0 .LBB2_32-.Ltmp13, $2  }
0x1ca: {  	_ =	sdelay $0x2  }
0x1cb: {  	[tilespmem:s0+$0x10000] =	vst v3  }
0x1cc: {  	s0 =	sadd.s32 $0xF, s0  }
0x1cd: {  	s1 =	sand.u32 $0xF, s0;
	s2 =	sshra.s32 s0, $0x1F  }
.Ltmp14:
0x1ce: {  	p0 =	slt.s32 s0, $0x1;
	p1 =	sne.s32 s1, $0x0;
	(pc) =	sbr.rel .LBB2_19-.Ltmp14, $4  }
0x1cf: {  	s31 =	sshrl.u32 s2, $0x1C;
	p0 =	por !p0, !p1  }
0x1d0: {  	s1 =	simm.s32 $0x1;
	s0 =	sadd.s32 s31, s0;
	p0 =	por !p0, !p0  }
0x1d1: {  	s0 =	sshra.s32 s0, $0x4;
	s1 =	simm.s32 @!p0 $0x0  }
0x1d2: {  	s0 =	ssub.s32 s0, s1  }
.LBB2_32:
0x1d3: {  	s0 =	sadd.f32 s23, s22;
	_ =	sdelay $0x1  }
0x1d4: {  	s0 =	smul.f32 $5.000000000e-01, s0  }
0x1d5: {  	s2 =	simm.s32 $0x0  }
0x1d6: {  	v4 =	vimm.f32 $0.0e+00;
	s1 =	simm.s32 $0x40;
	v6 =	vld [tilespmem:s2+$0x0];
	v5 =	vmov s0  }
.LBB2_33:
0x1d7: {  	_ =	sdelay $0x1  }
0x1d8: {  	p0 =	sne.s32 s1, $0x1FFC0  }
.Ltmp15:
0x1d9: {  	_ = 	snop;
	(pc) =	sbr.rel @p0 .LBB2_33-.Ltmp15, $3  }
0x1da: {  	v7 =	vsub.f32 v6, v5;
	_ =	sdelay $0x1  }
0x1db: {  	s2 =	sshra.s32 s1, $0x2;
	v7 =	vmax.f32 v7, $0.0e+00  }
0x1dc: {  	s1 =	sadd.s32 $0x40, s1;
	v6 =	vld [tilespmem:s2+$0x0];
	v4 =	vadd.f32 v7, v4  }
0x1dd: {  	_ =	sdelay $0x3  }
0x1de: {  	v5 =	vsub.f32 v6, v5;
	_ =	sdelay $0x1  }
0x1df: {  	v5 =	vmax.f32 v5, $0.0e+00  }
0x1e0: {  	v4 =	vadd.f32 v5, v4;
	_ =	sdelay $0x1  }
0x1e1: {  	(xrf2) =	vadd.scan.msk.f32 $0xffff, v4;
	_ =	sdelay $0x9  }
0x1e2: {  	v4, _, _ =	vpop (xrf2)  }
0x1e3: {  	(v2sf) =	vpush v4, $0xF;
	_ =	sdelay $0xe  }
0x1e4: {  	s1 =	spop (v2sf)  }
0x1e5: {  	p0 =	sge.f32 s1, $1.000000000e+00  }
0x1e6: {  	s24 =	sadd.s32 $0x1, s24  }
0x1e7: {  	s22 =	smov.u32 @p0 s0;
	s0 =	smov.u32 @p0 s23;
	p0 =	sne.s32 s24, $0xE  }
.Ltmp16:
0x1e8: {  	_ = 	snop;
	(pc) =	sbr.rel @p0 .LBB2_32-.Ltmp16, $2  }
0x1e9: {  	_ =	sdelay $0x2  }
0x1ea: {  	s23 =	smov.u32 s0  }
0x1eb: {  	v4 =	vmov s22;
	s0 =	simm.s32 $0x0  }
.LBB2_36:
0x1ec: {  	s2 =	simm.s32 $0x0  }
0x1ed: {  	v7 =	vld [tilespmem:s2+$0x0]  }
0x1ee: {  	v5 =	vimm.f32 $0.0e+00;
	s1 =	simm.s32 $0x40;
	v6 =	vimm.f32 $0.0e+00  }
.LBB2_37:
0x1ef: {  	p0 =	sne.s32 s1, $0x1FFC0  }
.Ltmp17:
0x1f0: {  	_ = 	snop;
	(pc) =	sbr.rel @p0 .LBB2_37-.Ltmp17, $4  }
0x1f1: {  	_ = 	snop  }
0x1f2: {  	s2 =	sshra.s32 s1, $0x2;
	s1 =	sadd.s32 $0x40, s1;
	vm1 =	vgt.f32 v7, v4  }
0x1f3: {  	v8 =	vnsel vm1, $0x0, v7;
	v7 =	vld [tilespmem:s2+$0x0];
	v9 =	vsel vm1, $0x3F800000, v0  }
0x1f4: {  	v5 =	vadd.f32 v8, v5;
	v6 =	vadd.f32 v9, v6  }
0x1f5: {  	_ =	sdelay $0x2  }
0x1f6: {  	vm1 =	vgt.f32 v7, v4  }
0x1f7: {  	v7 =	vnsel vm1, $0x0, v7  }
0x1f8: {  	v5 =	vadd.f32 v7, v5;
	_ =	sdelay $0x1  }
0x1f9: {  	(xrf2) =	vadd.scan.msk.f32 $0xffff, v5;
	_ =	sdelay $0x2  }
0x1fa: {  	v5 =	vsel vm1, $0x3F800000, v0  }
0x1fb: {  	v5 =	vadd.f32 v5, v6;
	_ =	sdelay $0x1  }
0x1fc: {  	(xrf2) =	vadd.scan.msk.f32 $0xffff, v5;
	_ =	sdelay $0x3  }
0x1fd: {  	v5, _, _ =	vpop (xrf2)  }
0x1fe: {  	(v2sf) =	vpush v5, $0xF;
	_ =	sdelay $0x4  }
0x1ff: {  	v5, _, _ =	vpop (xrf2)  }
0x200: {  	v5 =	vbroadcast v5, $0xF;
	_ =	sdelay $0x1  }
0x201: {  	(erf) = vrcp.f32 v5;
	_ =	sdelay $0x5  }
0x202: {  	s0 =	sadd.s32 $0x1, s0  }
0x203: {  	p0 =	sne.s32 s0, $0x3;
	s1 =	spop (v2sf)  }
.Ltmp18:
0x204: {  	s1 =	sadd.f32 $-1.000000000e+00, s1;
	(pc) =	sbr.rel @p0 .LBB2_36-.Ltmp18, $3  }
0x205: {  	v5 =	vpop (erf)  }
0x206: {  	v5 =	vmul.f32 s1, v5;
	_ =	sdelay $0x1  }
0x207: {  	v4 =	vmax.f32 v4, v5  }
.LBB2_39:
0x208: {  	p0 =	slt.s32 s21, $0x1  }
.Ltmp19:
0x209: {  	_ = 	snop;
	(pc) =	sbr.rel @p0 .LBB2_44-.Ltmp19, $4  }
0x20a: {  	s0 =	simm.s32 $0x3  }
0x20b: {  	_ =	swait.ge [sflag:s0], $0x8000  }
0x20c: {  	[sflag:s0] =	ssyncset.done $0x0  }
0x20d: {  	s23 =	simm.s32 $0x0;
	[sflag:s0] =	ssyncadd.s32 $0xFFFF8000  }
.Ltmp20:
0x20e: {  	(pc) =	sbr.rel .LBB2_41-.Ltmp20, $2  }
0x20f: {  	_ =	sdelay $0x2  }
0x210: {  	s1 =	simm.s32 $0xFFFFFFFF;
	s0 =	simm.s32 $0x11880;
	s2 =	simm.s32 $0x0  }
.LBB2_43:
0x211: {  	s2 =	sadd.s32 $0x1, s2  }
0x212: {  	p0 =	slt.s32 s2, s21  }
.Ltmp21:
0x213: {  	_ = 	snop;
	(pc) =	sbr.rel @!p0 .LBB2_44-.Ltmp21, $2  }
0x214: {  	_ =	sdelay $0x2  }
0x215: {  	s0 =	sadd.s32 $0x1, s0  }
.LBB2_41:
0x216: {  	v5 =	vld [tilespmem:s0+$0x0];
	_ =	sdelay $0x4  }
0x217: {  	(v2sf) =	vpush v5, $0x0;
	_ =	sdelay $0xe  }
0x218: {  	s31 =	spop (v2sf)  }
0x219: {  	s3 =	smov.u32 s1;
	s1 =	sshra.s32 s31, $0x4  }
0x21a: {  	p0 =	seq.s32 s1, s3  }
.Ltmp22:
0x21b: {  	_ = 	snop;
	(pc) =	sbr.rel @p0 .LBB2_43-.Ltmp22, $1  }
0x21c: {  	_ =	sdelay $0x3  }
0x21d: {  	s3 =	sshll.u32 s1, $0x8  }
0x21e: {  	v5 =	vld [tilespmem:s3+$0x0]  }
0x21f: {  	v6 =	vld [tilespmem:s3+$0x10]  }
0x220: {  	v7 =	vld [tilespmem:s3+$0x20]  }
0x221: {  	v8 =	vld [tilespmem:s3+$0x30]  }
0x222: {  	v9 =	vld [tilespmem:s3+$0x40]  }
0x223: {  	v10 =	vld [tilespmem:s3+$0x50];
	v5 =	vsub.f32 v5, v4  }
0x224: {  	v11 =	vld [tilespmem:s3+$0x60];
	v6 =	vsub.f32 v6, v4  }
0x225: {  	v12 =	vld [tilespmem:s3+$0x70];
	v7 =	vsub.f32 v7, v4;
	v5 =	vmax.f32 v5, $0.0e+00  }
0x226: {  	v56 =	vld [tilespmem:s3+$0x80];
	[tilespmem:s3+$0x0] =	vst v5;
	v5 =	vmax.f32 v6, $0.0e+00;
	v6 =	vsub.f32 v8, v4  }
0x227: {  	v57 =	vld [tilespmem:s3+$0x90];
	[tilespmem:s3+$0x10] =	vst v5;
	v5 =	vmax.f32 v7, $0.0e+00;
	v7 =	vsub.f32 v9, v4  }
0x228: {  	v58 =	vld [tilespmem:s3+$0xA0];
	[tilespmem:s3+$0x20] =	vst v5;
	v5 =	vmax.f32 v6, $0.0e+00;
	v6 =	vsub.f32 v10, v4  }
0x229: {  	v59 =	vld [tilespmem:s3+$0xB0];
	[tilespmem:s3+$0x30] =	vst v5;
	v5 =	vmax.f32 v7, $0.0e+00;
	v7 =	vsub.f32 v11, v4  }
0x22a: {  	v60 =	vld [tilespmem:s3+$0xC0];
	[tilespmem:s3+$0x40] =	vst v5;
	v5 =	vmax.f32 v6, $0.0e+00;
	v6 =	vsub.f32 v12, v4  }
0x22b: {  	v61 =	vld [tilespmem:s3+$0xD0];
	[tilespmem:s3+$0x50] =	vst v5;
	v5 =	vmax.f32 v7, $0.0e+00;
	v7 =	vsub.f32 v56, v4  }
0x22c: {  	v62 =	vld [tilespmem:s3+$0xE0];
	[tilespmem:s3+$0x60] =	vst v5;
	v5 =	vmax.f32 v6, $0.0e+00;
	v6 =	vsub.f32 v57, v4  }
0x22d: {  	v63 =	vld [tilespmem:s3+$0xF0];
	[tilespmem:s3+$0x70] =	vst v5;
	v5 =	vmax.f32 v7, $0.0e+00;
	v7 =	vsub.f32 v58, v4  }
0x22e: {  	[tilespmem:s3+$0x80] =	vst v5;
	v5 =	vmax.f32 v6, $0.0e+00;
	v6 =	vsub.f32 v59, v4  }
0x22f: {  	[tilespmem:s3+$0x90] =	vst v5;
	v5 =	vmax.f32 v7, $0.0e+00;
	v7 =	vsub.f32 v60, v4  }
0x230: {  	[tilespmem:s3+$0xA0] =	vst v5;
	v5 =	vmax.f32 v6, $0.0e+00;
	v6 =	vsub.f32 v61, v4  }
0x231: {  	[tilespmem:s3+$0xB0] =	vst v5;
	v5 =	vmax.f32 v7, $0.0e+00;
	v7 =	vsub.f32 v62, v4  }
.Ltmp23:
0x232: {  	[tilespmem:s3+$0xC0] =	vst v5;
	v5 =	vmax.f32 v6, $0.0e+00;
	v6 =	vsub.f32 v63, v4;
	(pc) =	sbr.rel .LBB2_43-.Ltmp23, $4  }
0x233: {  	[tilespmem:s3+$0xD0] =	vst v5;
	v5 =	vmax.f32 v7, $0.0e+00  }
0x234: {  	s5 =	sand.u32 $0x1FFFFF00, s3;
	[tilespmem:s3+$0xE0] =	vst v5;
	v5 =	vmax.f32 v6, $0.0e+00  }
0x235: {  	s23 =	sadd.s32 $0x1, s23;
	s5 =	sadd.s32 s20, s5;
	[tilespmem:s3+$0xF0] =	vst v5  }
0x236: {  	[hbm4b:s5+s8] =	stream.strided.scatter [tilespmem:s3], [sflag:$0x4], $0x100, s9, s8, $0x38;
	[tilespmem:$0x1A100] =	vst v63  }
.LBB2_20:
0x237: {  	v4 =	vimm.f32 $0.0e+00  }
.LBB2_24:
0x238: {  	(xrf2) =	vadd.scan.msk.f32 $0xffff, v4;
	_ =	sdelay $0x9  }
0x239: {  	v4, _, _ =	vpop (xrf2)  }
0x23a: {  	(v2sf) =	vpush v4, $0xF;
	_ =	sdelay $0xe  }
0x23b: {  	s2 =	spop (v2sf)  }
0x23c: {  	p1 =	sge.f32 s2, $1.000000000e+00  }
0x23d: {  	s24 =	sadd.s32 $0x1, s24  }
0x23e: {  	s22 =	smov.u32 @p1 s1;
	s1 =	smov.u32 @p1 s23;
	p1 =	sne.s32 s24, $0xE  }
.Ltmp24:
0x23f: {  	_ = 	snop;
	(pc) =	sbr.rel @!p1 .LBB2_25-.Ltmp24, $2  }
0x240: {  	_ =	sdelay $0x2  }
0x241: {  	s23 =	smov.u32 s1  }
.LBB2_19:
0x242: {  	p0 =	slt.s32 s0, $0x1  }
.Ltmp25:
0x243: {  	_ = 	snop;
	(pc) =	sbr.rel @p0 .LBB2_20-.Ltmp25, $3  }
0x244: {  	_ = 	snop  }
0x245: {  	s1 =	sadd.f32 s23, s22;
	_ =	sdelay $0x1  }
0x246: {  	s1 =	smul.f32 $5.000000000e-01, s1  }
0x247: {  	s2 =	simm.s32 $0x10000  }
0x248: {  	p1 =	sne.s32 s0, $0x1;
	v6 =	vld [tilespmem:s2+$0x0]  }
.Ltmp26:
0x249: {  	_ = 	snop;
	(pc) =	sbr.rel @!p1 .LBB2_23-.Ltmp26, $3  }
0x24a: {  	_ =	sdelay $0x1  }
0x24b: {  	v5 =	vmov s1  }
0x24c: {  	v4 =	vimm.f32 $0.0e+00;
	s3 =	simm.s32 $0x10010;
	s2 =	sadd.s32 $0xFFFFFFFF, s0;
	v6 =	vsub.f32 v6, v5  }
.LBB2_22:
0x24d: {  	v7 =	vld [tilespmem:s3+$0x0];
	p1 =	sne.s32 s2, $0x1;
	s2 =	sadd.s32 $0xFFFFFFFF, s2  }
.Ltmp27:
0x24e: {  	v6 =	vmax.f32 v6, $0.0e+00;
	(pc) =	sbr.rel @p1 .LBB2_22-.Ltmp27, $2  }
0x24f: {  	v4 =	vadd.f32 v6, v4;
	_ =	sdelay $0x2  }
0x250: {  	s3 =	sadd.s32 $0x10, s3;
	v6 =	vsub.f32 v7, v5  }
.LBB2_23:
.Ltmp28:
0x251: {  	(pc) =	sbr.rel .LBB2_24-.Ltmp28, $3  }
0x252: {  	_ = 	snop  }
0x253: {  	v5 =	vmax.f32 v6, $0.0e+00  }
0x254: {  	v4 =	vadd.f32 v5, v4;
	_ =	sdelay $0x1  }
.LBB2_44:
0x255: {  	s0 =	sor.u32 $0x1, s14;
	s1 =	rddreg [dreg:$0x3]  }
0x256: {  	s24 =	sor.u32 s1, s0;
	s0 =	sshll.u32 s0, $0x4  }
0x257: {  	s2 =	rddreg [dreg:$0x1];
	s1 =	sshll.u32 s24, $0xC;
	s0 =	sand.u32 $0x70, s0  }
0x258: {  	s1 =	sand.u32 $0x3F8000, s1;
	s0 =	sadd.s32 s2, s0  }
0x259: {  	s29 =	simm.s32 $0x12100;
	s30 =	simm.s32 $0x2;
	s19 =	sadd.s32 s1, s0  }
0x25a: {  	[hbm4b:s19+s8] =	stream.strided.scatter [tilespmem:s29], [sflag:$0x3], $0x8000, s9, s8, $0x38;
	[tilespmem:$0x1A100] =	vst v63  }
0x25b: {  	_ =	swait.ge [sflag:s30], $0x8000  }
0x25c: {  	[sflag:s30] =	ssyncset.done $0x0  }
0x25d: {  	s31 =	simm.s32 $0x8100;
	[sflag:s30] =	ssyncadd.s32 $0xFFFF8000  }
0x25e: {  	v4 =	vld [tilespmem:s31+$0x70]  }
0x25f: {  	v5 =	vld [tilespmem:s31+$0xF0]  }
0x260: {  	v6 =	vld [tilespmem:s31+$0xE0]  }
0x261: {  	v7 =	vld [tilespmem:s31+$0xD0]  }
0x262: {  	v8 =	vld [tilespmem:s31+$0xC0]  }
0x263: {  	v14 =	vld [tilespmem:s31+$0x0]  }
0x264: {  	v13 =	vld [tilespmem:s31+$0xFFFFFF10]  }
0x265: {  	v15 =	vld [tilespmem:s31+$0xFFFFFF20]  }
0x266: {  	v16 =	vld [tilespmem:s31+$0xFFFFFF30]  }
0x267: {  	v9 =	vld [tilespmem:s31+$0xFFFFFF40]  }
0x268: {  	v11 =	vld [tilespmem:s31+$0xFFFFFF50]  }
0x269: {  	v10 =	vld [tilespmem:s31+$0xFFFFFF60]  }
0x26a: {  	v12 =	vld [tilespmem:s31+$0xFFFFFF70]  }
0x26b: {  	v17 =	vld [tilespmem:s31+$0xFFFFFF80]  }
0x26c: {  	v18 =	vld [tilespmem:s31+$0xFFFFFF90]  }
0x26d: {  	v19 =	vld [tilespmem:s31+$0xB0]  }
0x26e: {  	v20 =	vld [tilespmem:s31+$0x40]  }
0x26f: {  	v21 =	vld [tilespmem:s31+$0xA0]  }
0x270: {  	v22 =	vld [tilespmem:s31+$0x50]  }
0x271: {  	v23 =	vld [tilespmem:s31+$0x60]  }
0x272: {  	v24 =	vld [tilespmem:s31+$0xFFFFFFC0]  }
0x273: {  	v25 =	vld [tilespmem:s31+$0xFFFFFFD0]  }
0x274: {  	v26 =	vld [tilespmem:s31+$0xFFFFFFE0]  }
0x275: {  	v27 =	vld [tilespmem:s31+$0xFFFFFFF0]  }
0x276: {  	v28 =	vld [tilespmem:s31+$0xFFFFFF00]  }
0x277: {  	v29 =	vld [tilespmem:s31+$0x10];
	v5 =	vmax.f32 v6, v5  }
0x278: {  	v6 =	vmax.f32 v8, v7;
	v8 =	vmax.f32 v17, v18;
	v17 =	vmax.f32 v10, v12;
	v10 =	vld [tilespmem:s31+$0x20]  }
0x279: {  	v7 =	vmax.f32 v21, v19;
	v18 =	vmax.f32 v20, v22;
	v9 =	vmax.f32 v9, v11;
	v12 =	vld [tilespmem:s31+$0x30]  }
0x27a: {  	v19 =	vmax.f32 v23, v4;
	v4 =	vimm.f32 $-3.000000010e+38;
	v11 =	vld [tilespmem:s31+$0x90];
	v16 =	vmax.f32 v15, v16  }
0x27b: {  	v15 =	vld [tilespmem:s31+$0xFFFFFFA0];
	v13 =	vmax.f32 v28, v13;
	v20 =	vmax.f32 v9, v17;
	v9 =	vmax.f32 v18, v19  }
0x27c: {  	s3 =	simm.s32 $0x0;
	v18 =	vmax.f32 v24, v25;
	v19 =	vmax.f32 v26, v27;
	v17 =	vld [tilespmem:s31+$0xFFFFFFB0];
	v63 =	vmax.f32 v13, v16  }
0x27d: {  	s6 =	simm.s32 $0x8300;
	s2 =	simm.s32 $0x11090;
	s0 =	simm.s32 $0x11090;
	v16 =	vmax.f32 v14, v29;
	v13 =	vmax.f32 v18, v19;
	v14 =	vmax.f32 v63, v20;
	v18 =	vld [tilespmem:s31+$0x80]  }
.LBB2_45:
0x27e: {  	v19 =	vld [tilespmem:s6+$0x70];
	s3 =	sadd.s32 $0x2, s3;
	s2 =	sadd.s32 $0x20, s2  }
0x27f: {  	v20 =	vld [tilespmem:s6+$0xF0];
	p0 =	slt.u32 s3, $0x7E  }
0x280: {  	v21 =	vld [tilespmem:s6+$0xE0]  }
0x281: {  	v10 =	vmax.f32 v10, v12;
	v5 =	vmax.f32 v6, v5;
	v22 =	vld [tilespmem:s6+$0xD0];
	v15 =	vmax.f32 v15, v17  }
0x282: {  	v10 =	vmax.f32 v16, v10;
	v6 =	vld [tilespmem:s6+$0xC0];
	v8 =	vmax.f32 v8, v15;
	v11 =	vmax.f32 v18, v11  }
0x283: {  	v9 =	vmax.f32 v10, v9;
	v16 =	vld [tilespmem:s6+$0x0];
	v8 =	vmax.f32 v8, v13;
	v7 =	vmax.f32 v11, v7  }
0x284: {  	v13 =	vld [tilespmem:s6+$0xFFFFFF10];
	v8 =	vmax.f32 v14, v8;
	v7 =	vmax.f32 v7, v5  }
0x285: {  	v10 =	vld [tilespmem:s6+$0xFFFFFF20];
	v5 =	vmax.f32 v21, v20;
	[tilespmem:s0+$0xFFFFFFF0] =	vst v8;
	v4 =	vmax.f32 v4, v8;
	v7 =	vmax.f32 v9, v7  }
0x286: {  	v11 =	vld [tilespmem:s6+$0xFFFFFF30];
	[tilespmem:s0+$0x0] =	vst v7;
	v4 =	vmax.f32 v4, v7;
	s0 =	smov.u32 s2  }
0x287: {  	v9 =	vld [tilespmem:s6+$0xFFFFFF40];
	v6 =	vmax.f32 v6, v22  }
0x288: {  	v12 =	vld [tilespmem:s6+$0xFFFFFF50]  }
0x289: {  	v7 =	vld [tilespmem:s6+$0xFFFFFF60]  }
0x28a: {  	v14 =	vld [tilespmem:s6+$0xFFFFFF70]  }
0x28b: {  	v8 =	vld [tilespmem:s6+$0xFFFFFF80]  }
0x28c: {  	v15 =	vld [tilespmem:s6+$0xFFFFFF90]  }
0x28d: {  	v17 =	vld [tilespmem:s6+$0xB0]  }
0x28e: {  	v18 =	vld [tilespmem:s6+$0x40]  }
0x28f: {  	v20 =	vld [tilespmem:s6+$0xA0]  }
0x290: {  	v21 =	vld [tilespmem:s6+$0x50]  }
0x291: {  	v22 =	vld [tilespmem:s6+$0x60]  }
0x292: {  	v8 =	vmax.f32 v8, v15;
	v23 =	vld [tilespmem:s6+$0xFFFFFFC0]  }
0x293: {  	v15 =	vld [tilespmem:s6+$0xFFFFFFD0]  }
0x294: {  	v14 =	vmax.f32 v7, v14;
	v24 =	vld [tilespmem:s6+$0xFFFFFFE0];
	v7 =	vmax.f32 v20, v17  }
0x295: {  	v17 =	vld [tilespmem:s6+$0xFFFFFFF0];
	v18 =	vmax.f32 v18, v21  }
0x296: {  	v9 =	vmax.f32 v9, v12;
	v20 =	vld [tilespmem:s6+$0xFFFFFF00];
	v12 =	vmax.f32 v22, v19  }
0x297: {  	v14 =	vmax.f32 v9, v14;
	v19 =	vld [tilespmem:s6+$0x10];
	v9 =	vmax.f32 v18, v12  }
0x298: {  	v18 =	vmax.f32 v10, v11;
	v21 =	vmax.f32 v23, v15;
	v10 =	vld [tilespmem:s6+$0x20]  }
.Ltmp29:
0x299: {  	v12 =	vld [tilespmem:s6+$0x30];
	(pc) =	sbr.rel @p0 .LBB2_45-.Ltmp29, $4  }
0x29a: {  	v17 =	vmax.f32 v24, v17;
	v11 =	vld [tilespmem:s6+$0x90]  }
0x29b: {  	v15 =	vld [tilespmem:s6+$0xFFFFFFA0];
	v20 =	vmax.f32 v20, v13;
	v13 =	vmax.f32 v21, v17  }
0x29c: {  	v17 =	vld [tilespmem:s6+$0xFFFFFFB0];
	v18 =	vmax.f32 v20, v18;
	v16 =	vmax.f32 v16, v19  }
0x29d: {  	v14 =	vmax.f32 v18, v14;
	v18 =	vld [tilespmem:s6+$0x80];
	s6 =	sadd.s32 $0x200, s6  }
0x29e: {  	_ =	sdelay $0x2  }
0x29f: {  	v10 =	vmax.f32 v10, v12;
	v15 =	vmax.f32 v15, v17  }
0x2a0: {  	v5 =	vmax.f32 v6, v5;
	v6 =	vmax.f32 v8, v15;
	v8 =	vmax.f32 v18, v11  }
0x2a1: {  	v10 =	vmax.f32 v16, v10;
	v6 =	vmax.f32 v6, v13;
	v7 =	vmax.f32 v8, v7  }
0x2a2: {  	v8 =	vmax.f32 v10, v9;
	v6 =	vmax.f32 v14, v6;
	v5 =	vmax.f32 v7, v5  }
0x2a3: {  	v4 =	vmax.f32 v4, v6;
	v5 =	vmax.f32 v8, v5  }
0x2a4: {  	v4 =	vmax.f32 v4, v5  }
0x2a5: {  	(xrf0) =	vmax.scan.msk.f32 $0xffff, v4;
	_ =	sdelay $0x5  }
0x2a6: {  	v4, _, _ =	vpop (xrf0)  }
0x2a7: {  	(v2sf) =	vpush v4, $0xF;
	_ =	sdelay $0xb  }
0x2a8: {  	[tilespmem:s0+$0xFFFFFFF0] =	vst v6  }
0x2a9: {  	s26 =	simm.s32 $0x110A0;
	[tilespmem:s0+$0x0] =	vst v5  }
0x2aa: {  	v5 =	vld [tilespmem:s26+$0xFFFFFFE0]  }
0x2ab: {  	s22 =	spop (v2sf)  }
0x2ac: {  	s21 =	sadd.f32 $-1.000000000e+00, s22;
	_ =	sdelay $0x1  }
0x2ad: {  	s1 =	simm.s32 $0x0;
	v4 =	vmov s21  }
0x2ae: {  	v6 =	vor.u32 s1, v1;
	vm1 =	vgt.f32 v5, v4  }
0x2af: {  	[tilespmem:s1+$0x11880] =	vst.msk vm1, v6;
	v5 =	vmpcnt.ones.xlane vm1  }
0x2b0: {  	v6 =	vld [tilespmem:s26+$0xFFFFFFF0]  }
0x2b1: {  	(v2sf) =	vpush v5, $0x0;
	_ =	sdelay $0x3  }
0x2b2: {  	vm1 =	vgt.f32 v6, v4  }
0x2b3: {  	v5 =	vmpcnt.ones.xlane vm1;
	_ =	sdelay $0x1  }
0x2b4: {  	(v2sf) =	vpush v5, $0x0;
	_ =	sdelay $0x7  }
0x2b5: {  	s28 =	simm.s32 $0x10;
	s2 =	spop (v2sf)  }
0x2b6: {  	v5 =	vor.u32 s28, v1;
	s2 =	sadd.s32 $0x0, s2  }
0x2b7: {  	[tilespmem:s2+$0x11880] =	vst.msk vm1, v5  }
0x2b8: {  	v5 =	vld [tilespmem:s26+$0x0];
	_ =	sdelay $0x3  }
0x2b9: {  	s29 =	simm.s32 $0x20;
	s3 =	spop (v2sf)  }
0x2ba: {  	s2 =	sadd.s32 s2, s3;
	vm1 =	vgt.f32 v5, v4;
	v5 =	vor.u32 s29, v1  }
0x2bb: {  	[tilespmem:s2+$0x11880] =	vst.msk vm1, v5  }
0x2bc: {  	v6 =	vmpcnt.ones.xlane vm1;
	v5 =	vld [tilespmem:s26+$0x10];
	_ =	sdelay $0x1  }
0x2bd: {  	(v2sf) =	vpush v6, $0x0;
	_ =	sdelay $0x2  }
0x2be: {  	vm1 =	vgt.f32 v5, v4  }
0x2bf: {  	v5 =	vmpcnt.ones.xlane vm1;
	_ =	sdelay $0x1  }
0x2c0: {  	(v2sf) =	vpush v5, $0x0;
	_ =	sdelay $0x8  }
0x2c1: {  	s30 =	simm.s32 $0x30;
	s31 =	spop (v2sf)  }
0x2c2: {  	v5 =	vor.u32 s30, v1;
	s3 =	sadd.s32 s2, s31  }
0x2c3: {  	s2 =	simm.s32 $0x110E0;
	[tilespmem:s3+$0x11880] =	vst.msk vm1, v5  }
0x2c4: {  	v6 =	vld [tilespmem:s2+$0xFFFFFFE0];
	_ =	sdelay $0x1  }
0x2c5: {  	s0 =	simm.s32 $0x40  }
0x2c6: {  	s1 =	simm.s32 $0x80;
	v5 =	vor.u32 s0, v1;
	s6 =	spop (v2sf)  }
.LBB2_47:
0x2c7: {  	p0 =	sne.s32 s1, $0x7C0  }
0x2c8: {  	v7 =	vor.u32 s1, v1;
	vm1 =	vgt.f32 v6, v4;
	s5 =	sadd.s32 s3, s6;
	s3 =	smov.u32 s1;
	s1 =	sadd.s32 $0x40, s1  }
0x2c9: {  	[tilespmem:s5+$0x11880] =	vst.msk vm1, v5;
	v6 =	vmpcnt.ones.xlane vm1;
	v5 =	vmov v7  }
0x2ca: {  	v7 =	vld [tilespmem:s2+$0xFFFFFFF0]  }
0x2cb: {  	(v2sf) =	vpush v6, $0x0;
	_ =	sdelay $0x3  }
0x2cc: {  	vm1 =	vgt.f32 v7, v4  }
0x2cd: {  	v6 =	vmpcnt.ones.xlane vm1;
	_ =	sdelay $0x1  }
0x2ce: {  	(v2sf) =	vpush v6, $0x0;
	_ =	sdelay $0x7  }
0x2cf: {  	s6 =	sadd.s32 $0x10, s0;
	s7 =	spop (v2sf)  }
0x2d0: {  	v6 =	vor.u32 s6, v1;
	s5 =	sadd.s32 s5, s7  }
0x2d1: {  	[tilespmem:s5+$0x11880] =	vst.msk vm1, v6  }
0x2d2: {  	v6 =	vld [tilespmem:s2+$0x0];
	_ =	sdelay $0x3  }
0x2d3: {  	s6 =	sadd.s32 $0x20, s0;
	s7 =	spop (v2sf)  }
0x2d4: {  	s5 =	sadd.s32 s5, s7;
	vm1 =	vgt.f32 v6, v4;
	v6 =	vor.u32 s6, v1  }
0x2d5: {  	[tilespmem:s5+$0x11880] =	vst.msk vm1, v6;
	v6 =	vmpcnt.ones.xlane vm1  }
0x2d6: {  	v7 =	vld [tilespmem:s2+$0x10]  }
0x2d7: {  	(v2sf) =	vpush v6, $0x0;
	_ =	sdelay $0x3  }
0x2d8: {  	vm1 =	vgt.f32 v7, v4  }
0x2d9: {  	v6 =	vmpcnt.ones.xlane vm1;
	_ =	sdelay $0x1  }
0x2da: {  	(v2sf) =	vpush v6, $0x0;
	_ =	sdelay $0x7  }
0x2db: {  	s6 =	sadd.s32 $0x30, s0;
	s0 =	smov.u32 s3;
	s7 =	spop (v2sf)  }
0x2dc: {  	v6 =	vor.u32 s6, v1;
	s3 =	sadd.s32 s5, s7  }
0x2dd: {  	s2 =	sadd.s32 $0x40, s2;
	[tilespmem:s3+$0x11880] =	vst.msk vm1, v6  }
.Ltmp30:
0x2de: {  	v6 =	vld [tilespmem:s2+$0xFFFFFFE0];
	(pc) =	sbr.rel @p0 .LBB2_47-.Ltmp30, $2  }
0x2df: {  	_ =	sdelay $0x2  }
0x2e0: {  	s6 =	spop (v2sf)  }
0x2e1: {  	vm1 =	vgt.f32 v6, v4;
	s1 =	sadd.s32 s3, s6  }
0x2e2: {  	[tilespmem:s1+$0x11880] =	vst.msk vm1, v5;
	v5 =	vmpcnt.ones.xlane vm1  }
0x2e3: {  	v6 =	vld [tilespmem:s2+$0xFFFFFFF0]  }
0x2e4: {  	(v2sf) =	vpush v5, $0x0;
	_ =	sdelay $0x3  }
0x2e5: {  	vm1 =	vgt.f32 v6, v4  }
0x2e6: {  	v5 =	vmpcnt.ones.xlane vm1;
	_ =	sdelay $0x1  }
0x2e7: {  	(v2sf) =	vpush v5, $0x0;
	_ =	sdelay $0x7  }
0x2e8: {  	s25 =	sadd.s32 $0x10, s0;
	s5 =	spop (v2sf)  }
0x2e9: {  	v5 =	vor.u32 s25, v1;
	s1 =	sadd.s32 s1, s5  }
0x2ea: {  	[tilespmem:s1+$0x11880] =	vst.msk vm1, v5  }
0x2eb: {  	v5 =	vld [tilespmem:s2+$0x0];
	_ =	sdelay $0x3  }
0x2ec: {  	s26 =	sadd.s32 $0x20, s0;
	s28 =	spop (v2sf)  }
0x2ed: {  	s1 =	sadd.s32 s1, s28;
	vm1 =	vgt.f32 v5, v4;
	v5 =	vor.u32 s26, v1  }
0x2ee: {  	[tilespmem:s1+$0x11880] =	vst.msk vm1, v5  }
0x2ef: {  	v5 =	vld [tilespmem:s2+$0x10];
	_ =	sdelay $0x4  }
0x2f0: {  	v6 =	vmpcnt.ones.xlane vm1;
	vm1 =	vgt.f32 v5, v4  }
0x2f1: {  	v5 =	vmpcnt.ones.xlane vm1  }
0x2f2: {  	(v2sf) =	vpush v6, $0x0  }
0x2f3: {  	(v2sf) =	vpush v5, $0x0;
	_ =	sdelay $0xb  }
0x2f4: {  	p0 =	slt.s32 s23, $0x1  }
.Ltmp31:
0x2f5: {  	_ = 	snop;
	(pc) =	sbr.rel @p0 .LBB2_52-.Ltmp31, $4  }
0x2f6: {  	s29 =	sadd.s32 $0x30, s0;
	s30 =	spop (v2sf)  }
0x2f7: {  	v5 =	vor.u32 s29, v1;
	s1 =	sadd.s32 s1, s30;
	s31 =	spop (v2sf)  }
0x2f8: {  	[tilespmem:s1+$0x11880] =	vst.msk vm1, v5;
	s20 =	sadd.s32 s1, s31  }
0x2f9: {  	[tilespmem:s20+$0x11880] =	vst v2  }
0x2fa: {  	p0 =	sne.s32 s23, $0x1  }
.Ltmp32:
0x2fb: {  	_ = 	snop;
	(pc) =	sbr.rel @!p0 .LBB2_51-.Ltmp32, $3  }
0x2fc: {  	_ =	sdelay $0x1  }
0x2fd: {  	_ =	swait.ge [sflag:s16], $0x100  }
0x2fe: {  	s0 =	sadd.s32 $0xFFFFFFFF, s23;
	[sflag:s16] =	ssyncset.done $0x0  }
.LBB2_50:
0x2ff: {  	p0 =	sne.s32 s0, $0x1;
	s0 =	sadd.s32 $0xFFFFFFFF, s0;
	[sflag:s16] =	ssyncadd.s32 $0xFFFFFF00  }
.Ltmp33:
0x300: {  	(pc) =	sbr.rel @p0 .LBB2_50-.Ltmp33, $3  }
0x301: {  	_ =	sdelay $0x1  }
0x302: {  	_ =	swait.ge [sflag:s16], $0x100  }
0x303: {  	[sflag:s16] =	ssyncset.done $0x0  }
.LBB2_51:
0x304: {  	[sflag:s16] =	ssyncadd.s32 $0xFFFFFF00  }
.LBB2_52:
0x305: {  	p0 =	seq.s32 s11, $0xF;
	s2 =	rddreg [dreg:$0x0]  }
0x306: {  	s28 =	sadd.s32 $0xF, s20;
	s0 =	sadd.s32 @!p0 $0x1, s24;
	s3 =	simm.s32 @!p0 $0x0  }
0x307: {  	s29 =	sand.u32 $0xF, s28;
	s30 =	sshra.s32 s28, $0x1F;
	s1 =	sshll.u32 @!p0 s0, $0x4  }
0x308: {  	p6 =	slt.s32 s28, $0x1;
	s0 =	sshll.u32 @!p0 s0, $0xC;
	s1 =	sand.u32 @!p0 $0x60, s1  }
0x309: {  	p1 =	sne.s32 s29, $0x0;
	s0 =	sand.u32 @!p0 $0xFFF8000, s0;
	s1 =	sadd.s32 @!p0 s2, s1  }
0x30a: {  	s2 =	simm.s32 @!p0 $0x400;
	s0 =	sadd.s32 @!p0 s0, s1;
	s1 =	simm.s32 @!p0 $0x80  }
0x30b: {  	[tilespmem:s3], [sflag:$0x1] =	stream.strided.gather @!p0 [hbm4b:s0+s1], $0x8000, s2, s1, $0x38;
	[tilespmem:$0x1A100] =	vst v63  }
0x30c: {  	s31 =	sshrl.u32 s30, $0x1C;
	p0 =	por !p6, !p1  }
0x30d: {  	s0 =	sadd.s32 s31, s28;
	s1 =	simm.s32 $0x1;
	p0 =	por !p0, !p0  }
0x30e: {  	s0 =	sshra.s32 s0, $0x4;
	s1 =	simm.s32 @!p0 $0x0  }
0x30f: {  	s24 =	ssub.s32 s0, s1  }
0x310: {  	p0 =	slt.s32 s24, $0x1  }
.Ltmp34:
0x311: {  	_ = 	snop;
	(pc) =	sbr.rel @p0 .LBB2_53-.Ltmp34, $2  }
0x312: {  	_ =	sdelay $0x2  }
0x313: {  	s23 =	simm.s32 $0x0  }
0x314: {  	s25 =	simm.s32 $0x11880  }
0x315: {  	v5 =	vmov s20;
	s0 =	simm.s32 $0x0;
	s26 =	simm.s32 $0x0;
	s28 =	simm.s32 $0x0  }
.LBB2_55:
0x316: {  	v7 =	vld [tilespmem:s25+$0x0];
	_ =	sdelay $0x4  }
0x317: {  	v6 =	vshll.u32 v7, $0x4  }
0x318: {  	v7 =	vand.u32 $0xF, v7;
	v8 =	vand.u32 $0xFFFFFF00, v6  }
0x319: {  	v8 =	vor.u32 v7, v8;
	_ =	sdelay $0x4  }
0x31a: {  	v9 =	vld.idx.msk [tilespmem:v8+s13+$0x0], $0xffff;
	_ =	sdelay $0x3  }
0x31b: {  	v10 =	vor.u32 s26, v1  }
0x31c: {  	p0 =	slt.s32 s0, $0xFF1;
	vm3 =	vmmov vm0;
	vm1 =	vlt.s32 v10, v5;
	vm2 =	vgt.f32 v9, v4  }
0x31d: {  	vm3 =	vmneg @p0 vm3;
	vm2 =	vmand vm1, vm2  }
0x31e: {  	vm3 =	vmand vm3, vm2  }
0x31f: {  	v22 =	vmpcnt.ones.xlane vm3;
	_ =	sdelay $0x1  }
0x320: {  	(v2sf) =	vpush v22, $0x0;
	_ =	sdelay $0x6  }
0x321: {  	v23 =	vor.u32 $0x10, v8;
	_ =	sdelay $0x3  }
0x322: {  	[tilespmem:s0+$0x10000] =	vst.msk vm3, v9  }
0x323: {  	v9 =	vld.idx.msk [tilespmem:v23+s13+$0x0], $0xffff;
	_ =	sdelay $0x2  }
0x324: {  	s1 =	spop (v2sf)  }
0x325: {  	s10 =	sadd.s32 s0, s1  }
0x326: {  	vm4 =	vmmov vm0;
	vm3 =	vgt.f32 v9, v4;
	p0 =	slt.s32 s10, $0xFF1  }
0x327: {  	vm3 =	vmand vm1, vm3;
	vm4 =	vmneg @p0 vm4  }
0x328: {  	v24 =	vmpcnt.ones.xlane vm2;
	vm2 =	vmand vm3, vm4  }
0x329: {  	v11 =	vmpcnt.ones.xlane vm2  }
0x32a: {  	(v2sf) =	vpush v24, $0x0  }
0x32b: {  	(v2sf) =	vpush v11, $0x0;
	_ =	sdelay $0x6  }
0x32c: {  	v25 =	vor.u32 $0x20, v8;
	_ =	sdelay $0x3  }
0x32d: {  	[tilespmem:s10+$0x10000] =	vst.msk vm2, v9  }
0x32e: {  	v9 =	vld.idx.msk [tilespmem:v25+s13+$0x0], $0xffff;
	_ =	sdelay $0x1  }
0x32f: {  	s29 =	spop (v2sf)  }
0x330: {  	s11 =	spop (v2sf)  }
0x331: {  	s0 =	sadd.s32 s10, s11  }
0x332: {  	vm4 =	vmmov vm0;
	vm2 =	vgt.f32 v9, v4;
	p0 =	slt.s32 s0, $0xFF1  }
0x333: {  	vm2 =	vmand vm1, vm2;
	vm4 =	vmneg @p0 vm4  }
0x334: {  	v26 =	vmpcnt.ones.xlane vm3;
	vm3 =	vmand vm2, vm4  }
0x335: {  	v27 =	vmpcnt.ones.xlane vm3  }
0x336: {  	(v2sf) =	vpush v26, $0x0  }
0x337: {  	(v2sf) =	vpush v27, $0x0;
	_ =	sdelay $0x6  }
0x338: {  	v28 =	vor.u32 $0x30, v8;
	_ =	sdelay $0x3  }
0x339: {  	[tilespmem:s0+$0x10000] =	vst.msk vm3, v9  }
0x33a: {  	v9 =	vld.idx.msk [tilespmem:v28+s13+$0x0], $0xffff;
	_ =	sdelay $0x1  }
0x33b: {  	s30 =	spop (v2sf)  }
0x33c: {  	s14 =	spop (v2sf)  }
0x33d: {  	s1 =	sadd.s32 s0, s14  }
0x33e: {  	vm4 =	vmmov vm0;
	vm3 =	vgt.f32 v9, v4;
	p0 =	slt.s32 s1, $0xFF1  }
0x33f: {  	vm3 =	vmand vm1, vm3;
	vm4 =	vmneg @p0 vm4  }
0x340: {  	v29 =	vmpcnt.ones.xlane vm2;
	vm2 =	vmand vm3, vm4  }
0x341: {  	v30 =	vmpcnt.ones.xlane vm2  }
0x342: {  	(v2sf) =	vpush v29, $0x0  }
0x343: {  	(v2sf) =	vpush v30, $0x0;
	_ =	sdelay $0x6  }
0x344: {  	v31 =	vor.u32 $0x40, v8;
	_ =	sdelay $0x3  }
0x345: {  	[tilespmem:s1+$0x10000] =	vst.msk vm2, v9  }
0x346: {  	v9 =	vld.idx.msk [tilespmem:v31+s13+$0x0], $0xffff;
	_ =	sdelay $0x1  }
0x347: {  	s0 =	spop (v2sf)  }
0x348: {  	s2 =	spop (v2sf)  }
0x349: {  	s1 =	sadd.s32 s1, s2  }
0x34a: {  	vm4 =	vmmov vm0;
	vm2 =	vgt.f32 v9, v4;
	p0 =	slt.s32 s1, $0xFF1  }
0x34b: {  	vm2 =	vmand vm1, vm2;
	vm4 =	vmneg @p0 vm4  }
0x34c: {  	v32 =	vmpcnt.ones.xlane vm3;
	vm3 =	vmand vm2, vm4  }
0x34d: {  	v33 =	vmpcnt.ones.xlane vm3  }
0x34e: {  	(v2sf) =	vpush v32, $0x0  }
0x34f: {  	(v2sf) =	vpush v33, $0x0;
	_ =	sdelay $0x6  }
0x350: {  	v34 =	vor.u32 $0x50, v8;
	_ =	sdelay $0x3  }
0x351: {  	[tilespmem:s1+$0x10000] =	vst.msk vm3, v9  }
0x352: {  	v9 =	vld.idx.msk [tilespmem:v34+s13+$0x0], $0xffff;
	_ =	sdelay $0x1  }
0x353: {  	s2 =	spop (v2sf)  }
0x354: {  	s3 =	spop (v2sf)  }
0x355: {  	s1 =	sadd.s32 s1, s3  }
0x356: {  	vm4 =	vmmov vm0;
	vm3 =	vgt.f32 v9, v4;
	p0 =	slt.s32 s1, $0xFF1  }
0x357: {  	vm3 =	vmand vm1, vm3;
	vm4 =	vmneg @p0 vm4  }
0x358: {  	v35 =	vmpcnt.ones.xlane vm2;
	vm2 =	vmand vm3, vm4  }
0x359: {  	v36 =	vmpcnt.ones.xlane vm2  }
0x35a: {  	(v2sf) =	vpush v35, $0x0  }
0x35b: {  	(v2sf) =	vpush v36, $0x0;
	_ =	sdelay $0x6  }
0x35c: {  	v37 =	vor.u32 $0x60, v8;
	_ =	sdelay $0x3  }
0x35d: {  	[tilespmem:s1+$0x10000] =	vst.msk vm2, v9  }
0x35e: {  	v9 =	vld.idx.msk [tilespmem:v37+s13+$0x0], $0xffff;
	_ =	sdelay $0x1  }
0x35f: {  	s6 =	spop (v2sf)  }
0x360: {  	s15 =	spop (v2sf)  }
0x361: {  	s1 =	sadd.s32 s1, s15  }
0x362: {  	vm4 =	vmmov vm0;
	vm2 =	vgt.f32 v9, v4;
	p0 =	slt.s32 s1, $0xFF1  }
0x363: {  	vm2 =	vmand vm1, vm2;
	vm4 =	vmneg @p0 vm4  }
0x364: {  	v38 =	vmpcnt.ones.xlane vm3;
	vm3 =	vmand vm2, vm4  }
0x365: {  	v39 =	vmpcnt.ones.xlane vm3  }
0x366: {  	(v2sf) =	vpush v38, $0x0  }
0x367: {  	(v2sf) =	vpush v39, $0x0;
	_ =	sdelay $0x6  }
0x368: {  	v40 =	vor.u32 $0x70, v8;
	_ =	sdelay $0x3  }
0x369: {  	[tilespmem:s1+$0x10000] =	vst.msk vm3, v9  }
0x36a: {  	v9 =	vld.idx.msk [tilespmem:v40+s13+$0x0], $0xffff;
	_ =	sdelay $0x1  }
0x36b: {  	s7 =	spop (v2sf)  }
0x36c: {  	s17 =	spop (v2sf)  }
0x36d: {  	s1 =	sadd.s32 s1, s17  }
0x36e: {  	vm4 =	vmmov vm0;
	vm3 =	vgt.f32 v9, v4;
	p0 =	slt.s32 s1, $0xFF1  }
0x36f: {  	vm3 =	vmand vm1, vm3;
	vm4 =	vmneg @p0 vm4  }
0x370: {  	v41 =	vmpcnt.ones.xlane vm2;
	vm2 =	vmand vm3, vm4  }
0x371: {  	v42 =	vmpcnt.ones.xlane vm2  }
0x372: {  	(v2sf) =	vpush v41, $0x0  }
0x373: {  	(v2sf) =	vpush v42, $0x0;
	_ =	sdelay $0x6  }
0x374: {  	v43 =	vor.u32 $0x80, v8;
	_ =	sdelay $0x3  }
0x375: {  	[tilespmem:s1+$0x10000] =	vst.msk vm2, v9  }
0x376: {  	v9 =	vld.idx.msk [tilespmem:v43+s13+$0x0], $0xffff;
	_ =	sdelay $0x1  }
0x377: {  	s17 =	spop (v2sf)  }
0x378: {  	s18 =	spop (v2sf)  }
0x379: {  	s1 =	sadd.s32 s1, s18  }
0x37a: {  	vm4 =	vmmov vm0;
	vm2 =	vgt.f32 v9, v4;
	p0 =	slt.s32 s1, $0xFF1  }
0x37b: {  	vm2 =	vmand vm1, vm2;
	vm4 =	vmneg @p0 vm4  }
0x37c: {  	v44 =	vmpcnt.ones.xlane vm3;
	vm3 =	vmand vm2, vm4  }
0x37d: {  	v45 =	vmpcnt.ones.xlane vm3  }
0x37e: {  	(v2sf) =	vpush v44, $0x0  }
0x37f: {  	(v2sf) =	vpush v45, $0x0;
	_ =	sdelay $0x6  }
0x380: {  	v46 =	vor.u32 $0x90, v8;
	_ =	sdelay $0x3  }
0x381: {  	[tilespmem:s1+$0x10000] =	vst.msk vm3, v9  }
0x382: {  	v9 =	vld.idx.msk [tilespmem:v46+s13+$0x0], $0xffff;
	_ =	sdelay $0x1  }
0x383: {  	s3 =	spop (v2sf)  }
0x384: {  	s5 =	spop (v2sf)  }
0x385: {  	s5 =	sadd.s32 s1, s5  }
0x386: {  	vm4 =	vmmov vm0;
	vm3 =	vgt.f32 v9, v4;
	p0 =	slt.s32 s5, $0xFF1  }
0x387: {  	vm3 =	vmand vm1, vm3;
	vm4 =	vmneg @p0 vm4  }
0x388: {  	v47 =	vmpcnt.ones.xlane vm2;
	vm2 =	vmand vm3, vm4  }
0x389: {  	v48 =	vmpcnt.ones.xlane vm2  }
0x38a: {  	(v2sf) =	vpush v47, $0x0  }
0x38b: {  	(v2sf) =	vpush v48, $0x0;
	_ =	sdelay $0x6  }
0x38c: {  	v49 =	vor.u32 $0xA0, v8;
	_ =	sdelay $0x3  }
0x38d: {  	[tilespmem:s5+$0x10000] =	vst.msk vm2, v9  }
0x38e: {  	v9 =	vld.idx.msk [tilespmem:v49+s13+$0x0], $0xffff;
	_ =	sdelay $0x1  }
0x38f: {  	s1 =	spop (v2sf)  }
0x390: {  	s10 =	spop (v2sf)  }
0x391: {  	s5 =	sadd.s32 s5, s10  }
0x392: {  	vm4 =	vmmov vm0;
	vm2 =	vgt.f32 v9, v4;
	p0 =	slt.s32 s5, $0xFF1  }
0x393: {  	vm2 =	vmand vm1, vm2;
	vm4 =	vmneg @p0 vm4  }
0x394: {  	v50 =	vmpcnt.ones.xlane vm3;
	vm3 =	vmand vm2, vm4  }
0x395: {  	v51 =	vmpcnt.ones.xlane vm3  }
0x396: {  	(v2sf) =	vpush v50, $0x0  }
0x397: {  	(v2sf) =	vpush v51, $0x0;
	_ =	sdelay $0x6  }
0x398: {  	v52 =	vor.u32 $0xB0, v8;
	_ =	sdelay $0x3  }
0x399: {  	[tilespmem:s5+$0x10000] =	vst.msk vm3, v9  }
0x39a: {  	v9 =	vld.idx.msk [tilespmem:v52+s13+$0x0], $0xffff;
	_ =	sdelay $0x1  }
0x39b: {  	s10 =	spop (v2sf)  }
0x39c: {  	s11 =	spop (v2sf)  }
0x39d: {  	s5 =	sadd.s32 s5, s11  }
0x39e: {  	vm4 =	vmmov vm0;
	vm3 =	vgt.f32 v9, v4;
	p0 =	slt.s32 s5, $0xFF1  }
0x39f: {  	vm3 =	vmand vm1, vm3;
	vm4 =	vmneg @p0 vm4  }
0x3a0: {  	v53 =	vmpcnt.ones.xlane vm2;
	vm2 =	vmand vm3, vm4  }
0x3a1: {  	v54 =	vmpcnt.ones.xlane vm2  }
0x3a2: {  	(v2sf) =	vpush v53, $0x0  }
0x3a3: {  	(v2sf) =	vpush v54, $0x0;
	_ =	sdelay $0x6  }
0x3a4: {  	v55 =	vor.u32 $0xC0, v8;
	_ =	sdelay $0x3  }
0x3a5: {  	[tilespmem:s5+$0x10000] =	vst.msk vm2, v9  }
0x3a6: {  	v9 =	vld.idx.msk [tilespmem:v55+s13+$0x0], $0xffff;
	_ =	sdelay $0x1  }
0x3a7: {  	s11 =	spop (v2sf)  }
0x3a8: {  	s14 =	spop (v2sf)  }
0x3a9: {  	s5 =	sadd.s32 s5, s14  }
0x3aa: {  	vm4 =	vmmov vm0;
	vm2 =	vgt.f32 v9, v4;
	p0 =	slt.s32 s5, $0xFF1  }
0x3ab: {  	vm2 =	vmand vm1, vm2;
	vm4 =	vmneg @p0 vm4  }
0x3ac: {  	v56 =	vmpcnt.ones.xlane vm3;
	vm3 =	vmand vm2, vm4  }
0x3ad: {  	v57 =	vmpcnt.ones.xlane vm3  }
0x3ae: {  	(v2sf) =	vpush v56, $0x0  }
0x3af: {  	(v2sf) =	vpush v57, $0x0;
	_ =	sdelay $0x6  }
0x3b0: {  	v58 =	vor.u32 $0xD0, v8;
	_ =	sdelay $0x3  }
0x3b1: {  	[tilespmem:s5+$0x10000] =	vst.msk vm3, v9  }
0x3b2: {  	v9 =	vld.idx.msk [tilespmem:v58+s13+$0x0], $0xffff;
	_ =	sdelay $0x1  }
0x3b3: {  	s14 =	spop (v2sf)  }
0x3b4: {  	s15 =	spop (v2sf)  }
0x3b5: {  	s5 =	sadd.s32 s5, s15  }
0x3b6: {  	vm4 =	vmmov vm0;
	vm3 =	vgt.f32 v9, v4;
	p0 =	slt.s32 s5, $0xFF1  }
0x3b7: {  	vm3 =	vmand vm1, vm3;
	vm4 =	vmneg @p0 vm4  }
0x3b8: {  	v59 =	vmpcnt.ones.xlane vm2;
	vm2 =	vmand vm3, vm4  }
0x3b9: {  	v60 =	vmpcnt.ones.xlane vm2  }
0x3ba: {  	(v2sf) =	vpush v59, $0x0  }
0x3bb: {  	(v2sf) =	vpush v60, $0x0;
	_ =	sdelay $0x6  }
0x3bc: {  	v8 =	vor.u32 $0xE0, v8;
	_ =	sdelay $0x3  }
0x3bd: {  	[tilespmem:s5+$0x10000] =	vst.msk vm2, v9  }
0x3be: {  	v8 =	vld.idx.msk [tilespmem:v8+s13+$0x0], $0xffff;
	_ =	sdelay $0x1  }
0x3bf: {  	s15 =	spop (v2sf)  }
0x3c0: {  	s18 =	spop (v2sf)  }
0x3c1: {  	s5 =	sadd.s32 s5, s18  }
0x3c2: {  	vm4 =	vmmov vm0;
	vm2 =	vgt.f32 v8, v4;
	p0 =	slt.s32 s5, $0xFF1  }
0x3c3: {  	vm2 =	vmand vm1, vm2;
	vm4 =	vmneg @p0 vm4  }
0x3c4: {  	v61 =	vmpcnt.ones.xlane vm3;
	vm3 =	vmand vm2, vm4  }
0x3c5: {  	v62 =	vmpcnt.ones.xlane vm3  }
0x3c6: {  	(v2sf) =	vpush v61, $0x0  }
0x3c7: {  	(v2sf) =	vpush v62, $0x0;
	_ =	sdelay $0x5  }
0x3c8: {  	v6 =	vor.u32 v6, v7  }
0x3c9: {  	v6 =	vor.u32 $0xF0, v6;
	_ =	sdelay $0x3  }
0x3ca: {  	[tilespmem:s5+$0x10000] =	vst.msk vm3, v8  }
0x3cb: {  	v6 =	vld.idx.msk [tilespmem:v6+s13+$0x0], $0xffff;
	_ =	sdelay $0x1  }
0x3cc: {  	s18 =	spop (v2sf)  }
0x3cd: {  	s31 =	spop (v2sf)  }
0x3ce: {  	s5 =	sadd.s32 s5, s31  }
0x3cf: {  	vm4 =	vmmov vm0;
	vm3 =	vgt.f32 v6, v4;
	p0 =	slt.s32 s5, $0xFF1  }
0x3d0: {  	vm1 =	vmand vm1, vm3;
	vm4 =	vmneg @p0 vm4  }
0x3d1: {  	v7 =	vmpcnt.ones.xlane vm2;
	vm2 =	vmand vm1, vm4  }
0x3d2: {  	v63 =	vmpcnt.ones.xlane vm2  }
0x3d3: {  	(v2sf) =	vpush v7, $0x0;
	v7 =	vmpcnt.ones.xlane vm1  }
0x3d4: {  	(v2sf) =	vpush v63, $0x0  }
0x3d5: {  	(v2sf) =	vpush v7, $0x0  }
0x3d6: {  	s28 =	sadd.s32 s28, s29  }
0x3d7: {  	s28 =	sadd.s32 s30, s28  }
0x3d8: {  	s0 =	sadd.s32 s0, s28  }
0x3d9: {  	s0 =	sadd.s32 s2, s0  }
0x3da: {  	s0 =	sadd.s32 s6, s0  }
0x3db: {  	s0 =	sadd.s32 s7, s0  }
0x3dc: {  	s0 =	sadd.s32 s17, s0  }
0x3dd: {  	s0 =	sadd.s32 s3, s0  }
0x3de: {  	s0 =	sadd.s32 s1, s0  }
0x3df: {  	s0 =	sadd.s32 s10, s0  }
0x3e0: {  	s0 =	sadd.s32 s11, s0;
	p0 =	sne.s32 s24, $0x1  }
.Ltmp35:
0x3e1: {  	s0 =	sadd.s32 s14, s0;
	(pc) =	sbr.rel @p0 .LBB2_55-.Ltmp35, $4  }
0x3e2: {  	s0 =	sadd.s32 s15, s0;
	s29 =	spop (v2sf)  }
0x3e3: {  	s25 =	sadd.s32 $0x10, s25;
	s0 =	sadd.s32 s18, s0;
	s30 =	spop (v2sf)  }
0x3e4: {  	s26 =	sadd.s32 $0x10, s26;
	s0 =	sadd.s32 s29, s0;
	s31 =	spop (v2sf)  }
0x3e5: {  	s24 =	sadd.s32 $0xFFFFFFFF, s24;
	[tilespmem:s5+$0x10000] =	vst.msk vm2, v6;
	s28 =	sadd.s32 s31, s0;
	s0 =	sadd.s32 s5, s30  }
.Ltmp36:
0x3e6: {  	(pc) =	sbr.rel .LBB2_57-.Ltmp36, $2  }
0x3e7: {  	_ =	sdelay $0x2  }
0x3e8: {  	p0 =	seq.s32 s28, s0;
	s11 =	rddreg [dreg:$0x7]  }
.LBB2_25:
.Ltmp37:
0x3e9: {  	(pc) =	sbr.rel .LBB2_26-.Ltmp37, $2  }
0x3ea: {  	_ =	sdelay $0x2  }
0x3eb: {  	v4 =	vmov s22;
	s1 =	simm.s32 $0x0  }
.LBB2_27:
0x3ec: {  	v6 =	vimm.f32 $0.0e+00  }
.LBB2_31:
0x3ed: {  	(xrf2) =	vadd.scan.msk.f32 $0xffff, v5;
	_ =	sdelay $0x5  }
0x3ee: {  	(xrf2) =	vadd.scan.msk.f32 $0xffff, v6;
	_ =	sdelay $0x3  }
0x3ef: {  	v5, _, _ =	vpop (xrf2)  }
0x3f0: {  	(v2sf) =	vpush v5, $0xF;
	_ =	sdelay $0x4  }
0x3f1: {  	v5, _, _ =	vpop (xrf2)  }
0x3f2: {  	v5 =	vbroadcast v5, $0xF;
	_ =	sdelay $0x1  }
0x3f3: {  	(erf) = vrcp.f32 v5;
	_ =	sdelay $0x5  }
0x3f4: {  	s1 =	sadd.s32 $0x1, s1  }
0x3f5: {  	p1 =	seq.s32 s1, $0x3;
	s2 =	spop (v2sf)  }
.Ltmp38:
0x3f6: {  	s2 =	sadd.f32 $-1.000000000e+00, s2;
	(pc) =	sbr.rel @p1 .LBB2_39-.Ltmp38, $3  }
0x3f7: {  	v5 =	vpop (erf)  }
0x3f8: {  	v5 =	vmul.f32 s2, v5;
	_ =	sdelay $0x1  }
0x3f9: {  	v4 =	vmax.f32 v4, v5  }
.LBB2_26:
.Ltmp39:
0x3fa: {  	(pc) =	sbr.rel @p0 .LBB2_27-.Ltmp39, $2  }
0x3fb: {  	_ =	sdelay $0x2  }
0x3fc: {  	v5 =	vimm.f32 $0.0e+00;
	s3 =	simm.s32 $0x10000  }
0x3fd: {  	v6 =	vld [tilespmem:s3+$0x0];
	p1 =	sne.s32 s0, $0x1  }
.Ltmp40:
0x3fe: {  	_ = 	snop;
	(pc) =	sbr.rel @!p1 .LBB2_30-.Ltmp40, $2  }
0x3ff: {  	_ =	sdelay $0x2  }
0x400: {  	s2 =	sadd.s32 $0xFFFFFFFF, s0;
	s3 =	sadd.s32 $0x10, s3;
	v7 =	vimm.f32 $0.0e+00;
	vm1 =	vgt.f32 v6, v4  }
.LBB2_29:
0x401: {  	p1 =	sne.s32 s2, $0x1;
	s2 =	sadd.s32 $0xFFFFFFFF, s2;
	v8 =	vnsel vm1, $0x0, v6;
	v6 =	vld [tilespmem:s3+$0x0];
	v9 =	vsel vm1, $0x3F800000, v0  }
.Ltmp41:
0x402: {  	v5 =	vadd.f32 v8, v5;
	v7 =	vadd.f32 v9, v7;
	(pc) =	sbr.rel @p1 .LBB2_29-.Ltmp41, $2  }
0x403: {  	_ =	sdelay $0x2  }
0x404: {  	s3 =	sadd.s32 $0x10, s3;
	vm1 =	vgt.f32 v6, v4  }
.LBB2_30:
.Ltmp42:
0x405: {  	(pc) =	sbr.rel .LBB2_31-.Ltmp42, $4  }
0x406: {  	_ = 	snop  }
0x407: {  	v6 =	vnsel vm1, $0x0, v6  }
0x408: {  	v8 =	vsel vm1, $0x3F800000, v0;
	v5 =	vadd.f32 v6, v5  }
0x409: {  	v6 =	vadd.f32 v8, v7  }
.LBB2_53:
0x40a: {  	p0 =	por $0x1, $0x1;
	s0 =	simm.s32 $0x0  }
.LBB2_57:
.Ltmp43:
0x40b: {  	(pc) =	sbr.rel @!p0 .LBB2_72-.Ltmp43, $2  }
0x40c: {  	_ =	sdelay $0x2  }
0x40d: {  	[tilespmem:s0+$0x10000] =	vst v3  }
0x40e: {  	s0 =	sadd.s32 $0xF, s0  }
0x40f: {  	s1 =	sand.u32 $0xF, s0;
	s2 =	sshra.s32 s0, $0x1F  }
.Ltmp44:
0x410: {  	p0 =	slt.s32 s0, $0x1;
	p1 =	sne.s32 s1, $0x0;
	(pc) =	sbr.rel .LBB2_59-.Ltmp44, $4  }
0x411: {  	s31 =	sshrl.u32 s2, $0x1C;
	p0 =	por !p0, !p1  }
0x412: {  	s1 =	simm.s32 $0x1;
	s0 =	sadd.s32 s31, s0;
	p0 =	por !p0, !p0  }
0x413: {  	s0 =	sshra.s32 s0, $0x4;
	s1 =	simm.s32 @!p0 $0x0  }
0x414: {  	s0 =	ssub.s32 s0, s1  }
.LBB2_72:
0x415: {  	s0 =	sadd.f32 s22, s21;
	_ =	sdelay $0x1  }
0x416: {  	s0 =	smul.f32 $5.000000000e-01, s0  }
0x417: {  	s2 =	simm.s32 $0x0  }
0x418: {  	v4 =	vimm.f32 $0.0e+00;
	s1 =	simm.s32 $0x40;
	v6 =	vld [tilespmem:s2+$0x8000];
	v5 =	vmov s0  }
.LBB2_73:
0x419: {  	_ =	sdelay $0x1  }
0x41a: {  	p0 =	sne.s32 s1, $0x1FFC0  }
.Ltmp45:
0x41b: {  	_ = 	snop;
	(pc) =	sbr.rel @p0 .LBB2_73-.Ltmp45, $3  }
0x41c: {  	v7 =	vsub.f32 v6, v5;
	_ =	sdelay $0x1  }
0x41d: {  	s2 =	sshra.s32 s1, $0x2;
	v7 =	vmax.f32 v7, $0.0e+00  }
0x41e: {  	s1 =	sadd.s32 $0x40, s1;
	v6 =	vld [tilespmem:s2+$0x8000];
	v4 =	vadd.f32 v7, v4  }
0x41f: {  	_ =	sdelay $0x3  }
0x420: {  	v5 =	vsub.f32 v6, v5;
	_ =	sdelay $0x1  }
0x421: {  	v5 =	vmax.f32 v5, $0.0e+00  }
0x422: {  	v4 =	vadd.f32 v5, v4;
	_ =	sdelay $0x1  }
0x423: {  	(xrf2) =	vadd.scan.msk.f32 $0xffff, v4;
	_ =	sdelay $0x9  }
0x424: {  	v4, _, _ =	vpop (xrf2)  }
0x425: {  	(v2sf) =	vpush v4, $0xF;
	_ =	sdelay $0xe  }
0x426: {  	s1 =	spop (v2sf)  }
0x427: {  	p0 =	sge.f32 s1, $1.000000000e+00  }
0x428: {  	s23 =	sadd.s32 $0x1, s23  }
0x429: {  	s21 =	smov.u32 @p0 s0;
	s0 =	smov.u32 @p0 s22;
	p0 =	sne.s32 s23, $0xE  }
.Ltmp46:
0x42a: {  	_ = 	snop;
	(pc) =	sbr.rel @p0 .LBB2_72-.Ltmp46, $2  }
0x42b: {  	_ =	sdelay $0x2  }
0x42c: {  	s22 =	smov.u32 s0  }
0x42d: {  	v4 =	vmov s21;
	s0 =	simm.s32 $0x0  }
.LBB2_76:
0x42e: {  	s2 =	simm.s32 $0x0  }
0x42f: {  	v7 =	vld [tilespmem:s2+$0x8000]  }
0x430: {  	v5 =	vimm.f32 $0.0e+00;
	s1 =	simm.s32 $0x40;
	v6 =	vimm.f32 $0.0e+00  }
.LBB2_77:
0x431: {  	p0 =	sne.s32 s1, $0x1FFC0  }
.Ltmp47:
0x432: {  	_ = 	snop;
	(pc) =	sbr.rel @p0 .LBB2_77-.Ltmp47, $4  }
0x433: {  	_ = 	snop  }
0x434: {  	s2 =	sshra.s32 s1, $0x2;
	s1 =	sadd.s32 $0x40, s1;
	vm1 =	vgt.f32 v7, v4  }
0x435: {  	v8 =	vnsel vm1, $0x0, v7;
	v7 =	vld [tilespmem:s2+$0x8000];
	v9 =	vsel vm1, $0x3F800000, v0  }
0x436: {  	v5 =	vadd.f32 v8, v5;
	v6 =	vadd.f32 v9, v6  }
0x437: {  	_ =	sdelay $0x2  }
0x438: {  	vm1 =	vgt.f32 v7, v4  }
0x439: {  	v7 =	vnsel vm1, $0x0, v7  }
0x43a: {  	v5 =	vadd.f32 v7, v5;
	_ =	sdelay $0x1  }
0x43b: {  	(xrf2) =	vadd.scan.msk.f32 $0xffff, v5;
	_ =	sdelay $0x2  }
0x43c: {  	v5 =	vsel vm1, $0x3F800000, v0  }
0x43d: {  	v5 =	vadd.f32 v5, v6;
	_ =	sdelay $0x1  }
0x43e: {  	(xrf2) =	vadd.scan.msk.f32 $0xffff, v5;
	_ =	sdelay $0x3  }
0x43f: {  	v5, _, _ =	vpop (xrf2)  }
0x440: {  	(v2sf) =	vpush v5, $0xF;
	_ =	sdelay $0x4  }
0x441: {  	v5, _, _ =	vpop (xrf2)  }
0x442: {  	v5 =	vbroadcast v5, $0xF;
	_ =	sdelay $0x1  }
0x443: {  	(erf) = vrcp.f32 v5;
	_ =	sdelay $0x5  }
0x444: {  	s0 =	sadd.s32 $0x1, s0  }
0x445: {  	p0 =	sne.s32 s0, $0x3;
	s1 =	spop (v2sf)  }
.Ltmp48:
0x446: {  	s1 =	sadd.f32 $-1.000000000e+00, s1;
	(pc) =	sbr.rel @p0 .LBB2_76-.Ltmp48, $3  }
0x447: {  	v5 =	vpop (erf)  }
0x448: {  	v5 =	vmul.f32 s1, v5;
	_ =	sdelay $0x1  }
0x449: {  	v4 =	vmax.f32 v4, v5  }
.LBB2_79:
0x44a: {  	p0 =	slt.s32 s20, $0x1  }
.Ltmp49:
0x44b: {  	_ = 	snop;
	(pc) =	sbr.rel @p0 .LBB2_91-.Ltmp49, $4  }
0x44c: {  	s0 =	simm.s32 $0x3  }
0x44d: {  	_ =	swait.ge [sflag:s0], $0x8000  }
0x44e: {  	[sflag:s0] =	ssyncset.done $0x0  }
0x44f: {  	[sflag:s0] =	ssyncadd.s32 $0xFFFF8000  }
.Ltmp50:
0x450: {  	(pc) =	sbr.rel .LBB2_81-.Ltmp50, $3  }
0x451: {  	_ =	sdelay $0x1  }
0x452: {  	s1 =	simm.s32 $0xFFFFFFFF  }
0x453: {  	s24 =	simm.s32 $0x0;
	s0 =	simm.s32 $0x11880;
	s2 =	simm.s32 $0x0  }
.LBB2_83:
0x454: {  	s2 =	sadd.s32 $0x1, s2  }
0x455: {  	p0 =	slt.s32 s2, s20  }
.Ltmp51:
0x456: {  	_ = 	snop;
	(pc) =	sbr.rel @!p0 .LBB2_84-.Ltmp51, $2  }
0x457: {  	_ =	sdelay $0x2  }
0x458: {  	s0 =	sadd.s32 $0x1, s0  }
.LBB2_81:
0x459: {  	v5 =	vld [tilespmem:s0+$0x0];
	_ =	sdelay $0x4  }
0x45a: {  	(v2sf) =	vpush v5, $0x0;
	_ =	sdelay $0xe  }
0x45b: {  	s31 =	spop (v2sf)  }
0x45c: {  	s3 =	smov.u32 s1;
	s1 =	sshra.s32 s31, $0x4  }
0x45d: {  	p0 =	seq.s32 s1, s3  }
.Ltmp52:
0x45e: {  	_ = 	snop;
	(pc) =	sbr.rel @p0 .LBB2_83-.Ltmp52, $1  }
0x45f: {  	_ =	sdelay $0x3  }
0x460: {  	s3 =	sshll.u32 s1, $0x8  }
0x461: {  	v5 =	vld [tilespmem:s3+$0x8000]  }
0x462: {  	v6 =	vld [tilespmem:s3+$0x8010]  }
0x463: {  	v7 =	vld [tilespmem:s3+$0x8020]  }
0x464: {  	v8 =	vld [tilespmem:s3+$0x8030]  }
0x465: {  	v9 =	vld [tilespmem:s3+$0x8040]  }
0x466: {  	v10 =	vld [tilespmem:s3+$0x8050];
	v5 =	vsub.f32 v5, v4  }
0x467: {  	v11 =	vld [tilespmem:s3+$0x8060];
	v6 =	vsub.f32 v6, v4  }
0x468: {  	v12 =	vld [tilespmem:s3+$0x8070];
	v7 =	vsub.f32 v7, v4;
	v5 =	vmax.f32 v5, $0.0e+00  }
0x469: {  	v56 =	vld [tilespmem:s3+$0x8080];
	[tilespmem:s3+$0x8000] =	vst v5;
	v5 =	vmax.f32 v6, $0.0e+00;
	v6 =	vsub.f32 v8, v4  }
0x46a: {  	v57 =	vld [tilespmem:s3+$0x8090];
	[tilespmem:s3+$0x8010] =	vst v5;
	v5 =	vmax.f32 v7, $0.0e+00;
	v7 =	vsub.f32 v9, v4  }
0x46b: {  	v58 =	vld [tilespmem:s3+$0x80A0];
	[tilespmem:s3+$0x8020] =	vst v5;
	v5 =	vmax.f32 v6, $0.0e+00;
	v6 =	vsub.f32 v10, v4  }
0x46c: {  	v59 =	vld [tilespmem:s3+$0x80B0];
	[tilespmem:s3+$0x8030] =	vst v5;
	v5 =	vmax.f32 v7, $0.0e+00;
	v7 =	vsub.f32 v11, v4  }
0x46d: {  	v60 =	vld [tilespmem:s3+$0x80C0];
	[tilespmem:s3+$0x8040] =	vst v5;
	v5 =	vmax.f32 v6, $0.0e+00;
	v6 =	vsub.f32 v12, v4  }
0x46e: {  	v61 =	vld [tilespmem:s3+$0x80D0];
	[tilespmem:s3+$0x8050] =	vst v5;
	v5 =	vmax.f32 v7, $0.0e+00;
	v7 =	vsub.f32 v56, v4  }
0x46f: {  	v62 =	vld [tilespmem:s3+$0x80E0];
	[tilespmem:s3+$0x8060] =	vst v5;
	v5 =	vmax.f32 v6, $0.0e+00;
	v6 =	vsub.f32 v57, v4  }
0x470: {  	v63 =	vld [tilespmem:s3+$0x80F0];
	[tilespmem:s3+$0x8070] =	vst v5;
	v5 =	vmax.f32 v7, $0.0e+00;
	v7 =	vsub.f32 v58, v4  }
0x471: {  	[tilespmem:s3+$0x8080] =	vst v5;
	v5 =	vmax.f32 v6, $0.0e+00;
	v6 =	vsub.f32 v59, v4  }
0x472: {  	[tilespmem:s3+$0x8090] =	vst v5;
	v5 =	vmax.f32 v7, $0.0e+00;
	v7 =	vsub.f32 v60, v4  }
0x473: {  	[tilespmem:s3+$0x80A0] =	vst v5;
	v5 =	vmax.f32 v6, $0.0e+00;
	v6 =	vsub.f32 v61, v4  }
0x474: {  	[tilespmem:s3+$0x80B0] =	vst v5;
	v5 =	vmax.f32 v7, $0.0e+00;
	v7 =	vsub.f32 v62, v4  }
.Ltmp53:
0x475: {  	[tilespmem:s3+$0x80C0] =	vst v5;
	v5 =	vmax.f32 v6, $0.0e+00;
	v6 =	vsub.f32 v63, v4;
	(pc) =	sbr.rel .LBB2_83-.Ltmp53, $4  }
0x476: {  	[tilespmem:s3+$0x80D0] =	vst v5;
	v5 =	vmax.f32 v7, $0.0e+00  }
0x477: {  	s5 =	sand.u32 $0x1FFFFF00, s3;
	[tilespmem:s3+$0x80E0] =	vst v5;
	v5 =	vmax.f32 v6, $0.0e+00  }
0x478: {  	s24 =	sadd.s32 $0x1, s24;
	s5 =	sadd.s32 s19, s5;
	[tilespmem:s3+$0x80F0] =	vst v5;
	s3 =	sadd.s32 $0x8000, s3  }
0x479: {  	[hbm4b:s5+s8] =	stream.strided.scatter [tilespmem:s3], [sflag:$0x5], $0x100, s9, s8, $0x38;
	[tilespmem:$0x1A100] =	vst v63  }
.LBB2_60:
0x47a: {  	v4 =	vimm.f32 $0.0e+00  }
.LBB2_64:
0x47b: {  	(xrf2) =	vadd.scan.msk.f32 $0xffff, v4;
	_ =	sdelay $0x9  }
0x47c: {  	v4, _, _ =	vpop (xrf2)  }
0x47d: {  	(v2sf) =	vpush v4, $0xF;
	_ =	sdelay $0xe  }
0x47e: {  	s2 =	spop (v2sf)  }
0x47f: {  	p1 =	sge.f32 s2, $1.000000000e+00  }
0x480: {  	s23 =	sadd.s32 $0x1, s23  }
0x481: {  	s21 =	smov.u32 @p1 s1;
	s1 =	smov.u32 @p1 s22;
	p1 =	sne.s32 s23, $0xE  }
.Ltmp54:
0x482: {  	_ = 	snop;
	(pc) =	sbr.rel @!p1 .LBB2_65-.Ltmp54, $2  }
0x483: {  	_ =	sdelay $0x2  }
0x484: {  	s22 =	smov.u32 s1  }
.LBB2_59:
0x485: {  	p0 =	slt.s32 s0, $0x1  }
.Ltmp55:
0x486: {  	_ = 	snop;
	(pc) =	sbr.rel @p0 .LBB2_60-.Ltmp55, $3  }
0x487: {  	_ = 	snop  }
0x488: {  	s1 =	sadd.f32 s22, s21;
	_ =	sdelay $0x1  }
0x489: {  	s1 =	smul.f32 $5.000000000e-01, s1  }
0x48a: {  	s2 =	simm.s32 $0x10000  }
0x48b: {  	p1 =	sne.s32 s0, $0x1;
	v6 =	vld [tilespmem:s2+$0x0]  }
.Ltmp56:
0x48c: {  	_ = 	snop;
	(pc) =	sbr.rel @!p1 .LBB2_63-.Ltmp56, $3  }
0x48d: {  	_ =	sdelay $0x1  }
0x48e: {  	v5 =	vmov s1  }
0x48f: {  	v4 =	vimm.f32 $0.0e+00;
	s3 =	simm.s32 $0x10010;
	s2 =	sadd.s32 $0xFFFFFFFF, s0;
	v6 =	vsub.f32 v6, v5  }
.LBB2_62:
0x490: {  	v7 =	vld [tilespmem:s3+$0x0];
	p1 =	sne.s32 s2, $0x1;
	s2 =	sadd.s32 $0xFFFFFFFF, s2  }
.Ltmp57:
0x491: {  	v6 =	vmax.f32 v6, $0.0e+00;
	(pc) =	sbr.rel @p1 .LBB2_62-.Ltmp57, $2  }
0x492: {  	v4 =	vadd.f32 v6, v4;
	_ =	sdelay $0x2  }
0x493: {  	s3 =	sadd.s32 $0x10, s3;
	v6 =	vsub.f32 v7, v5  }
.LBB2_63:
.Ltmp58:
0x494: {  	(pc) =	sbr.rel .LBB2_64-.Ltmp58, $3  }
0x495: {  	_ = 	snop  }
0x496: {  	v5 =	vmax.f32 v6, $0.0e+00  }
0x497: {  	v4 =	vadd.f32 v5, v4;
	_ =	sdelay $0x1  }
.LBB2_65:
.Ltmp59:
0x498: {  	(pc) =	sbr.rel .LBB2_66-.Ltmp59, $2  }
0x499: {  	_ =	sdelay $0x2  }
0x49a: {  	v4 =	vmov s21;
	s1 =	simm.s32 $0x0  }
.LBB2_67:
0x49b: {  	v6 =	vimm.f32 $0.0e+00  }
.LBB2_71:
0x49c: {  	(xrf2) =	vadd.scan.msk.f32 $0xffff, v5;
	_ =	sdelay $0x5  }
0x49d: {  	(xrf2) =	vadd.scan.msk.f32 $0xffff, v6;
	_ =	sdelay $0x3  }
0x49e: {  	v5, _, _ =	vpop (xrf2)  }
0x49f: {  	(v2sf) =	vpush v5, $0xF;
	_ =	sdelay $0x4  }
0x4a0: {  	v5, _, _ =	vpop (xrf2)  }
0x4a1: {  	v5 =	vbroadcast v5, $0xF;
	_ =	sdelay $0x1  }
0x4a2: {  	(erf) = vrcp.f32 v5;
	_ =	sdelay $0x5  }
0x4a3: {  	s1 =	sadd.s32 $0x1, s1  }
0x4a4: {  	p1 =	seq.s32 s1, $0x3;
	s2 =	spop (v2sf)  }
.Ltmp60:
0x4a5: {  	s2 =	sadd.f32 $-1.000000000e+00, s2;
	(pc) =	sbr.rel @p1 .LBB2_79-.Ltmp60, $3  }
0x4a6: {  	v5 =	vpop (erf)  }
0x4a7: {  	v5 =	vmul.f32 s2, v5;
	_ =	sdelay $0x1  }
0x4a8: {  	v4 =	vmax.f32 v4, v5  }
.LBB2_66:
.Ltmp61:
0x4a9: {  	(pc) =	sbr.rel @p0 .LBB2_67-.Ltmp61, $2  }
0x4aa: {  	_ =	sdelay $0x2  }
0x4ab: {  	v5 =	vimm.f32 $0.0e+00;
	s3 =	simm.s32 $0x10000  }
0x4ac: {  	v6 =	vld [tilespmem:s3+$0x0];
	p1 =	sne.s32 s0, $0x1  }
.Ltmp62:
0x4ad: {  	_ = 	snop;
	(pc) =	sbr.rel @!p1 .LBB2_70-.Ltmp62, $2  }
0x4ae: {  	_ =	sdelay $0x2  }
0x4af: {  	s2 =	sadd.s32 $0xFFFFFFFF, s0;
	s3 =	sadd.s32 $0x10, s3;
	v7 =	vimm.f32 $0.0e+00;
	vm1 =	vgt.f32 v6, v4  }
.LBB2_69:
0x4b0: {  	p1 =	sne.s32 s2, $0x1;
	s2 =	sadd.s32 $0xFFFFFFFF, s2;
	v8 =	vnsel vm1, $0x0, v6;
	v6 =	vld [tilespmem:s3+$0x0];
	v9 =	vsel vm1, $0x3F800000, v0  }
.Ltmp63:
0x4b1: {  	v5 =	vadd.f32 v8, v5;
	v7 =	vadd.f32 v9, v7;
	(pc) =	sbr.rel @p1 .LBB2_69-.Ltmp63, $2  }
0x4b2: {  	_ =	sdelay $0x2  }
0x4b3: {  	s3 =	sadd.s32 $0x10, s3;
	vm1 =	vgt.f32 v6, v4  }
.LBB2_70:
.Ltmp64:
0x4b4: {  	(pc) =	sbr.rel .LBB2_71-.Ltmp64, $4  }
0x4b5: {  	_ = 	snop  }
0x4b6: {  	v6 =	vnsel vm1, $0x0, v6  }
0x4b7: {  	v8 =	vsel vm1, $0x3F800000, v0;
	v5 =	vadd.f32 v6, v5  }
0x4b8: {  	v6 =	vadd.f32 v8, v7  }
.LBB2_91:
0x4b9: {  	s11 =	sadd.s32 $0x1, s11  }
0x4ba: {  	p0 =	seq.s32 s11, $0x10  }
.Ltmp65:
0x4bb: {  	_ = 	snop;
	(pc) =	sbr.rel @!p0 .LBB2_4-.Ltmp65, $4  }
.Ltmp66:
0x4bc: {  	_ = 	snop;
	(pc) =	sbr.rel @p0 .LBB2_89-.Ltmp66, $4  }
0x4bd: {  	_ = 	snop  }
0x4be: {  	_ = 	snop  }
0x4bf: {  	s24 =	simm.s32 $0x0  }
0x4c0: {  	_ = 	snop  }
.LBB2_85:
0x4c1: {  	p0 =	sgt.s32 s24, $0x0  }
.Ltmp67:
0x4c2: {  	_ = 	snop;
	(pc) =	sbr.rel @!p0 .LBB2_89-.Ltmp67, $1  }
0x4c3: {  	_ =	sdelay $0x3  }
0x4c4: {  	p0 =	sne.s32 s24, $0x1  }
.Ltmp68:
0x4c5: {  	_ = 	snop;
	(pc) =	sbr.rel @!p0 .LBB2_88-.Ltmp68, $3  }
0x4c6: {  	_ =	sdelay $0x1  }
0x4c7: {  	_ =	swait.ge [sflag:s12], $0x100  }
0x4c8: {  	s0 =	sadd.s32 $0xFFFFFFFF, s24;
	[sflag:s12] =	ssyncset.done $0x0  }
.LBB2_87:
0x4c9: {  	p0 =	sne.s32 s0, $0x1;
	s0 =	sadd.s32 $0xFFFFFFFF, s0;
	[sflag:s12] =	ssyncadd.s32 $0xFFFFFF00  }
.Ltmp69:
0x4ca: {  	(pc) =	sbr.rel @p0 .LBB2_87-.Ltmp69, $3  }
0x4cb: {  	_ =	sdelay $0x1  }
0x4cc: {  	_ =	swait.ge [sflag:s12], $0x100  }
0x4cd: {  	[sflag:s12] =	ssyncset.done $0x0  }
.Ltmp70:
0x4ce: {  	_ = 	snop;
	(pc) =	sbr.rel .LBB2_88-.Ltmp70, $1  }
0x4cf: {  	_ =	sdelay $0x3  }
.LBB2_90:
0x4d0: {  	_ =	sfence.sel $0x180000  }
0x4d1: {  	[bflag:$0x0] =	sbarrier.arrive $0xFFFF  }
0x4d2: {  	_ =	strace $0x90000047  }
0x4d3: {  	s0 =	stileid.u32;
	[bflag:$0x2] =	sbarrier.arrive $0xFFFF  }
0x4d4: {  	p0 =	sne.s32 s0, $0x0;
	s0 =	rddreg [dreg:$0x2]  }
0x4d5: {  	s0 =	sadd.s32 @!p0 $0x100000, s0  }
0x4d6: {  	[sflag:s0] =	ssyncadd.tile.s32 @!p0 $0x1;
	_ =	shalt  }
.Lfunc_end2:
_tile_overlayer_lowered:
.L_overlay_start_2:
0x4d7: {  	(tag) =	ssettag $0x2  }
0x4d8: {  	s0 =	rddreg [dreg:$0x0];
	s2 =	stileid.u32  }
0x4d9: {  	s1 =	rddreg [dreg:$0x1];
	p0 =	sne.s32 s2, $0x0  }
0x4da: {  	s3 =	rddreg [dreg:$0x2];
	[bflag:$0x3] =	sbarrier.arrive $0xFFFF;
	s2 =	simm.s32 @!p0 $0x1C06  }
0x4db: {  	[timem:s3], [sflag:s2] =	dma.local @!p0 [hbm:s0], s1  }
0x4dc: {  	s0 =	simm.s32 @!p0 $0x6  }
0x4dd: {  	_ =	swait.ge @!p0 [sflag:s0], s1  }
0x4de: {  	s1 =	ssub.s32 @!p0 $0x0, s1;
	[sflag:s0] =	ssyncset.done @!p0 $0x0  }
0x4df: {  	[sflag:s0] =	ssyncadd.s32 @!p0 s1  }
0x4e0: {  	[bflag:$0x3] =	sbarrier.arrive $0xFFFF  }
0x4e1: {  	_ =	shalt  }

</sc_bundles>
